<compile_context>
chip_gen: v7x
topology: tpu7x:2x2x1
jax: 0.10.2.dev20260603
libtpu: 0.0.44.dev20260713+nightly
codegen_flags: <defaults>
</compile_context>

<pallas_src>
import functools

import jax
import jax.numpy as jnp
from jax import lax
from jax.experimental import pallas as pl
from jax.experimental.pallas import tpu as pltpu
from jax.experimental.pallas import tpu_sc as plsc

_B, _S, _D, _E = 4, 8192, 768, 64
_NW = 32
_WPB = _NW // _B
_SC_CH = 64

_RPW = 256
_S_TC = _S - _WPB * _RPW
_TC_CHUNK = 512


def _routing_tail(scores, comb_ref, idx_ref, sc_ref):
    m = jnp.max(scores, axis=-1, keepdims=True)
    ex = jnp.exp(scores - m)
    gates = ex / jnp.sum(ex, axis=-1, keepdims=True)
    iota = jax.lax.broadcasted_iota(jnp.int32, (_B, _E), 1)
    s1 = jnp.max(gates, axis=-1, keepdims=True)
    i1 = jnp.min(jnp.where(gates == s1, iota, _E), axis=-1, keepdims=True)
    masked = jnp.where(iota == i1, -jnp.inf, gates)
    s2 = jnp.max(masked, axis=-1, keepdims=True)
    i2 = jnp.min(jnp.where(masked == s2, iota, _E), axis=-1, keepdims=True)
    denom = s1 + s2 + 1e-9
    comb_ref[...] = (jnp.where(iota == i1, s1 / denom, 0.0)
                     + jnp.where(iota == i2, s2 / denom, 0.0))
    idx_ref[...] = jnp.concatenate([i1, i2], axis=1)
    sc_ref[...] = jnp.concatenate([s1, s2], axis=1)


def _make_sc_partial(rows_per_worker, s_tc):
    n_ch = rows_per_worker // _SC_CH
    assert rows_per_worker % _SC_CH == 0 and n_ch % 2 == 0
    mesh = plsc.VectorSubcoreMesh(core_axis_name="c", subcore_axis_name="s")

    @functools.partial(
        pl.kernel,
        out_type=jax.ShapeDtypeStruct((_NW, _D), jnp.float32),
        mesh=mesh,
        scratch_types=[
            pltpu.VMEM((_SC_CH, _D), jnp.float32),
            pltpu.VMEM((_SC_CH, _D), jnp.float32),
            pltpu.VMEM((_D,), jnp.float32),
            pltpu.SemaphoreType.DMA,
            pltpu.SemaphoreType.DMA,
        ],
    )
    def sc_partial(x_hbm, out_hbm, buf0, buf1, acc, sem0, sem1):
        wid = lax.axis_index("c") * 16 + lax.axis_index("s")
        base = (wid // _WPB) * _S + s_tc + (wid % _WPB) * rows_per_worker
        bufs = (buf0, buf1)
        sems = (sem0, sem1)

        for j in range(_D // 16):
            acc[pl.ds(j * 16, 16)] = jnp.zeros((16,), jnp.float32)

        pltpu.async_copy(x_hbm.at[pl.ds(base, _SC_CH), :], buf0, sem0)
        pltpu.async_copy(x_hbm.at[pl.ds(base + _SC_CH, _SC_CH), :], buf1,
                         sem1)

        def pair_body(g, carry):
            for b in range(2):
                buf, sem = bufs[b], sems[b]
                c = 2 * g + b
                pltpu.make_async_copy(
                    x_hbm.at[pl.ds(base + c * _SC_CH, _SC_CH), :], buf,
                    sem).wait()
                for jg in range(_D // 64):
                    off = jg * 64
                    def row_body(r, acc4, buf=buf, off=off):
                        a0, a1, a2, a3 = acc4
                        for k in range(4):
                            row = r * 4 + k
                            a0 += buf[row, pl.ds(off, 16)]
                            a1 += buf[row, pl.ds(off + 16, 16)]
                            a2 += buf[row, pl.ds(off + 32, 16)]
                            a3 += buf[row, pl.ds(off + 48, 16)]
                        return a0, a1, a2, a3
                    init = (acc[pl.ds(off, 16)], acc[pl.ds(off + 16, 16)],
                            acc[pl.ds(off + 32, 16)],
                            acc[pl.ds(off + 48, 16)])
                    a0, a1, a2, a3 = lax.fori_loop(0, _SC_CH // 4, row_body,
                                                   init)
                    acc[pl.ds(off, 16)] = a0
                    acc[pl.ds(off + 16, 16)] = a1
                    acc[pl.ds(off + 32, 16)] = a2
                    acc[pl.ds(off + 48, 16)] = a3

                @pl.when(c + 2 < n_ch)
                def _(buf=buf, sem=sem, c=c):
                    pltpu.async_copy(
                        x_hbm.at[pl.ds(base + (c + 2) * _SC_CH, _SC_CH), :],
                        buf, sem)
            return carry

        lax.fori_loop(0, n_ch // 2, pair_body, 0)
        pltpu.sync_copy(acc, out_hbm.at[wid])

    return sc_partial


_sc_partial = _make_sc_partial(_RPW, _S_TC)


def _tc_reduce_body(x_ref, out_ref):
    r = pl.program_id(0)

    @pl.when(r == 0)
    def _init():
        out_ref[...] = jnp.zeros_like(out_ref)

    out_ref[...] += jnp.sum(x_ref[...], axis=1)


def _finish_body(ptc_ref, psc_ref, w_ref, b_ref, noise_ref, comb_ref,
                 idx_ref, sc_ref):
    mean = (ptc_ref[...] + jnp.sum(psc_ref[...], axis=1)) * (1.0 / _S)
    scores = jnp.dot(mean, w_ref[...], preferred_element_type=jnp.float32)
    scores = scores + b_ref[...][None, :] + noise_ref[...]
    _routing_tail(scores, comb_ref, idx_ref, sc_ref)


@jax.jit
def kernel(x, W_l3, b_l3, noise):
    x2d = x.reshape(_B * _S, _D)
    ptc = pl.pallas_call(
        _tc_reduce_body,
        grid=(_S_TC // _TC_CHUNK,),
        in_specs=[pl.BlockSpec((_B, _TC_CHUNK, _D), lambda r: (0, r, 0))],
        out_specs=pl.BlockSpec((_B, _D), lambda r: (0, 0)),
        out_shape=jax.ShapeDtypeStruct((_B, _D), jnp.float32),
        compiler_params=pltpu.CompilerParams(
            dimension_semantics=("arbitrary",)),
    )(x)
    psc = _sc_partial(x2d)
    comb, idx, scores = pl.pallas_call(
        _finish_body,
        out_shape=[
            jax.ShapeDtypeStruct((_B, _E), jnp.float32),
            jax.ShapeDtypeStruct((_B, 2), jnp.int32),
            jax.ShapeDtypeStruct((_B, 2), jnp.float32),
        ],
    )(ptc, psc.reshape(_B, _WPB, _D), W_l3, b_l3, noise)
    return comb, idx, scores

# --- scband reference (transcript-rebuilt; emitter-appended) ---
"""Pipeline reference for scband-cached-router-48653389529537 (READ-ONLY COPY).

The authoritative reference and input builder live on the scoring server;
editing this copy changes nothing except your own understanding.
"""

import jax, jax.numpy as jnp
import numpy as np

B, S, D, E, K = 4, 8192, 768, 64, 2


def setup_inputs(seed: int = 0) -> dict:
    key = jax.random.key(seed)
    k1, k2, k3 = jax.random.split(key, 3)
    x = jax.random.normal(k1, (B, S, D), dtype=jnp.float32)
    # router.l3 : Linear(d_model -> num_experts)
    W_l3 = jax.random.normal(k2, (D, E), dtype=jnp.float32) / np.sqrt(D)
    b_l3 = jnp.zeros((E,), dtype=jnp.float32)
    # gate.perturbation(expert_scores.shape, NORMAL): additive gaussian noise,
    # materialized here so the reference is deterministic.
    noise = jax.random.normal(k3, (B, E), dtype=jnp.float32) * 1e-2
    return {"x": x, "W_l3": W_l3, "b_l3": b_l3, "noise": noise}


def reference(x, W_l3, b_l3, noise):
    # CachedRouter._forward: out = router.l3(x); return out.mean(dim=1)
    logits = jnp.einsum("bsd,de->bse", x, W_l3) + b_l3  # [B, S, E]
    expert_scores = logits.mean(axis=1)                   # [B, E]
    # AbstractRouter.forward: gate.compute(expert_scores + perturbation)
    noisy_scores = expert_scores + noise
    gates = jax.nn.softmax(noisy_scores, axis=-1)         # [B, E]
    topk_gate_scores, indices = jax.lax.top_k(gates, K)   # [B, K], [B, K]
    denom = jnp.sum(topk_gate_scores, axis=-1, keepdims=True) + 1e-9
    norm_scores = topk_gate_scores / denom                # [B, K]
    # dense combine tensor [B, E]: scatter normalized top-k weights
    row_idx = jnp.arange(B)[:, None]
    combine_tensor = jnp.zeros((B, E), dtype=x.dtype).at[row_idx, indices].add(norm_scores)
    return (combine_tensor, indices, topk_gate_scores)

if __name__ == "__main__":
    import jax
    _d = setup_inputs()
    print(jax.jit(kernel)(*tuple(_d.values())))

</pallas_src>

<mosaic_0001>
#map = affine_map<(d0, d1) -> (0, 0)>
module attributes {stable_mosaic.version = 14 : i64} {
  func.func @sc_partial(%arg0: i32, %arg1: i32, %arg2: memref<32768x768xf32, #tpu.memory_space<hbm>>, %arg3: memref<32x768xf32, #tpu.memory_space<hbm>>, %arg4: memref<64x768xf32, #tpu.memory_space<vmem>>, %arg5: memref<64x768xf32, #tpu.memory_space<vmem>>, %arg6: memref<768xf32, #tpu.memory_space<vmem>>, %arg7: memref<!tpu.dma_semaphore, #tpu.memory_space<semaphore_mem>>, %arg8: memref<!tpu.dma_semaphore, #tpu.memory_space<semaphore_mem>>) attributes {dimension_semantics = [#tpu.dimension_semantics<core_parallel>, #tpu.dimension_semantics<subcore_parallel>], iteration_bounds = array<i64: 2, 16>, scalar_prefetch = 0 : i64, scratch_operands = 5 : i64, tpu.core_type = #tpu.core_type<sc_vector_subcore>, window_params = [{transform_indices = #map}, {transform_indices = #map}]} {
    %mul3A = arith.constant 16 : i32
    %mul3A_0 = arith.muli %arg0, %mul3A : i32
    %add3A = arith.addi %mul3A_0, %arg1 : i32
    %jit3A = arith.constant 8 : i32
    %div3A = arith.divsi %add3A, %jit3A : i32
    %sign3A = arith.constant 0 : i32
    %sign3A_1 = arith.cmpi sgt, %add3A, %sign3A : i32
    %sign3A_2 = arith.extui %sign3A_1 : i1 to i32
    %sign3A_3 = arith.constant 0 : i32
    %sign3A_4 = arith.cmpi slt, %add3A, %sign3A_3 : i32
    %sign3A_5 = arith.extui %sign3A_4 : i1 to i32
    %sign3A_6 = arith.subi %sign3A_2, %sign3A_5 : i32
    %sign3A_7 = arith.constant 0 : i32
    %sign3A_8 = arith.cmpi sgt, %jit3A, %sign3A_7 : i32
    %sign3A_9 = arith.extui %sign3A_8 : i1 to i32
    %sign3A_10 = arith.constant 0 : i32
    %sign3A_11 = arith.cmpi slt, %jit3A, %sign3A_10 : i32
    %sign3A_12 = arith.extui %sign3A_11 : i1 to i32
    %sign3A_13 = arith.subi %sign3A_9, %sign3A_12 : i32
    %ne3A = arith.cmpi ne, %sign3A_6, %sign3A_13 : i32
    %rem3A = arith.remsi %add3A, %jit3A : i32
    %ne3A_14 = arith.constant 0 : i32
    %ne3A_15 = arith.cmpi ne, %rem3A, %ne3A_14 : i32
    %and3A = arith.andi %ne3A, %ne3A_15 : i1
    %sub3A = arith.constant 1 : i32
    %sub3A_16 = arith.subi %div3A, %sub3A : i32
    %select_n3A = arith.select %and3A, %sub3A_16, %div3A : i32
    %mul3A_17 = arith.constant 8192 : i32
    %mul3A_18 = arith.muli %select_n3A, %mul3A_17 : i32
    %add3A_19 = arith.constant 6144 : i32
    %add3A_20 = arith.addi %mul3A_18, %add3A_19 : i32
    %jit3A_21 = arith.constant 8 : i32
    %eq3A = arith.constant 0 : i32
    %eq3A_22 = arith.cmpi eq, %jit3A_21, %eq3A : i32
    %jit3A_23 = arith.constant 1 : i32
    %select_n3A_24 = arith.select %eq3A_22, %jit3A_23, %jit3A_21 : i32
    %rem3A_25 = arith.remsi %add3A, %select_n3A_24 : i32
    %ne3A_26 = arith.constant 0 : i32
    %ne3A_27 = arith.cmpi ne, %rem3A_25, %ne3A_26 : i32
    %lt3A = arith.constant 0 : i32
    %lt3A_28 = arith.cmpi slt, %rem3A_25, %lt3A : i32
    %lt3A_29 = arith.constant 0 : i32
    %lt3A_30 = arith.cmpi slt, %select_n3A_24, %lt3A_29 : i32
    %ne3A_31 = arith.xori %lt3A_28, %lt3A_30 : i1
    %and3A_32 = arith.andi %ne3A_31, %ne3A_27 : i1
    %add3A_33 = arith.addi %rem3A_25, %select_n3A_24 : i32
    %select_n3A_34 = arith.select %and3A_32, %add3A_33, %rem3A_25 : i32
    %mul3A_35 = arith.constant 256 : i32
    %mul3A_36 = arith.muli %select_n3A_34, %mul3A_35 : i32
    %add3A_37 = arith.addi %add3A_20, %mul3A_36 : i32
    %broadcast_in_dim3A = arith.constant 0.000000e+00 : f32
    %broadcast_in_dim3A_38 = vector.broadcast %broadcast_in_dim3A : f32 to vector<16xf32>
    %swap3A = arith.constant 0 : index
    %swap3A_39 = tpu.vector_load %arg6[%swap3A] {strides = array<i32>} : memref<768xf32, #tpu.memory_space<vmem>>, vector<16xf32>,
    %swap3A_40 = vector.shape_cast %swap3A_39 : vector<16xf32> to vector<16xf32>
    %swap3A_41 = vector.shape_cast %broadcast_in_dim3A_38 : vector<16xf32> to vector<16xf32>
    tpu.vector_store %arg6[%swap3A], %swap3A_41 {strides = array<i32>} : memref<768xf32, #tpu.memory_space<vmem>>, vector<16xf32>,
    %broadcast_in_dim3A_42 = arith.constant 0.000000e+00 : f32
    %broadcast_in_dim3A_43 = vector.broadcast %broadcast_in_dim3A_42 : f32 to vector<16xf32>
    %swap3A_44 = arith.constant 16 : index
    %swap3A_45 = tpu.vector_load %arg6[%swap3A_44] {strides = array<i32>} : memref<768xf32, #tpu.memory_space<vmem>>, vector<16xf32>,
    %swap3A_46 = vector.shape_cast %swap3A_45 : vector<16xf32> to vector<16xf32>
    %swap3A_47 = vector.shape_cast %broadcast_in_dim3A_43 : vector<16xf32> to vector<16xf32>
    tpu.vector_store %arg6[%swap3A_44], %swap3A_47 {strides = array<i32>} : memref<768xf32, #tpu.memory_space<vmem>>, vector<16xf32>,
    %broadcast_in_dim3A_48 = arith.constant 0.000000e+00 : f32
    %broadcast_in_dim3A_49 = vector.broadcast %broadcast_in_dim3A_48 : f32 to vector<16xf32>
    %swap3A_50 = arith.constant 32 : index
    %swap3A_51 = tpu.vector_load %arg6[%swap3A_50] {strides = array<i32>} : memref<768xf32, #tpu.memory_space<vmem>>, vector<16xf32>,
    %swap3A_52 = vector.shape_cast %swap3A_51 : vector<16xf32> to vector<16xf32>
    %swap3A_53 = vector.shape_cast %broadcast_in_dim3A_49 : vector<16xf32> to vector<16xf32>
    tpu.vector_store %arg6[%swap3A_50], %swap3A_53 {strides = array<i32>} : memref<768xf32, #tpu.memory_space<vmem>>, vector<16xf32>,
    %broadcast_in_dim3A_54 = arith.constant 0.000000e+00 : f32
    %broadcast_in_dim3A_55 = vector.broadcast %broadcast_in_dim3A_54 : f32 to vector<16xf32>
    %swap3A_56 = arith.constant 48 : index
    %swap3A_57 = tpu.vector_load %arg6[%swap3A_56] {strides = array<i32>} : memref<768xf32, #tpu.memory_space<vmem>>, vector<16xf32>,
    %swap3A_58 = vector.shape_cast %swap3A_57 : vector<16xf32> to vector<16xf32>
    %swap3A_59 = vector.shape_cast %broadcast_in_dim3A_55 : vector<16xf32> to vector<16xf32>
    tpu.vector_store %arg6[%swap3A_56], %swap3A_59 {strides = array<i32>} : memref<768xf32, #tpu.memory_space<vmem>>, vector<16xf32>,
    %broadcast_in_dim3A_60 = arith.constant 0.000000e+00 : f32
    %broadcast_in_dim3A_61 = vector.broadcast %broadcast_in_dim3A_60 : f32 to vector<16xf32>
    %swap3A_62 = arith.constant 64 : index
    %swap3A_63 = tpu.vector_load %arg6[%swap3A_62] {strides = array<i32>} : memref<768xf32, #tpu.memory_space<vmem>>, vector<16xf32>,
    %swap3A_64 = vector.shape_cast %swap3A_63 : vector<16xf32> to vector<16xf32>
    %swap3A_65 = vector.shape_cast %broadcast_in_dim3A_61 : vector<16xf32> to vector<16xf32>
    tpu.vector_store %arg6[%swap3A_62], %swap3A_65 {strides = array<i32>} : memref<768xf32, #tpu.memory_space<vmem>>, vector<16xf32>,
    %broadcast_in_dim3A_66 = arith.constant 0.000000e+00 : f32
    %broadcast_in_dim3A_67 = vector.broadcast %broadcast_in_dim3A_66 : f32 to vector<16xf32>
    %swap3A_68 = arith.constant 80 : index
    %swap3A_69 = tpu.vector_load %arg6[%swap3A_68] {strides = array<i32>} : memref<768xf32, #tpu.memory_space<vmem>>, vector<16xf32>,
    %swap3A_70 = vector.shape_cast %swap3A_69 : vector<16xf32> to vector<16xf32>
    %swap3A_71 = vector.shape_cast %broadcast_in_dim3A_67 : vector<16xf32> to vector<16xf32>
    tpu.vector_store %arg6[%swap3A_68], %swap3A_71 {strides = array<i32>} : memref<768xf32, #tpu.memory_space<vmem>>, vector<16xf32>,
    %broadcast_in_dim3A_72 = arith.constant 0.000000e+00 : f32
    %broadcast_in_dim3A_73 = vector.broadcast %broadcast_in_dim3A_72 : f32 to vector<16xf32>
    %swap3A_74 = arith.constant 96 : index
    %swap3A_75 = tpu.vector_load %arg6[%swap3A_74] {strides = array<i32>} : memref<768xf32, #tpu.memory_space<vmem>>, vector<16xf32>,
    %swap3A_76 = vector.shape_cast %swap3A_75 : vector<16xf32> to vector<16xf32>
    %swap3A_77 = vector.shape_cast %broadcast_in_dim3A_73 : vector<16xf32> to vector<16xf32>
    tpu.vector_store %arg6[%swap3A_74], %swap3A_77 {strides = array<i32>} : memref<768xf32, #tpu.memory_space<vmem>>, vector<16xf32>,
    %broadcast_in_dim3A_78 = arith.constant 0.000000e+00 : f32
    %broadcast_in_dim3A_79 = vector.broadcast %broadcast_in_dim3A_78 : f32 to vector<16xf32>
    %swap3A_80 = arith.constant 112 : index
    %swap3A_81 = tpu.vector_load %arg6[%swap3A_80] {strides = array<i32>} : memref<768xf32, #tpu.memory_space<vmem>>, vector<16xf32>,
    %swap3A_82 = vector.shape_cast %swap3A_81 : vector<16xf32> to vector<16xf32>
    %swap3A_83 = vector.shape_cast %broadcast_in_dim3A_79 : vector<16xf32> to vector<16xf32>
    tpu.vector_store %arg6[%swap3A_80], %swap3A_83 {strides = array<i32>} : memref<768xf32, #tpu.memory_space<vmem>>, vector<16xf32>,
    %broadcast_in_dim3A_84 = arith.constant 0.000000e+00 : f32
    %broadcast_in_dim3A_85 = vector.broadcast %broadcast_in_dim3A_84 : f32 to vector<16xf32>
    %swap3A_86 = arith.constant 128 : index
    %swap3A_87 = tpu.vector_load %arg6[%swap3A_86] {strides = array<i32>} : memref<768xf32, #tpu.memory_space<vmem>>, vector<16xf32>,
    %swap3A_88 = vector.shape_cast %swap3A_87 : vector<16xf32> to vector<16xf32>
    %swap3A_89 = vector.shape_cast %broadcast_in_dim3A_85 : vector<16xf32> to vector<16xf32>
    tpu.vector_store %arg6[%swap3A_86], %swap3A_89 {strides = array<i32>} : memref<768xf32, #tpu.memory_space<vmem>>, vector<16xf32>,
    %broadcast_in_dim3A_90 = arith.constant 0.000000e+00 : f32
    %broadcast_in_dim3A_91 = vector.broadcast %broadcast_in_dim3A_90 : f32 to vector<16xf32>
    %swap3A_92 = arith.constant 144 : index
    %swap3A_93 = tpu.vector_load %arg6[%swap3A_92] {strides = array<i32>} : memref<768xf32, #tpu.memory_space<vmem>>, vector<16xf32>,
    %swap3A_94 = vector.shape_cast %swap3A_93 : vector<16xf32> to vector<16xf32>
    %swap3A_95 = vector.shape_cast %broadcast_in_dim3A_91 : vector<16xf32> to vector<16xf32>
    tpu.vector_store %arg6[%swap3A_92], %swap3A_95 {strides = array<i32>} : memref<768xf32, #tpu.memory_space<vmem>>, vector<16xf32>,
    %broadcast_in_dim3A_96 = arith.constant 0.000000e+00 : f32
    %broadcast_in_dim3A_97 = vector.broadcast %broadcast_in_dim3A_96 : f32 to vector<16xf32>
    %swap3A_98 = arith.constant 160 : index
    %swap3A_99 = tpu.vector_load %arg6[%swap3A_98] {strides = array<i32>} : memref<768xf32, #tpu.memory_space<vmem>>, vector<16xf32>,
    %swap3A_100 = vector.shape_cast %swap3A_99 : vector<16xf32> to vector<16xf32>
    %swap3A_101 = vector.shape_cast %broadcast_in_dim3A_97 : vector<16xf32> to vector<16xf32>
    tpu.vector_store %arg6[%swap3A_98], %swap3A_101 {strides = array<i32>} : memref<768xf32, #tpu.memory_space<vmem>>, vector<16xf32>,
    %broadcast_in_dim3A_102 = arith.constant 0.000000e+00 : f32
    %broadcast_in_dim3A_103 = vector.broadcast %broadcast_in_dim3A_102 : f32 to vector<16xf32>
    %swap3A_104 = arith.constant 176 : index
    %swap3A_105 = tpu.vector_load %arg6[%swap3A_104] {strides = array<i32>} : memref<768xf32, #tpu.memory_space<vmem>>, vector<16xf32>,
    %swap3A_106 = vector.shape_cast %swap3A_105 : vector<16xf32> to vector<16xf32>
    %swap3A_107 = vector.shape_cast %broadcast_in_dim3A_103 : vector<16xf32> to vector<16xf32>
    tpu.vector_store %arg6[%swap3A_104], %swap3A_107 {strides = array<i32>} : memref<768xf32, #tpu.memory_space<vmem>>, vector<16xf32>,
    %broadcast_in_dim3A_108 = arith.constant 0.000000e+00 : f32
    %broadcast_in_dim3A_109 = vector.broadcast %broadcast_in_dim3A_108 : f32 to vector<16xf32>
    %swap3A_110 = arith.constant 192 : index
    %swap3A_111 = tpu.vector_load %arg6[%swap3A_110] {strides = array<i32>} : memref<768xf32, #tpu.memory_space<vmem>>, vector<16xf32>,
    %swap3A_112 = vector.shape_cast %swap3A_111 : vector<16xf32> to vector<16xf32>
    %swap3A_113 = vector.shape_cast %broadcast_in_dim3A_109 : vector<16xf32> to vector<16xf32>
    tpu.vector_store %arg6[%swap3A_110], %swap3A_113 {strides = array<i32>} : memref<768xf32, #tpu.memory_space<vmem>>, vector<16xf32>,
    %broadcast_in_dim3A_114 = arith.constant 0.000000e+00 : f32
    %broadcast_in_dim3A_115 = vector.broadcast %broadcast_in_dim3A_114 : f32 to vector<16xf32>
    %swap3A_116 = arith.constant 208 : index
    %swap3A_117 = tpu.vector_load %arg6[%swap3A_116] {strides = array<i32>} : memref<768xf32, #tpu.memory_space<vmem>>, vector<16xf32>,
    %swap3A_118 = vector.shape_cast %swap3A_117 : vector<16xf32> to vector<16xf32>
    %swap3A_119 = vector.shape_cast %broadcast_in_dim3A_115 : vector<16xf32> to vector<16xf32>
    tpu.vector_store %arg6[%swap3A_116], %swap3A_119 {strides = array<i32>} : memref<768xf32, #tpu.memory_space<vmem>>, vector<16xf32>,
    %broadcast_in_dim3A_120 = arith.constant 0.000000e+00 : f32
    %broadcast_in_dim3A_121 = vector.broadcast %broadcast_in_dim3A_120 : f32 to vector<16xf32>
    %swap3A_122 = arith.constant 224 : index
    %swap3A_123 = tpu.vector_load %arg6[%swap3A_122] {strides = array<i32>} : memref<768xf32, #tpu.memory_space<vmem>>, vector<16xf32>,
    %swap3A_124 = vector.shape_cast %swap3A_123 : vector<16xf32> to vector<16xf32>
    %swap3A_125 = vector.shape_cast %broadcast_in_dim3A_121 : vector<16xf32> to vector<16xf32>
    tpu.vector_store %arg6[%swap3A_122], %swap3A_125 {strides = array<i32>} : memref<768xf32, #tpu.memory_space<vmem>>, vector<16xf32>,
    %broadcast_in_dim3A_126 = arith.constant 0.000000e+00 : f32
    %broadcast_in_dim3A_127 = vector.broadcast %broadcast_in_dim3A_126 : f32 to vector<16xf32>
    %swap3A_128 = arith.constant 240 : index
    %swap3A_129 = tpu.vector_load %arg6[%swap3A_128] {strides = array<i32>} : memref<768xf32, #tpu.memory_space<vmem>>, vector<16xf32>,
    %swap3A_130 = vector.shape_cast %swap3A_129 : vector<16xf32> to vector<16xf32>
    %swap3A_131 = vector.shape_cast %broadcast_in_dim3A_127 : vector<16xf32> to vector<16xf32>
    tpu.vector_store %arg6[%swap3A_128], %swap3A_131 {strides = array<i32>} : memref<768xf32, #tpu.memory_space<vmem>>, vector<16xf32>,
    %broadcast_in_dim3A_132 = arith.constant 0.000000e+00 : f32
    %broadcast_in_dim3A_133 = vector.broadcast %broadcast_in_dim3A_132 : f32 to vector<16xf32>
    %swap3A_134 = arith.constant 256 : index
    %swap3A_135 = tpu.vector_load %arg6[%swap3A_134] {strides = array<i32>} : memref<768xf32, #tpu.memory_space<vmem>>, vector<16xf32>,
    %swap3A_136 = vector.shape_cast %swap3A_135 : vector<16xf32> to vector<16xf32>
    %swap3A_137 = vector.shape_cast %broadcast_in_dim3A_133 : vector<16xf32> to vector<16xf32>
    tpu.vector_store %arg6[%swap3A_134], %swap3A_137 {strides = array<i32>} : memref<768xf32, #tpu.memory_space<vmem>>, vector<16xf32>,
    %broadcast_in_dim3A_138 = arith.constant 0.000000e+00 : f32
    %broadcast_in_dim3A_139 = vector.broadcast %broadcast_in_dim3A_138 : f32 to vector<16xf32>
    %swap3A_140 = arith.constant 272 : index
    %swap3A_141 = tpu.vector_load %arg6[%swap3A_140] {strides = array<i32>} : memref<768xf32, #tpu.memory_space<vmem>>, vector<16xf32>,
    %swap3A_142 = vector.shape_cast %swap3A_141 : vector<16xf32> to vector<16xf32>
    %swap3A_143 = vector.shape_cast %broadcast_in_dim3A_139 : vector<16xf32> to vector<16xf32>
    tpu.vector_store %arg6[%swap3A_140], %swap3A_143 {strides = array<i32>} : memref<768xf32, #tpu.memory_space<vmem>>, vector<16xf32>,
    %broadcast_in_dim3A_144 = arith.constant 0.000000e+00 : f32
    %broadcast_in_dim3A_145 = vector.broadcast %broadcast_in_dim3A_144 : f32 to vector<16xf32>
    %swap3A_146 = arith.constant 288 : index
    %swap3A_147 = tpu.vector_load %arg6[%swap3A_146] {strides = array<i32>} : memref<768xf32, #tpu.memory_space<vmem>>, vector<16xf32>,
    %swap3A_148 = vector.shape_cast %swap3A_147 : vector<16xf32> to vector<16xf32>
    %swap3A_149 = vector.shape_cast %broadcast_in_dim3A_145 : vector<16xf32> to vector<16xf32>
    tpu.vector_store %arg6[%swap3A_146], %swap3A_149 {strides = array<i32>} : memref<768xf32, #tpu.memory_space<vmem>>, vector<16xf32>,
    %broadcast_in_dim3A_150 = arith.constant 0.000000e+00 : f32
    %broadcast_in_dim3A_151 = vector.broadcast %broadcast_in_dim3A_150 : f32 to vector<16xf32>
    %swap3A_152 = arith.constant 304 : index
    %swap3A_153 = tpu.vector_load %arg6[%swap3A_152] {strides = array<i32>} : memref<768xf32, #tpu.memory_space<vmem>>, vector<16xf32>,
    %swap3A_154 = vector.shape_cast %swap3A_153 : vector<16xf32> to vector<16xf32>
    %swap3A_155 = vector.shape_cast %broadcast_in_dim3A_151 : vector<16xf32> to vector<16xf32>
    tpu.vector_store %arg6[%swap3A_152], %swap3A_155 {strides = array<i32>} : memref<768xf32, #tpu.memory_space<vmem>>, vector<16xf32>,
    %broadcast_in_dim3A_156 = arith.constant 0.000000e+00 : f32
    %broadcast_in_dim3A_157 = vector.broadcast %broadcast_in_dim3A_156 : f32 to vector<16xf32>
    %swap3A_158 = arith.constant 320 : index
    %swap3A_159 = tpu.vector_load %arg6[%swap3A_158] {strides = array<i32>} : memref<768xf32, #tpu.memory_space<vmem>>, vector<16xf32>,
    %swap3A_160 = vector.shape_cast %swap3A_159 : vector<16xf32> to vector<16xf32>
    %swap3A_161 = vector.shape_cast %broadcast_in_dim3A_157 : vector<16xf32> to vector<16xf32>
    tpu.vector_store %arg6[%swap3A_158], %swap3A_161 {strides = array<i32>} : memref<768xf32, #tpu.memory_space<vmem>>, vector<16xf32>,
    %broadcast_in_dim3A_162 = arith.constant 0.000000e+00 : f32
    %broadcast_in_dim3A_163 = vector.broadcast %broadcast_in_dim3A_162 : f32 to vector<16xf32>
    %swap3A_164 = arith.constant 336 : index
    %swap3A_165 = tpu.vector_load %arg6[%swap3A_164] {strides = array<i32>} : memref<768xf32, #tpu.memory_space<vmem>>, vector<16xf32>,
    %swap3A_166 = vector.shape_cast %swap3A_165 : vector<16xf32> to vector<16xf32>
    %swap3A_167 = vector.shape_cast %broadcast_in_dim3A_163 : vector<16xf32> to vector<16xf32>
    tpu.vector_store %arg6[%swap3A_164], %swap3A_167 {strides = array<i32>} : memref<768xf32, #tpu.memory_space<vmem>>, vector<16xf32>,
    %broadcast_in_dim3A_168 = arith.constant 0.000000e+00 : f32
    %broadcast_in_dim3A_169 = vector.broadcast %broadcast_in_dim3A_168 : f32 to vector<16xf32>
    %swap3A_170 = arith.constant 352 : index
    %swap3A_171 = tpu.vector_load %arg6[%swap3A_170] {strides = array<i32>} : memref<768xf32, #tpu.memory_space<vmem>>, vector<16xf32>,
    %swap3A_172 = vector.shape_cast %swap3A_171 : vector<16xf32> to vector<16xf32>
    %swap3A_173 = vector.shape_cast %broadcast_in_dim3A_169 : vector<16xf32> to vector<16xf32>
    tpu.vector_store %arg6[%swap3A_170], %swap3A_173 {strides = array<i32>} : memref<768xf32, #tpu.memory_space<vmem>>, vector<16xf32>,
    %broadcast_in_dim3A_174 = arith.constant 0.000000e+00 : f32
    %broadcast_in_dim3A_175 = vector.broadcast %broadcast_in_dim3A_174 : f32 to vector<16xf32>
    %swap3A_176 = arith.constant 368 : index
    %swap3A_177 = tpu.vector_load %arg6[%swap3A_176] {strides = array<i32>} : memref<768xf32, #tpu.memory_space<vmem>>, vector<16xf32>,
    %swap3A_178 = vector.shape_cast %swap3A_177 : vector<16xf32> to vector<16xf32>
    %swap3A_179 = vector.shape_cast %broadcast_in_dim3A_175 : vector<16xf32> to vector<16xf32>
    tpu.vector_store %arg6[%swap3A_176], %swap3A_179 {strides = array<i32>} : memref<768xf32, #tpu.memory_space<vmem>>, vector<16xf32>,
    %broadcast_in_dim3A_180 = arith.constant 0.000000e+00 : f32
    %broadcast_in_dim3A_181 = vector.broadcast %broadcast_in_dim3A_180 : f32 to vector<16xf32>
    %swap3A_182 = arith.constant 384 : index
    %swap3A_183 = tpu.vector_load %arg6[%swap3A_182] {strides = array<i32>} : memref<768xf32, #tpu.memory_space<vmem>>, vector<16xf32>,
    %swap3A_184 = vector.shape_cast %swap3A_183 : vector<16xf32> to vector<16xf32>
    %swap3A_185 = vector.shape_cast %broadcast_in_dim3A_181 : vector<16xf32> to vector<16xf32>
    tpu.vector_store %arg6[%swap3A_182], %swap3A_185 {strides = array<i32>} : memref<768xf32, #tpu.memory_space<vmem>>, vector<16xf32>,
    %broadcast_in_dim3A_186 = arith.constant 0.000000e+00 : f32
    %broadcast_in_dim3A_187 = vector.broadcast %broadcast_in_dim3A_186 : f32 to vector<16xf32>
    %swap3A_188 = arith.constant 400 : index
    %swap3A_189 = tpu.vector_load %arg6[%swap3A_188] {strides = array<i32>} : memref<768xf32, #tpu.memory_space<vmem>>, vector<16xf32>,
    %swap3A_190 = vector.shape_cast %swap3A_189 : vector<16xf32> to vector<16xf32>
    %swap3A_191 = vector.shape_cast %broadcast_in_dim3A_187 : vector<16xf32> to vector<16xf32>
    tpu.vector_store %arg6[%swap3A_188], %swap3A_191 {strides = array<i32>} : memref<768xf32, #tpu.memory_space<vmem>>, vector<16xf32>,
    %broadcast_in_dim3A_192 = arith.constant 0.000000e+00 : f32
    %broadcast_in_dim3A_193 = vector.broadcast %broadcast_in_dim3A_192 : f32 to vector<16xf32>
    %swap3A_194 = arith.constant 416 : index
    %swap3A_195 = tpu.vector_load %arg6[%swap3A_194] {strides = array<i32>} : memref<768xf32, #tpu.memory_space<vmem>>, vector<16xf32>,
    %swap3A_196 = vector.shape_cast %swap3A_195 : vector<16xf32> to vector<16xf32>
    %swap3A_197 = vector.shape_cast %broadcast_in_dim3A_193 : vector<16xf32> to vector<16xf32>
    tpu.vector_store %arg6[%swap3A_194], %swap3A_197 {strides = array<i32>} : memref<768xf32, #tpu.memory_space<vmem>>, vector<16xf32>,
    %broadcast_in_dim3A_198 = arith.constant 0.000000e+00 : f32
    %broadcast_in_dim3A_199 = vector.broadcast %broadcast_in_dim3A_198 : f32 to vector<16xf32>
    %swap3A_200 = arith.constant 432 : index
    %swap3A_201 = tpu.vector_load %arg6[%swap3A_200] {strides = array<i32>} : memref<768xf32, #tpu.memory_space<vmem>>, vector<16xf32>,
    %swap3A_202 = vector.shape_cast %swap3A_201 : vector<16xf32> to vector<16xf32>
    %swap3A_203 = vector.shape_cast %broadcast_in_dim3A_199 : vector<16xf32> to vector<16xf32>
    tpu.vector_store %arg6[%swap3A_200], %swap3A_203 {strides = array<i32>} : memref<768xf32, #tpu.memory_space<vmem>>, vector<16xf32>,
    %broadcast_in_dim3A_204 = arith.constant 0.000000e+00 : f32
    %broadcast_in_dim3A_205 = vector.broadcast %broadcast_in_dim3A_204 : f32 to vector<16xf32>
    %swap3A_206 = arith.constant 448 : index
    %swap3A_207 = tpu.vector_load %arg6[%swap3A_206] {strides = array<i32>} : memref<768xf32, #tpu.memory_space<vmem>>, vector<16xf32>,
    %swap3A_208 = vector.shape_cast %swap3A_207 : vector<16xf32> to vector<16xf32>
    %swap3A_209 = vector.shape_cast %broadcast_in_dim3A_205 : vector<16xf32> to vector<16xf32>
    tpu.vector_store %arg6[%swap3A_206], %swap3A_209 {strides = array<i32>} : memref<768xf32, #tpu.memory_space<vmem>>, vector<16xf32>,
    %broadcast_in_dim3A_210 = arith.constant 0.000000e+00 : f32
    %broadcast_in_dim3A_211 = vector.broadcast %broadcast_in_dim3A_210 : f32 to vector<16xf32>
    %swap3A_212 = arith.constant 464 : index
    %swap3A_213 = tpu.vector_load %arg6[%swap3A_212] {strides = array<i32>} : memref<768xf32, #tpu.memory_space<vmem>>, vector<16xf32>,
    %swap3A_214 = vector.shape_cast %swap3A_213 : vector<16xf32> to vector<16xf32>
    %swap3A_215 = vector.shape_cast %broadcast_in_dim3A_211 : vector<16xf32> to vector<16xf32>
    tpu.vector_store %arg6[%swap3A_212], %swap3A_215 {strides = array<i32>} : memref<768xf32, #tpu.memory_space<vmem>>, vector<16xf32>,
    %broadcast_in_dim3A_216 = arith.constant 0.000000e+00 : f32
    %broadcast_in_dim3A_217 = vector.broadcast %broadcast_in_dim3A_216 : f32 to vector<16xf32>
    %swap3A_218 = arith.constant 480 : index
    %swap3A_219 = tpu.vector_load %arg6[%swap3A_218] {strides = array<i32>} : memref<768xf32, #tpu.memory_space<vmem>>, vector<16xf32>,
    %swap3A_220 = vector.shape_cast %swap3A_219 : vector<16xf32> to vector<16xf32>
    %swap3A_221 = vector.shape_cast %broadcast_in_dim3A_217 : vector<16xf32> to vector<16xf32>
    tpu.vector_store %arg6[%swap3A_218], %swap3A_221 {strides = array<i32>} : memref<768xf32, #tpu.memory_space<vmem>>, vector<16xf32>,
    %broadcast_in_dim3A_222 = arith.constant 0.000000e+00 : f32
    %broadcast_in_dim3A_223 = vector.broadcast %broadcast_in_dim3A_222 : f32 to vector<16xf32>
    %swap3A_224 = arith.constant 496 : index
    %swap3A_225 = tpu.vector_load %arg6[%swap3A_224] {strides = array<i32>} : memref<768xf32, #tpu.memory_space<vmem>>, vector<16xf32>,
    %swap3A_226 = vector.shape_cast %swap3A_225 : vector<16xf32> to vector<16xf32>
    %swap3A_227 = vector.shape_cast %broadcast_in_dim3A_223 : vector<16xf32> to vector<16xf32>
    tpu.vector_store %arg6[%swap3A_224], %swap3A_227 {strides = array<i32>} : memref<768xf32, #tpu.memory_space<vmem>>, vector<16xf32>,
    %broadcast_in_dim3A_228 = arith.constant 0.000000e+00 : f32
    %broadcast_in_dim3A_229 = vector.broadcast %broadcast_in_dim3A_228 : f32 to vector<16xf32>
    %swap3A_230 = arith.constant 512 : index
    %swap3A_231 = tpu.vector_load %arg6[%swap3A_230] {strides = array<i32>} : memref<768xf32, #tpu.memory_space<vmem>>, vector<16xf32>,
    %swap3A_232 = vector.shape_cast %swap3A_231 : vector<16xf32> to vector<16xf32>
    %swap3A_233 = vector.shape_cast %broadcast_in_dim3A_229 : vector<16xf32> to vector<16xf32>
    tpu.vector_store %arg6[%swap3A_230], %swap3A_233 {strides = array<i32>} : memref<768xf32, #tpu.memory_space<vmem>>, vector<16xf32>,
    %broadcast_in_dim3A_234 = arith.constant 0.000000e+00 : f32
    %broadcast_in_dim3A_235 = vector.broadcast %broadcast_in_dim3A_234 : f32 to vector<16xf32>
    %swap3A_236 = arith.constant 528 : index
    %swap3A_237 = tpu.vector_load %arg6[%swap3A_236] {strides = array<i32>} : memref<768xf32, #tpu.memory_space<vmem>>, vector<16xf32>,
    %swap3A_238 = vector.shape_cast %swap3A_237 : vector<16xf32> to vector<16xf32>
    %swap3A_239 = vector.shape_cast %broadcast_in_dim3A_235 : vector<16xf32> to vector<16xf32>
    tpu.vector_store %arg6[%swap3A_236], %swap3A_239 {strides = array<i32>} : memref<768xf32, #tpu.memory_space<vmem>>, vector<16xf32>,
    %broadcast_in_dim3A_240 = arith.constant 0.000000e+00 : f32
    %broadcast_in_dim3A_241 = vector.broadcast %broadcast_in_dim3A_240 : f32 to vector<16xf32>
    %swap3A_242 = arith.constant 544 : index
    %swap3A_243 = tpu.vector_load %arg6[%swap3A_242] {strides = array<i32>} : memref<768xf32, #tpu.memory_space<vmem>>, vector<16xf32>,
    %swap3A_244 = vector.shape_cast %swap3A_243 : vector<16xf32> to vector<16xf32>
    %swap3A_245 = vector.shape_cast %broadcast_in_dim3A_241 : vector<16xf32> to vector<16xf32>
    tpu.vector_store %arg6[%swap3A_242], %swap3A_245 {strides = array<i32>} : memref<768xf32, #tpu.memory_space<vmem>>, vector<16xf32>,
    %broadcast_in_dim3A_246 = arith.constant 0.000000e+00 : f32
    %broadcast_in_dim3A_247 = vector.broadcast %broadcast_in_dim3A_246 : f32 to vector<16xf32>
    %swap3A_248 = arith.constant 560 : index
    %swap3A_249 = tpu.vector_load %arg6[%swap3A_248] {strides = array<i32>} : memref<768xf32, #tpu.memory_space<vmem>>, vector<16xf32>,
    %swap3A_250 = vector.shape_cast %swap3A_249 : vector<16xf32> to vector<16xf32>
    %swap3A_251 = vector.shape_cast %broadcast_in_dim3A_247 : vector<16xf32> to vector<16xf32>
    tpu.vector_store %arg6[%swap3A_248], %swap3A_251 {strides = array<i32>} : memref<768xf32, #tpu.memory_space<vmem>>, vector<16xf32>,
    %broadcast_in_dim3A_252 = arith.constant 0.000000e+00 : f32
    %broadcast_in_dim3A_253 = vector.broadcast %broadcast_in_dim3A_252 : f32 to vector<16xf32>
    %swap3A_254 = arith.constant 576 : index
    %swap3A_255 = tpu.vector_load %arg6[%swap3A_254] {strides = array<i32>} : memref<768xf32, #tpu.memory_space<vmem>>, vector<16xf32>,
    %swap3A_256 = vector.shape_cast %swap3A_255 : vector<16xf32> to vector<16xf32>
    %swap3A_257 = vector.shape_cast %broadcast_in_dim3A_253 : vector<16xf32> to vector<16xf32>
    tpu.vector_store %arg6[%swap3A_254], %swap3A_257 {strides = array<i32>} : memref<768xf32, #tpu.memory_space<vmem>>, vector<16xf32>,
    %broadcast_in_dim3A_258 = arith.constant 0.000000e+00 : f32
    %broadcast_in_dim3A_259 = vector.broadcast %broadcast_in_dim3A_258 : f32 to vector<16xf32>
    %swap3A_260 = arith.constant 592 : index
    %swap3A_261 = tpu.vector_load %arg6[%swap3A_260] {strides = array<i32>} : memref<768xf32, #tpu.memory_space<vmem>>, vector<16xf32>,
    %swap3A_262 = vector.shape_cast %swap3A_261 : vector<16xf32> to vector<16xf32>
    %swap3A_263 = vector.shape_cast %broadcast_in_dim3A_259 : vector<16xf32> to vector<16xf32>
    tpu.vector_store %arg6[%swap3A_260], %swap3A_263 {strides = array<i32>} : memref<768xf32, #tpu.memory_space<vmem>>, vector<16xf32>,
    %broadcast_in_dim3A_264 = arith.constant 0.000000e+00 : f32
    %broadcast_in_dim3A_265 = vector.broadcast %broadcast_in_dim3A_264 : f32 to vector<16xf32>
    %swap3A_266 = arith.constant 608 : index
    %swap3A_267 = tpu.vector_load %arg6[%swap3A_266] {strides = array<i32>} : memref<768xf32, #tpu.memory_space<vmem>>, vector<16xf32>,
    %swap3A_268 = vector.shape_cast %swap3A_267 : vector<16xf32> to vector<16xf32>
    %swap3A_269 = vector.shape_cast %broadcast_in_dim3A_265 : vector<16xf32> to vector<16xf32>
    tpu.vector_store %arg6[%swap3A_266], %swap3A_269 {strides = array<i32>} : memref<768xf32, #tpu.memory_space<vmem>>, vector<16xf32>,
    %broadcast_in_dim3A_270 = arith.constant 0.000000e+00 : f32
    %broadcast_in_dim3A_271 = vector.broadcast %broadcast_in_dim3A_270 : f32 to vector<16xf32>
    %swap3A_272 = arith.constant 624 : index
    %swap3A_273 = tpu.vector_load %arg6[%swap3A_272] {strides = array<i32>} : memref<768xf32, #tpu.memory_space<vmem>>, vector<16xf32>,
    %swap3A_274 = vector.shape_cast %swap3A_273 : vector<16xf32> to vector<16xf32>
    %swap3A_275 = vector.shape_cast %broadcast_in_dim3A_271 : vector<16xf32> to vector<16xf32>
    tpu.vector_store %arg6[%swap3A_272], %swap3A_275 {strides = array<i32>} : memref<768xf32, #tpu.memory_space<vmem>>, vector<16xf32>,
    %broadcast_in_dim3A_276 = arith.constant 0.000000e+00 : f32
    %broadcast_in_dim3A_277 = vector.broadcast %broadcast_in_dim3A_276 : f32 to vector<16xf32>
    %swap3A_278 = arith.constant 640 : index
    %swap3A_279 = tpu.vector_load %arg6[%swap3A_278] {strides = array<i32>} : memref<768xf32, #tpu.memory_space<vmem>>, vector<16xf32>,
    %swap3A_280 = vector.shape_cast %swap3A_279 : vector<16xf32> to vector<16xf32>
    %swap3A_281 = vector.shape_cast %broadcast_in_dim3A_277 : vector<16xf32> to vector<16xf32>
    tpu.vector_store %arg6[%swap3A_278], %swap3A_281 {strides = array<i32>} : memref<768xf32, #tpu.memory_space<vmem>>, vector<16xf32>,
    %broadcast_in_dim3A_282 = arith.constant 0.000000e+00 : f32
    %broadcast_in_dim3A_283 = vector.broadcast %broadcast_in_dim3A_282 : f32 to vector<16xf32>
    %swap3A_284 = arith.constant 656 : index
    %swap3A_285 = tpu.vector_load %arg6[%swap3A_284] {strides = array<i32>} : memref<768xf32, #tpu.memory_space<vmem>>, vector<16xf32>,
    %swap3A_286 = vector.shape_cast %swap3A_285 : vector<16xf32> to vector<16xf32>
    %swap3A_287 = vector.shape_cast %broadcast_in_dim3A_283 : vector<16xf32> to vector<16xf32>
    tpu.vector_store %arg6[%swap3A_284], %swap3A_287 {strides = array<i32>} : memref<768xf32, #tpu.memory_space<vmem>>, vector<16xf32>,
    %broadcast_in_dim3A_288 = arith.constant 0.000000e+00 : f32
    %broadcast_in_dim3A_289 = vector.broadcast %broadcast_in_dim3A_288 : f32 to vector<16xf32>
    %swap3A_290 = arith.constant 672 : index
    %swap3A_291 = tpu.vector_load %arg6[%swap3A_290] {strides = array<i32>} : memref<768xf32, #tpu.memory_space<vmem>>, vector<16xf32>,
    %swap3A_292 = vector.shape_cast %swap3A_291 : vector<16xf32> to vector<16xf32>
    %swap3A_293 = vector.shape_cast %broadcast_in_dim3A_289 : vector<16xf32> to vector<16xf32>
    tpu.vector_store %arg6[%swap3A_290], %swap3A_293 {strides = array<i32>} : memref<768xf32, #tpu.memory_space<vmem>>, vector<16xf32>,
    %broadcast_in_dim3A_294 = arith.constant 0.000000e+00 : f32
    %broadcast_in_dim3A_295 = vector.broadcast %broadcast_in_dim3A_294 : f32 to vector<16xf32>
    %swap3A_296 = arith.constant 688 : index
    %swap3A_297 = tpu.vector_load %arg6[%swap3A_296] {strides = array<i32>} : memref<768xf32, #tpu.memory_space<vmem>>, vector<16xf32>,
    %swap3A_298 = vector.shape_cast %swap3A_297 : vector<16xf32> to vector<16xf32>
    %swap3A_299 = vector.shape_cast %broadcast_in_dim3A_295 : vector<16xf32> to vector<16xf32>
    tpu.vector_store %arg6[%swap3A_296], %swap3A_299 {strides = array<i32>} : memref<768xf32, #tpu.memory_space<vmem>>, vector<16xf32>,
    %broadcast_in_dim3A_300 = arith.constant 0.000000e+00 : f32
    %broadcast_in_dim3A_301 = vector.broadcast %broadcast_in_dim3A_300 : f32 to vector<16xf32>
    %swap3A_302 = arith.constant 704 : index
    %swap3A_303 = tpu.vector_load %arg6[%swap3A_302] {strides = array<i32>} : memref<768xf32, #tpu.memory_space<vmem>>, vector<16xf32>,
    %swap3A_304 = vector.shape_cast %swap3A_303 : vector<16xf32> to vector<16xf32>
    %swap3A_305 = vector.shape_cast %broadcast_in_dim3A_301 : vector<16xf32> to vector<16xf32>
    tpu.vector_store %arg6[%swap3A_302], %swap3A_305 {strides = array<i32>} : memref<768xf32, #tpu.memory_space<vmem>>, vector<16xf32>,
    %broadcast_in_dim3A_306 = arith.constant 0.000000e+00 : f32
    %broadcast_in_dim3A_307 = vector.broadcast %broadcast_in_dim3A_306 : f32 to vector<16xf32>
    %swap3A_308 = arith.constant 720 : index
    %swap3A_309 = tpu.vector_load %arg6[%swap3A_308] {strides = array<i32>} : memref<768xf32, #tpu.memory_space<vmem>>, vector<16xf32>,
    %swap3A_310 = vector.shape_cast %swap3A_309 : vector<16xf32> to vector<16xf32>
    %swap3A_311 = vector.shape_cast %broadcast_in_dim3A_307 : vector<16xf32> to vector<16xf32>
    tpu.vector_store %arg6[%swap3A_308], %swap3A_311 {strides = array<i32>} : memref<768xf32, #tpu.memory_space<vmem>>, vector<16xf32>,
    %broadcast_in_dim3A_312 = arith.constant 0.000000e+00 : f32
    %broadcast_in_dim3A_313 = vector.broadcast %broadcast_in_dim3A_312 : f32 to vector<16xf32>
    %swap3A_314 = arith.constant 736 : index
    %swap3A_315 = tpu.vector_load %arg6[%swap3A_314] {strides = array<i32>} : memref<768xf32, #tpu.memory_space<vmem>>, vector<16xf32>,
    %swap3A_316 = vector.shape_cast %swap3A_315 : vector<16xf32> to vector<16xf32>
    %swap3A_317 = vector.shape_cast %broadcast_in_dim3A_313 : vector<16xf32> to vector<16xf32>
    tpu.vector_store %arg6[%swap3A_314], %swap3A_317 {strides = array<i32>} : memref<768xf32, #tpu.memory_space<vmem>>, vector<16xf32>,
    %broadcast_in_dim3A_318 = arith.constant 0.000000e+00 : f32
    %broadcast_in_dim3A_319 = vector.broadcast %broadcast_in_dim3A_318 : f32 to vector<16xf32>
    %swap3A_320 = arith.constant 752 : index
    %swap3A_321 = tpu.vector_load %arg6[%swap3A_320] {strides = array<i32>} : memref<768xf32, #tpu.memory_space<vmem>>, vector<16xf32>,
    %swap3A_322 = vector.shape_cast %swap3A_321 : vector<16xf32> to vector<16xf32>
    %swap3A_323 = vector.shape_cast %broadcast_in_dim3A_319 : vector<16xf32> to vector<16xf32>
    tpu.vector_store %arg6[%swap3A_320], %swap3A_323 {strides = array<i32>} : memref<768xf32, #tpu.memory_space<vmem>>, vector<16xf32>,
    %dma_start3A = arith.constant 0 : i32
    %dma_start3A_324 = tpu.memref_slice %arg2[%add3A_37, %dma_start3A] : memref<32768x768xf32, #tpu.memory_space<hbm>> -> memref<64x768xf32, #tpu.memory_space<hbm>>
    %dma_start3A_325 = arith.constant 0 : i32
    %dma_start3A_326 = tpu.memref_slice %arg2[%add3A_37, %dma_start3A_325] : memref<32768x768xf32, #tpu.memory_space<hbm>> -> memref<64x768xf32, #tpu.memory_space<hbm>>
    tpu.enqueue_dma source(%dma_start3A_326 : memref<64x768xf32, #tpu.memory_space<hbm>>) target(%arg4 : memref<64x768xf32, #tpu.memory_space<vmem>>) target_semaphore(%arg7 : memref<!tpu.dma_semaphore, #tpu.memory_space<semaphore_mem>>)
    %add3A_327 = arith.constant 64 : i32
    %add3A_328 = arith.addi %add3A_37, %add3A_327 : i32
    %dma_start3A_329 = arith.constant 0 : i32
    %dma_start3A_330 = tpu.memref_slice %arg2[%add3A_328, %dma_start3A_329] : memref<32768x768xf32, #tpu.memory_space<hbm>> -> memref<64x768xf32, #tpu.memory_space<hbm>>
    %dma_start3A_331 = arith.constant 0 : i32
    %dma_start3A_332 = tpu.memref_slice %arg2[%add3A_328, %dma_start3A_331] : memref<32768x768xf32, #tpu.memory_space<hbm>> -> memref<64x768xf32, #tpu.memory_space<hbm>>
    tpu.enqueue_dma source(%dma_start3A_332 : memref<64x768xf32, #tpu.memory_space<hbm>>) target(%arg5 : memref<64x768xf32, #tpu.memory_space<vmem>>) target_semaphore(%arg8 : memref<!tpu.dma_semaphore, #tpu.memory_space<semaphore_mem>>)
    %scan3A = arith.constant 0 : i32
    %scan3A_333 = arith.constant 0 : i32
    %scan3A_334 = arith.constant 2 : i32
    %scan3A_335 = arith.addi %scan3A_333, %scan3A_334 : i32
    %scan3A_336 = arith.constant 1 : i32
    scf.for %scan3A_338 = %scan3A_333 to %scan3A_335 step %scan3A_336  : i32 {
      %mul3A_339 = arith.constant 2 : i32
      %mul3A_340 = arith.muli %mul3A_339, %scan3A_338 : i32
      %add3A_341 = arith.constant 0 : i32
      %add3A_342 = arith.addi %mul3A_340, %add3A_341 : i32
      %mul3A_343 = arith.constant 64 : i32
      %mul3A_344 = arith.muli %add3A_342, %mul3A_343 : i32
      %add3A_345 = arith.addi %add3A_37, %mul3A_344 : i32
      %dma_wait3A = arith.constant 0 : i32
      %dma_wait3A_346 = tpu.memref_slice %arg2[%add3A_345, %dma_wait3A] : memref<32768x768xf32, #tpu.memory_space<hbm>> -> memref<64x768xf32, #tpu.memory_space<hbm>>
      %dma_wait3A_347 = arith.constant 0 : i32
      %dma_wait3A_348 = tpu.memref_slice %arg2[%add3A_345, %dma_wait3A_347] : memref<32768x768xf32, #tpu.memory_space<hbm>> -> memref<64x768xf32, #tpu.memory_space<hbm>>
      tpu.wait_dma2 semaphore(%arg7 : memref<!tpu.dma_semaphore, #tpu.memory_space<semaphore_mem>>) src(%dma_wait3A_348 : memref<64x768xf32, #tpu.memory_space<hbm>>) dst(%arg4 : memref<64x768xf32, #tpu.memory_space<vmem>>)
      %get3A = arith.constant 0 : index
      %get3A_349 = tpu.vector_load %arg6[%get3A] {strides = array<i32>} : memref<768xf32, #tpu.memory_space<vmem>>, vector<16xf32>,
      %get3A_350 = vector.shape_cast %get3A_349 : vector<16xf32> to vector<16xf32>
      %get3A_351 = arith.constant 16 : index
      %get3A_352 = tpu.vector_load %arg6[%get3A_351] {strides = array<i32>} : memref<768xf32, #tpu.memory_space<vmem>>, vector<16xf32>,
      %get3A_353 = vector.shape_cast %get3A_352 : vector<16xf32> to vector<16xf32>
      %get3A_354 = arith.constant 32 : index
      %get3A_355 = tpu.vector_load %arg6[%get3A_354] {strides = array<i32>} : memref<768xf32, #tpu.memory_space<vmem>>, vector<16xf32>,
      %get3A_356 = vector.shape_cast %get3A_355 : vector<16xf32> to vector<16xf32>
      %get3A_357 = arith.constant 48 : index
      %get3A_358 = tpu.vector_load %arg6[%get3A_357] {strides = array<i32>} : memref<768xf32, #tpu.memory_space<vmem>>, vector<16xf32>,
      %get3A_359 = vector.shape_cast %get3A_358 : vector<16xf32> to vector<16xf32>
      %scan3A_360 = arith.constant 0 : i32
      %scan3A_361 = arith.constant 16 : i32
      %scan3A_362 = arith.addi %scan3A_360, %scan3A_361 : i32
      %scan3A_363 = arith.constant 1 : i32
      %scan3A_364:4 = scf.for %scan3A_1187 = %scan3A_360 to %scan3A_362 step %scan3A_363 iter_args(%scan3A_1188 = %get3A_350, %scan3A_1189 = %get3A_353, %scan3A_1190 = %get3A_356, %scan3A_1191 = %get3A_359) -> (vector<16xf32>, vector<16xf32>, vector<16xf32>, vector<16xf32>)  : i32 {
        %mul3A_1192 = arith.constant 4 : i32
        %mul3A_1193 = arith.muli %scan3A_1187, %mul3A_1192 : i32
        %add3A_1194 = arith.constant 0 : i32
        %add3A_1195 = arith.addi %mul3A_1193, %add3A_1194 : i32
        %get3A_1196 = arith.index_cast %add3A_1195 : i32 to index
        %get3A_1197 = arith.constant 0 : index
        %get3A_1198 = tpu.vector_load %arg4[%get3A_1196, %get3A_1197] {strides = array<i32>} : memref<64x768xf32, #tpu.memory_space<vmem>>, vector<1x16xf32>,
        %get3A_1199 = vector.shape_cast %get3A_1198 : vector<1x16xf32> to vector<16xf32>
        %add3A_1200 = arith.addf %scan3A_1188, %get3A_1199 : vector<16xf32>
        %get3A_1201 = arith.index_cast %add3A_1195 : i32 to index
        %get3A_1202 = arith.constant 16 : index
        %get3A_1203 = tpu.vector_load %arg4[%get3A_1201, %get3A_1202] {strides = array<i32>} : memref<64x768xf32, #tpu.memory_space<vmem>>, vector<1x16xf32>,
        %get3A_1204 = vector.shape_cast %get3A_1203 : vector<1x16xf32> to vector<16xf32>
        %add3A_1205 = arith.addf %scan3A_1189, %get3A_1204 : vector<16xf32>
        %get3A_1206 = arith.index_cast %add3A_1195 : i32 to index
        %get3A_1207 = arith.constant 32 : index
        %get3A_1208 = tpu.vector_load %arg4[%get3A_1206, %get3A_1207] {strides = array<i32>} : memref<64x768xf32, #tpu.memory_space<vmem>>, vector<1x16xf32>,
        %get3A_1209 = vector.shape_cast %get3A_1208 : vector<1x16xf32> to vector<16xf32>
        %add3A_1210 = arith.addf %scan3A_1190, %get3A_1209 : vector<16xf32>
        %get3A_1211 = arith.index_cast %add3A_1195 : i32 to index
        %get3A_1212 = arith.constant 48 : index
        %get3A_1213 = tpu.vector_load %arg4[%get3A_1211, %get3A_1212] {strides = array<i32>} : memref<64x768xf32, #tpu.memory_space<vmem>>, vector<1x16xf32>,
        %get3A_1214 = vector.shape_cast %get3A_1213 : vector<1x16xf32> to vector<16xf32>
        %add3A_1215 = arith.addf %scan3A_1191, %get3A_1214 : vector<16xf32>
        %mul3A_1216 = arith.constant 4 : i32
        %mul3A_1217 = arith.muli %scan3A_1187, %mul3A_1216 : i32
        %add3A_1218 = arith.constant 1 : i32
        %add3A_1219 = arith.addi %mul3A_1217, %add3A_1218 : i32
        %get3A_1220 = arith.index_cast %add3A_1219 : i32 to index
        %get3A_1221 = arith.constant 0 : index
        %get3A_1222 = tpu.vector_load %arg4[%get3A_1220, %get3A_1221] {strides = array<i32>} : memref<64x768xf32, #tpu.memory_space<vmem>>, vector<1x16xf32>,
        %get3A_1223 = vector.shape_cast %get3A_1222 : vector<1x16xf32> to vector<16xf32>
        %add3A_1224 = arith.addf %add3A_1200, %get3A_1223 : vector<16xf32>
        %get3A_1225 = arith.index_cast %add3A_1219 : i32 to index
        %get3A_1226 = arith.constant 16 : index
        %get3A_1227 = tpu.vector_load %arg4[%get3A_1225, %get3A_1226] {strides = array<i32>} : memref<64x768xf32, #tpu.memory_space<vmem>>, vector<1x16xf32>,
        %get3A_1228 = vector.shape_cast %get3A_1227 : vector<1x16xf32> to vector<16xf32>
        %add3A_1229 = arith.addf %add3A_1205, %get3A_1228 : vector<16xf32>
        %get3A_1230 = arith.index_cast %add3A_1219 : i32 to index
        %get3A_1231 = arith.constant 32 : index
        %get3A_1232 = tpu.vector_load %arg4[%get3A_1230, %get3A_1231] {strides = array<i32>} : memref<64x768xf32, #tpu.memory_space<vmem>>, vector<1x16xf32>,
        %get3A_1233 = vector.shape_cast %get3A_1232 : vector<1x16xf32> to vector<16xf32>
        %add3A_1234 = arith.addf %add3A_1210, %get3A_1233 : vector<16xf32>
        %get3A_1235 = arith.index_cast %add3A_1219 : i32 to index
        %get3A_1236 = arith.constant 48 : index
        %get3A_1237 = tpu.vector_load %arg4[%get3A_1235, %get3A_1236] {strides = array<i32>} : memref<64x768xf32, #tpu.memory_space<vmem>>, vector<1x16xf32>,
        %get3A_1238 = vector.shape_cast %get3A_1237 : vector<1x16xf32> to vector<16xf32>
        %add3A_1239 = arith.addf %add3A_1215, %get3A_1238 : vector<16xf32>
        %mul3A_1240 = arith.constant 4 : i32
        %mul3A_1241 = arith.muli %scan3A_1187, %mul3A_1240 : i32
        %add3A_1242 = arith.constant 2 : i32
        %add3A_1243 = arith.addi %mul3A_1241, %add3A_1242 : i32
        %get3A_1244 = arith.index_cast %add3A_1243 : i32 to index
        %get3A_1245 = arith.constant 0 : index
        %get3A_1246 = tpu.vector_load %arg4[%get3A_1244, %get3A_1245] {strides = array<i32>} : memref<64x768xf32, #tpu.memory_space<vmem>>, vector<1x16xf32>,
        %get3A_1247 = vector.shape_cast %get3A_1246 : vector<1x16xf32> to vector<16xf32>
        %add3A_1248 = arith.addf %add3A_1224, %get3A_1247 : vector<16xf32>
        %get3A_1249 = arith.index_cast %add3A_1243 : i32 to index
        %get3A_1250 = arith.constant 16 : index
        %get3A_1251 = tpu.vector_load %arg4[%get3A_1249, %get3A_1250] {strides = array<i32>} : memref<64x768xf32, #tpu.memory_space<vmem>>, vector<1x16xf32>,
        %get3A_1252 = vector.shape_cast %get3A_1251 : vector<1x16xf32> to vector<16xf32>
        %add3A_1253 = arith.addf %add3A_1229, %get3A_1252 : vector<16xf32>
        %get3A_1254 = arith.index_cast %add3A_1243 : i32 to index
        %get3A_1255 = arith.constant 32 : index
        %get3A_1256 = tpu.vector_load %arg4[%get3A_1254, %get3A_1255] {strides = array<i32>} : memref<64x768xf32, #tpu.memory_space<vmem>>, vector<1x16xf32>,
        %get3A_1257 = vector.shape_cast %get3A_1256 : vector<1x16xf32> to vector<16xf32>
        %add3A_1258 = arith.addf %add3A_1234, %get3A_1257 : vector<16xf32>
        %get3A_1259 = arith.index_cast %add3A_1243 : i32 to index
        %get3A_1260 = arith.constant 48 : index
        %get3A_1261 = tpu.vector_load %arg4[%get3A_1259, %get3A_1260] {strides = array<i32>} : memref<64x768xf32, #tpu.memory_space<vmem>>, vector<1x16xf32>,
        %get3A_1262 = vector.shape_cast %get3A_1261 : vector<1x16xf32> to vector<16xf32>
        %add3A_1263 = arith.addf %add3A_1239, %get3A_1262 : vector<16xf32>
        %mul3A_1264 = arith.constant 4 : i32
        %mul3A_1265 = arith.muli %scan3A_1187, %mul3A_1264 : i32
        %add3A_1266 = arith.constant 3 : i32
        %add3A_1267 = arith.addi %mul3A_1265, %add3A_1266 : i32
        %get3A_1268 = arith.index_cast %add3A_1267 : i32 to index
        %get3A_1269 = arith.constant 0 : index
        %get3A_1270 = tpu.vector_load %arg4[%get3A_1268, %get3A_1269] {strides = array<i32>} : memref<64x768xf32, #tpu.memory_space<vmem>>, vector<1x16xf32>,
        %get3A_1271 = vector.shape_cast %get3A_1270 : vector<1x16xf32> to vector<16xf32>
        %add3A_1272 = arith.addf %add3A_1248, %get3A_1271 : vector<16xf32>
        %get3A_1273 = arith.index_cast %add3A_1267 : i32 to index
        %get3A_1274 = arith.constant 16 : index
        %get3A_1275 = tpu.vector_load %arg4[%get3A_1273, %get3A_1274] {strides = array<i32>} : memref<64x768xf32, #tpu.memory_space<vmem>>, vector<1x16xf32>,
        %get3A_1276 = vector.shape_cast %get3A_1275 : vector<1x16xf32> to vector<16xf32>
        %add3A_1277 = arith.addf %add3A_1253, %get3A_1276 : vector<16xf32>
        %get3A_1278 = arith.index_cast %add3A_1267 : i32 to index
        %get3A_1279 = arith.constant 32 : index
        %get3A_1280 = tpu.vector_load %arg4[%get3A_1278, %get3A_1279] {strides = array<i32>} : memref<64x768xf32, #tpu.memory_space<vmem>>, vector<1x16xf32>,
        %get3A_1281 = vector.shape_cast %get3A_1280 : vector<1x16xf32> to vector<16xf32>
        %add3A_1282 = arith.addf %add3A_1258, %get3A_1281 : vector<16xf32>
        %get3A_1283 = arith.index_cast %add3A_1267 : i32 to index
        %get3A_1284 = arith.constant 48 : index
        %get3A_1285 = tpu.vector_load %arg4[%get3A_1283, %get3A_1284] {strides = array<i32>} : memref<64x768xf32, #tpu.memory_space<vmem>>, vector<1x16xf32>,
        %get3A_1286 = vector.shape_cast %get3A_1285 : vector<1x16xf32> to vector<16xf32>
        %add3A_1287 = arith.addf %add3A_1263, %get3A_1286 : vector<16xf32>
        scf.yield %add3A_1272, %add3A_1277, %add3A_1282, %add3A_1287 : vector<16xf32>, vector<16xf32>, vector<16xf32>, vector<16xf32>
      }
      %scan3A_365 = arith.constant 16 : i32
      %swap3A_366 = arith.constant 0 : index
      %swap3A_367 = tpu.vector_load %arg6[%swap3A_366] {strides = array<i32>} : memref<768xf32, #tpu.memory_space<vmem>>, vector<16xf32>,
      %swap3A_368 = vector.shape_cast %swap3A_367 : vector<16xf32> to vector<16xf32>
      %swap3A_369 = vector.shape_cast %scan3A_364#0 : vector<16xf32> to vector<16xf32>
      tpu.vector_store %arg6[%swap3A_366], %swap3A_369 {strides = array<i32>} : memref<768xf32, #tpu.memory_space<vmem>>, vector<16xf32>,
      %swap3A_370 = arith.constant 16 : index
      %swap3A_371 = tpu.vector_load %arg6[%swap3A_370] {strides = array<i32>} : memref<768xf32, #tpu.memory_space<vmem>>, vector<16xf32>,
      %swap3A_372 = vector.shape_cast %swap3A_371 : vector<16xf32> to vector<16xf32>
      %swap3A_373 = vector.shape_cast %scan3A_364#1 : vector<16xf32> to vector<16xf32>
      tpu.vector_store %arg6[%swap3A_370], %swap3A_373 {strides = array<i32>} : memref<768xf32, #tpu.memory_space<vmem>>, vector<16xf32>,
      %swap3A_374 = arith.constant 32 : index
      %swap3A_375 = tpu.vector_load %arg6[%swap3A_374] {strides = array<i32>} : memref<768xf32, #tpu.memory_space<vmem>>, vector<16xf32>,
      %swap3A_376 = vector.shape_cast %swap3A_375 : vector<16xf32> to vector<16xf32>
      %swap3A_377 = vector.shape_cast %scan3A_364#2 : vector<16xf32> to vector<16xf32>
      tpu.vector_store %arg6[%swap3A_374], %swap3A_377 {strides = array<i32>} : memref<768xf32, #tpu.memory_space<vmem>>, vector<16xf32>,
      %swap3A_378 = arith.constant 48 : index
      %swap3A_379 = tpu.vector_load %arg6[%swap3A_378] {strides = array<i32>} : memref<768xf32, #tpu.memory_space<vmem>>, vector<16xf32>,
      %swap3A_380 = vector.shape_cast %swap3A_379 : vector<16xf32> to vector<16xf32>
      %swap3A_381 = vector.shape_cast %scan3A_364#3 : vector<16xf32> to vector<16xf32>
      tpu.vector_store %arg6[%swap3A_378], %swap3A_381 {strides = array<i32>} : memref<768xf32, #tpu.memory_space<vmem>>, vector<16xf32>,
      %get3A_382 = arith.constant 64 : index
      %get3A_383 = tpu.vector_load %arg6[%get3A_382] {strides = array<i32>} : memref<768xf32, #tpu.memory_space<vmem>>, vector<16xf32>,
      %get3A_384 = vector.shape_cast %get3A_383 : vector<16xf32> to vector<16xf32>
      %get3A_385 = arith.constant 80 : index
      %get3A_386 = tpu.vector_load %arg6[%get3A_385] {strides = array<i32>} : memref<768xf32, #tpu.memory_space<vmem>>, vector<16xf32>,
      %get3A_387 = vector.shape_cast %get3A_386 : vector<16xf32> to vector<16xf32>
      %get3A_388 = arith.constant 96 : index
      %get3A_389 = tpu.vector_load %arg6[%get3A_388] {strides = array<i32>} : memref<768xf32, #tpu.memory_space<vmem>>, vector<16xf32>,
      %get3A_390 = vector.shape_cast %get3A_389 : vector<16xf32> to vector<16xf32>
      %get3A_391 = arith.constant 112 : index
      %get3A_392 = tpu.vector_load %arg6[%get3A_391] {strides = array<i32>} : memref<768xf32, #tpu.memory_space<vmem>>, vector<16xf32>,
      %get3A_393 = vector.shape_cast %get3A_392 : vector<16xf32> to vector<16xf32>
      %scan3A_394 = arith.constant 0 : i32
      %scan3A_395 = arith.constant 16 : i32
      %scan3A_396 = arith.addi %scan3A_394, %scan3A_395 : i32
      %scan3A_397 = arith.constant 1 : i32
      %scan3A_398:4 = scf.for %scan3A_1187 = %scan3A_394 to %scan3A_396 step %scan3A_397 iter_args(%scan3A_1188 = %get3A_384, %scan3A_1189 = %get3A_387, %scan3A_1190 = %get3A_390, %scan3A_1191 = %get3A_393) -> (vector<16xf32>, vector<16xf32>, vector<16xf32>, vector<16xf32>)  : i32 {
        %mul3A_1192 = arith.constant 4 : i32
        %mul3A_1193 = arith.muli %scan3A_1187, %mul3A_1192 : i32
        %add3A_1194 = arith.constant 0 : i32
        %add3A_1195 = arith.addi %mul3A_1193, %add3A_1194 : i32
        %get3A_1196 = arith.index_cast %add3A_1195 : i32 to index
        %get3A_1197 = arith.constant 64 : index
        %get3A_1198 = tpu.vector_load %arg4[%get3A_1196, %get3A_1197] {strides = array<i32>} : memref<64x768xf32, #tpu.memory_space<vmem>>, vector<1x16xf32>,
        %get3A_1199 = vector.shape_cast %get3A_1198 : vector<1x16xf32> to vector<16xf32>
        %add3A_1200 = arith.addf %scan3A_1188, %get3A_1199 : vector<16xf32>
        %get3A_1201 = arith.index_cast %add3A_1195 : i32 to index
        %get3A_1202 = arith.constant 80 : index
        %get3A_1203 = tpu.vector_load %arg4[%get3A_1201, %get3A_1202] {strides = array<i32>} : memref<64x768xf32, #tpu.memory_space<vmem>>, vector<1x16xf32>,
        %get3A_1204 = vector.shape_cast %get3A_1203 : vector<1x16xf32> to vector<16xf32>
        %add3A_1205 = arith.addf %scan3A_1189, %get3A_1204 : vector<16xf32>
        %get3A_1206 = arith.index_cast %add3A_1195 : i32 to index
        %get3A_1207 = arith.constant 96 : index
        %get3A_1208 = tpu.vector_load %arg4[%get3A_1206, %get3A_1207] {strides = array<i32>} : memref<64x768xf32, #tpu.memory_space<vmem>>, vector<1x16xf32>,
        %get3A_1209 = vector.shape_cast %get3A_1208 : vector<1x16xf32> to vector<16xf32>
        %add3A_1210 = arith.addf %scan3A_1190, %get3A_1209 : vector<16xf32>
        %get3A_1211 = arith.index_cast %add3A_1195 : i32 to index
        %get3A_1212 = arith.constant 112 : index
        %get3A_1213 = tpu.vector_load %arg4[%get3A_1211, %get3A_1212] {strides = array<i32>} : memref<64x768xf32, #tpu.memory_space<vmem>>, vector<1x16xf32>,
        %get3A_1214 = vector.shape_cast %get3A_1213 : vector<1x16xf32> to vector<16xf32>
        %add3A_1215 = arith.addf %scan3A_1191, %get3A_1214 : vector<16xf32>
        %mul3A_1216 = arith.constant 4 : i32
        %mul3A_1217 = arith.muli %scan3A_1187, %mul3A_1216 : i32
        %add3A_1218 = arith.constant 1 : i32
        %add3A_1219 = arith.addi %mul3A_1217, %add3A_1218 : i32
        %get3A_1220 = arith.index_cast %add3A_1219 : i32 to index
        %get3A_1221 = arith.constant 64 : index
        %get3A_1222 = tpu.vector_load %arg4[%get3A_1220, %get3A_1221] {strides = array<i32>} : memref<64x768xf32, #tpu.memory_space<vmem>>, vector<1x16xf32>,
        %get3A_1223 = vector.shape_cast %get3A_1222 : vector<1x16xf32> to vector<16xf32>
        %add3A_1224 = arith.addf %add3A_1200, %get3A_1223 : vector<16xf32>
        %get3A_1225 = arith.index_cast %add3A_1219 : i32 to index
        %get3A_1226 = arith.constant 80 : index
        %get3A_1227 = tpu.vector_load %arg4[%get3A_1225, %get3A_1226] {strides = array<i32>} : memref<64x768xf32, #tpu.memory_space<vmem>>, vector<1x16xf32>,
        %get3A_1228 = vector.shape_cast %get3A_1227 : vector<1x16xf32> to vector<16xf32>
        %add3A_1229 = arith.addf %add3A_1205, %get3A_1228 : vector<16xf32>
        %get3A_1230 = arith.index_cast %add3A_1219 : i32 to index
        %get3A_1231 = arith.constant 96 : index
        %get3A_1232 = tpu.vector_load %arg4[%get3A_1230, %get3A_1231] {strides = array<i32>} : memref<64x768xf32, #tpu.memory_space<vmem>>, vector<1x16xf32>,
        %get3A_1233 = vector.shape_cast %get3A_1232 : vector<1x16xf32> to vector<16xf32>
        %add3A_1234 = arith.addf %add3A_1210, %get3A_1233 : vector<16xf32>
        %get3A_1235 = arith.index_cast %add3A_1219 : i32 to index
        %get3A_1236 = arith.constant 112 : index
        %get3A_1237 = tpu.vector_load %arg4[%get3A_1235, %get3A_1236] {strides = array<i32>} : memref<64x768xf32, #tpu.memory_space<vmem>>, vector<1x16xf32>,
        %get3A_1238 = vector.shape_cast %get3A_1237 : vector<1x16xf32> to vector<16xf32>
        %add3A_1239 = arith.addf %add3A_1215, %get3A_1238 : vector<16xf32>
        %mul3A_1240 = arith.constant 4 : i32
        %mul3A_1241 = arith.muli %scan3A_1187, %mul3A_1240 : i32
        %add3A_1242 = arith.constant 2 : i32
        %add3A_1243 = arith.addi %mul3A_1241, %add3A_1242 : i32
        %get3A_1244 = arith.index_cast %add3A_1243 : i32 to index
        %get3A_1245 = arith.constant 64 : index
        %get3A_1246 = tpu.vector_load %arg4[%get3A_1244, %get3A_1245] {strides = array<i32>} : memref<64x768xf32, #tpu.memory_space<vmem>>, vector<1x16xf32>,
        %get3A_1247 = vector.shape_cast %get3A_1246 : vector<1x16xf32> to vector<16xf32>
        %add3A_1248 = arith.addf %add3A_1224, %get3A_1247 : vector<16xf32>
        %get3A_1249 = arith.index_cast %add3A_1243 : i32 to index
        %get3A_1250 = arith.constant 80 : index
        %get3A_1251 = tpu.vector_load %arg4[%get3A_1249, %get3A_1250] {strides = array<i32>} : memref<64x768xf32, #tpu.memory_space<vmem>>, vector<1x16xf32>,
        %get3A_1252 = vector.shape_cast %get3A_1251 : vector<1x16xf32> to vector<16xf32>
        %add3A_1253 = arith.addf %add3A_1229, %get3A_1252 : vector<16xf32>
        %get3A_1254 = arith.index_cast %add3A_1243 : i32 to index
        %get3A_1255 = arith.constant 96 : index
        %get3A_1256 = tpu.vector_load %arg4[%get3A_1254, %get3A_1255] {strides = array<i32>} : memref<64x768xf32, #tpu.memory_space<vmem>>, vector<1x16xf32>,
        %get3A_1257 = vector.shape_cast %get3A_1256 : vector<1x16xf32> to vector<16xf32>
        %add3A_1258 = arith.addf %add3A_1234, %get3A_1257 : vector<16xf32>
        %get3A_1259 = arith.index_cast %add3A_1243 : i32 to index
        %get3A_1260 = arith.constant 112 : index
        %get3A_1261 = tpu.vector_load %arg4[%get3A_1259, %get3A_1260] {strides = array<i32>} : memref<64x768xf32, #tpu.memory_space<vmem>>, vector<1x16xf32>,
        %get3A_1262 = vector.shape_cast %get3A_1261 : vector<1x16xf32> to vector<16xf32>
        %add3A_1263 = arith.addf %add3A_1239, %get3A_1262 : vector<16xf32>
        %mul3A_1264 = arith.constant 4 : i32
        %mul3A_1265 = arith.muli %scan3A_1187, %mul3A_1264 : i32
        %add3A_1266 = arith.constant 3 : i32
        %add3A_1267 = arith.addi %mul3A_1265, %add3A_1266 : i32
        %get3A_1268 = arith.index_cast %add3A_1267 : i32 to index
        %get3A_1269 = arith.constant 64 : index
        %get3A_1270 = tpu.vector_load %arg4[%get3A_1268, %get3A_1269] {strides = array<i32>} : memref<64x768xf32, #tpu.memory_space<vmem>>, vector<1x16xf32>,
        %get3A_1271 = vector.shape_cast %get3A_1270 : vector<1x16xf32> to vector<16xf32>
        %add3A_1272 = arith.addf %add3A_1248, %get3A_1271 : vector<16xf32>
        %get3A_1273 = arith.index_cast %add3A_1267 : i32 to index
        %get3A_1274 = arith.constant 80 : index
        %get3A_1275 = tpu.vector_load %arg4[%get3A_1273, %get3A_1274] {strides = array<i32>} : memref<64x768xf32, #tpu.memory_space<vmem>>, vector<1x16xf32>,
        %get3A_1276 = vector.shape_cast %get3A_1275 : vector<1x16xf32> to vector<16xf32>
        %add3A_1277 = arith.addf %add3A_1253, %get3A_1276 : vector<16xf32>
        %get3A_1278 = arith.index_cast %add3A_1267 : i32 to index
        %get3A_1279 = arith.constant 96 : index
        %get3A_1280 = tpu.vector_load %arg4[%get3A_1278, %get3A_1279] {strides = array<i32>} : memref<64x768xf32, #tpu.memory_space<vmem>>, vector<1x16xf32>,
        %get3A_1281 = vector.shape_cast %get3A_1280 : vector<1x16xf32> to vector<16xf32>
        %add3A_1282 = arith.addf %add3A_1258, %get3A_1281 : vector<16xf32>
        %get3A_1283 = arith.index_cast %add3A_1267 : i32 to index
        %get3A_1284 = arith.constant 112 : index
        %get3A_1285 = tpu.vector_load %arg4[%get3A_1283, %get3A_1284] {strides = array<i32>} : memref<64x768xf32, #tpu.memory_space<vmem>>, vector<1x16xf32>,
        %get3A_1286 = vector.shape_cast %get3A_1285 : vector<1x16xf32> to vector<16xf32>
        %add3A_1287 = arith.addf %add3A_1263, %get3A_1286 : vector<16xf32>
        scf.yield %add3A_1272, %add3A_1277, %add3A_1282, %add3A_1287 : vector<16xf32>, vector<16xf32>, vector<16xf32>, vector<16xf32>
      }
      %scan3A_399 = arith.constant 16 : i32
      %swap3A_400 = arith.constant 64 : index
      %swap3A_401 = tpu.vector_load %arg6[%swap3A_400] {strides = array<i32>} : memref<768xf32, #tpu.memory_space<vmem>>, vector<16xf32>,
      %swap3A_402 = vector.shape_cast %swap3A_401 : vector<16xf32> to vector<16xf32>
      %swap3A_403 = vector.shape_cast %scan3A_398#0 : vector<16xf32> to vector<16xf32>
      tpu.vector_store %arg6[%swap3A_400], %swap3A_403 {strides = array<i32>} : memref<768xf32, #tpu.memory_space<vmem>>, vector<16xf32>,
      %swap3A_404 = arith.constant 80 : index
      %swap3A_405 = tpu.vector_load %arg6[%swap3A_404] {strides = array<i32>} : memref<768xf32, #tpu.memory_space<vmem>>, vector<16xf32>,
      %swap3A_406 = vector.shape_cast %swap3A_405 : vector<16xf32> to vector<16xf32>
      %swap3A_407 = vector.shape_cast %scan3A_398#1 : vector<16xf32> to vector<16xf32>
      tpu.vector_store %arg6[%swap3A_404], %swap3A_407 {strides = array<i32>} : memref<768xf32, #tpu.memory_space<vmem>>, vector<16xf32>,
      %swap3A_408 = arith.constant 96 : index
      %swap3A_409 = tpu.vector_load %arg6[%swap3A_408] {strides = array<i32>} : memref<768xf32, #tpu.memory_space<vmem>>, vector<16xf32>,
      %swap3A_410 = vector.shape_cast %swap3A_409 : vector<16xf32> to vector<16xf32>
      %swap3A_411 = vector.shape_cast %scan3A_398#2 : vector<16xf32> to vector<16xf32>
      tpu.vector_store %arg6[%swap3A_408], %swap3A_411 {strides = array<i32>} : memref<768xf32, #tpu.memory_space<vmem>>, vector<16xf32>,
      %swap3A_412 = arith.constant 112 : index
      %swap3A_413 = tpu.vector_load %arg6[%swap3A_412] {strides = array<i32>} : memref<768xf32, #tpu.memory_space<vmem>>, vector<16xf32>,
      %swap3A_414 = vector.shape_cast %swap3A_413 : vector<16xf32> to vector<16xf32>
      %swap3A_415 = vector.shape_cast %scan3A_398#3 : vector<16xf32> to vector<16xf32>
      tpu.vector_store %arg6[%swap3A_412], %swap3A_415 {strides = array<i32>} : memref<768xf32, #tpu.memory_space<vmem>>, vector<16xf32>,
      %get3A_416 = arith.constant 128 : index
      %get3A_417 = tpu.vector_load %arg6[%get3A_416] {strides = array<i32>} : memref<768xf32, #tpu.memory_space<vmem>>, vector<16xf32>,
      %get3A_418 = vector.shape_cast %get3A_417 : vector<16xf32> to vector<16xf32>
      %get3A_419 = arith.constant 144 : index
      %get3A_420 = tpu.vector_load %arg6[%get3A_419] {strides = array<i32>} : memref<768xf32, #tpu.memory_space<vmem>>, vector<16xf32>,
      %get3A_421 = vector.shape_cast %get3A_420 : vector<16xf32> to vector<16xf32>
      %get3A_422 = arith.constant 160 : index
      %get3A_423 = tpu.vector_load %arg6[%get3A_422] {strides = array<i32>} : memref<768xf32, #tpu.memory_space<vmem>>, vector<16xf32>,
      %get3A_424 = vector.shape_cast %get3A_423 : vector<16xf32> to vector<16xf32>
      %get3A_425 = arith.constant 176 : index
      %get3A_426 = tpu.vector_load %arg6[%get3A_425] {strides = array<i32>} : memref<768xf32, #tpu.memory_space<vmem>>, vector<16xf32>,
      %get3A_427 = vector.shape_cast %get3A_426 : vector<16xf32> to vector<16xf32>
      %scan3A_428 = arith.constant 0 : i32
      %scan3A_429 = arith.constant 16 : i32
      %scan3A_430 = arith.addi %scan3A_428, %scan3A_429 : i32
      %scan3A_431 = arith.constant 1 : i32
      %scan3A_432:4 = scf.for %scan3A_1187 = %scan3A_428 to %scan3A_430 step %scan3A_431 iter_args(%scan3A_1188 = %get3A_418, %scan3A_1189 = %get3A_421, %scan3A_1190 = %get3A_424, %scan3A_1191 = %get3A_427) -> (vector<16xf32>, vector<16xf32>, vector<16xf32>, vector<16xf32>)  : i32 {
        %mul3A_1192 = arith.constant 4 : i32
        %mul3A_1193 = arith.muli %scan3A_1187, %mul3A_1192 : i32
        %add3A_1194 = arith.constant 0 : i32
        %add3A_1195 = arith.addi %mul3A_1193, %add3A_1194 : i32
        %get3A_1196 = arith.index_cast %add3A_1195 : i32 to index
        %get3A_1197 = arith.constant 128 : index
        %get3A_1198 = tpu.vector_load %arg4[%get3A_1196, %get3A_1197] {strides = array<i32>} : memref<64x768xf32, #tpu.memory_space<vmem>>, vector<1x16xf32>,
        %get3A_1199 = vector.shape_cast %get3A_1198 : vector<1x16xf32> to vector<16xf32>
        %add3A_1200 = arith.addf %scan3A_1188, %get3A_1199 : vector<16xf32>
        %get3A_1201 = arith.index_cast %add3A_1195 : i32 to index
        %get3A_1202 = arith.constant 144 : index
        %get3A_1203 = tpu.vector_load %arg4[%get3A_1201, %get3A_1202] {strides = array<i32>} : memref<64x768xf32, #tpu.memory_space<vmem>>, vector<1x16xf32>,
        %get3A_1204 = vector.shape_cast %get3A_1203 : vector<1x16xf32> to vector<16xf32>
        %add3A_1205 = arith.addf %scan3A_1189, %get3A_1204 : vector<16xf32>
        %get3A_1206 = arith.index_cast %add3A_1195 : i32 to index
        %get3A_1207 = arith.constant 160 : index
        %get3A_1208 = tpu.vector_load %arg4[%get3A_1206, %get3A_1207] {strides = array<i32>} : memref<64x768xf32, #tpu.memory_space<vmem>>, vector<1x16xf32>,
        %get3A_1209 = vector.shape_cast %get3A_1208 : vector<1x16xf32> to vector<16xf32>
        %add3A_1210 = arith.addf %scan3A_1190, %get3A_1209 : vector<16xf32>
        %get3A_1211 = arith.index_cast %add3A_1195 : i32 to index
        %get3A_1212 = arith.constant 176 : index
        %get3A_1213 = tpu.vector_load %arg4[%get3A_1211, %get3A_1212] {strides = array<i32>} : memref<64x768xf32, #tpu.memory_space<vmem>>, vector<1x16xf32>,
        %get3A_1214 = vector.shape_cast %get3A_1213 : vector<1x16xf32> to vector<16xf32>
        %add3A_1215 = arith.addf %scan3A_1191, %get3A_1214 : vector<16xf32>
        %mul3A_1216 = arith.constant 4 : i32
        %mul3A_1217 = arith.muli %scan3A_1187, %mul3A_1216 : i32
        %add3A_1218 = arith.constant 1 : i32
        %add3A_1219 = arith.addi %mul3A_1217, %add3A_1218 : i32
        %get3A_1220 = arith.index_cast %add3A_1219 : i32 to index
        %get3A_1221 = arith.constant 128 : index
        %get3A_1222 = tpu.vector_load %arg4[%get3A_1220, %get3A_1221] {strides = array<i32>} : memref<64x768xf32, #tpu.memory_space<vmem>>, vector<1x16xf32>,
        %get3A_1223 = vector.shape_cast %get3A_1222 : vector<1x16xf32> to vector<16xf32>
        %add3A_1224 = arith.addf %add3A_1200, %get3A_1223 : vector<16xf32>
        %get3A_1225 = arith.index_cast %add3A_1219 : i32 to index
        %get3A_1226 = arith.constant 144 : index
        %get3A_1227 = tpu.vector_load %arg4[%get3A_1225, %get3A_1226] {strides = array<i32>} : memref<64x768xf32, #tpu.memory_space<vmem>>, vector<1x16xf32>,
        %get3A_1228 = vector.shape_cast %get3A_1227 : vector<1x16xf32> to vector<16xf32>
        %add3A_1229 = arith.addf %add3A_1205, %get3A_1228 : vector<16xf32>
        %get3A_1230 = arith.index_cast %add3A_1219 : i32 to index
        %get3A_1231 = arith.constant 160 : index
        %get3A_1232 = tpu.vector_load %arg4[%get3A_1230, %get3A_1231] {strides = array<i32>} : memref<64x768xf32, #tpu.memory_space<vmem>>, vector<1x16xf32>,
        %get3A_1233 = vector.shape_cast %get3A_1232 : vector<1x16xf32> to vector<16xf32>
        %add3A_1234 = arith.addf %add3A_1210, %get3A_1233 : vector<16xf32>
        %get3A_1235 = arith.index_cast %add3A_1219 : i32 to index
        %get3A_1236 = arith.constant 176 : index
        %get3A_1237 = tpu.vector_load %arg4[%get3A_1235, %get3A_1236] {strides = array<i32>} : memref<64x768xf32, #tpu.memory_space<vmem>>, vector<1x16xf32>,
        %get3A_1238 = vector.shape_cast %get3A_1237 : vector<1x16xf32> to vector<16xf32>
        %add3A_1239 = arith.addf %add3A_1215, %get3A_1238 : vector<16xf32>
        %mul3A_1240 = arith.constant 4 : i32
        %mul3A_1241 = arith.muli %scan3A_1187, %mul3A_1240 : i32
        %add3A_1242 = arith.constant 2 : i32
        %add3A_1243 = arith.addi %mul3A_1241, %add3A_1242 : i32
        %get3A_1244 = arith.index_cast %add3A_1243 : i32 to index
        %get3A_1245 = arith.constant 128 : index
        %get3A_1246 = tpu.vector_load %arg4[%get3A_1244, %get3A_1245] {strides = array<i32>} : memref<64x768xf32, #tpu.memory_space<vmem>>, vector<1x16xf32>,
        %get3A_1247 = vector.shape_cast %get3A_1246 : vector<1x16xf32> to vector<16xf32>
        %add3A_1248 = arith.addf %add3A_1224, %get3A_1247 : vector<16xf32>
        %get3A_1249 = arith.index_cast %add3A_1243 : i32 to index
        %get3A_1250 = arith.constant 144 : index
        %get3A_1251 = tpu.vector_load %arg4[%get3A_1249, %get3A_1250] {strides = array<i32>} : memref<64x768xf32, #tpu.memory_space<vmem>>, vector<1x16xf32>,
        %get3A_1252 = vector.shape_cast %get3A_1251 : vector<1x16xf32> to vector<16xf32>
        %add3A_1253 = arith.addf %add3A_1229, %get3A_1252 : vector<16xf32>
        %get3A_1254 = arith.index_cast %add3A_1243 : i32 to index
        %get3A_1255 = arith.constant 160 : index
        %get3A_1256 = tpu.vector_load %arg4[%get3A_1254, %get3A_1255] {strides = array<i32>} : memref<64x768xf32, #tpu.memory_space<vmem>>, vector<1x16xf32>,
        %get3A_1257 = vector.shape_cast %get3A_1256 : vector<1x16xf32> to vector<16xf32>
        %add3A_1258 = arith.addf %add3A_1234, %get3A_1257 : vector<16xf32>
        %get3A_1259 = arith.index_cast %add3A_1243 : i32 to index
        %get3A_1260 = arith.constant 176 : index
        %get3A_1261 = tpu.vector_load %arg4[%get3A_1259, %get3A_1260] {strides = array<i32>} : memref<64x768xf32, #tpu.memory_space<vmem>>, vector<1x16xf32>,
        %get3A_1262 = vector.shape_cast %get3A_1261 : vector<1x16xf32> to vector<16xf32>
        %add3A_1263 = arith.addf %add3A_1239, %get3A_1262 : vector<16xf32>
        %mul3A_1264 = arith.constant 4 : i32
        %mul3A_1265 = arith.muli %scan3A_1187, %mul3A_1264 : i32
        %add3A_1266 = arith.constant 3 : i32
        %add3A_1267 = arith.addi %mul3A_1265, %add3A_1266 : i32
        %get3A_1268 = arith.index_cast %add3A_1267 : i32 to index
        %get3A_1269 = arith.constant 128 : index
        %get3A_1270 = tpu.vector_load %arg4[%get3A_1268, %get3A_1269] {strides = array<i32>} : memref<64x768xf32, #tpu.memory_space<vmem>>, vector<1x16xf32>,
        %get3A_1271 = vector.shape_cast %get3A_1270 : vector<1x16xf32> to vector<16xf32>
        %add3A_1272 = arith.addf %add3A_1248, %get3A_1271 : vector<16xf32>
        %get3A_1273 = arith.index_cast %add3A_1267 : i32 to index
        %get3A_1274 = arith.constant 144 : index
        %get3A_1275 = tpu.vector_load %arg4[%get3A_1273, %get3A_1274] {strides = array<i32>} : memref<64x768xf32, #tpu.memory_space<vmem>>, vector<1x16xf32>,
        %get3A_1276 = vector.shape_cast %get3A_1275 : vector<1x16xf32> to vector<16xf32>
        %add3A_1277 = arith.addf %add3A_1253, %get3A_1276 : vector<16xf32>
        %get3A_1278 = arith.index_cast %add3A_1267 : i32 to index
        %get3A_1279 = arith.constant 160 : index
        %get3A_1280 = tpu.vector_load %arg4[%get3A_1278, %get3A_1279] {strides = array<i32>} : memref<64x768xf32, #tpu.memory_space<vmem>>, vector<1x16xf32>,
        %get3A_1281 = vector.shape_cast %get3A_1280 : vector<1x16xf32> to vector<16xf32>
        %add3A_1282 = arith.addf %add3A_1258, %get3A_1281 : vector<16xf32>
        %get3A_1283 = arith.index_cast %add3A_1267 : i32 to index
        %get3A_1284 = arith.constant 176 : index
        %get3A_1285 = tpu.vector_load %arg4[%get3A_1283, %get3A_1284] {strides = array<i32>} : memref<64x768xf32, #tpu.memory_space<vmem>>, vector<1x16xf32>,
        %get3A_1286 = vector.shape_cast %get3A_1285 : vector<1x16xf32> to vector<16xf32>
        %add3A_1287 = arith.addf %add3A_1263, %get3A_1286 : vector<16xf32>
        scf.yield %add3A_1272, %add3A_1277, %add3A_1282, %add3A_1287 : vector<16xf32>, vector<16xf32>, vector<16xf32>, vector<16xf32>
      }
      %scan3A_433 = arith.constant 16 : i32
      %swap3A_434 = arith.constant 128 : index
      %swap3A_435 = tpu.vector_load %arg6[%swap3A_434] {strides = array<i32>} : memref<768xf32, #tpu.memory_space<vmem>>, vector<16xf32>,
      %swap3A_436 = vector.shape_cast %swap3A_435 : vector<16xf32> to vector<16xf32>
      %swap3A_437 = vector.shape_cast %scan3A_432#0 : vector<16xf32> to vector<16xf32>
      tpu.vector_store %arg6[%swap3A_434], %swap3A_437 {strides = array<i32>} : memref<768xf32, #tpu.memory_space<vmem>>, vector<16xf32>,
      %swap3A_438 = arith.constant 144 : index
      %swap3A_439 = tpu.vector_load %arg6[%swap3A_438] {strides = array<i32>} : memref<768xf32, #tpu.memory_space<vmem>>, vector<16xf32>,
      %swap3A_440 = vector.shape_cast %swap3A_439 : vector<16xf32> to vector<16xf32>
      %swap3A_441 = vector.shape_cast %scan3A_432#1 : vector<16xf32> to vector<16xf32>
      tpu.vector_store %arg6[%swap3A_438], %swap3A_441 {strides = array<i32>} : memref<768xf32, #tpu.memory_space<vmem>>, vector<16xf32>,
      %swap3A_442 = arith.constant 160 : index
      %swap3A_443 = tpu.vector_load %arg6[%swap3A_442] {strides = array<i32>} : memref<768xf32, #tpu.memory_space<vmem>>, vector<16xf32>,
      %swap3A_444 = vector.shape_cast %swap3A_443 : vector<16xf32> to vector<16xf32>
      %swap3A_445 = vector.shape_cast %scan3A_432#2 : vector<16xf32> to vector<16xf32>
      tpu.vector_store %arg6[%swap3A_442], %swap3A_445 {strides = array<i32>} : memref<768xf32, #tpu.memory_space<vmem>>, vector<16xf32>,
      %swap3A_446 = arith.constant 176 : index
      %swap3A_447 = tpu.vector_load %arg6[%swap3A_446] {strides = array<i32>} : memref<768xf32, #tpu.memory_space<vmem>>, vector<16xf32>,
      %swap3A_448 = vector.shape_cast %swap3A_447 : vector<16xf32> to vector<16xf32>
      %swap3A_449 = vector.shape_cast %scan3A_432#3 : vector<16xf32> to vector<16xf32>
      tpu.vector_store %arg6[%swap3A_446], %swap3A_449 {strides = array<i32>} : memref<768xf32, #tpu.memory_space<vmem>>, vector<16xf32>,
      %get3A_450 = arith.constant 192 : index
      %get3A_451 = tpu.vector_load %arg6[%get3A_450] {strides = array<i32>} : memref<768xf32, #tpu.memory_space<vmem>>, vector<16xf32>,
      %get3A_452 = vector.shape_cast %get3A_451 : vector<16xf32> to vector<16xf32>
      %get3A_453 = arith.constant 208 : index
      %get3A_454 = tpu.vector_load %arg6[%get3A_453] {strides = array<i32>} : memref<768xf32, #tpu.memory_space<vmem>>, vector<16xf32>,
      %get3A_455 = vector.shape_cast %get3A_454 : vector<16xf32> to vector<16xf32>
      %get3A_456 = arith.constant 224 : index
      %get3A_457 = tpu.vector_load %arg6[%get3A_456] {strides = array<i32>} : memref<768xf32, #tpu.memory_space<vmem>>, vector<16xf32>,
      %get3A_458 = vector.shape_cast %get3A_457 : vector<16xf32> to vector<16xf32>
      %get3A_459 = arith.constant 240 : index
      %get3A_460 = tpu.vector_load %arg6[%get3A_459] {strides = array<i32>} : memref<768xf32, #tpu.memory_space<vmem>>, vector<16xf32>,
      %get3A_461 = vector.shape_cast %get3A_460 : vector<16xf32> to vector<16xf32>
      %scan3A_462 = arith.constant 0 : i32
      %scan3A_463 = arith.constant 16 : i32
      %scan3A_464 = arith.addi %scan3A_462, %scan3A_463 : i32
      %scan3A_465 = arith.constant 1 : i32
      %scan3A_466:4 = scf.for %scan3A_1187 = %scan3A_462 to %scan3A_464 step %scan3A_465 iter_args(%scan3A_1188 = %get3A_452, %scan3A_1189 = %get3A_455, %scan3A_1190 = %get3A_458, %scan3A_1191 = %get3A_461) -> (vector<16xf32>, vector<16xf32>, vector<16xf32>, vector<16xf32>)  : i32 {
        %mul3A_1192 = arith.constant 4 : i32
        %mul3A_1193 = arith.muli %scan3A_1187, %mul3A_1192 : i32
        %add3A_1194 = arith.constant 0 : i32
        %add3A_1195 = arith.addi %mul3A_1193, %add3A_1194 : i32
        %get3A_1196 = arith.index_cast %add3A_1195 : i32 to index
        %get3A_1197 = arith.constant 192 : index
        %get3A_1198 = tpu.vector_load %arg4[%get3A_1196, %get3A_1197] {strides = array<i32>} : memref<64x768xf32, #tpu.memory_space<vmem>>, vector<1x16xf32>,
        %get3A_1199 = vector.shape_cast %get3A_1198 : vector<1x16xf32> to vector<16xf32>
        %add3A_1200 = arith.addf %scan3A_1188, %get3A_1199 : vector<16xf32>
        %get3A_1201 = arith.index_cast %add3A_1195 : i32 to index
        %get3A_1202 = arith.constant 208 : index
        %get3A_1203 = tpu.vector_load %arg4[%get3A_1201, %get3A_1202] {strides = array<i32>} : memref<64x768xf32, #tpu.memory_space<vmem>>, vector<1x16xf32>,
        %get3A_1204 = vector.shape_cast %get3A_1203 : vector<1x16xf32> to vector<16xf32>
        %add3A_1205 = arith.addf %scan3A_1189, %get3A_1204 : vector<16xf32>
        %get3A_1206 = arith.index_cast %add3A_1195 : i32 to index
        %get3A_1207 = arith.constant 224 : index
        %get3A_1208 = tpu.vector_load %arg4[%get3A_1206, %get3A_1207] {strides = array<i32>} : memref<64x768xf32, #tpu.memory_space<vmem>>, vector<1x16xf32>,
        %get3A_1209 = vector.shape_cast %get3A_1208 : vector<1x16xf32> to vector<16xf32>
        %add3A_1210 = arith.addf %scan3A_1190, %get3A_1209 : vector<16xf32>
        %get3A_1211 = arith.index_cast %add3A_1195 : i32 to index
        %get3A_1212 = arith.constant 240 : index
        %get3A_1213 = tpu.vector_load %arg4[%get3A_1211, %get3A_1212] {strides = array<i32>} : memref<64x768xf32, #tpu.memory_space<vmem>>, vector<1x16xf32>,
        %get3A_1214 = vector.shape_cast %get3A_1213 : vector<1x16xf32> to vector<16xf32>
        %add3A_1215 = arith.addf %scan3A_1191, %get3A_1214 : vector<16xf32>
        %mul3A_1216 = arith.constant 4 : i32
        %mul3A_1217 = arith.muli %scan3A_1187, %mul3A_1216 : i32
        %add3A_1218 = arith.constant 1 : i32
        %add3A_1219 = arith.addi %mul3A_1217, %add3A_1218 : i32
        %get3A_1220 = arith.index_cast %add3A_1219 : i32 to index
        %get3A_1221 = arith.constant 192 : index
        %get3A_1222 = tpu.vector_load %arg4[%get3A_1220, %get3A_1221] {strides = array<i32>} : memref<64x768xf32, #tpu.memory_space<vmem>>, vector<1x16xf32>,
        %get3A_1223 = vector.shape_cast %get3A_1222 : vector<1x16xf32> to vector<16xf32>
        %add3A_1224 = arith.addf %add3A_1200, %get3A_1223 : vector<16xf32>
        %get3A_1225 = arith.index_cast %add3A_1219 : i32 to index
        %get3A_1226 = arith.constant 208 : index
        %get3A_1227 = tpu.vector_load %arg4[%get3A_1225, %get3A_1226] {strides = array<i32>} : memref<64x768xf32, #tpu.memory_space<vmem>>, vector<1x16xf32>,
        %get3A_1228 = vector.shape_cast %get3A_1227 : vector<1x16xf32> to vector<16xf32>
        %add3A_1229 = arith.addf %add3A_1205, %get3A_1228 : vector<16xf32>
        %get3A_1230 = arith.index_cast %add3A_1219 : i32 to index
        %get3A_1231 = arith.constant 224 : index
        %get3A_1232 = tpu.vector_load %arg4[%get3A_1230, %get3A_1231] {strides = array<i32>} : memref<64x768xf32, #tpu.memory_space<vmem>>, vector<1x16xf32>,
        %get3A_1233 = vector.shape_cast %get3A_1232 : vector<1x16xf32> to vector<16xf32>
        %add3A_1234 = arith.addf %add3A_1210, %get3A_1233 : vector<16xf32>
        %get3A_1235 = arith.index_cast %add3A_1219 : i32 to index
        %get3A_1236 = arith.constant 240 : index
        %get3A_1237 = tpu.vector_load %arg4[%get3A_1235, %get3A_1236] {strides = array<i32>} : memref<64x768xf32, #tpu.memory_space<vmem>>, vector<1x16xf32>,
        %get3A_1238 = vector.shape_cast %get3A_1237 : vector<1x16xf32> to vector<16xf32>
        %add3A_1239 = arith.addf %add3A_1215, %get3A_1238 : vector<16xf32>
        %mul3A_1240 = arith.constant 4 : i32
        %mul3A_1241 = arith.muli %scan3A_1187, %mul3A_1240 : i32
        %add3A_1242 = arith.constant 2 : i32
        %add3A_1243 = arith.addi %mul3A_1241, %add3A_1242 : i32
        %get3A_1244 = arith.index_cast %add3A_1243 : i32 to index
        %get3A_1245 = arith.constant 192 : index
        %get3A_1246 = tpu.vector_load %arg4[%get3A_1244, %get3A_1245] {strides = array<i32>} : memref<64x768xf32, #tpu.memory_space<vmem>>, vector<1x16xf32>,
        %get3A_1247 = vector.shape_cast %get3A_1246 : vector<1x16xf32> to vector<16xf32>
        %add3A_1248 = arith.addf %add3A_1224, %get3A_1247 : vector<16xf32>
        %get3A_1249 = arith.index_cast %add3A_1243 : i32 to index
        %get3A_1250 = arith.constant 208 : index
        %get3A_1251 = tpu.vector_load %arg4[%get3A_1249, %get3A_1250] {strides = array<i32>} : memref<64x768xf32, #tpu.memory_space<vmem>>, vector<1x16xf32>,
        %get3A_1252 = vector.shape_cast %get3A_1251 : vector<1x16xf32> to vector<16xf32>
        %add3A_1253 = arith.addf %add3A_1229, %get3A_1252 : vector<16xf32>
        %get3A_1254 = arith.index_cast %add3A_1243 : i32 to index
        %get3A_1255 = arith.constant 224 : index
        %get3A_1256 = tpu.vector_load %arg4[%get3A_1254, %get3A_1255] {strides = array<i32>} : memref<64x768xf32, #tpu.memory_space<vmem>>, vector<1x16xf32>,
        %get3A_1257 = vector.shape_cast %get3A_1256 : vector<1x16xf32> to vector<16xf32>
        %add3A_1258 = arith.addf %add3A_1234, %get3A_1257 : vector<16xf32>
        %get3A_1259 = arith.index_cast %add3A_1243 : i32 to index
        %get3A_1260 = arith.constant 240 : index
        %get3A_1261 = tpu.vector_load %arg4[%get3A_1259, %get3A_1260] {strides = array<i32>} : memref<64x768xf32, #tpu.memory_space<vmem>>, vector<1x16xf32>,
        %get3A_1262 = vector.shape_cast %get3A_1261 : vector<1x16xf32> to vector<16xf32>
        %add3A_1263 = arith.addf %add3A_1239, %get3A_1262 : vector<16xf32>
        %mul3A_1264 = arith.constant 4 : i32
        %mul3A_1265 = arith.muli %scan3A_1187, %mul3A_1264 : i32
        %add3A_1266 = arith.constant 3 : i32
        %add3A_1267 = arith.addi %mul3A_1265, %add3A_1266 : i32
        %get3A_1268 = arith.index_cast %add3A_1267 : i32 to index
        %get3A_1269 = arith.constant 192 : index
        %get3A_1270 = tpu.vector_load %arg4[%get3A_1268, %get3A_1269] {strides = array<i32>} : memref<64x768xf32, #tpu.memory_space<vmem>>, vector<1x16xf32>,
        %get3A_1271 = vector.shape_cast %get3A_1270 : vector<1x16xf32> to vector<16xf32>
        %add3A_1272 = arith.addf %add3A_1248, %get3A_1271 : vector<16xf32>
        %get3A_1273 = arith.index_cast %add3A_1267 : i32 to index
        %get3A_1274 = arith.constant 208 : index
        %get3A_1275 = tpu.vector_load %arg4[%get3A_1273, %get3A_1274] {strides = array<i32>} : memref<64x768xf32, #tpu.memory_space<vmem>>, vector<1x16xf32>,
        %get3A_1276 = vector.shape_cast %get3A_1275 : vector<1x16xf32> to vector<16xf32>
        %add3A_1277 = arith.addf %add3A_1253, %get3A_1276 : vector<16xf32>
        %get3A_1278 = arith.index_cast %add3A_1267 : i32 to index
        %get3A_1279 = arith.constant 224 : index
        %get3A_1280 = tpu.vector_load %arg4[%get3A_1278, %get3A_1279] {strides = array<i32>} : memref<64x768xf32, #tpu.memory_space<vmem>>, vector<1x16xf32>,
        %get3A_1281 = vector.shape_cast %get3A_1280 : vector<1x16xf32> to vector<16xf32>
        %add3A_1282 = arith.addf %add3A_1258, %get3A_1281 : vector<16xf32>
        %get3A_1283 = arith.index_cast %add3A_1267 : i32 to index
        %get3A_1284 = arith.constant 240 : index
        %get3A_1285 = tpu.vector_load %arg4[%get3A_1283, %get3A_1284] {strides = array<i32>} : memref<64x768xf32, #tpu.memory_space<vmem>>, vector<1x16xf32>,
        %get3A_1286 = vector.shape_cast %get3A_1285 : vector<1x16xf32> to vector<16xf32>
        %add3A_1287 = arith.addf %add3A_1263, %get3A_1286 : vector<16xf32>
        scf.yield %add3A_1272, %add3A_1277, %add3A_1282, %add3A_1287 : vector<16xf32>, vector<16xf32>, vector<16xf32>, vector<16xf32>
      }
      %scan3A_467 = arith.constant 16 : i32
      %swap3A_468 = arith.constant 192 : index
      %swap3A_469 = tpu.vector_load %arg6[%swap3A_468] {strides = array<i32>} : memref<768xf32, #tpu.memory_space<vmem>>, vector<16xf32>,
      %swap3A_470 = vector.shape_cast %swap3A_469 : vector<16xf32> to vector<16xf32>
      %swap3A_471 = vector.shape_cast %scan3A_466#0 : vector<16xf32> to vector<16xf32>
      tpu.vector_store %arg6[%swap3A_468], %swap3A_471 {strides = array<i32>} : memref<768xf32, #tpu.memory_space<vmem>>, vector<16xf32>,
      %swap3A_472 = arith.constant 208 : index
      %swap3A_473 = tpu.vector_load %arg6[%swap3A_472] {strides = array<i32>} : memref<768xf32, #tpu.memory_space<vmem>>, vector<16xf32>,
      %swap3A_474 = vector.shape_cast %swap3A_473 : vector<16xf32> to vector<16xf32>
      %swap3A_475 = vector.shape_cast %scan3A_466#1 : vector<16xf32> to vector<16xf32>
      tpu.vector_store %arg6[%swap3A_472], %swap3A_475 {strides = array<i32>} : memref<768xf32, #tpu.memory_space<vmem>>, vector<16xf32>,
      %swap3A_476 = arith.constant 224 : index
      %swap3A_477 = tpu.vector_load %arg6[%swap3A_476] {strides = array<i32>} : memref<768xf32, #tpu.memory_space<vmem>>, vector<16xf32>,
      %swap3A_478 = vector.shape_cast %swap3A_477 : vector<16xf32> to vector<16xf32>
      %swap3A_479 = vector.shape_cast %scan3A_466#2 : vector<16xf32> to vector<16xf32>
      tpu.vector_store %arg6[%swap3A_476], %swap3A_479 {strides = array<i32>} : memref<768xf32, #tpu.memory_space<vmem>>, vector<16xf32>,
      %swap3A_480 = arith.constant 240 : index
      %swap3A_481 = tpu.vector_load %arg6[%swap3A_480] {strides = array<i32>} : memref<768xf32, #tpu.memory_space<vmem>>, vector<16xf32>,
      %swap3A_482 = vector.shape_cast %swap3A_481 : vector<16xf32> to vector<16xf32>
      %swap3A_483 = vector.shape_cast %scan3A_466#3 : vector<16xf32> to vector<16xf32>
      tpu.vector_store %arg6[%swap3A_480], %swap3A_483 {strides = array<i32>} : memref<768xf32, #tpu.memory_space<vmem>>, vector<16xf32>,
      %get3A_484 = arith.constant 256 : index
      %get3A_485 = tpu.vector_load %arg6[%get3A_484] {strides = array<i32>} : memref<768xf32, #tpu.memory_space<vmem>>, vector<16xf32>,
      %get3A_486 = vector.shape_cast %get3A_485 : vector<16xf32> to vector<16xf32>
      %get3A_487 = arith.constant 272 : index
      %get3A_488 = tpu.vector_load %arg6[%get3A_487] {strides = array<i32>} : memref<768xf32, #tpu.memory_space<vmem>>, vector<16xf32>,
      %get3A_489 = vector.shape_cast %get3A_488 : vector<16xf32> to vector<16xf32>
      %get3A_490 = arith.constant 288 : index
      %get3A_491 = tpu.vector_load %arg6[%get3A_490] {strides = array<i32>} : memref<768xf32, #tpu.memory_space<vmem>>, vector<16xf32>,
      %get3A_492 = vector.shape_cast %get3A_491 : vector<16xf32> to vector<16xf32>
      %get3A_493 = arith.constant 304 : index
      %get3A_494 = tpu.vector_load %arg6[%get3A_493] {strides = array<i32>} : memref<768xf32, #tpu.memory_space<vmem>>, vector<16xf32>,
      %get3A_495 = vector.shape_cast %get3A_494 : vector<16xf32> to vector<16xf32>
      %scan3A_496 = arith.constant 0 : i32
      %scan3A_497 = arith.constant 16 : i32
      %scan3A_498 = arith.addi %scan3A_496, %scan3A_497 : i32
      %scan3A_499 = arith.constant 1 : i32
      %scan3A_500:4 = scf.for %scan3A_1187 = %scan3A_496 to %scan3A_498 step %scan3A_499 iter_args(%scan3A_1188 = %get3A_486, %scan3A_1189 = %get3A_489, %scan3A_1190 = %get3A_492, %scan3A_1191 = %get3A_495) -> (vector<16xf32>, vector<16xf32>, vector<16xf32>, vector<16xf32>)  : i32 {
        %mul3A_1192 = arith.constant 4 : i32
        %mul3A_1193 = arith.muli %scan3A_1187, %mul3A_1192 : i32
        %add3A_1194 = arith.constant 0 : i32
        %add3A_1195 = arith.addi %mul3A_1193, %add3A_1194 : i32
        %get3A_1196 = arith.index_cast %add3A_1195 : i32 to index
        %get3A_1197 = arith.constant 256 : index
        %get3A_1198 = tpu.vector_load %arg4[%get3A_1196, %get3A_1197] {strides = array<i32>} : memref<64x768xf32, #tpu.memory_space<vmem>>, vector<1x16xf32>,
        %get3A_1199 = vector.shape_cast %get3A_1198 : vector<1x16xf32> to vector<16xf32>
        %add3A_1200 = arith.addf %scan3A_1188, %get3A_1199 : vector<16xf32>
        %get3A_1201 = arith.index_cast %add3A_1195 : i32 to index
        %get3A_1202 = arith.constant 272 : index
        %get3A_1203 = tpu.vector_load %arg4[%get3A_1201, %get3A_1202] {strides = array<i32>} : memref<64x768xf32, #tpu.memory_space<vmem>>, vector<1x16xf32>,
        %get3A_1204 = vector.shape_cast %get3A_1203 : vector<1x16xf32> to vector<16xf32>
        %add3A_1205 = arith.addf %scan3A_1189, %get3A_1204 : vector<16xf32>
        %get3A_1206 = arith.index_cast %add3A_1195 : i32 to index
        %get3A_1207 = arith.constant 288 : index
        %get3A_1208 = tpu.vector_load %arg4[%get3A_1206, %get3A_1207] {strides = array<i32>} : memref<64x768xf32, #tpu.memory_space<vmem>>, vector<1x16xf32>,
        %get3A_1209 = vector.shape_cast %get3A_1208 : vector<1x16xf32> to vector<16xf32>
        %add3A_1210 = arith.addf %scan3A_1190, %get3A_1209 : vector<16xf32>
        %get3A_1211 = arith.index_cast %add3A_1195 : i32 to index
        %get3A_1212 = arith.constant 304 : index
        %get3A_1213 = tpu.vector_load %arg4[%get3A_1211, %get3A_1212] {strides = array<i32>} : memref<64x768xf32, #tpu.memory_space<vmem>>, vector<1x16xf32>,
        %get3A_1214 = vector.shape_cast %get3A_1213 : vector<1x16xf32> to vector<16xf32>
        %add3A_1215 = arith.addf %scan3A_1191, %get3A_1214 : vector<16xf32>
        %mul3A_1216 = arith.constant 4 : i32
        %mul3A_1217 = arith.muli %scan3A_1187, %mul3A_1216 : i32
        %add3A_1218 = arith.constant 1 : i32
        %add3A_1219 = arith.addi %mul3A_1217, %add3A_1218 : i32
        %get3A_1220 = arith.index_cast %add3A_1219 : i32 to index
        %get3A_1221 = arith.constant 256 : index
        %get3A_1222 = tpu.vector_load %arg4[%get3A_1220, %get3A_1221] {strides = array<i32>} : memref<64x768xf32, #tpu.memory_space<vmem>>, vector<1x16xf32>,
        %get3A_1223 = vector.shape_cast %get3A_1222 : vector<1x16xf32> to vector<16xf32>
        %add3A_1224 = arith.addf %add3A_1200, %get3A_1223 : vector<16xf32>
        %get3A_1225 = arith.index_cast %add3A_1219 : i32 to index
        %get3A_1226 = arith.constant 272 : index
        %get3A_1227 = tpu.vector_load %arg4[%get3A_1225, %get3A_1226] {strides = array<i32>} : memref<64x768xf32, #tpu.memory_space<vmem>>, vector<1x16xf32>,
        %get3A_1228 = vector.shape_cast %get3A_1227 : vector<1x16xf32> to vector<16xf32>
        %add3A_1229 = arith.addf %add3A_1205, %get3A_1228 : vector<16xf32>
        %get3A_1230 = arith.index_cast %add3A_1219 : i32 to index
        %get3A_1231 = arith.constant 288 : index
        %get3A_1232 = tpu.vector_load %arg4[%get3A_1230, %get3A_1231] {strides = array<i32>} : memref<64x768xf32, #tpu.memory_space<vmem>>, vector<1x16xf32>,
        %get3A_1233 = vector.shape_cast %get3A_1232 : vector<1x16xf32> to vector<16xf32>
        %add3A_1234 = arith.addf %add3A_1210, %get3A_1233 : vector<16xf32>
        %get3A_1235 = arith.index_cast %add3A_1219 : i32 to index
        %get3A_1236 = arith.constant 304 : index
        %get3A_1237 = tpu.vector_load %arg4[%get3A_1235, %get3A_1236] {strides = array<i32>} : memref<64x768xf32, #tpu.memory_space<vmem>>, vector<1x16xf32>,
        %get3A_1238 = vector.shape_cast %get3A_1237 : vector<1x16xf32> to vector<16xf32>
        %add3A_1239 = arith.addf %add3A_1215, %get3A_1238 : vector<16xf32>
        %mul3A_1240 = arith.constant 4 : i32
        %mul3A_1241 = arith.muli %scan3A_1187, %mul3A_1240 : i32
        %add3A_1242 = arith.constant 2 : i32
        %add3A_1243 = arith.addi %mul3A_1241, %add3A_1242 : i32
        %get3A_1244 = arith.index_cast %add3A_1243 : i32 to index
        %get3A_1245 = arith.constant 256 : index
        %get3A_1246 = tpu.vector_load %arg4[%get3A_1244, %get3A_1245] {strides = array<i32>} : memref<64x768xf32, #tpu.memory_space<vmem>>, vector<1x16xf32>,
        %get3A_1247 = vector.shape_cast %get3A_1246 : vector<1x16xf32> to vector<16xf32>
        %add3A_1248 = arith.addf %add3A_1224, %get3A_1247 : vector<16xf32>
        %get3A_1249 = arith.index_cast %add3A_1243 : i32 to index
        %get3A_1250 = arith.constant 272 : index
        %get3A_1251 = tpu.vector_load %arg4[%get3A_1249, %get3A_1250] {strides = array<i32>} : memref<64x768xf32, #tpu.memory_space<vmem>>, vector<1x16xf32>,
        %get3A_1252 = vector.shape_cast %get3A_1251 : vector<1x16xf32> to vector<16xf32>
        %add3A_1253 = arith.addf %add3A_1229, %get3A_1252 : vector<16xf32>
        %get3A_1254 = arith.index_cast %add3A_1243 : i32 to index
        %get3A_1255 = arith.constant 288 : index
        %get3A_1256 = tpu.vector_load %arg4[%get3A_1254, %get3A_1255] {strides = array<i32>} : memref<64x768xf32, #tpu.memory_space<vmem>>, vector<1x16xf32>,
        %get3A_1257 = vector.shape_cast %get3A_1256 : vector<1x16xf32> to vector<16xf32>
        %add3A_1258 = arith.addf %add3A_1234, %get3A_1257 : vector<16xf32>
        %get3A_1259 = arith.index_cast %add3A_1243 : i32 to index
        %get3A_1260 = arith.constant 304 : index
        %get3A_1261 = tpu.vector_load %arg4[%get3A_1259, %get3A_1260] {strides = array<i32>} : memref<64x768xf32, #tpu.memory_space<vmem>>, vector<1x16xf32>,
        %get3A_1262 = vector.shape_cast %get3A_1261 : vector<1x16xf32> to vector<16xf32>
        %add3A_1263 = arith.addf %add3A_1239, %get3A_1262 : vector<16xf32>
        %mul3A_1264 = arith.constant 4 : i32
        %mul3A_1265 = arith.muli %scan3A_1187, %mul3A_1264 : i32
        %add3A_1266 = arith.constant 3 : i32
        %add3A_1267 = arith.addi %mul3A_1265, %add3A_1266 : i32
        %get3A_1268 = arith.index_cast %add3A_1267 : i32 to index
        %get3A_1269 = arith.constant 256 : index
        %get3A_1270 = tpu.vector_load %arg4[%get3A_1268, %get3A_1269] {strides = array<i32>} : memref<64x768xf32, #tpu.memory_space<vmem>>, vector<1x16xf32>,
        %get3A_1271 = vector.shape_cast %get3A_1270 : vector<1x16xf32> to vector<16xf32>
        %add3A_1272 = arith.addf %add3A_1248, %get3A_1271 : vector<16xf32>
        %get3A_1273 = arith.index_cast %add3A_1267 : i32 to index
        %get3A_1274 = arith.constant 272 : index
        %get3A_1275 = tpu.vector_load %arg4[%get3A_1273, %get3A_1274] {strides = array<i32>} : memref<64x768xf32, #tpu.memory_space<vmem>>, vector<1x16xf32>,
        %get3A_1276 = vector.shape_cast %get3A_1275 : vector<1x16xf32> to vector<16xf32>
        %add3A_1277 = arith.addf %add3A_1253, %get3A_1276 : vector<16xf32>
        %get3A_1278 = arith.index_cast %add3A_1267 : i32 to index
        %get3A_1279 = arith.constant 288 : index
        %get3A_1280 = tpu.vector_load %arg4[%get3A_1278, %get3A_1279] {strides = array<i32>} : memref<64x768xf32, #tpu.memory_space<vmem>>, vector<1x16xf32>,
        %get3A_1281 = vector.shape_cast %get3A_1280 : vector<1x16xf32> to vector<16xf32>
        %add3A_1282 = arith.addf %add3A_1258, %get3A_1281 : vector<16xf32>
        %get3A_1283 = arith.index_cast %add3A_1267 : i32 to index
        %get3A_1284 = arith.constant 304 : index
        %get3A_1285 = tpu.vector_load %arg4[%get3A_1283, %get3A_1284] {strides = array<i32>} : memref<64x768xf32, #tpu.memory_space<vmem>>, vector<1x16xf32>,
        %get3A_1286 = vector.shape_cast %get3A_1285 : vector<1x16xf32> to vector<16xf32>
        %add3A_1287 = arith.addf %add3A_1263, %get3A_1286 : vector<16xf32>
        scf.yield %add3A_1272, %add3A_1277, %add3A_1282, %add3A_1287 : vector<16xf32>, vector<16xf32>, vector<16xf32>, vector<16xf32>
      }
      %scan3A_501 = arith.constant 16 : i32
      %swap3A_502 = arith.constant 256 : index
      %swap3A_503 = tpu.vector_load %arg6[%swap3A_502] {strides = array<i32>} : memref<768xf32, #tpu.memory_space<vmem>>, vector<16xf32>,
      %swap3A_504 = vector.shape_cast %swap3A_503 : vector<16xf32> to vector<16xf32>
      %swap3A_505 = vector.shape_cast %scan3A_500#0 : vector<16xf32> to vector<16xf32>
      tpu.vector_store %arg6[%swap3A_502], %swap3A_505 {strides = array<i32>} : memref<768xf32, #tpu.memory_space<vmem>>, vector<16xf32>,
      %swap3A_506 = arith.constant 272 : index
      %swap3A_507 = tpu.vector_load %arg6[%swap3A_506] {strides = array<i32>} : memref<768xf32, #tpu.memory_space<vmem>>, vector<16xf32>,
      %swap3A_508 = vector.shape_cast %swap3A_507 : vector<16xf32> to vector<16xf32>
      %swap3A_509 = vector.shape_cast %scan3A_500#1 : vector<16xf32> to vector<16xf32>
      tpu.vector_store %arg6[%swap3A_506], %swap3A_509 {strides = array<i32>} : memref<768xf32, #tpu.memory_space<vmem>>, vector<16xf32>,
      %swap3A_510 = arith.constant 288 : index
      %swap3A_511 = tpu.vector_load %arg6[%swap3A_510] {strides = array<i32>} : memref<768xf32, #tpu.memory_space<vmem>>, vector<16xf32>,
      %swap3A_512 = vector.shape_cast %swap3A_511 : vector<16xf32> to vector<16xf32>
      %swap3A_513 = vector.shape_cast %scan3A_500#2 : vector<16xf32> to vector<16xf32>
      tpu.vector_store %arg6[%swap3A_510], %swap3A_513 {strides = array<i32>} : memref<768xf32, #tpu.memory_space<vmem>>, vector<16xf32>,
      %swap3A_514 = arith.constant 304 : index
      %swap3A_515 = tpu.vector_load %arg6[%swap3A_514] {strides = array<i32>} : memref<768xf32, #tpu.memory_space<vmem>>, vector<16xf32>,
      %swap3A_516 = vector.shape_cast %swap3A_515 : vector<16xf32> to vector<16xf32>
      %swap3A_517 = vector.shape_cast %scan3A_500#3 : vector<16xf32> to vector<16xf32>
      tpu.vector_store %arg6[%swap3A_514], %swap3A_517 {strides = array<i32>} : memref<768xf32, #tpu.memory_space<vmem>>, vector<16xf32>,
      %get3A_518 = arith.constant 320 : index
      %get3A_519 = tpu.vector_load %arg6[%get3A_518] {strides = array<i32>} : memref<768xf32, #tpu.memory_space<vmem>>, vector<16xf32>,
      %get3A_520 = vector.shape_cast %get3A_519 : vector<16xf32> to vector<16xf32>
      %get3A_521 = arith.constant 336 : index
      %get3A_522 = tpu.vector_load %arg6[%get3A_521] {strides = array<i32>} : memref<768xf32, #tpu.memory_space<vmem>>, vector<16xf32>,
      %get3A_523 = vector.shape_cast %get3A_522 : vector<16xf32> to vector<16xf32>
      %get3A_524 = arith.constant 352 : index
      %get3A_525 = tpu.vector_load %arg6[%get3A_524] {strides = array<i32>} : memref<768xf32, #tpu.memory_space<vmem>>, vector<16xf32>,
      %get3A_526 = vector.shape_cast %get3A_525 : vector<16xf32> to vector<16xf32>
      %get3A_527 = arith.constant 368 : index
      %get3A_528 = tpu.vector_load %arg6[%get3A_527] {strides = array<i32>} : memref<768xf32, #tpu.memory_space<vmem>>, vector<16xf32>,
      %get3A_529 = vector.shape_cast %get3A_528 : vector<16xf32> to vector<16xf32>
      %scan3A_530 = arith.constant 0 : i32
      %scan3A_531 = arith.constant 16 : i32
      %scan3A_532 = arith.addi %scan3A_530, %scan3A_531 : i32
      %scan3A_533 = arith.constant 1 : i32
      %scan3A_534:4 = scf.for %scan3A_1187 = %scan3A_530 to %scan3A_532 step %scan3A_533 iter_args(%scan3A_1188 = %get3A_520, %scan3A_1189 = %get3A_523, %scan3A_1190 = %get3A_526, %scan3A_1191 = %get3A_529) -> (vector<16xf32>, vector<16xf32>, vector<16xf32>, vector<16xf32>)  : i32 {
        %mul3A_1192 = arith.constant 4 : i32
        %mul3A_1193 = arith.muli %scan3A_1187, %mul3A_1192 : i32
        %add3A_1194 = arith.constant 0 : i32
        %add3A_1195 = arith.addi %mul3A_1193, %add3A_1194 : i32
        %get3A_1196 = arith.index_cast %add3A_1195 : i32 to index
        %get3A_1197 = arith.constant 320 : index
        %get3A_1198 = tpu.vector_load %arg4[%get3A_1196, %get3A_1197] {strides = array<i32>} : memref<64x768xf32, #tpu.memory_space<vmem>>, vector<1x16xf32>,
        %get3A_1199 = vector.shape_cast %get3A_1198 : vector<1x16xf32> to vector<16xf32>
        %add3A_1200 = arith.addf %scan3A_1188, %get3A_1199 : vector<16xf32>
        %get3A_1201 = arith.index_cast %add3A_1195 : i32 to index
        %get3A_1202 = arith.constant 336 : index
        %get3A_1203 = tpu.vector_load %arg4[%get3A_1201, %get3A_1202] {strides = array<i32>} : memref<64x768xf32, #tpu.memory_space<vmem>>, vector<1x16xf32>,
        %get3A_1204 = vector.shape_cast %get3A_1203 : vector<1x16xf32> to vector<16xf32>
        %add3A_1205 = arith.addf %scan3A_1189, %get3A_1204 : vector<16xf32>
        %get3A_1206 = arith.index_cast %add3A_1195 : i32 to index
        %get3A_1207 = arith.constant 352 : index
        %get3A_1208 = tpu.vector_load %arg4[%get3A_1206, %get3A_1207] {strides = array<i32>} : memref<64x768xf32, #tpu.memory_space<vmem>>, vector<1x16xf32>,
        %get3A_1209 = vector.shape_cast %get3A_1208 : vector<1x16xf32> to vector<16xf32>
        %add3A_1210 = arith.addf %scan3A_1190, %get3A_1209 : vector<16xf32>
        %get3A_1211 = arith.index_cast %add3A_1195 : i32 to index
        %get3A_1212 = arith.constant 368 : index
        %get3A_1213 = tpu.vector_load %arg4[%get3A_1211, %get3A_1212] {strides = array<i32>} : memref<64x768xf32, #tpu.memory_space<vmem>>, vector<1x16xf32>,
        %get3A_1214 = vector.shape_cast %get3A_1213 : vector<1x16xf32> to vector<16xf32>
        %add3A_1215 = arith.addf %scan3A_1191, %get3A_1214 : vector<16xf32>
        %mul3A_1216 = arith.constant 4 : i32
        %mul3A_1217 = arith.muli %scan3A_1187, %mul3A_1216 : i32
        %add3A_1218 = arith.constant 1 : i32
        %add3A_1219 = arith.addi %mul3A_1217, %add3A_1218 : i32
        %get3A_1220 = arith.index_cast %add3A_1219 : i32 to index
        %get3A_1221 = arith.constant 320 : index
        %get3A_1222 = tpu.vector_load %arg4[%get3A_1220, %get3A_1221] {strides = array<i32>} : memref<64x768xf32, #tpu.memory_space<vmem>>, vector<1x16xf32>,
        %get3A_1223 = vector.shape_cast %get3A_1222 : vector<1x16xf32> to vector<16xf32>
        %add3A_1224 = arith.addf %add3A_1200, %get3A_1223 : vector<16xf32>
        %get3A_1225 = arith.index_cast %add3A_1219 : i32 to index
        %get3A_1226 = arith.constant 336 : index
        %get3A_1227 = tpu.vector_load %arg4[%get3A_1225, %get3A_1226] {strides = array<i32>} : memref<64x768xf32, #tpu.memory_space<vmem>>, vector<1x16xf32>,
        %get3A_1228 = vector.shape_cast %get3A_1227 : vector<1x16xf32> to vector<16xf32>
        %add3A_1229 = arith.addf %add3A_1205, %get3A_1228 : vector<16xf32>
        %get3A_1230 = arith.index_cast %add3A_1219 : i32 to index
        %get3A_1231 = arith.constant 352 : index
        %get3A_1232 = tpu.vector_load %arg4[%get3A_1230, %get3A_1231] {strides = array<i32>} : memref<64x768xf32, #tpu.memory_space<vmem>>, vector<1x16xf32>,
        %get3A_1233 = vector.shape_cast %get3A_1232 : vector<1x16xf32> to vector<16xf32>
        %add3A_1234 = arith.addf %add3A_1210, %get3A_1233 : vector<16xf32>
        %get3A_1235 = arith.index_cast %add3A_1219 : i32 to index
        %get3A_1236 = arith.constant 368 : index
        %get3A_1237 = tpu.vector_load %arg4[%get3A_1235, %get3A_1236] {strides = array<i32>} : memref<64x768xf32, #tpu.memory_space<vmem>>, vector<1x16xf32>,
        %get3A_1238 = vector.shape_cast %get3A_1237 : vector<1x16xf32> to vector<16xf32>
        %add3A_1239 = arith.addf %add3A_1215, %get3A_1238 : vector<16xf32>
        %mul3A_1240 = arith.constant 4 : i32
        %mul3A_1241 = arith.muli %scan3A_1187, %mul3A_1240 : i32
        %add3A_1242 = arith.constant 2 : i32
        %add3A_1243 = arith.addi %mul3A_1241, %add3A_1242 : i32
        %get3A_1244 = arith.index_cast %add3A_1243 : i32 to index
        %get3A_1245 = arith.constant 320 : index
        %get3A_1246 = tpu.vector_load %arg4[%get3A_1244, %get3A_1245] {strides = array<i32>} : memref<64x768xf32, #tpu.memory_space<vmem>>, vector<1x16xf32>,
        %get3A_1247 = vector.shape_cast %get3A_1246 : vector<1x16xf32> to vector<16xf32>
        %add3A_1248 = arith.addf %add3A_1224, %get3A_1247 : vector<16xf32>
        %get3A_1249 = arith.index_cast %add3A_1243 : i32 to index
        %get3A_1250 = arith.constant 336 : index
        %get3A_1251 = tpu.vector_load %arg4[%get3A_1249, %get3A_1250] {strides = array<i32>} : memref<64x768xf32, #tpu.memory_space<vmem>>, vector<1x16xf32>,
        %get3A_1252 = vector.shape_cast %get3A_1251 : vector<1x16xf32> to vector<16xf32>
        %add3A_1253 = arith.addf %add3A_1229, %get3A_1252 : vector<16xf32>
        %get3A_1254 = arith.index_cast %add3A_1243 : i32 to index
        %get3A_1255 = arith.constant 352 : index
        %get3A_1256 = tpu.vector_load %arg4[%get3A_1254, %get3A_1255] {strides = array<i32>} : memref<64x768xf32, #tpu.memory_space<vmem>>, vector<1x16xf32>,
        %get3A_1257 = vector.shape_cast %get3A_1256 : vector<1x16xf32> to vector<16xf32>
        %add3A_1258 = arith.addf %add3A_1234, %get3A_1257 : vector<16xf32>
        %get3A_1259 = arith.index_cast %add3A_1243 : i32 to index
        %get3A_1260 = arith.constant 368 : index
        %get3A_1261 = tpu.vector_load %arg4[%get3A_1259, %get3A_1260] {strides = array<i32>} : memref<64x768xf32, #tpu.memory_space<vmem>>, vector<1x16xf32>,
        %get3A_1262 = vector.shape_cast %get3A_1261 : vector<1x16xf32> to vector<16xf32>
        %add3A_1263 = arith.addf %add3A_1239, %get3A_1262 : vector<16xf32>
        %mul3A_1264 = arith.constant 4 : i32
        %mul3A_1265 = arith.muli %scan3A_1187, %mul3A_1264 : i32
        %add3A_1266 = arith.constant 3 : i32
        %add3A_1267 = arith.addi %mul3A_1265, %add3A_1266 : i32
        %get3A_1268 = arith.index_cast %add3A_1267 : i32 to index
        %get3A_1269 = arith.constant 320 : index
        %get3A_1270 = tpu.vector_load %arg4[%get3A_1268, %get3A_1269] {strides = array<i32>} : memref<64x768xf32, #tpu.memory_space<vmem>>, vector<1x16xf32>,
        %get3A_1271 = vector.shape_cast %get3A_1270 : vector<1x16xf32> to vector<16xf32>
        %add3A_1272 = arith.addf %add3A_1248, %get3A_1271 : vector<16xf32>
        %get3A_1273 = arith.index_cast %add3A_1267 : i32 to index
        %get3A_1274 = arith.constant 336 : index
        %get3A_1275 = tpu.vector_load %arg4[%get3A_1273, %get3A_1274] {strides = array<i32>} : memref<64x768xf32, #tpu.memory_space<vmem>>, vector<1x16xf32>,
        %get3A_1276 = vector.shape_cast %get3A_1275 : vector<1x16xf32> to vector<16xf32>
        %add3A_1277 = arith.addf %add3A_1253, %get3A_1276 : vector<16xf32>
        %get3A_1278 = arith.index_cast %add3A_1267 : i32 to index
        %get3A_1279 = arith.constant 352 : index
        %get3A_1280 = tpu.vector_load %arg4[%get3A_1278, %get3A_1279] {strides = array<i32>} : memref<64x768xf32, #tpu.memory_space<vmem>>, vector<1x16xf32>,
        %get3A_1281 = vector.shape_cast %get3A_1280 : vector<1x16xf32> to vector<16xf32>
        %add3A_1282 = arith.addf %add3A_1258, %get3A_1281 : vector<16xf32>
        %get3A_1283 = arith.index_cast %add3A_1267 : i32 to index
        %get3A_1284 = arith.constant 368 : index
        %get3A_1285 = tpu.vector_load %arg4[%get3A_1283, %get3A_1284] {strides = array<i32>} : memref<64x768xf32, #tpu.memory_space<vmem>>, vector<1x16xf32>,
        %get3A_1286 = vector.shape_cast %get3A_1285 : vector<1x16xf32> to vector<16xf32>
        %add3A_1287 = arith.addf %add3A_1263, %get3A_1286 : vector<16xf32>
        scf.yield %add3A_1272, %add3A_1277, %add3A_1282, %add3A_1287 : vector<16xf32>, vector<16xf32>, vector<16xf32>, vector<16xf32>
      }
      %scan3A_535 = arith.constant 16 : i32
      %swap3A_536 = arith.constant 320 : index
      %swap3A_537 = tpu.vector_load %arg6[%swap3A_536] {strides = array<i32>} : memref<768xf32, #tpu.memory_space<vmem>>, vector<16xf32>,
      %swap3A_538 = vector.shape_cast %swap3A_537 : vector<16xf32> to vector<16xf32>
      %swap3A_539 = vector.shape_cast %scan3A_534#0 : vector<16xf32> to vector<16xf32>
      tpu.vector_store %arg6[%swap3A_536], %swap3A_539 {strides = array<i32>} : memref<768xf32, #tpu.memory_space<vmem>>, vector<16xf32>,
      %swap3A_540 = arith.constant 336 : index
      %swap3A_541 = tpu.vector_load %arg6[%swap3A_540] {strides = array<i32>} : memref<768xf32, #tpu.memory_space<vmem>>, vector<16xf32>,
      %swap3A_542 = vector.shape_cast %swap3A_541 : vector<16xf32> to vector<16xf32>
      %swap3A_543 = vector.shape_cast %scan3A_534#1 : vector<16xf32> to vector<16xf32>
      tpu.vector_store %arg6[%swap3A_540], %swap3A_543 {strides = array<i32>} : memref<768xf32, #tpu.memory_space<vmem>>, vector<16xf32>,
      %swap3A_544 = arith.constant 352 : index
      %swap3A_545 = tpu.vector_load %arg6[%swap3A_544] {strides = array<i32>} : memref<768xf32, #tpu.memory_space<vmem>>, vector<16xf32>,
      %swap3A_546 = vector.shape_cast %swap3A_545 : vector<16xf32> to vector<16xf32>
      %swap3A_547 = vector.shape_cast %scan3A_534#2 : vector<16xf32> to vector<16xf32>
      tpu.vector_store %arg6[%swap3A_544], %swap3A_547 {strides = array<i32>} : memref<768xf32, #tpu.memory_space<vmem>>, vector<16xf32>,
      %swap3A_548 = arith.constant 368 : index
      %swap3A_549 = tpu.vector_load %arg6[%swap3A_548] {strides = array<i32>} : memref<768xf32, #tpu.memory_space<vmem>>, vector<16xf32>,
      %swap3A_550 = vector.shape_cast %swap3A_549 : vector<16xf32> to vector<16xf32>
      %swap3A_551 = vector.shape_cast %scan3A_534#3 : vector<16xf32> to vector<16xf32>
      tpu.vector_store %arg6[%swap3A_548], %swap3A_551 {strides = array<i32>} : memref<768xf32, #tpu.memory_space<vmem>>, vector<16xf32>,
      %get3A_552 = arith.constant 384 : index
      %get3A_553 = tpu.vector_load %arg6[%get3A_552] {strides = array<i32>} : memref<768xf32, #tpu.memory_space<vmem>>, vector<16xf32>,
      %get3A_554 = vector.shape_cast %get3A_553 : vector<16xf32> to vector<16xf32>
      %get3A_555 = arith.constant 400 : index
      %get3A_556 = tpu.vector_load %arg6[%get3A_555] {strides = array<i32>} : memref<768xf32, #tpu.memory_space<vmem>>, vector<16xf32>,
      %get3A_557 = vector.shape_cast %get3A_556 : vector<16xf32> to vector<16xf32>
      %get3A_558 = arith.constant 416 : index
      %get3A_559 = tpu.vector_load %arg6[%get3A_558] {strides = array<i32>} : memref<768xf32, #tpu.memory_space<vmem>>, vector<16xf32>,
      %get3A_560 = vector.shape_cast %get3A_559 : vector<16xf32> to vector<16xf32>
      %get3A_561 = arith.constant 432 : index
      %get3A_562 = tpu.vector_load %arg6[%get3A_561] {strides = array<i32>} : memref<768xf32, #tpu.memory_space<vmem>>, vector<16xf32>,
      %get3A_563 = vector.shape_cast %get3A_562 : vector<16xf32> to vector<16xf32>
      %scan3A_564 = arith.constant 0 : i32
      %scan3A_565 = arith.constant 16 : i32
      %scan3A_566 = arith.addi %scan3A_564, %scan3A_565 : i32
      %scan3A_567 = arith.constant 1 : i32
      %scan3A_568:4 = scf.for %scan3A_1187 = %scan3A_564 to %scan3A_566 step %scan3A_567 iter_args(%scan3A_1188 = %get3A_554, %scan3A_1189 = %get3A_557, %scan3A_1190 = %get3A_560, %scan3A_1191 = %get3A_563) -> (vector<16xf32>, vector<16xf32>, vector<16xf32>, vector<16xf32>)  : i32 {
        %mul3A_1192 = arith.constant 4 : i32
        %mul3A_1193 = arith.muli %scan3A_1187, %mul3A_1192 : i32
        %add3A_1194 = arith.constant 0 : i32
        %add3A_1195 = arith.addi %mul3A_1193, %add3A_1194 : i32
        %get3A_1196 = arith.index_cast %add3A_1195 : i32 to index
        %get3A_1197 = arith.constant 384 : index
        %get3A_1198 = tpu.vector_load %arg4[%get3A_1196, %get3A_1197] {strides = array<i32>} : memref<64x768xf32, #tpu.memory_space<vmem>>, vector<1x16xf32>,
        %get3A_1199 = vector.shape_cast %get3A_1198 : vector<1x16xf32> to vector<16xf32>
        %add3A_1200 = arith.addf %scan3A_1188, %get3A_1199 : vector<16xf32>
        %get3A_1201 = arith.index_cast %add3A_1195 : i32 to index
        %get3A_1202 = arith.constant 400 : index
        %get3A_1203 = tpu.vector_load %arg4[%get3A_1201, %get3A_1202] {strides = array<i32>} : memref<64x768xf32, #tpu.memory_space<vmem>>, vector<1x16xf32>,
        %get3A_1204 = vector.shape_cast %get3A_1203 : vector<1x16xf32> to vector<16xf32>
        %add3A_1205 = arith.addf %scan3A_1189, %get3A_1204 : vector<16xf32>
        %get3A_1206 = arith.index_cast %add3A_1195 : i32 to index
        %get3A_1207 = arith.constant 416 : index
        %get3A_1208 = tpu.vector_load %arg4[%get3A_1206, %get3A_1207] {strides = array<i32>} : memref<64x768xf32, #tpu.memory_space<vmem>>, vector<1x16xf32>,
        %get3A_1209 = vector.shape_cast %get3A_1208 : vector<1x16xf32> to vector<16xf32>
        %add3A_1210 = arith.addf %scan3A_1190, %get3A_1209 : vector<16xf32>
        %get3A_1211 = arith.index_cast %add3A_1195 : i32 to index
        %get3A_1212 = arith.constant 432 : index
        %get3A_1213 = tpu.vector_load %arg4[%get3A_1211, %get3A_1212] {strides = array<i32>} : memref<64x768xf32, #tpu.memory_space<vmem>>, vector<1x16xf32>,
        %get3A_1214 = vector.shape_cast %get3A_1213 : vector<1x16xf32> to vector<16xf32>
        %add3A_1215 = arith.addf %scan3A_1191, %get3A_1214 : vector<16xf32>
        %mul3A_1216 = arith.constant 4 : i32
        %mul3A_1217 = arith.muli %scan3A_1187, %mul3A_1216 : i32
        %add3A_1218 = arith.constant 1 : i32
        %add3A_1219 = arith.addi %mul3A_1217, %add3A_1218 : i32
        %get3A_1220 = arith.index_cast %add3A_1219 : i32 to index
        %get3A_1221 = arith.constant 384 : index
        %get3A_1222 = tpu.vector_load %arg4[%get3A_1220, %get3A_1221] {strides = array<i32>} : memref<64x768xf32, #tpu.memory_space<vmem>>, vector<1x16xf32>,
        %get3A_1223 = vector.shape_cast %get3A_1222 : vector<1x16xf32> to vector<16xf32>
        %add3A_1224 = arith.addf %add3A_1200, %get3A_1223 : vector<16xf32>
        %get3A_1225 = arith.index_cast %add3A_1219 : i32 to index
        %get3A_1226 = arith.constant 400 : index
        %get3A_1227 = tpu.vector_load %arg4[%get3A_1225, %get3A_1226] {strides = array<i32>} : memref<64x768xf32, #tpu.memory_space<vmem>>, vector<1x16xf32>,
        %get3A_1228 = vector.shape_cast %get3A_1227 : vector<1x16xf32> to vector<16xf32>
        %add3A_1229 = arith.addf %add3A_1205, %get3A_1228 : vector<16xf32>
        %get3A_1230 = arith.index_cast %add3A_1219 : i32 to index
        %get3A_1231 = arith.constant 416 : index
        %get3A_1232 = tpu.vector_load %arg4[%get3A_1230, %get3A_1231] {strides = array<i32>} : memref<64x768xf32, #tpu.memory_space<vmem>>, vector<1x16xf32>,
        %get3A_1233 = vector.shape_cast %get3A_1232 : vector<1x16xf32> to vector<16xf32>
        %add3A_1234 = arith.addf %add3A_1210, %get3A_1233 : vector<16xf32>
        %get3A_1235 = arith.index_cast %add3A_1219 : i32 to index
        %get3A_1236 = arith.constant 432 : index
        %get3A_1237 = tpu.vector_load %arg4[%get3A_1235, %get3A_1236] {strides = array<i32>} : memref<64x768xf32, #tpu.memory_space<vmem>>, vector<1x16xf32>,
        %get3A_1238 = vector.shape_cast %get3A_1237 : vector<1x16xf32> to vector<16xf32>
        %add3A_1239 = arith.addf %add3A_1215, %get3A_1238 : vector<16xf32>
        %mul3A_1240 = arith.constant 4 : i32
        %mul3A_1241 = arith.muli %scan3A_1187, %mul3A_1240 : i32
        %add3A_1242 = arith.constant 2 : i32
        %add3A_1243 = arith.addi %mul3A_1241, %add3A_1242 : i32
        %get3A_1244 = arith.index_cast %add3A_1243 : i32 to index
        %get3A_1245 = arith.constant 384 : index
        %get3A_1246 = tpu.vector_load %arg4[%get3A_1244, %get3A_1245] {strides = array<i32>} : memref<64x768xf32, #tpu.memory_space<vmem>>, vector<1x16xf32>,
        %get3A_1247 = vector.shape_cast %get3A_1246 : vector<1x16xf32> to vector<16xf32>
        %add3A_1248 = arith.addf %add3A_1224, %get3A_1247 : vector<16xf32>
        %get3A_1249 = arith.index_cast %add3A_1243 : i32 to index
        %get3A_1250 = arith.constant 400 : index
        %get3A_1251 = tpu.vector_load %arg4[%get3A_1249, %get3A_1250] {strides = array<i32>} : memref<64x768xf32, #tpu.memory_space<vmem>>, vector<1x16xf32>,
        %get3A_1252 = vector.shape_cast %get3A_1251 : vector<1x16xf32> to vector<16xf32>
        %add3A_1253 = arith.addf %add3A_1229, %get3A_1252 : vector<16xf32>
        %get3A_1254 = arith.index_cast %add3A_1243 : i32 to index
        %get3A_1255 = arith.constant 416 : index
        %get3A_1256 = tpu.vector_load %arg4[%get3A_1254, %get3A_1255] {strides = array<i32>} : memref<64x768xf32, #tpu.memory_space<vmem>>, vector<1x16xf32>,
        %get3A_1257 = vector.shape_cast %get3A_1256 : vector<1x16xf32> to vector<16xf32>
        %add3A_1258 = arith.addf %add3A_1234, %get3A_1257 : vector<16xf32>
        %get3A_1259 = arith.index_cast %add3A_1243 : i32 to index
        %get3A_1260 = arith.constant 432 : index
        %get3A_1261 = tpu.vector_load %arg4[%get3A_1259, %get3A_1260] {strides = array<i32>} : memref<64x768xf32, #tpu.memory_space<vmem>>, vector<1x16xf32>,
        %get3A_1262 = vector.shape_cast %get3A_1261 : vector<1x16xf32> to vector<16xf32>
        %add3A_1263 = arith.addf %add3A_1239, %get3A_1262 : vector<16xf32>
        %mul3A_1264 = arith.constant 4 : i32
        %mul3A_1265 = arith.muli %scan3A_1187, %mul3A_1264 : i32
        %add3A_1266 = arith.constant 3 : i32
        %add3A_1267 = arith.addi %mul3A_1265, %add3A_1266 : i32
        %get3A_1268 = arith.index_cast %add3A_1267 : i32 to index
        %get3A_1269 = arith.constant 384 : index
        %get3A_1270 = tpu.vector_load %arg4[%get3A_1268, %get3A_1269] {strides = array<i32>} : memref<64x768xf32, #tpu.memory_space<vmem>>, vector<1x16xf32>,
        %get3A_1271 = vector.shape_cast %get3A_1270 : vector<1x16xf32> to vector<16xf32>
        %add3A_1272 = arith.addf %add3A_1248, %get3A_1271 : vector<16xf32>
        %get3A_1273 = arith.index_cast %add3A_1267 : i32 to index
        %get3A_1274 = arith.constant 400 : index
        %get3A_1275 = tpu.vector_load %arg4[%get3A_1273, %get3A_1274] {strides = array<i32>} : memref<64x768xf32, #tpu.memory_space<vmem>>, vector<1x16xf32>,
        %get3A_1276 = vector.shape_cast %get3A_1275 : vector<1x16xf32> to vector<16xf32>
        %add3A_1277 = arith.addf %add3A_1253, %get3A_1276 : vector<16xf32>
        %get3A_1278 = arith.index_cast %add3A_1267 : i32 to index
        %get3A_1279 = arith.constant 416 : index
        %get3A_1280 = tpu.vector_load %arg4[%get3A_1278, %get3A_1279] {strides = array<i32>} : memref<64x768xf32, #tpu.memory_space<vmem>>, vector<1x16xf32>,
        %get3A_1281 = vector.shape_cast %get3A_1280 : vector<1x16xf32> to vector<16xf32>
        %add3A_1282 = arith.addf %add3A_1258, %get3A_1281 : vector<16xf32>
        %get3A_1283 = arith.index_cast %add3A_1267 : i32 to index
        %get3A_1284 = arith.constant 432 : index
        %get3A_1285 = tpu.vector_load %arg4[%get3A_1283, %get3A_1284] {strides = array<i32>} : memref<64x768xf32, #tpu.memory_space<vmem>>, vector<1x16xf32>,
        %get3A_1286 = vector.shape_cast %get3A_1285 : vector<1x16xf32> to vector<16xf32>
        %add3A_1287 = arith.addf %add3A_1263, %get3A_1286 : vector<16xf32>
        scf.yield %add3A_1272, %add3A_1277, %add3A_1282, %add3A_1287 : vector<16xf32>, vector<16xf32>, vector<16xf32>, vector<16xf32>
      }
      %scan3A_569 = arith.constant 16 : i32
      %swap3A_570 = arith.constant 384 : index
      %swap3A_571 = tpu.vector_load %arg6[%swap3A_570] {strides = array<i32>} : memref<768xf32, #tpu.memory_space<vmem>>, vector<16xf32>,
      %swap3A_572 = vector.shape_cast %swap3A_571 : vector<16xf32> to vector<16xf32>
      %swap3A_573 = vector.shape_cast %scan3A_568#0 : vector<16xf32> to vector<16xf32>
      tpu.vector_store %arg6[%swap3A_570], %swap3A_573 {strides = array<i32>} : memref<768xf32, #tpu.memory_space<vmem>>, vector<16xf32>,
      %swap3A_574 = arith.constant 400 : index
      %swap3A_575 = tpu.vector_load %arg6[%swap3A_574] {strides = array<i32>} : memref<768xf32, #tpu.memory_space<vmem>>, vector<16xf32>,
      %swap3A_576 = vector.shape_cast %swap3A_575 : vector<16xf32> to vector<16xf32>
      %swap3A_577 = vector.shape_cast %scan3A_568#1 : vector<16xf32> to vector<16xf32>
      tpu.vector_store %arg6[%swap3A_574], %swap3A_577 {strides = array<i32>} : memref<768xf32, #tpu.memory_space<vmem>>, vector<16xf32>,
      %swap3A_578 = arith.constant 416 : index
      %swap3A_579 = tpu.vector_load %arg6[%swap3A_578] {strides = array<i32>} : memref<768xf32, #tpu.memory_space<vmem>>, vector<16xf32>,
      %swap3A_580 = vector.shape_cast %swap3A_579 : vector<16xf32> to vector<16xf32>
      %swap3A_581 = vector.shape_cast %scan3A_568#2 : vector<16xf32> to vector<16xf32>
      tpu.vector_store %arg6[%swap3A_578], %swap3A_581 {strides = array<i32>} : memref<768xf32, #tpu.memory_space<vmem>>, vector<16xf32>,
      %swap3A_582 = arith.constant 432 : index
      %swap3A_583 = tpu.vector_load %arg6[%swap3A_582] {strides = array<i32>} : memref<768xf32, #tpu.memory_space<vmem>>, vector<16xf32>,
      %swap3A_584 = vector.shape_cast %swap3A_583 : vector<16xf32> to vector<16xf32>
      %swap3A_585 = vector.shape_cast %scan3A_568#3 : vector<16xf32> to vector<16xf32>
      tpu.vector_store %arg6[%swap3A_582], %swap3A_585 {strides = array<i32>} : memref<768xf32, #tpu.memory_space<vmem>>, vector<16xf32>,
      %get3A_586 = arith.constant 448 : index
      %get3A_587 = tpu.vector_load %arg6[%get3A_586] {strides = array<i32>} : memref<768xf32, #tpu.memory_space<vmem>>, vector<16xf32>,
      %get3A_588 = vector.shape_cast %get3A_587 : vector<16xf32> to vector<16xf32>
      %get3A_589 = arith.constant 464 : index
      %get3A_590 = tpu.vector_load %arg6[%get3A_589] {strides = array<i32>} : memref<768xf32, #tpu.memory_space<vmem>>, vector<16xf32>,
      %get3A_591 = vector.shape_cast %get3A_590 : vector<16xf32> to vector<16xf32>
      %get3A_592 = arith.constant 480 : index
      %get3A_593 = tpu.vector_load %arg6[%get3A_592] {strides = array<i32>} : memref<768xf32, #tpu.memory_space<vmem>>, vector<16xf32>,
      %get3A_594 = vector.shape_cast %get3A_593 : vector<16xf32> to vector<16xf32>
      %get3A_595 = arith.constant 496 : index
      %get3A_596 = tpu.vector_load %arg6[%get3A_595] {strides = array<i32>} : memref<768xf32, #tpu.memory_space<vmem>>, vector<16xf32>,
      %get3A_597 = vector.shape_cast %get3A_596 : vector<16xf32> to vector<16xf32>
      %scan3A_598 = arith.constant 0 : i32
      %scan3A_599 = arith.constant 16 : i32
      %scan3A_600 = arith.addi %scan3A_598, %scan3A_599 : i32
      %scan3A_601 = arith.constant 1 : i32
      %scan3A_602:4 = scf.for %scan3A_1187 = %scan3A_598 to %scan3A_600 step %scan3A_601 iter_args(%scan3A_1188 = %get3A_588, %scan3A_1189 = %get3A_591, %scan3A_1190 = %get3A_594, %scan3A_1191 = %get3A_597) -> (vector<16xf32>, vector<16xf32>, vector<16xf32>, vector<16xf32>)  : i32 {
        %mul3A_1192 = arith.constant 4 : i32
        %mul3A_1193 = arith.muli %scan3A_1187, %mul3A_1192 : i32
        %add3A_1194 = arith.constant 0 : i32
        %add3A_1195 = arith.addi %mul3A_1193, %add3A_1194 : i32
        %get3A_1196 = arith.index_cast %add3A_1195 : i32 to index
        %get3A_1197 = arith.constant 448 : index
        %get3A_1198 = tpu.vector_load %arg4[%get3A_1196, %get3A_1197] {strides = array<i32>} : memref<64x768xf32, #tpu.memory_space<vmem>>, vector<1x16xf32>,
        %get3A_1199 = vector.shape_cast %get3A_1198 : vector<1x16xf32> to vector<16xf32>
        %add3A_1200 = arith.addf %scan3A_1188, %get3A_1199 : vector<16xf32>
        %get3A_1201 = arith.index_cast %add3A_1195 : i32 to index
        %get3A_1202 = arith.constant 464 : index
        %get3A_1203 = tpu.vector_load %arg4[%get3A_1201, %get3A_1202] {strides = array<i32>} : memref<64x768xf32, #tpu.memory_space<vmem>>, vector<1x16xf32>,
        %get3A_1204 = vector.shape_cast %get3A_1203 : vector<1x16xf32> to vector<16xf32>
        %add3A_1205 = arith.addf %scan3A_1189, %get3A_1204 : vector<16xf32>
        %get3A_1206 = arith.index_cast %add3A_1195 : i32 to index
        %get3A_1207 = arith.constant 480 : index
        %get3A_1208 = tpu.vector_load %arg4[%get3A_1206, %get3A_1207] {strides = array<i32>} : memref<64x768xf32, #tpu.memory_space<vmem>>, vector<1x16xf32>,
        %get3A_1209 = vector.shape_cast %get3A_1208 : vector<1x16xf32> to vector<16xf32>
        %add3A_1210 = arith.addf %scan3A_1190, %get3A_1209 : vector<16xf32>
        %get3A_1211 = arith.index_cast %add3A_1195 : i32 to index
        %get3A_1212 = arith.constant 496 : index
        %get3A_1213 = tpu.vector_load %arg4[%get3A_1211, %get3A_1212] {strides = array<i32>} : memref<64x768xf32, #tpu.memory_space<vmem>>, vector<1x16xf32>,
        %get3A_1214 = vector.shape_cast %get3A_1213 : vector<1x16xf32> to vector<16xf32>
        %add3A_1215 = arith.addf %scan3A_1191, %get3A_1214 : vector<16xf32>
        %mul3A_1216 = arith.constant 4 : i32
        %mul3A_1217 = arith.muli %scan3A_1187, %mul3A_1216 : i32
        %add3A_1218 = arith.constant 1 : i32
        %add3A_1219 = arith.addi %mul3A_1217, %add3A_1218 : i32
        %get3A_1220 = arith.index_cast %add3A_1219 : i32 to index
        %get3A_1221 = arith.constant 448 : index
        %get3A_1222 = tpu.vector_load %arg4[%get3A_1220, %get3A_1221] {strides = array<i32>} : memref<64x768xf32, #tpu.memory_space<vmem>>, vector<1x16xf32>,
        %get3A_1223 = vector.shape_cast %get3A_1222 : vector<1x16xf32> to vector<16xf32>
        %add3A_1224 = arith.addf %add3A_1200, %get3A_1223 : vector<16xf32>
        %get3A_1225 = arith.index_cast %add3A_1219 : i32 to index
        %get3A_1226 = arith.constant 464 : index
        %get3A_1227 = tpu.vector_load %arg4[%get3A_1225, %get3A_1226] {strides = array<i32>} : memref<64x768xf32, #tpu.memory_space<vmem>>, vector<1x16xf32>,
        %get3A_1228 = vector.shape_cast %get3A_1227 : vector<1x16xf32> to vector<16xf32>
        %add3A_1229 = arith.addf %add3A_1205, %get3A_1228 : vector<16xf32>
        %get3A_1230 = arith.index_cast %add3A_1219 : i32 to index
        %get3A_1231 = arith.constant 480 : index
        %get3A_1232 = tpu.vector_load %arg4[%get3A_1230, %get3A_1231] {strides = array<i32>} : memref<64x768xf32, #tpu.memory_space<vmem>>, vector<1x16xf32>,
        %get3A_1233 = vector.shape_cast %get3A_1232 : vector<1x16xf32> to vector<16xf32>
        %add3A_1234 = arith.addf %add3A_1210, %get3A_1233 : vector<16xf32>
        %get3A_1235 = arith.index_cast %add3A_1219 : i32 to index
        %get3A_1236 = arith.constant 496 : index
        %get3A_1237 = tpu.vector_load %arg4[%get3A_1235, %get3A_1236] {strides = array<i32>} : memref<64x768xf32, #tpu.memory_space<vmem>>, vector<1x16xf32>,
        %get3A_1238 = vector.shape_cast %get3A_1237 : vector<1x16xf32> to vector<16xf32>
        %add3A_1239 = arith.addf %add3A_1215, %get3A_1238 : vector<16xf32>
        %mul3A_1240 = arith.constant 4 : i32
        %mul3A_1241 = arith.muli %scan3A_1187, %mul3A_1240 : i32
        %add3A_1242 = arith.constant 2 : i32
        %add3A_1243 = arith.addi %mul3A_1241, %add3A_1242 : i32
        %get3A_1244 = arith.index_cast %add3A_1243 : i32 to index
        %get3A_1245 = arith.constant 448 : index
        %get3A_1246 = tpu.vector_load %arg4[%get3A_1244, %get3A_1245] {strides = array<i32>} : memref<64x768xf32, #tpu.memory_space<vmem>>, vector<1x16xf32>,
        %get3A_1247 = vector.shape_cast %get3A_1246 : vector<1x16xf32> to vector<16xf32>
        %add3A_1248 = arith.addf %add3A_1224, %get3A_1247 : vector<16xf32>
        %get3A_1249 = arith.index_cast %add3A_1243 : i32 to index
        %get3A_1250 = arith.constant 464 : index
        %get3A_1251 = tpu.vector_load %arg4[%get3A_1249, %get3A_1250] {strides = array<i32>} : memref<64x768xf32, #tpu.memory_space<vmem>>, vector<1x16xf32>,
        %get3A_1252 = vector.shape_cast %get3A_1251 : vector<1x16xf32> to vector<16xf32>
        %add3A_1253 = arith.addf %add3A_1229, %get3A_1252 : vector<16xf32>
        %get3A_1254 = arith.index_cast %add3A_1243 : i32 to index
        %get3A_1255 = arith.constant 480 : index
        %get3A_1256 = tpu.vector_load %arg4[%get3A_1254, %get3A_1255] {strides = array<i32>} : memref<64x768xf32, #tpu.memory_space<vmem>>, vector<1x16xf32>,
        %get3A_1257 = vector.shape_cast %get3A_1256 : vector<1x16xf32> to vector<16xf32>
        %add3A_1258 = arith.addf %add3A_1234, %get3A_1257 : vector<16xf32>
        %get3A_1259 = arith.index_cast %add3A_1243 : i32 to index
        %get3A_1260 = arith.constant 496 : index
        %get3A_1261 = tpu.vector_load %arg4[%get3A_1259, %get3A_1260] {strides = array<i32>} : memref<64x768xf32, #tpu.memory_space<vmem>>, vector<1x16xf32>,
        %get3A_1262 = vector.shape_cast %get3A_1261 : vector<1x16xf32> to vector<16xf32>
        %add3A_1263 = arith.addf %add3A_1239, %get3A_1262 : vector<16xf32>
        %mul3A_1264 = arith.constant 4 : i32
        %mul3A_1265 = arith.muli %scan3A_1187, %mul3A_1264 : i32
        %add3A_1266 = arith.constant 3 : i32
        %add3A_1267 = arith.addi %mul3A_1265, %add3A_1266 : i32
        %get3A_1268 = arith.index_cast %add3A_1267 : i32 to index
        %get3A_1269 = arith.constant 448 : index
        %get3A_1270 = tpu.vector_load %arg4[%get3A_1268, %get3A_1269] {strides = array<i32>} : memref<64x768xf32, #tpu.memory_space<vmem>>, vector<1x16xf32>,
        %get3A_1271 = vector.shape_cast %get3A_1270 : vector<1x16xf32> to vector<16xf32>
        %add3A_1272 = arith.addf %add3A_1248, %get3A_1271 : vector<16xf32>
        %get3A_1273 = arith.index_cast %add3A_1267 : i32 to index
        %get3A_1274 = arith.constant 464 : index
        %get3A_1275 = tpu.vector_load %arg4[%get3A_1273, %get3A_1274] {strides = array<i32>} : memref<64x768xf32, #tpu.memory_space<vmem>>, vector<1x16xf32>,
        %get3A_1276 = vector.shape_cast %get3A_1275 : vector<1x16xf32> to vector<16xf32>
        %add3A_1277 = arith.addf %add3A_1253, %get3A_1276 : vector<16xf32>
        %get3A_1278 = arith.index_cast %add3A_1267 : i32 to index
        %get3A_1279 = arith.constant 480 : index
        %get3A_1280 = tpu.vector_load %arg4[%get3A_1278, %get3A_1279] {strides = array<i32>} : memref<64x768xf32, #tpu.memory_space<vmem>>, vector<1x16xf32>,
        %get3A_1281 = vector.shape_cast %get3A_1280 : vector<1x16xf32> to vector<16xf32>
        %add3A_1282 = arith.addf %add3A_1258, %get3A_1281 : vector<16xf32>
        %get3A_1283 = arith.index_cast %add3A_1267 : i32 to index
        %get3A_1284 = arith.constant 496 : index
        %get3A_1285 = tpu.vector_load %arg4[%get3A_1283, %get3A_1284] {strides = array<i32>} : memref<64x768xf32, #tpu.memory_space<vmem>>, vector<1x16xf32>,
        %get3A_1286 = vector.shape_cast %get3A_1285 : vector<1x16xf32> to vector<16xf32>
        %add3A_1287 = arith.addf %add3A_1263, %get3A_1286 : vector<16xf32>
        scf.yield %add3A_1272, %add3A_1277, %add3A_1282, %add3A_1287 : vector<16xf32>, vector<16xf32>, vector<16xf32>, vector<16xf32>
      }
      %scan3A_603 = arith.constant 16 : i32
      %swap3A_604 = arith.constant 448 : index
      %swap3A_605 = tpu.vector_load %arg6[%swap3A_604] {strides = array<i32>} : memref<768xf32, #tpu.memory_space<vmem>>, vector<16xf32>,
      %swap3A_606 = vector.shape_cast %swap3A_605 : vector<16xf32> to vector<16xf32>
      %swap3A_607 = vector.shape_cast %scan3A_602#0 : vector<16xf32> to vector<16xf32>
      tpu.vector_store %arg6[%swap3A_604], %swap3A_607 {strides = array<i32>} : memref<768xf32, #tpu.memory_space<vmem>>, vector<16xf32>,
      %swap3A_608 = arith.constant 464 : index
      %swap3A_609 = tpu.vector_load %arg6[%swap3A_608] {strides = array<i32>} : memref<768xf32, #tpu.memory_space<vmem>>, vector<16xf32>,
      %swap3A_610 = vector.shape_cast %swap3A_609 : vector<16xf32> to vector<16xf32>
      %swap3A_611 = vector.shape_cast %scan3A_602#1 : vector<16xf32> to vector<16xf32>
      tpu.vector_store %arg6[%swap3A_608], %swap3A_611 {strides = array<i32>} : memref<768xf32, #tpu.memory_space<vmem>>, vector<16xf32>,
      %swap3A_612 = arith.constant 480 : index
      %swap3A_613 = tpu.vector_load %arg6[%swap3A_612] {strides = array<i32>} : memref<768xf32, #tpu.memory_space<vmem>>, vector<16xf32>,
      %swap3A_614 = vector.shape_cast %swap3A_613 : vector<16xf32> to vector<16xf32>
      %swap3A_615 = vector.shape_cast %scan3A_602#2 : vector<16xf32> to vector<16xf32>
      tpu.vector_store %arg6[%swap3A_612], %swap3A_615 {strides = array<i32>} : memref<768xf32, #tpu.memory_space<vmem>>, vector<16xf32>,
      %swap3A_616 = arith.constant 496 : index
      %swap3A_617 = tpu.vector_load %arg6[%swap3A_616] {strides = array<i32>} : memref<768xf32, #tpu.memory_space<vmem>>, vector<16xf32>,
      %swap3A_618 = vector.shape_cast %swap3A_617 : vector<16xf32> to vector<16xf32>
      %swap3A_619 = vector.shape_cast %scan3A_602#3 : vector<16xf32> to vector<16xf32>
      tpu.vector_store %arg6[%swap3A_616], %swap3A_619 {strides = array<i32>} : memref<768xf32, #tpu.memory_space<vmem>>, vector<16xf32>,
      %get3A_620 = arith.constant 512 : index
      %get3A_621 = tpu.vector_load %arg6[%get3A_620] {strides = array<i32>} : memref<768xf32, #tpu.memory_space<vmem>>, vector<16xf32>,
      %get3A_622 = vector.shape_cast %get3A_621 : vector<16xf32> to vector<16xf32>
      %get3A_623 = arith.constant 528 : index
      %get3A_624 = tpu.vector_load %arg6[%get3A_623] {strides = array<i32>} : memref<768xf32, #tpu.memory_space<vmem>>, vector<16xf32>,
      %get3A_625 = vector.shape_cast %get3A_624 : vector<16xf32> to vector<16xf32>
      %get3A_626 = arith.constant 544 : index
      %get3A_627 = tpu.vector_load %arg6[%get3A_626] {strides = array<i32>} : memref<768xf32, #tpu.memory_space<vmem>>, vector<16xf32>,
      %get3A_628 = vector.shape_cast %get3A_627 : vector<16xf32> to vector<16xf32>
      %get3A_629 = arith.constant 560 : index
      %get3A_630 = tpu.vector_load %arg6[%get3A_629] {strides = array<i32>} : memref<768xf32, #tpu.memory_space<vmem>>, vector<16xf32>,
      %get3A_631 = vector.shape_cast %get3A_630 : vector<16xf32> to vector<16xf32>
      %scan3A_632 = arith.constant 0 : i32
      %scan3A_633 = arith.constant 16 : i32
      %scan3A_634 = arith.addi %scan3A_632, %scan3A_633 : i32
      %scan3A_635 = arith.constant 1 : i32
      %scan3A_636:4 = scf.for %scan3A_1187 = %scan3A_632 to %scan3A_634 step %scan3A_635 iter_args(%scan3A_1188 = %get3A_622, %scan3A_1189 = %get3A_625, %scan3A_1190 = %get3A_628, %scan3A_1191 = %get3A_631) -> (vector<16xf32>, vector<16xf32>, vector<16xf32>, vector<16xf32>)  : i32 {
        %mul3A_1192 = arith.constant 4 : i32
        %mul3A_1193 = arith.muli %scan3A_1187, %mul3A_1192 : i32
        %add3A_1194 = arith.constant 0 : i32
        %add3A_1195 = arith.addi %mul3A_1193, %add3A_1194 : i32
        %get3A_1196 = arith.index_cast %add3A_1195 : i32 to index
        %get3A_1197 = arith.constant 512 : index
        %get3A_1198 = tpu.vector_load %arg4[%get3A_1196, %get3A_1197] {strides = array<i32>} : memref<64x768xf32, #tpu.memory_space<vmem>>, vector<1x16xf32>,
        %get3A_1199 = vector.shape_cast %get3A_1198 : vector<1x16xf32> to vector<16xf32>
        %add3A_1200 = arith.addf %scan3A_1188, %get3A_1199 : vector<16xf32>
        %get3A_1201 = arith.index_cast %add3A_1195 : i32 to index
        %get3A_1202 = arith.constant 528 : index
        %get3A_1203 = tpu.vector_load %arg4[%get3A_1201, %get3A_1202] {strides = array<i32>} : memref<64x768xf32, #tpu.memory_space<vmem>>, vector<1x16xf32>,
        %get3A_1204 = vector.shape_cast %get3A_1203 : vector<1x16xf32> to vector<16xf32>
        %add3A_1205 = arith.addf %scan3A_1189, %get3A_1204 : vector<16xf32>
        %get3A_1206 = arith.index_cast %add3A_1195 : i32 to index
        %get3A_1207 = arith.constant 544 : index
        %get3A_1208 = tpu.vector_load %arg4[%get3A_1206, %get3A_1207] {strides = array<i32>} : memref<64x768xf32, #tpu.memory_space<vmem>>, vector<1x16xf32>,
        %get3A_1209 = vector.shape_cast %get3A_1208 : vector<1x16xf32> to vector<16xf32>
        %add3A_1210 = arith.addf %scan3A_1190, %get3A_1209 : vector<16xf32>
        %get3A_1211 = arith.index_cast %add3A_1195 : i32 to index
        %get3A_1212 = arith.constant 560 : index
        %get3A_1213 = tpu.vector_load %arg4[%get3A_1211, %get3A_1212] {strides = array<i32>} : memref<64x768xf32, #tpu.memory_space<vmem>>, vector<1x16xf32>,
        %get3A_1214 = vector.shape_cast %get3A_1213 : vector<1x16xf32> to vector<16xf32>
        %add3A_1215 = arith.addf %scan3A_1191, %get3A_1214 : vector<16xf32>
        %mul3A_1216 = arith.constant 4 : i32
        %mul3A_1217 = arith.muli %scan3A_1187, %mul3A_1216 : i32
        %add3A_1218 = arith.constant 1 : i32
        %add3A_1219 = arith.addi %mul3A_1217, %add3A_1218 : i32
        %get3A_1220 = arith.index_cast %add3A_1219 : i32 to index
        %get3A_1221 = arith.constant 512 : index
        %get3A_1222 = tpu.vector_load %arg4[%get3A_1220, %get3A_1221] {strides = array<i32>} : memref<64x768xf32, #tpu.memory_space<vmem>>, vector<1x16xf32>,
        %get3A_1223 = vector.shape_cast %get3A_1222 : vector<1x16xf32> to vector<16xf32>
        %add3A_1224 = arith.addf %add3A_1200, %get3A_1223 : vector<16xf32>
        %get3A_1225 = arith.index_cast %add3A_1219 : i32 to index
        %get3A_1226 = arith.constant 528 : index
        %get3A_1227 = tpu.vector_load %arg4[%get3A_1225, %get3A_1226] {strides = array<i32>} : memref<64x768xf32, #tpu.memory_space<vmem>>, vector<1x16xf32>,
        %get3A_1228 = vector.shape_cast %get3A_1227 : vector<1x16xf32> to vector<16xf32>
        %add3A_1229 = arith.addf %add3A_1205, %get3A_1228 : vector<16xf32>
        %get3A_1230 = arith.index_cast %add3A_1219 : i32 to index
        %get3A_1231 = arith.constant 544 : index
        %get3A_1232 = tpu.vector_load %arg4[%get3A_1230, %get3A_1231] {strides = array<i32>} : memref<64x768xf32, #tpu.memory_space<vmem>>, vector<1x16xf32>,
        %get3A_1233 = vector.shape_cast %get3A_1232 : vector<1x16xf32> to vector<16xf32>
        %add3A_1234 = arith.addf %add3A_1210, %get3A_1233 : vector<16xf32>
        %get3A_1235 = arith.index_cast %add3A_1219 : i32 to index
        %get3A_1236 = arith.constant 560 : index
        %get3A_1237 = tpu.vector_load %arg4[%get3A_1235, %get3A_1236] {strides = array<i32>} : memref<64x768xf32, #tpu.memory_space<vmem>>, vector<1x16xf32>,
        %get3A_1238 = vector.shape_cast %get3A_1237 : vector<1x16xf32> to vector<16xf32>
        %add3A_1239 = arith.addf %add3A_1215, %get3A_1238 : vector<16xf32>
        %mul3A_1240 = arith.constant 4 : i32
        %mul3A_1241 = arith.muli %scan3A_1187, %mul3A_1240 : i32
        %add3A_1242 = arith.constant 2 : i32
        %add3A_1243 = arith.addi %mul3A_1241, %add3A_1242 : i32
        %get3A_1244 = arith.index_cast %add3A_1243 : i32 to index
        %get3A_1245 = arith.constant 512 : index
        %get3A_1246 = tpu.vector_load %arg4[%get3A_1244, %get3A_1245] {strides = array<i32>} : memref<64x768xf32, #tpu.memory_space<vmem>>, vector<1x16xf32>,
        %get3A_1247 = vector.shape_cast %get3A_1246 : vector<1x16xf32> to vector<16xf32>
        %add3A_1248 = arith.addf %add3A_1224, %get3A_1247 : vector<16xf32>
        %get3A_1249 = arith.index_cast %add3A_1243 : i32 to index
        %get3A_1250 = arith.constant 528 : index
        %get3A_1251 = tpu.vector_load %arg4[%get3A_1249, %get3A_1250] {strides = array<i32>} : memref<64x768xf32, #tpu.memory_space<vmem>>, vector<1x16xf32>,
        %get3A_1252 = vector.shape_cast %get3A_1251 : vector<1x16xf32> to vector<16xf32>
        %add3A_1253 = arith.addf %add3A_1229, %get3A_1252 : vector<16xf32>
        %get3A_1254 = arith.index_cast %add3A_1243 : i32 to index
        %get3A_1255 = arith.constant 544 : index
        %get3A_1256 = tpu.vector_load %arg4[%get3A_1254, %get3A_1255] {strides = array<i32>} : memref<64x768xf32, #tpu.memory_space<vmem>>, vector<1x16xf32>,
        %get3A_1257 = vector.shape_cast %get3A_1256 : vector<1x16xf32> to vector<16xf32>
        %add3A_1258 = arith.addf %add3A_1234, %get3A_1257 : vector<16xf32>
        %get3A_1259 = arith.index_cast %add3A_1243 : i32 to index
        %get3A_1260 = arith.constant 560 : index
        %get3A_1261 = tpu.vector_load %arg4[%get3A_1259, %get3A_1260] {strides = array<i32>} : memref<64x768xf32, #tpu.memory_space<vmem>>, vector<1x16xf32>,
        %get3A_1262 = vector.shape_cast %get3A_1261 : vector<1x16xf32> to vector<16xf32>
        %add3A_1263 = arith.addf %add3A_1239, %get3A_1262 : vector<16xf32>
        %mul3A_1264 = arith.constant 4 : i32
        %mul3A_1265 = arith.muli %scan3A_1187, %mul3A_1264 : i32
        %add3A_1266 = arith.constant 3 : i32
        %add3A_1267 = arith.addi %mul3A_1265, %add3A_1266 : i32
        %get3A_1268 = arith.index_cast %add3A_1267 : i32 to index
        %get3A_1269 = arith.constant 512 : index
        %get3A_1270 = tpu.vector_load %arg4[%get3A_1268, %get3A_1269] {strides = array<i32>} : memref<64x768xf32, #tpu.memory_space<vmem>>, vector<1x16xf32>,
        %get3A_1271 = vector.shape_cast %get3A_1270 : vector<1x16xf32> to vector<16xf32>
        %add3A_1272 = arith.addf %add3A_1248, %get3A_1271 : vector<16xf32>
        %get3A_1273 = arith.index_cast %add3A_1267 : i32 to index
        %get3A_1274 = arith.constant 528 : index
        %get3A_1275 = tpu.vector_load %arg4[%get3A_1273, %get3A_1274] {strides = array<i32>} : memref<64x768xf32, #tpu.memory_space<vmem>>, vector<1x16xf32>,
        %get3A_1276 = vector.shape_cast %get3A_1275 : vector<1x16xf32> to vector<16xf32>
        %add3A_1277 = arith.addf %add3A_1253, %get3A_1276 : vector<16xf32>
        %get3A_1278 = arith.index_cast %add3A_1267 : i32 to index
        %get3A_1279 = arith.constant 544 : index
        %get3A_1280 = tpu.vector_load %arg4[%get3A_1278, %get3A_1279] {strides = array<i32>} : memref<64x768xf32, #tpu.memory_space<vmem>>, vector<1x16xf32>,
        %get3A_1281 = vector.shape_cast %get3A_1280 : vector<1x16xf32> to vector<16xf32>
        %add3A_1282 = arith.addf %add3A_1258, %get3A_1281 : vector<16xf32>
        %get3A_1283 = arith.index_cast %add3A_1267 : i32 to index
        %get3A_1284 = arith.constant 560 : index
        %get3A_1285 = tpu.vector_load %arg4[%get3A_1283, %get3A_1284] {strides = array<i32>} : memref<64x768xf32, #tpu.memory_space<vmem>>, vector<1x16xf32>,
        %get3A_1286 = vector.shape_cast %get3A_1285 : vector<1x16xf32> to vector<16xf32>
        %add3A_1287 = arith.addf %add3A_1263, %get3A_1286 : vector<16xf32>
        scf.yield %add3A_1272, %add3A_1277, %add3A_1282, %add3A_1287 : vector<16xf32>, vector<16xf32>, vector<16xf32>, vector<16xf32>
      }
      %scan3A_637 = arith.constant 16 : i32
      %swap3A_638 = arith.constant 512 : index
      %swap3A_639 = tpu.vector_load %arg6[%swap3A_638] {strides = array<i32>} : memref<768xf32, #tpu.memory_space<vmem>>, vector<16xf32>,
      %swap3A_640 = vector.shape_cast %swap3A_639 : vector<16xf32> to vector<16xf32>
      %swap3A_641 = vector.shape_cast %scan3A_636#0 : vector<16xf32> to vector<16xf32>
      tpu.vector_store %arg6[%swap3A_638], %swap3A_641 {strides = array<i32>} : memref<768xf32, #tpu.memory_space<vmem>>, vector<16xf32>,
      %swap3A_642 = arith.constant 528 : index
      %swap3A_643 = tpu.vector_load %arg6[%swap3A_642] {strides = array<i32>} : memref<768xf32, #tpu.memory_space<vmem>>, vector<16xf32>,
      %swap3A_644 = vector.shape_cast %swap3A_643 : vector<16xf32> to vector<16xf32>
      %swap3A_645 = vector.shape_cast %scan3A_636#1 : vector<16xf32> to vector<16xf32>
      tpu.vector_store %arg6[%swap3A_642], %swap3A_645 {strides = array<i32>} : memref<768xf32, #tpu.memory_space<vmem>>, vector<16xf32>,
      %swap3A_646 = arith.constant 544 : index
      %swap3A_647 = tpu.vector_load %arg6[%swap3A_646] {strides = array<i32>} : memref<768xf32, #tpu.memory_space<vmem>>, vector<16xf32>,
      %swap3A_648 = vector.shape_cast %swap3A_647 : vector<16xf32> to vector<16xf32>
      %swap3A_649 = vector.shape_cast %scan3A_636#2 : vector<16xf32> to vector<16xf32>
      tpu.vector_store %arg6[%swap3A_646], %swap3A_649 {strides = array<i32>} : memref<768xf32, #tpu.memory_space<vmem>>, vector<16xf32>,
      %swap3A_650 = arith.constant 560 : index
      %swap3A_651 = tpu.vector_load %arg6[%swap3A_650] {strides = array<i32>} : memref<768xf32, #tpu.memory_space<vmem>>, vector<16xf32>,
      %swap3A_652 = vector.shape_cast %swap3A_651 : vector<16xf32> to vector<16xf32>
      %swap3A_653 = vector.shape_cast %scan3A_636#3 : vector<16xf32> to vector<16xf32>
      tpu.vector_store %arg6[%swap3A_650], %swap3A_653 {strides = array<i32>} : memref<768xf32, #tpu.memory_space<vmem>>, vector<16xf32>,
      %get3A_654 = arith.constant 576 : index
      %get3A_655 = tpu.vector_load %arg6[%get3A_654] {strides = array<i32>} : memref<768xf32, #tpu.memory_space<vmem>>, vector<16xf32>,
      %get3A_656 = vector.shape_cast %get3A_655 : vector<16xf32> to vector<16xf32>
      %get3A_657 = arith.constant 592 : index
      %get3A_658 = tpu.vector_load %arg6[%get3A_657] {strides = array<i32>} : memref<768xf32, #tpu.memory_space<vmem>>, vector<16xf32>,
      %get3A_659 = vector.shape_cast %get3A_658 : vector<16xf32> to vector<16xf32>
      %get3A_660 = arith.constant 608 : index
      %get3A_661 = tpu.vector_load %arg6[%get3A_660] {strides = array<i32>} : memref<768xf32, #tpu.memory_space<vmem>>, vector<16xf32>,
      %get3A_662 = vector.shape_cast %get3A_661 : vector<16xf32> to vector<16xf32>
      %get3A_663 = arith.constant 624 : index
      %get3A_664 = tpu.vector_load %arg6[%get3A_663] {strides = array<i32>} : memref<768xf32, #tpu.memory_space<vmem>>, vector<16xf32>,
      %get3A_665 = vector.shape_cast %get3A_664 : vector<16xf32> to vector<16xf32>
      %scan3A_666 = arith.constant 0 : i32
      %scan3A_667 = arith.constant 16 : i32
      %scan3A_668 = arith.addi %scan3A_666, %scan3A_667 : i32
      %scan3A_669 = arith.constant 1 : i32
      %scan3A_670:4 = scf.for %scan3A_1187 = %scan3A_666 to %scan3A_668 step %scan3A_669 iter_args(%scan3A_1188 = %get3A_656, %scan3A_1189 = %get3A_659, %scan3A_1190 = %get3A_662, %scan3A_1191 = %get3A_665) -> (vector<16xf32>, vector<16xf32>, vector<16xf32>, vector<16xf32>)  : i32 {
        %mul3A_1192 = arith.constant 4 : i32
        %mul3A_1193 = arith.muli %scan3A_1187, %mul3A_1192 : i32
        %add3A_1194 = arith.constant 0 : i32
        %add3A_1195 = arith.addi %mul3A_1193, %add3A_1194 : i32
        %get3A_1196 = arith.index_cast %add3A_1195 : i32 to index
        %get3A_1197 = arith.constant 576 : index
        %get3A_1198 = tpu.vector_load %arg4[%get3A_1196, %get3A_1197] {strides = array<i32>} : memref<64x768xf32, #tpu.memory_space<vmem>>, vector<1x16xf32>,
        %get3A_1199 = vector.shape_cast %get3A_1198 : vector<1x16xf32> to vector<16xf32>
        %add3A_1200 = arith.addf %scan3A_1188, %get3A_1199 : vector<16xf32>
        %get3A_1201 = arith.index_cast %add3A_1195 : i32 to index
        %get3A_1202 = arith.constant 592 : index
        %get3A_1203 = tpu.vector_load %arg4[%get3A_1201, %get3A_1202] {strides = array<i32>} : memref<64x768xf32, #tpu.memory_space<vmem>>, vector<1x16xf32>,
        %get3A_1204 = vector.shape_cast %get3A_1203 : vector<1x16xf32> to vector<16xf32>
        %add3A_1205 = arith.addf %scan3A_1189, %get3A_1204 : vector<16xf32>
        %get3A_1206 = arith.index_cast %add3A_1195 : i32 to index
        %get3A_1207 = arith.constant 608 : index
        %get3A_1208 = tpu.vector_load %arg4[%get3A_1206, %get3A_1207] {strides = array<i32>} : memref<64x768xf32, #tpu.memory_space<vmem>>, vector<1x16xf32>,
        %get3A_1209 = vector.shape_cast %get3A_1208 : vector<1x16xf32> to vector<16xf32>
        %add3A_1210 = arith.addf %scan3A_1190, %get3A_1209 : vector<16xf32>
        %get3A_1211 = arith.index_cast %add3A_1195 : i32 to index
        %get3A_1212 = arith.constant 624 : index
        %get3A_1213 = tpu.vector_load %arg4[%get3A_1211, %get3A_1212] {strides = array<i32>} : memref<64x768xf32, #tpu.memory_space<vmem>>, vector<1x16xf32>,
        %get3A_1214 = vector.shape_cast %get3A_1213 : vector<1x16xf32> to vector<16xf32>
        %add3A_1215 = arith.addf %scan3A_1191, %get3A_1214 : vector<16xf32>
        %mul3A_1216 = arith.constant 4 : i32
        %mul3A_1217 = arith.muli %scan3A_1187, %mul3A_1216 : i32
        %add3A_1218 = arith.constant 1 : i32
        %add3A_1219 = arith.addi %mul3A_1217, %add3A_1218 : i32
        %get3A_1220 = arith.index_cast %add3A_1219 : i32 to index
        %get3A_1221 = arith.constant 576 : index
        %get3A_1222 = tpu.vector_load %arg4[%get3A_1220, %get3A_1221] {strides = array<i32>} : memref<64x768xf32, #tpu.memory_space<vmem>>, vector<1x16xf32>,
        %get3A_1223 = vector.shape_cast %get3A_1222 : vector<1x16xf32> to vector<16xf32>
        %add3A_1224 = arith.addf %add3A_1200, %get3A_1223 : vector<16xf32>
        %get3A_1225 = arith.index_cast %add3A_1219 : i32 to index
        %get3A_1226 = arith.constant 592 : index
        %get3A_1227 = tpu.vector_load %arg4[%get3A_1225, %get3A_1226] {strides = array<i32>} : memref<64x768xf32, #tpu.memory_space<vmem>>, vector<1x16xf32>,
        %get3A_1228 = vector.shape_cast %get3A_1227 : vector<1x16xf32> to vector<16xf32>
        %add3A_1229 = arith.addf %add3A_1205, %get3A_1228 : vector<16xf32>
        %get3A_1230 = arith.index_cast %add3A_1219 : i32 to index
        %get3A_1231 = arith.constant 608 : index
        %get3A_1232 = tpu.vector_load %arg4[%get3A_1230, %get3A_1231] {strides = array<i32>} : memref<64x768xf32, #tpu.memory_space<vmem>>, vector<1x16xf32>,
        %get3A_1233 = vector.shape_cast %get3A_1232 : vector<1x16xf32> to vector<16xf32>
        %add3A_1234 = arith.addf %add3A_1210, %get3A_1233 : vector<16xf32>
        %get3A_1235 = arith.index_cast %add3A_1219 : i32 to index
        %get3A_1236 = arith.constant 624 : index
        %get3A_1237 = tpu.vector_load %arg4[%get3A_1235, %get3A_1236] {strides = array<i32>} : memref<64x768xf32, #tpu.memory_space<vmem>>, vector<1x16xf32>,
        %get3A_1238 = vector.shape_cast %get3A_1237 : vector<1x16xf32> to vector<16xf32>
        %add3A_1239 = arith.addf %add3A_1215, %get3A_1238 : vector<16xf32>
        %mul3A_1240 = arith.constant 4 : i32
        %mul3A_1241 = arith.muli %scan3A_1187, %mul3A_1240 : i32
        %add3A_1242 = arith.constant 2 : i32
        %add3A_1243 = arith.addi %mul3A_1241, %add3A_1242 : i32
        %get3A_1244 = arith.index_cast %add3A_1243 : i32 to index
        %get3A_1245 = arith.constant 576 : index
        %get3A_1246 = tpu.vector_load %arg4[%get3A_1244, %get3A_1245] {strides = array<i32>} : memref<64x768xf32, #tpu.memory_space<vmem>>, vector<1x16xf32>,
        %get3A_1247 = vector.shape_cast %get3A_1246 : vector<1x16xf32> to vector<16xf32>
        %add3A_1248 = arith.addf %add3A_1224, %get3A_1247 : vector<16xf32>
        %get3A_1249 = arith.index_cast %add3A_1243 : i32 to index
        %get3A_1250 = arith.constant 592 : index
        %get3A_1251 = tpu.vector_load %arg4[%get3A_1249, %get3A_1250] {strides = array<i32>} : memref<64x768xf32, #tpu.memory_space<vmem>>, vector<1x16xf32>,
        %get3A_1252 = vector.shape_cast %get3A_1251 : vector<1x16xf32> to vector<16xf32>
        %add3A_1253 = arith.addf %add3A_1229, %get3A_1252 : vector<16xf32>
        %get3A_1254 = arith.index_cast %add3A_1243 : i32 to index
        %get3A_1255 = arith.constant 608 : index
        %get3A_1256 = tpu.vector_load %arg4[%get3A_1254, %get3A_1255] {strides = array<i32>} : memref<64x768xf32, #tpu.memory_space<vmem>>, vector<1x16xf32>,
        %get3A_1257 = vector.shape_cast %get3A_1256 : vector<1x16xf32> to vector<16xf32>
        %add3A_1258 = arith.addf %add3A_1234, %get3A_1257 : vector<16xf32>
        %get3A_1259 = arith.index_cast %add3A_1243 : i32 to index
        %get3A_1260 = arith.constant 624 : index
        %get3A_1261 = tpu.vector_load %arg4[%get3A_1259, %get3A_1260] {strides = array<i32>} : memref<64x768xf32, #tpu.memory_space<vmem>>, vector<1x16xf32>,
        %get3A_1262 = vector.shape_cast %get3A_1261 : vector<1x16xf32> to vector<16xf32>
        %add3A_1263 = arith.addf %add3A_1239, %get3A_1262 : vector<16xf32>
        %mul3A_1264 = arith.constant 4 : i32
        %mul3A_1265 = arith.muli %scan3A_1187, %mul3A_1264 : i32
        %add3A_1266 = arith.constant 3 : i32
        %add3A_1267 = arith.addi %mul3A_1265, %add3A_1266 : i32
        %get3A_1268 = arith.index_cast %add3A_1267 : i32 to index
        %get3A_1269 = arith.constant 576 : index
        %get3A_1270 = tpu.vector_load %arg4[%get3A_1268, %get3A_1269] {strides = array<i32>} : memref<64x768xf32, #tpu.memory_space<vmem>>, vector<1x16xf32>,
        %get3A_1271 = vector.shape_cast %get3A_1270 : vector<1x16xf32> to vector<16xf32>
        %add3A_1272 = arith.addf %add3A_1248, %get3A_1271 : vector<16xf32>
        %get3A_1273 = arith.index_cast %add3A_1267 : i32 to index
        %get3A_1274 = arith.constant 592 : index
        %get3A_1275 = tpu.vector_load %arg4[%get3A_1273, %get3A_1274] {strides = array<i32>} : memref<64x768xf32, #tpu.memory_space<vmem>>, vector<1x16xf32>,
        %get3A_1276 = vector.shape_cast %get3A_1275 : vector<1x16xf32> to vector<16xf32>
        %add3A_1277 = arith.addf %add3A_1253, %get3A_1276 : vector<16xf32>
        %get3A_1278 = arith.index_cast %add3A_1267 : i32 to index
        %get3A_1279 = arith.constant 608 : index
        %get3A_1280 = tpu.vector_load %arg4[%get3A_1278, %get3A_1279] {strides = array<i32>} : memref<64x768xf32, #tpu.memory_space<vmem>>, vector<1x16xf32>,
        %get3A_1281 = vector.shape_cast %get3A_1280 : vector<1x16xf32> to vector<16xf32>
        %add3A_1282 = arith.addf %add3A_1258, %get3A_1281 : vector<16xf32>
        %get3A_1283 = arith.index_cast %add3A_1267 : i32 to index
        %get3A_1284 = arith.constant 624 : index
        %get3A_1285 = tpu.vector_load %arg4[%get3A_1283, %get3A_1284] {strides = array<i32>} : memref<64x768xf32, #tpu.memory_space<vmem>>, vector<1x16xf32>,
        %get3A_1286 = vector.shape_cast %get3A_1285 : vector<1x16xf32> to vector<16xf32>
        %add3A_1287 = arith.addf %add3A_1263, %get3A_1286 : vector<16xf32>
        scf.yield %add3A_1272, %add3A_1277, %add3A_1282, %add3A_1287 : vector<16xf32>, vector<16xf32>, vector<16xf32>, vector<16xf32>
      }
      %scan3A_671 = arith.constant 16 : i32
      %swap3A_672 = arith.constant 576 : index
      %swap3A_673 = tpu.vector_load %arg6[%swap3A_672] {strides = array<i32>} : memref<768xf32, #tpu.memory_space<vmem>>, vector<16xf32>,
      %swap3A_674 = vector.shape_cast %swap3A_673 : vector<16xf32> to vector<16xf32>
      %swap3A_675 = vector.shape_cast %scan3A_670#0 : vector<16xf32> to vector<16xf32>
      tpu.vector_store %arg6[%swap3A_672], %swap3A_675 {strides = array<i32>} : memref<768xf32, #tpu.memory_space<vmem>>, vector<16xf32>,
      %swap3A_676 = arith.constant 592 : index
      %swap3A_677 = tpu.vector_load %arg6[%swap3A_676] {strides = array<i32>} : memref<768xf32, #tpu.memory_space<vmem>>, vector<16xf32>,
      %swap3A_678 = vector.shape_cast %swap3A_677 : vector<16xf32> to vector<16xf32>
      %swap3A_679 = vector.shape_cast %scan3A_670#1 : vector<16xf32> to vector<16xf32>
      tpu.vector_store %arg6[%swap3A_676], %swap3A_679 {strides = array<i32>} : memref<768xf32, #tpu.memory_space<vmem>>, vector<16xf32>,
      %swap3A_680 = arith.constant 608 : index
      %swap3A_681 = tpu.vector_load %arg6[%swap3A_680] {strides = array<i32>} : memref<768xf32, #tpu.memory_space<vmem>>, vector<16xf32>,
      %swap3A_682 = vector.shape_cast %swap3A_681 : vector<16xf32> to vector<16xf32>
      %swap3A_683 = vector.shape_cast %scan3A_670#2 : vector<16xf32> to vector<16xf32>
      tpu.vector_store %arg6[%swap3A_680], %swap3A_683 {strides = array<i32>} : memref<768xf32, #tpu.memory_space<vmem>>, vector<16xf32>,
      %swap3A_684 = arith.constant 624 : index
      %swap3A_685 = tpu.vector_load %arg6[%swap3A_684] {strides = array<i32>} : memref<768xf32, #tpu.memory_space<vmem>>, vector<16xf32>,
      %swap3A_686 = vector.shape_cast %swap3A_685 : vector<16xf32> to vector<16xf32>
      %swap3A_687 = vector.shape_cast %scan3A_670#3 : vector<16xf32> to vector<16xf32>
      tpu.vector_store %arg6[%swap3A_684], %swap3A_687 {strides = array<i32>} : memref<768xf32, #tpu.memory_space<vmem>>, vector<16xf32>,
      %get3A_688 = arith.constant 640 : index
      %get3A_689 = tpu.vector_load %arg6[%get3A_688] {strides = array<i32>} : memref<768xf32, #tpu.memory_space<vmem>>, vector<16xf32>,
      %get3A_690 = vector.shape_cast %get3A_689 : vector<16xf32> to vector<16xf32>
      %get3A_691 = arith.constant 656 : index
      %get3A_692 = tpu.vector_load %arg6[%get3A_691] {strides = array<i32>} : memref<768xf32, #tpu.memory_space<vmem>>, vector<16xf32>,
      %get3A_693 = vector.shape_cast %get3A_692 : vector<16xf32> to vector<16xf32>
      %get3A_694 = arith.constant 672 : index
      %get3A_695 = tpu.vector_load %arg6[%get3A_694] {strides = array<i32>} : memref<768xf32, #tpu.memory_space<vmem>>, vector<16xf32>,
      %get3A_696 = vector.shape_cast %get3A_695 : vector<16xf32> to vector<16xf32>
      %get3A_697 = arith.constant 688 : index
      %get3A_698 = tpu.vector_load %arg6[%get3A_697] {strides = array<i32>} : memref<768xf32, #tpu.memory_space<vmem>>, vector<16xf32>,
      %get3A_699 = vector.shape_cast %get3A_698 : vector<16xf32> to vector<16xf32>
      %scan3A_700 = arith.constant 0 : i32
      %scan3A_701 = arith.constant 16 : i32
      %scan3A_702 = arith.addi %scan3A_700, %scan3A_701 : i32
      %scan3A_703 = arith.constant 1 : i32
      %scan3A_704:4 = scf.for %scan3A_1187 = %scan3A_700 to %scan3A_702 step %scan3A_703 iter_args(%scan3A_1188 = %get3A_690, %scan3A_1189 = %get3A_693, %scan3A_1190 = %get3A_696, %scan3A_1191 = %get3A_699) -> (vector<16xf32>, vector<16xf32>, vector<16xf32>, vector<16xf32>)  : i32 {
        %mul3A_1192 = arith.constant 4 : i32
        %mul3A_1193 = arith.muli %scan3A_1187, %mul3A_1192 : i32
        %add3A_1194 = arith.constant 0 : i32
        %add3A_1195 = arith.addi %mul3A_1193, %add3A_1194 : i32
        %get3A_1196 = arith.index_cast %add3A_1195 : i32 to index
        %get3A_1197 = arith.constant 640 : index
        %get3A_1198 = tpu.vector_load %arg4[%get3A_1196, %get3A_1197] {strides = array<i32>} : memref<64x768xf32, #tpu.memory_space<vmem>>, vector<1x16xf32>,
        %get3A_1199 = vector.shape_cast %get3A_1198 : vector<1x16xf32> to vector<16xf32>
        %add3A_1200 = arith.addf %scan3A_1188, %get3A_1199 : vector<16xf32>
        %get3A_1201 = arith.index_cast %add3A_1195 : i32 to index
        %get3A_1202 = arith.constant 656 : index
        %get3A_1203 = tpu.vector_load %arg4[%get3A_1201, %get3A_1202] {strides = array<i32>} : memref<64x768xf32, #tpu.memory_space<vmem>>, vector<1x16xf32>,
        %get3A_1204 = vector.shape_cast %get3A_1203 : vector<1x16xf32> to vector<16xf32>
        %add3A_1205 = arith.addf %scan3A_1189, %get3A_1204 : vector<16xf32>
        %get3A_1206 = arith.index_cast %add3A_1195 : i32 to index
        %get3A_1207 = arith.constant 672 : index
        %get3A_1208 = tpu.vector_load %arg4[%get3A_1206, %get3A_1207] {strides = array<i32>} : memref<64x768xf32, #tpu.memory_space<vmem>>, vector<1x16xf32>,
        %get3A_1209 = vector.shape_cast %get3A_1208 : vector<1x16xf32> to vector<16xf32>
        %add3A_1210 = arith.addf %scan3A_1190, %get3A_1209 : vector<16xf32>
        %get3A_1211 = arith.index_cast %add3A_1195 : i32 to index
        %get3A_1212 = arith.constant 688 : index
        %get3A_1213 = tpu.vector_load %arg4[%get3A_1211, %get3A_1212] {strides = array<i32>} : memref<64x768xf32, #tpu.memory_space<vmem>>, vector<1x16xf32>,
        %get3A_1214 = vector.shape_cast %get3A_1213 : vector<1x16xf32> to vector<16xf32>
        %add3A_1215 = arith.addf %scan3A_1191, %get3A_1214 : vector<16xf32>
        %mul3A_1216 = arith.constant 4 : i32
        %mul3A_1217 = arith.muli %scan3A_1187, %mul3A_1216 : i32
        %add3A_1218 = arith.constant 1 : i32
        %add3A_1219 = arith.addi %mul3A_1217, %add3A_1218 : i32
        %get3A_1220 = arith.index_cast %add3A_1219 : i32 to index
        %get3A_1221 = arith.constant 640 : index
        %get3A_1222 = tpu.vector_load %arg4[%get3A_1220, %get3A_1221] {strides = array<i32>} : memref<64x768xf32, #tpu.memory_space<vmem>>, vector<1x16xf32>,
        %get3A_1223 = vector.shape_cast %get3A_1222 : vector<1x16xf32> to vector<16xf32>
        %add3A_1224 = arith.addf %add3A_1200, %get3A_1223 : vector<16xf32>
        %get3A_1225 = arith.index_cast %add3A_1219 : i32 to index
        %get3A_1226 = arith.constant 656 : index
        %get3A_1227 = tpu.vector_load %arg4[%get3A_1225, %get3A_1226] {strides = array<i32>} : memref<64x768xf32, #tpu.memory_space<vmem>>, vector<1x16xf32>,
        %get3A_1228 = vector.shape_cast %get3A_1227 : vector<1x16xf32> to vector<16xf32>
        %add3A_1229 = arith.addf %add3A_1205, %get3A_1228 : vector<16xf32>
        %get3A_1230 = arith.index_cast %add3A_1219 : i32 to index
        %get3A_1231 = arith.constant 672 : index
        %get3A_1232 = tpu.vector_load %arg4[%get3A_1230, %get3A_1231] {strides = array<i32>} : memref<64x768xf32, #tpu.memory_space<vmem>>, vector<1x16xf32>,
        %get3A_1233 = vector.shape_cast %get3A_1232 : vector<1x16xf32> to vector<16xf32>
        %add3A_1234 = arith.addf %add3A_1210, %get3A_1233 : vector<16xf32>
        %get3A_1235 = arith.index_cast %add3A_1219 : i32 to index
        %get3A_1236 = arith.constant 688 : index
        %get3A_1237 = tpu.vector_load %arg4[%get3A_1235, %get3A_1236] {strides = array<i32>} : memref<64x768xf32, #tpu.memory_space<vmem>>, vector<1x16xf32>,
        %get3A_1238 = vector.shape_cast %get3A_1237 : vector<1x16xf32> to vector<16xf32>
        %add3A_1239 = arith.addf %add3A_1215, %get3A_1238 : vector<16xf32>
        %mul3A_1240 = arith.constant 4 : i32
        %mul3A_1241 = arith.muli %scan3A_1187, %mul3A_1240 : i32
        %add3A_1242 = arith.constant 2 : i32
        %add3A_1243 = arith.addi %mul3A_1241, %add3A_1242 : i32
        %get3A_1244 = arith.index_cast %add3A_1243 : i32 to index
        %get3A_1245 = arith.constant 640 : index
        %get3A_1246 = tpu.vector_load %arg4[%get3A_1244, %get3A_1245] {strides = array<i32>} : memref<64x768xf32, #tpu.memory_space<vmem>>, vector<1x16xf32>,
        %get3A_1247 = vector.shape_cast %get3A_1246 : vector<1x16xf32> to vector<16xf32>
        %add3A_1248 = arith.addf %add3A_1224, %get3A_1247 : vector<16xf32>
        %get3A_1249 = arith.index_cast %add3A_1243 : i32 to index
        %get3A_1250 = arith.constant 656 : index
        %get3A_1251 = tpu.vector_load %arg4[%get3A_1249, %get3A_1250] {strides = array<i32>} : memref<64x768xf32, #tpu.memory_space<vmem>>, vector<1x16xf32>,
        %get3A_1252 = vector.shape_cast %get3A_1251 : vector<1x16xf32> to vector<16xf32>
        %add3A_1253 = arith.addf %add3A_1229, %get3A_1252 : vector<16xf32>
        %get3A_1254 = arith.index_cast %add3A_1243 : i32 to index
        %get3A_1255 = arith.constant 672 : index
        %get3A_1256 = tpu.vector_load %arg4[%get3A_1254, %get3A_1255] {strides = array<i32>} : memref<64x768xf32, #tpu.memory_space<vmem>>, vector<1x16xf32>,
        %get3A_1257 = vector.shape_cast %get3A_1256 : vector<1x16xf32> to vector<16xf32>
        %add3A_1258 = arith.addf %add3A_1234, %get3A_1257 : vector<16xf32>
        %get3A_1259 = arith.index_cast %add3A_1243 : i32 to index
        %get3A_1260 = arith.constant 688 : index
        %get3A_1261 = tpu.vector_load %arg4[%get3A_1259, %get3A_1260] {strides = array<i32>} : memref<64x768xf32, #tpu.memory_space<vmem>>, vector<1x16xf32>,
        %get3A_1262 = vector.shape_cast %get3A_1261 : vector<1x16xf32> to vector<16xf32>
        %add3A_1263 = arith.addf %add3A_1239, %get3A_1262 : vector<16xf32>
        %mul3A_1264 = arith.constant 4 : i32
        %mul3A_1265 = arith.muli %scan3A_1187, %mul3A_1264 : i32
        %add3A_1266 = arith.constant 3 : i32
        %add3A_1267 = arith.addi %mul3A_1265, %add3A_1266 : i32
        %get3A_1268 = arith.index_cast %add3A_1267 : i32 to index
        %get3A_1269 = arith.constant 640 : index
        %get3A_1270 = tpu.vector_load %arg4[%get3A_1268, %get3A_1269] {strides = array<i32>} : memref<64x768xf32, #tpu.memory_space<vmem>>, vector<1x16xf32>,
        %get3A_1271 = vector.shape_cast %get3A_1270 : vector<1x16xf32> to vector<16xf32>
        %add3A_1272 = arith.addf %add3A_1248, %get3A_1271 : vector<16xf32>
        %get3A_1273 = arith.index_cast %add3A_1267 : i32 to index
        %get3A_1274 = arith.constant 656 : index
        %get3A_1275 = tpu.vector_load %arg4[%get3A_1273, %get3A_1274] {strides = array<i32>} : memref<64x768xf32, #tpu.memory_space<vmem>>, vector<1x16xf32>,
        %get3A_1276 = vector.shape_cast %get3A_1275 : vector<1x16xf32> to vector<16xf32>
        %add3A_1277 = arith.addf %add3A_1253, %get3A_1276 : vector<16xf32>
        %get3A_1278 = arith.index_cast %add3A_1267 : i32 to index
        %get3A_1279 = arith.constant 672 : index
        %get3A_1280 = tpu.vector_load %arg4[%get3A_1278, %get3A_1279] {strides = array<i32>} : memref<64x768xf32, #tpu.memory_space<vmem>>, vector<1x16xf32>,
        %get3A_1281 = vector.shape_cast %get3A_1280 : vector<1x16xf32> to vector<16xf32>
        %add3A_1282 = arith.addf %add3A_1258, %get3A_1281 : vector<16xf32>
        %get3A_1283 = arith.index_cast %add3A_1267 : i32 to index
        %get3A_1284 = arith.constant 688 : index
        %get3A_1285 = tpu.vector_load %arg4[%get3A_1283, %get3A_1284] {strides = array<i32>} : memref<64x768xf32, #tpu.memory_space<vmem>>, vector<1x16xf32>,
        %get3A_1286 = vector.shape_cast %get3A_1285 : vector<1x16xf32> to vector<16xf32>
        %add3A_1287 = arith.addf %add3A_1263, %get3A_1286 : vector<16xf32>
        scf.yield %add3A_1272, %add3A_1277, %add3A_1282, %add3A_1287 : vector<16xf32>, vector<16xf32>, vector<16xf32>, vector<16xf32>
      }
      %scan3A_705 = arith.constant 16 : i32
      %swap3A_706 = arith.constant 640 : index
      %swap3A_707 = tpu.vector_load %arg6[%swap3A_706] {strides = array<i32>} : memref<768xf32, #tpu.memory_space<vmem>>, vector<16xf32>,
      %swap3A_708 = vector.shape_cast %swap3A_707 : vector<16xf32> to vector<16xf32>
      %swap3A_709 = vector.shape_cast %scan3A_704#0 : vector<16xf32> to vector<16xf32>
      tpu.vector_store %arg6[%swap3A_706], %swap3A_709 {strides = array<i32>} : memref<768xf32, #tpu.memory_space<vmem>>, vector<16xf32>,
      %swap3A_710 = arith.constant 656 : index
      %swap3A_711 = tpu.vector_load %arg6[%swap3A_710] {strides = array<i32>} : memref<768xf32, #tpu.memory_space<vmem>>, vector<16xf32>,
      %swap3A_712 = vector.shape_cast %swap3A_711 : vector<16xf32> to vector<16xf32>
      %swap3A_713 = vector.shape_cast %scan3A_704#1 : vector<16xf32> to vector<16xf32>
      tpu.vector_store %arg6[%swap3A_710], %swap3A_713 {strides = array<i32>} : memref<768xf32, #tpu.memory_space<vmem>>, vector<16xf32>,
      %swap3A_714 = arith.constant 672 : index
      %swap3A_715 = tpu.vector_load %arg6[%swap3A_714] {strides = array<i32>} : memref<768xf32, #tpu.memory_space<vmem>>, vector<16xf32>,
      %swap3A_716 = vector.shape_cast %swap3A_715 : vector<16xf32> to vector<16xf32>
      %swap3A_717 = vector.shape_cast %scan3A_704#2 : vector<16xf32> to vector<16xf32>
      tpu.vector_store %arg6[%swap3A_714], %swap3A_717 {strides = array<i32>} : memref<768xf32, #tpu.memory_space<vmem>>, vector<16xf32>,
      %swap3A_718 = arith.constant 688 : index
      %swap3A_719 = tpu.vector_load %arg6[%swap3A_718] {strides = array<i32>} : memref<768xf32, #tpu.memory_space<vmem>>, vector<16xf32>,
      %swap3A_720 = vector.shape_cast %swap3A_719 : vector<16xf32> to vector<16xf32>
      %swap3A_721 = vector.shape_cast %scan3A_704#3 : vector<16xf32> to vector<16xf32>
      tpu.vector_store %arg6[%swap3A_718], %swap3A_721 {strides = array<i32>} : memref<768xf32, #tpu.memory_space<vmem>>, vector<16xf32>,
      %get3A_722 = arith.constant 704 : index
      %get3A_723 = tpu.vector_load %arg6[%get3A_722] {strides = array<i32>} : memref<768xf32, #tpu.memory_space<vmem>>, vector<16xf32>,
      %get3A_724 = vector.shape_cast %get3A_723 : vector<16xf32> to vector<16xf32>
      %get3A_725 = arith.constant 720 : index
      %get3A_726 = tpu.vector_load %arg6[%get3A_725] {strides = array<i32>} : memref<768xf32, #tpu.memory_space<vmem>>, vector<16xf32>,
      %get3A_727 = vector.shape_cast %get3A_726 : vector<16xf32> to vector<16xf32>
      %get3A_728 = arith.constant 736 : index
      %get3A_729 = tpu.vector_load %arg6[%get3A_728] {strides = array<i32>} : memref<768xf32, #tpu.memory_space<vmem>>, vector<16xf32>,
      %get3A_730 = vector.shape_cast %get3A_729 : vector<16xf32> to vector<16xf32>
      %get3A_731 = arith.constant 752 : index
      %get3A_732 = tpu.vector_load %arg6[%get3A_731] {strides = array<i32>} : memref<768xf32, #tpu.memory_space<vmem>>, vector<16xf32>,
      %get3A_733 = vector.shape_cast %get3A_732 : vector<16xf32> to vector<16xf32>
      %scan3A_734 = arith.constant 0 : i32
      %scan3A_735 = arith.constant 16 : i32
      %scan3A_736 = arith.addi %scan3A_734, %scan3A_735 : i32
      %scan3A_737 = arith.constant 1 : i32
      %scan3A_738:4 = scf.for %scan3A_1187 = %scan3A_734 to %scan3A_736 step %scan3A_737 iter_args(%scan3A_1188 = %get3A_724, %scan3A_1189 = %get3A_727, %scan3A_1190 = %get3A_730, %scan3A_1191 = %get3A_733) -> (vector<16xf32>, vector<16xf32>, vector<16xf32>, vector<16xf32>)  : i32 {
        %mul3A_1192 = arith.constant 4 : i32
        %mul3A_1193 = arith.muli %scan3A_1187, %mul3A_1192 : i32
        %add3A_1194 = arith.constant 0 : i32
        %add3A_1195 = arith.addi %mul3A_1193, %add3A_1194 : i32
        %get3A_1196 = arith.index_cast %add3A_1195 : i32 to index
        %get3A_1197 = arith.constant 704 : index
        %get3A_1198 = tpu.vector_load %arg4[%get3A_1196, %get3A_1197] {strides = array<i32>} : memref<64x768xf32, #tpu.memory_space<vmem>>, vector<1x16xf32>,
        %get3A_1199 = vector.shape_cast %get3A_1198 : vector<1x16xf32> to vector<16xf32>
        %add3A_1200 = arith.addf %scan3A_1188, %get3A_1199 : vector<16xf32>
        %get3A_1201 = arith.index_cast %add3A_1195 : i32 to index
        %get3A_1202 = arith.constant 720 : index
        %get3A_1203 = tpu.vector_load %arg4[%get3A_1201, %get3A_1202] {strides = array<i32>} : memref<64x768xf32, #tpu.memory_space<vmem>>, vector<1x16xf32>,
        %get3A_1204 = vector.shape_cast %get3A_1203 : vector<1x16xf32> to vector<16xf32>
        %add3A_1205 = arith.addf %scan3A_1189, %get3A_1204 : vector<16xf32>
        %get3A_1206 = arith.index_cast %add3A_1195 : i32 to index
        %get3A_1207 = arith.constant 736 : index
        %get3A_1208 = tpu.vector_load %arg4[%get3A_1206, %get3A_1207] {strides = array<i32>} : memref<64x768xf32, #tpu.memory_space<vmem>>, vector<1x16xf32>,
        %get3A_1209 = vector.shape_cast %get3A_1208 : vector<1x16xf32> to vector<16xf32>
        %add3A_1210 = arith.addf %scan3A_1190, %get3A_1209 : vector<16xf32>
        %get3A_1211 = arith.index_cast %add3A_1195 : i32 to index
        %get3A_1212 = arith.constant 752 : index
        %get3A_1213 = tpu.vector_load %arg4[%get3A_1211, %get3A_1212] {strides = array<i32>} : memref<64x768xf32, #tpu.memory_space<vmem>>, vector<1x16xf32>,
        %get3A_1214 = vector.shape_cast %get3A_1213 : vector<1x16xf32> to vector<16xf32>
        %add3A_1215 = arith.addf %scan3A_1191, %get3A_1214 : vector<16xf32>
        %mul3A_1216 = arith.constant 4 : i32
        %mul3A_1217 = arith.muli %scan3A_1187, %mul3A_1216 : i32
        %add3A_1218 = arith.constant 1 : i32
        %add3A_1219 = arith.addi %mul3A_1217, %add3A_1218 : i32
        %get3A_1220 = arith.index_cast %add3A_1219 : i32 to index
        %get3A_1221 = arith.constant 704 : index
        %get3A_1222 = tpu.vector_load %arg4[%get3A_1220, %get3A_1221] {strides = array<i32>} : memref<64x768xf32, #tpu.memory_space<vmem>>, vector<1x16xf32>,
        %get3A_1223 = vector.shape_cast %get3A_1222 : vector<1x16xf32> to vector<16xf32>
        %add3A_1224 = arith.addf %add3A_1200, %get3A_1223 : vector<16xf32>
        %get3A_1225 = arith.index_cast %add3A_1219 : i32 to index
        %get3A_1226 = arith.constant 720 : index
        %get3A_1227 = tpu.vector_load %arg4[%get3A_1225, %get3A_1226] {strides = array<i32>} : memref<64x768xf32, #tpu.memory_space<vmem>>, vector<1x16xf32>,
        %get3A_1228 = vector.shape_cast %get3A_1227 : vector<1x16xf32> to vector<16xf32>
        %add3A_1229 = arith.addf %add3A_1205, %get3A_1228 : vector<16xf32>
        %get3A_1230 = arith.index_cast %add3A_1219 : i32 to index
        %get3A_1231 = arith.constant 736 : index
        %get3A_1232 = tpu.vector_load %arg4[%get3A_1230, %get3A_1231] {strides = array<i32>} : memref<64x768xf32, #tpu.memory_space<vmem>>, vector<1x16xf32>,
        %get3A_1233 = vector.shape_cast %get3A_1232 : vector<1x16xf32> to vector<16xf32>
        %add3A_1234 = arith.addf %add3A_1210, %get3A_1233 : vector<16xf32>
        %get3A_1235 = arith.index_cast %add3A_1219 : i32 to index
        %get3A_1236 = arith.constant 752 : index
        %get3A_1237 = tpu.vector_load %arg4[%get3A_1235, %get3A_1236] {strides = array<i32>} : memref<64x768xf32, #tpu.memory_space<vmem>>, vector<1x16xf32>,
        %get3A_1238 = vector.shape_cast %get3A_1237 : vector<1x16xf32> to vector<16xf32>
        %add3A_1239 = arith.addf %add3A_1215, %get3A_1238 : vector<16xf32>
        %mul3A_1240 = arith.constant 4 : i32
        %mul3A_1241 = arith.muli %scan3A_1187, %mul3A_1240 : i32
        %add3A_1242 = arith.constant 2 : i32
        %add3A_1243 = arith.addi %mul3A_1241, %add3A_1242 : i32
        %get3A_1244 = arith.index_cast %add3A_1243 : i32 to index
        %get3A_1245 = arith.constant 704 : index
        %get3A_1246 = tpu.vector_load %arg4[%get3A_1244, %get3A_1245] {strides = array<i32>} : memref<64x768xf32, #tpu.memory_space<vmem>>, vector<1x16xf32>,
        %get3A_1247 = vector.shape_cast %get3A_1246 : vector<1x16xf32> to vector<16xf32>
        %add3A_1248 = arith.addf %add3A_1224, %get3A_1247 : vector<16xf32>
        %get3A_1249 = arith.index_cast %add3A_1243 : i32 to index
        %get3A_1250 = arith.constant 720 : index
        %get3A_1251 = tpu.vector_load %arg4[%get3A_1249, %get3A_1250] {strides = array<i32>} : memref<64x768xf32, #tpu.memory_space<vmem>>, vector<1x16xf32>,
        %get3A_1252 = vector.shape_cast %get3A_1251 : vector<1x16xf32> to vector<16xf32>
        %add3A_1253 = arith.addf %add3A_1229, %get3A_1252 : vector<16xf32>
        %get3A_1254 = arith.index_cast %add3A_1243 : i32 to index
        %get3A_1255 = arith.constant 736 : index
        %get3A_1256 = tpu.vector_load %arg4[%get3A_1254, %get3A_1255] {strides = array<i32>} : memref<64x768xf32, #tpu.memory_space<vmem>>, vector<1x16xf32>,
        %get3A_1257 = vector.shape_cast %get3A_1256 : vector<1x16xf32> to vector<16xf32>
        %add3A_1258 = arith.addf %add3A_1234, %get3A_1257 : vector<16xf32>
        %get3A_1259 = arith.index_cast %add3A_1243 : i32 to index
        %get3A_1260 = arith.constant 752 : index
        %get3A_1261 = tpu.vector_load %arg4[%get3A_1259, %get3A_1260] {strides = array<i32>} : memref<64x768xf32, #tpu.memory_space<vmem>>, vector<1x16xf32>,
        %get3A_1262 = vector.shape_cast %get3A_1261 : vector<1x16xf32> to vector<16xf32>
        %add3A_1263 = arith.addf %add3A_1239, %get3A_1262 : vector<16xf32>
        %mul3A_1264 = arith.constant 4 : i32
        %mul3A_1265 = arith.muli %scan3A_1187, %mul3A_1264 : i32
        %add3A_1266 = arith.constant 3 : i32
        %add3A_1267 = arith.addi %mul3A_1265, %add3A_1266 : i32
        %get3A_1268 = arith.index_cast %add3A_1267 : i32 to index
        %get3A_1269 = arith.constant 704 : index
        %get3A_1270 = tpu.vector_load %arg4[%get3A_1268, %get3A_1269] {strides = array<i32>} : memref<64x768xf32, #tpu.memory_space<vmem>>, vector<1x16xf32>,
        %get3A_1271 = vector.shape_cast %get3A_1270 : vector<1x16xf32> to vector<16xf32>
        %add3A_1272 = arith.addf %add3A_1248, %get3A_1271 : vector<16xf32>
        %get3A_1273 = arith.index_cast %add3A_1267 : i32 to index
        %get3A_1274 = arith.constant 720 : index
        %get3A_1275 = tpu.vector_load %arg4[%get3A_1273, %get3A_1274] {strides = array<i32>} : memref<64x768xf32, #tpu.memory_space<vmem>>, vector<1x16xf32>,
        %get3A_1276 = vector.shape_cast %get3A_1275 : vector<1x16xf32> to vector<16xf32>
        %add3A_1277 = arith.addf %add3A_1253, %get3A_1276 : vector<16xf32>
        %get3A_1278 = arith.index_cast %add3A_1267 : i32 to index
        %get3A_1279 = arith.constant 736 : index
        %get3A_1280 = tpu.vector_load %arg4[%get3A_1278, %get3A_1279] {strides = array<i32>} : memref<64x768xf32, #tpu.memory_space<vmem>>, vector<1x16xf32>,
        %get3A_1281 = vector.shape_cast %get3A_1280 : vector<1x16xf32> to vector<16xf32>
        %add3A_1282 = arith.addf %add3A_1258, %get3A_1281 : vector<16xf32>
        %get3A_1283 = arith.index_cast %add3A_1267 : i32 to index
        %get3A_1284 = arith.constant 752 : index
        %get3A_1285 = tpu.vector_load %arg4[%get3A_1283, %get3A_1284] {strides = array<i32>} : memref<64x768xf32, #tpu.memory_space<vmem>>, vector<1x16xf32>,
        %get3A_1286 = vector.shape_cast %get3A_1285 : vector<1x16xf32> to vector<16xf32>
        %add3A_1287 = arith.addf %add3A_1263, %get3A_1286 : vector<16xf32>
        scf.yield %add3A_1272, %add3A_1277, %add3A_1282, %add3A_1287 : vector<16xf32>, vector<16xf32>, vector<16xf32>, vector<16xf32>
      }
      %scan3A_739 = arith.constant 16 : i32
      %swap3A_740 = arith.constant 704 : index
      %swap3A_741 = tpu.vector_load %arg6[%swap3A_740] {strides = array<i32>} : memref<768xf32, #tpu.memory_space<vmem>>, vector<16xf32>,
      %swap3A_742 = vector.shape_cast %swap3A_741 : vector<16xf32> to vector<16xf32>
      %swap3A_743 = vector.shape_cast %scan3A_738#0 : vector<16xf32> to vector<16xf32>
      tpu.vector_store %arg6[%swap3A_740], %swap3A_743 {strides = array<i32>} : memref<768xf32, #tpu.memory_space<vmem>>, vector<16xf32>,
      %swap3A_744 = arith.constant 720 : index
      %swap3A_745 = tpu.vector_load %arg6[%swap3A_744] {strides = array<i32>} : memref<768xf32, #tpu.memory_space<vmem>>, vector<16xf32>,
      %swap3A_746 = vector.shape_cast %swap3A_745 : vector<16xf32> to vector<16xf32>
      %swap3A_747 = vector.shape_cast %scan3A_738#1 : vector<16xf32> to vector<16xf32>
      tpu.vector_store %arg6[%swap3A_744], %swap3A_747 {strides = array<i32>} : memref<768xf32, #tpu.memory_space<vmem>>, vector<16xf32>,
      %swap3A_748 = arith.constant 736 : index
      %swap3A_749 = tpu.vector_load %arg6[%swap3A_748] {strides = array<i32>} : memref<768xf32, #tpu.memory_space<vmem>>, vector<16xf32>,
      %swap3A_750 = vector.shape_cast %swap3A_749 : vector<16xf32> to vector<16xf32>
      %swap3A_751 = vector.shape_cast %scan3A_738#2 : vector<16xf32> to vector<16xf32>
      tpu.vector_store %arg6[%swap3A_748], %swap3A_751 {strides = array<i32>} : memref<768xf32, #tpu.memory_space<vmem>>, vector<16xf32>,
      %swap3A_752 = arith.constant 752 : index
      %swap3A_753 = tpu.vector_load %arg6[%swap3A_752] {strides = array<i32>} : memref<768xf32, #tpu.memory_space<vmem>>, vector<16xf32>,
      %swap3A_754 = vector.shape_cast %swap3A_753 : vector<16xf32> to vector<16xf32>
      %swap3A_755 = vector.shape_cast %scan3A_738#3 : vector<16xf32> to vector<16xf32>
      tpu.vector_store %arg6[%swap3A_752], %swap3A_755 {strides = array<i32>} : memref<768xf32, #tpu.memory_space<vmem>>, vector<16xf32>,
      %add3A_756 = arith.constant 2 : i32
      %add3A_757 = arith.addi %add3A_342, %add3A_756 : i32
      %lt3A_758 = arith.constant 4 : i32
      %lt3A_759 = arith.cmpi slt, %add3A_757, %lt3A_758 : i32
      %convert_element_type3A = arith.extui %lt3A_759 : i1 to i32
      %cond3A = arith.constant 0 : i32
      %cond3A_760 = arith.cmpi ne, %convert_element_type3A, %cond3A : i32
      scf.if %cond3A_760 {
        %add3A_1187 = arith.constant 2 : i32
        %add3A_1188 = arith.addi %add3A_342, %add3A_1187 : i32
        %mul3A_1189 = arith.constant 64 : i32
        %mul3A_1190 = arith.muli %add3A_1188, %mul3A_1189 : i32
        %add3A_1191 = arith.addi %add3A_37, %mul3A_1190 : i32
        %dma_start3A_1192 = arith.constant 0 : i32
        %dma_start3A_1193 = tpu.memref_slice %arg2[%add3A_1191, %dma_start3A_1192] : memref<32768x768xf32, #tpu.memory_space<hbm>> -> memref<64x768xf32, #tpu.memory_space<hbm>>
        %dma_start3A_1194 = arith.constant 0 : i32
        %dma_start3A_1195 = tpu.memref_slice %arg2[%add3A_1191, %dma_start3A_1194] : memref<32768x768xf32, #tpu.memory_space<hbm>> -> memref<64x768xf32, #tpu.memory_space<hbm>>
        tpu.enqueue_dma source(%dma_start3A_1195 : memref<64x768xf32, #tpu.memory_space<hbm>>) target(%arg4 : memref<64x768xf32, #tpu.memory_space<vmem>>) target_semaphore(%arg7 : memref<!tpu.dma_semaphore, #tpu.memory_space<semaphore_mem>>)
      } else {
      }
      %mul3A_761 = arith.constant 2 : i32
      %mul3A_762 = arith.muli %mul3A_761, %scan3A_338 : i32
      %add3A_763 = arith.constant 1 : i32
      %add3A_764 = arith.addi %mul3A_762, %add3A_763 : i32
      %mul3A_765 = arith.constant 64 : i32
      %mul3A_766 = arith.muli %add3A_764, %mul3A_765 : i32
      %add3A_767 = arith.addi %add3A_37, %mul3A_766 : i32
      %dma_wait3A_768 = arith.constant 0 : i32
      %dma_wait3A_769 = tpu.memref_slice %arg2[%add3A_767, %dma_wait3A_768] : memref<32768x768xf32, #tpu.memory_space<hbm>> -> memref<64x768xf32, #tpu.memory_space<hbm>>
      %dma_wait3A_770 = arith.constant 0 : i32
      %dma_wait3A_771 = tpu.memref_slice %arg2[%add3A_767, %dma_wait3A_770] : memref<32768x768xf32, #tpu.memory_space<hbm>> -> memref<64x768xf32, #tpu.memory_space<hbm>>
      tpu.wait_dma2 semaphore(%arg8 : memref<!tpu.dma_semaphore, #tpu.memory_space<semaphore_mem>>) src(%dma_wait3A_771 : memref<64x768xf32, #tpu.memory_space<hbm>>) dst(%arg5 : memref<64x768xf32, #tpu.memory_space<vmem>>)
      %get3A_772 = arith.constant 0 : index
      %get3A_773 = tpu.vector_load %arg6[%get3A_772] {strides = array<i32>} : memref<768xf32, #tpu.memory_space<vmem>>, vector<16xf32>,
      %get3A_774 = vector.shape_cast %get3A_773 : vector<16xf32> to vector<16xf32>
      %get3A_775 = arith.constant 16 : index
      %get3A_776 = tpu.vector_load %arg6[%get3A_775] {strides = array<i32>} : memref<768xf32, #tpu.memory_space<vmem>>, vector<16xf32>,
      %get3A_777 = vector.shape_cast %get3A_776 : vector<16xf32> to vector<16xf32>
      %get3A_778 = arith.constant 32 : index
      %get3A_779 = tpu.vector_load %arg6[%get3A_778] {strides = array<i32>} : memref<768xf32, #tpu.memory_space<vmem>>, vector<16xf32>,
      %get3A_780 = vector.shape_cast %get3A_779 : vector<16xf32> to vector<16xf32>
      %get3A_781 = arith.constant 48 : index
      %get3A_782 = tpu.vector_load %arg6[%get3A_781] {strides = array<i32>} : memref<768xf32, #tpu.memory_space<vmem>>, vector<16xf32>,
      %get3A_783 = vector.shape_cast %get3A_782 : vector<16xf32> to vector<16xf32>
      %scan3A_784 = arith.constant 0 : i32
      %scan3A_785 = arith.constant 16 : i32
      %scan3A_786 = arith.addi %scan3A_784, %scan3A_785 : i32
      %scan3A_787 = arith.constant 1 : i32
      %scan3A_788:4 = scf.for %scan3A_1187 = %scan3A_784 to %scan3A_786 step %scan3A_787 iter_args(%scan3A_1188 = %get3A_774, %scan3A_1189 = %get3A_777, %scan3A_1190 = %get3A_780, %scan3A_1191 = %get3A_783) -> (vector<16xf32>, vector<16xf32>, vector<16xf32>, vector<16xf32>)  : i32 {
        %mul3A_1192 = arith.constant 4 : i32
        %mul3A_1193 = arith.muli %scan3A_1187, %mul3A_1192 : i32
        %add3A_1194 = arith.constant 0 : i32
        %add3A_1195 = arith.addi %mul3A_1193, %add3A_1194 : i32
        %get3A_1196 = arith.index_cast %add3A_1195 : i32 to index
        %get3A_1197 = arith.constant 0 : index
        %get3A_1198 = tpu.vector_load %arg5[%get3A_1196, %get3A_1197] {strides = array<i32>} : memref<64x768xf32, #tpu.memory_space<vmem>>, vector<1x16xf32>,
        %get3A_1199 = vector.shape_cast %get3A_1198 : vector<1x16xf32> to vector<16xf32>
        %add3A_1200 = arith.addf %scan3A_1188, %get3A_1199 : vector<16xf32>
        %get3A_1201 = arith.index_cast %add3A_1195 : i32 to index
        %get3A_1202 = arith.constant 16 : index
        %get3A_1203 = tpu.vector_load %arg5[%get3A_1201, %get3A_1202] {strides = array<i32>} : memref<64x768xf32, #tpu.memory_space<vmem>>, vector<1x16xf32>,
        %get3A_1204 = vector.shape_cast %get3A_1203 : vector<1x16xf32> to vector<16xf32>
        %add3A_1205 = arith.addf %scan3A_1189, %get3A_1204 : vector<16xf32>
        %get3A_1206 = arith.index_cast %add3A_1195 : i32 to index
        %get3A_1207 = arith.constant 32 : index
        %get3A_1208 = tpu.vector_load %arg5[%get3A_1206, %get3A_1207] {strides = array<i32>} : memref<64x768xf32, #tpu.memory_space<vmem>>, vector<1x16xf32>,
        %get3A_1209 = vector.shape_cast %get3A_1208 : vector<1x16xf32> to vector<16xf32>
        %add3A_1210 = arith.addf %scan3A_1190, %get3A_1209 : vector<16xf32>
        %get3A_1211 = arith.index_cast %add3A_1195 : i32 to index
        %get3A_1212 = arith.constant 48 : index
        %get3A_1213 = tpu.vector_load %arg5[%get3A_1211, %get3A_1212] {strides = array<i32>} : memref<64x768xf32, #tpu.memory_space<vmem>>, vector<1x16xf32>,
        %get3A_1214 = vector.shape_cast %get3A_1213 : vector<1x16xf32> to vector<16xf32>
        %add3A_1215 = arith.addf %scan3A_1191, %get3A_1214 : vector<16xf32>
        %mul3A_1216 = arith.constant 4 : i32
        %mul3A_1217 = arith.muli %scan3A_1187, %mul3A_1216 : i32
        %add3A_1218 = arith.constant 1 : i32
        %add3A_1219 = arith.addi %mul3A_1217, %add3A_1218 : i32
        %get3A_1220 = arith.index_cast %add3A_1219 : i32 to index
        %get3A_1221 = arith.constant 0 : index
        %get3A_1222 = tpu.vector_load %arg5[%get3A_1220, %get3A_1221] {strides = array<i32>} : memref<64x768xf32, #tpu.memory_space<vmem>>, vector<1x16xf32>,
        %get3A_1223 = vector.shape_cast %get3A_1222 : vector<1x16xf32> to vector<16xf32>
        %add3A_1224 = arith.addf %add3A_1200, %get3A_1223 : vector<16xf32>
        %get3A_1225 = arith.index_cast %add3A_1219 : i32 to index
        %get3A_1226 = arith.constant 16 : index
        %get3A_1227 = tpu.vector_load %arg5[%get3A_1225, %get3A_1226] {strides = array<i32>} : memref<64x768xf32, #tpu.memory_space<vmem>>, vector<1x16xf32>,
        %get3A_1228 = vector.shape_cast %get3A_1227 : vector<1x16xf32> to vector<16xf32>
        %add3A_1229 = arith.addf %add3A_1205, %get3A_1228 : vector<16xf32>
        %get3A_1230 = arith.index_cast %add3A_1219 : i32 to index
        %get3A_1231 = arith.constant 32 : index
        %get3A_1232 = tpu.vector_load %arg5[%get3A_1230, %get3A_1231] {strides = array<i32>} : memref<64x768xf32, #tpu.memory_space<vmem>>, vector<1x16xf32>,
        %get3A_1233 = vector.shape_cast %get3A_1232 : vector<1x16xf32> to vector<16xf32>
        %add3A_1234 = arith.addf %add3A_1210, %get3A_1233 : vector<16xf32>
        %get3A_1235 = arith.index_cast %add3A_1219 : i32 to index
        %get3A_1236 = arith.constant 48 : index
        %get3A_1237 = tpu.vector_load %arg5[%get3A_1235, %get3A_1236] {strides = array<i32>} : memref<64x768xf32, #tpu.memory_space<vmem>>, vector<1x16xf32>,
        %get3A_1238 = vector.shape_cast %get3A_1237 : vector<1x16xf32> to vector<16xf32>
        %add3A_1239 = arith.addf %add3A_1215, %get3A_1238 : vector<16xf32>
        %mul3A_1240 = arith.constant 4 : i32
        %mul3A_1241 = arith.muli %scan3A_1187, %mul3A_1240 : i32
        %add3A_1242 = arith.constant 2 : i32
        %add3A_1243 = arith.addi %mul3A_1241, %add3A_1242 : i32
        %get3A_1244 = arith.index_cast %add3A_1243 : i32 to index
        %get3A_1245 = arith.constant 0 : index
        %get3A_1246 = tpu.vector_load %arg5[%get3A_1244, %get3A_1245] {strides = array<i32>} : memref<64x768xf32, #tpu.memory_space<vmem>>, vector<1x16xf32>,
        %get3A_1247 = vector.shape_cast %get3A_1246 : vector<1x16xf32> to vector<16xf32>
        %add3A_1248 = arith.addf %add3A_1224, %get3A_1247 : vector<16xf32>
        %get3A_1249 = arith.index_cast %add3A_1243 : i32 to index
        %get3A_1250 = arith.constant 16 : index
        %get3A_1251 = tpu.vector_load %arg5[%get3A_1249, %get3A_1250] {strides = array<i32>} : memref<64x768xf32, #tpu.memory_space<vmem>>, vector<1x16xf32>,
        %get3A_1252 = vector.shape_cast %get3A_1251 : vector<1x16xf32> to vector<16xf32>
        %add3A_1253 = arith.addf %add3A_1229, %get3A_1252 : vector<16xf32>
        %get3A_1254 = arith.index_cast %add3A_1243 : i32 to index
        %get3A_1255 = arith.constant 32 : index
        %get3A_1256 = tpu.vector_load %arg5[%get3A_1254, %get3A_1255] {strides = array<i32>} : memref<64x768xf32, #tpu.memory_space<vmem>>, vector<1x16xf32>,
        %get3A_1257 = vector.shape_cast %get3A_1256 : vector<1x16xf32> to vector<16xf32>
        %add3A_1258 = arith.addf %add3A_1234, %get3A_1257 : vector<16xf32>
        %get3A_1259 = arith.index_cast %add3A_1243 : i32 to index
        %get3A_1260 = arith.constant 48 : index
        %get3A_1261 = tpu.vector_load %arg5[%get3A_1259, %get3A_1260] {strides = array<i32>} : memref<64x768xf32, #tpu.memory_space<vmem>>, vector<1x16xf32>,
        %get3A_1262 = vector.shape_cast %get3A_1261 : vector<1x16xf32> to vector<16xf32>
        %add3A_1263 = arith.addf %add3A_1239, %get3A_1262 : vector<16xf32>
        %mul3A_1264 = arith.constant 4 : i32
        %mul3A_1265 = arith.muli %scan3A_1187, %mul3A_1264 : i32
        %add3A_1266 = arith.constant 3 : i32
        %add3A_1267 = arith.addi %mul3A_1265, %add3A_1266 : i32
        %get3A_1268 = arith.index_cast %add3A_1267 : i32 to index
        %get3A_1269 = arith.constant 0 : index
        %get3A_1270 = tpu.vector_load %arg5[%get3A_1268, %get3A_1269] {strides = array<i32>} : memref<64x768xf32, #tpu.memory_space<vmem>>, vector<1x16xf32>,
        %get3A_1271 = vector.shape_cast %get3A_1270 : vector<1x16xf32> to vector<16xf32>
        %add3A_1272 = arith.addf %add3A_1248, %get3A_1271 : vector<16xf32>
        %get3A_1273 = arith.index_cast %add3A_1267 : i32 to index
        %get3A_1274 = arith.constant 16 : index
        %get3A_1275 = tpu.vector_load %arg5[%get3A_1273, %get3A_1274] {strides = array<i32>} : memref<64x768xf32, #tpu.memory_space<vmem>>, vector<1x16xf32>,
        %get3A_1276 = vector.shape_cast %get3A_1275 : vector<1x16xf32> to vector<16xf32>
        %add3A_1277 = arith.addf %add3A_1253, %get3A_1276 : vector<16xf32>
        %get3A_1278 = arith.index_cast %add3A_1267 : i32 to index
        %get3A_1279 = arith.constant 32 : index
        %get3A_1280 = tpu.vector_load %arg5[%get3A_1278, %get3A_1279] {strides = array<i32>} : memref<64x768xf32, #tpu.memory_space<vmem>>, vector<1x16xf32>,
        %get3A_1281 = vector.shape_cast %get3A_1280 : vector<1x16xf32> to vector<16xf32>
        %add3A_1282 = arith.addf %add3A_1258, %get3A_1281 : vector<16xf32>
        %get3A_1283 = arith.index_cast %add3A_1267 : i32 to index
        %get3A_1284 = arith.constant 48 : index
        %get3A_1285 = tpu.vector_load %arg5[%get3A_1283, %get3A_1284] {strides = array<i32>} : memref<64x768xf32, #tpu.memory_space<vmem>>, vector<1x16xf32>,
        %get3A_1286 = vector.shape_cast %get3A_1285 : vector<1x16xf32> to vector<16xf32>
        %add3A_1287 = arith.addf %add3A_1263, %get3A_1286 : vector<16xf32>
        scf.yield %add3A_1272, %add3A_1277, %add3A_1282, %add3A_1287 : vector<16xf32>, vector<16xf32>, vector<16xf32>, vector<16xf32>
      }
      %scan3A_789 = arith.constant 16 : i32
      %swap3A_790 = arith.constant 0 : index
      %swap3A_791 = tpu.vector_load %arg6[%swap3A_790] {strides = array<i32>} : memref<768xf32, #tpu.memory_space<vmem>>, vector<16xf32>,
      %swap3A_792 = vector.shape_cast %swap3A_791 : vector<16xf32> to vector<16xf32>
      %swap3A_793 = vector.shape_cast %scan3A_788#0 : vector<16xf32> to vector<16xf32>
      tpu.vector_store %arg6[%swap3A_790], %swap3A_793 {strides = array<i32>} : memref<768xf32, #tpu.memory_space<vmem>>, vector<16xf32>,
      %swap3A_794 = arith.constant 16 : index
      %swap3A_795 = tpu.vector_load %arg6[%swap3A_794] {strides = array<i32>} : memref<768xf32, #tpu.memory_space<vmem>>, vector<16xf32>,
      %swap3A_796 = vector.shape_cast %swap3A_795 : vector<16xf32> to vector<16xf32>
      %swap3A_797 = vector.shape_cast %scan3A_788#1 : vector<16xf32> to vector<16xf32>
      tpu.vector_store %arg6[%swap3A_794], %swap3A_797 {strides = array<i32>} : memref<768xf32, #tpu.memory_space<vmem>>, vector<16xf32>,
      %swap3A_798 = arith.constant 32 : index
      %swap3A_799 = tpu.vector_load %arg6[%swap3A_798] {strides = array<i32>} : memref<768xf32, #tpu.memory_space<vmem>>, vector<16xf32>,
      %swap3A_800 = vector.shape_cast %swap3A_799 : vector<16xf32> to vector<16xf32>
      %swap3A_801 = vector.shape_cast %scan3A_788#2 : vector<16xf32> to vector<16xf32>
      tpu.vector_store %arg6[%swap3A_798], %swap3A_801 {strides = array<i32>} : memref<768xf32, #tpu.memory_space<vmem>>, vector<16xf32>,
      %swap3A_802 = arith.constant 48 : index
      %swap3A_803 = tpu.vector_load %arg6[%swap3A_802] {strides = array<i32>} : memref<768xf32, #tpu.memory_space<vmem>>, vector<16xf32>,
      %swap3A_804 = vector.shape_cast %swap3A_803 : vector<16xf32> to vector<16xf32>
      %swap3A_805 = vector.shape_cast %scan3A_788#3 : vector<16xf32> to vector<16xf32>
      tpu.vector_store %arg6[%swap3A_802], %swap3A_805 {strides = array<i32>} : memref<768xf32, #tpu.memory_space<vmem>>, vector<16xf32>,
      %get3A_806 = arith.constant 64 : index
      %get3A_807 = tpu.vector_load %arg6[%get3A_806] {strides = array<i32>} : memref<768xf32, #tpu.memory_space<vmem>>, vector<16xf32>,
      %get3A_808 = vector.shape_cast %get3A_807 : vector<16xf32> to vector<16xf32>
      %get3A_809 = arith.constant 80 : index
      %get3A_810 = tpu.vector_load %arg6[%get3A_809] {strides = array<i32>} : memref<768xf32, #tpu.memory_space<vmem>>, vector<16xf32>,
      %get3A_811 = vector.shape_cast %get3A_810 : vector<16xf32> to vector<16xf32>
      %get3A_812 = arith.constant 96 : index
      %get3A_813 = tpu.vector_load %arg6[%get3A_812] {strides = array<i32>} : memref<768xf32, #tpu.memory_space<vmem>>, vector<16xf32>,
      %get3A_814 = vector.shape_cast %get3A_813 : vector<16xf32> to vector<16xf32>
      %get3A_815 = arith.constant 112 : index
      %get3A_816 = tpu.vector_load %arg6[%get3A_815] {strides = array<i32>} : memref<768xf32, #tpu.memory_space<vmem>>, vector<16xf32>,
      %get3A_817 = vector.shape_cast %get3A_816 : vector<16xf32> to vector<16xf32>
      %scan3A_818 = arith.constant 0 : i32
      %scan3A_819 = arith.constant 16 : i32
      %scan3A_820 = arith.addi %scan3A_818, %scan3A_819 : i32
      %scan3A_821 = arith.constant 1 : i32
      %scan3A_822:4 = scf.for %scan3A_1187 = %scan3A_818 to %scan3A_820 step %scan3A_821 iter_args(%scan3A_1188 = %get3A_808, %scan3A_1189 = %get3A_811, %scan3A_1190 = %get3A_814, %scan3A_1191 = %get3A_817) -> (vector<16xf32>, vector<16xf32>, vector<16xf32>, vector<16xf32>)  : i32 {
        %mul3A_1192 = arith.constant 4 : i32
        %mul3A_1193 = arith.muli %scan3A_1187, %mul3A_1192 : i32
        %add3A_1194 = arith.constant 0 : i32
        %add3A_1195 = arith.addi %mul3A_1193, %add3A_1194 : i32
        %get3A_1196 = arith.index_cast %add3A_1195 : i32 to index
        %get3A_1197 = arith.constant 64 : index
        %get3A_1198 = tpu.vector_load %arg5[%get3A_1196, %get3A_1197] {strides = array<i32>} : memref<64x768xf32, #tpu.memory_space<vmem>>, vector<1x16xf32>,
        %get3A_1199 = vector.shape_cast %get3A_1198 : vector<1x16xf32> to vector<16xf32>
        %add3A_1200 = arith.addf %scan3A_1188, %get3A_1199 : vector<16xf32>
        %get3A_1201 = arith.index_cast %add3A_1195 : i32 to index
        %get3A_1202 = arith.constant 80 : index
        %get3A_1203 = tpu.vector_load %arg5[%get3A_1201, %get3A_1202] {strides = array<i32>} : memref<64x768xf32, #tpu.memory_space<vmem>>, vector<1x16xf32>,
        %get3A_1204 = vector.shape_cast %get3A_1203 : vector<1x16xf32> to vector<16xf32>
        %add3A_1205 = arith.addf %scan3A_1189, %get3A_1204 : vector<16xf32>
        %get3A_1206 = arith.index_cast %add3A_1195 : i32 to index
        %get3A_1207 = arith.constant 96 : index
        %get3A_1208 = tpu.vector_load %arg5[%get3A_1206, %get3A_1207] {strides = array<i32>} : memref<64x768xf32, #tpu.memory_space<vmem>>, vector<1x16xf32>,
        %get3A_1209 = vector.shape_cast %get3A_1208 : vector<1x16xf32> to vector<16xf32>
        %add3A_1210 = arith.addf %scan3A_1190, %get3A_1209 : vector<16xf32>
        %get3A_1211 = arith.index_cast %add3A_1195 : i32 to index
        %get3A_1212 = arith.constant 112 : index
        %get3A_1213 = tpu.vector_load %arg5[%get3A_1211, %get3A_1212] {strides = array<i32>} : memref<64x768xf32, #tpu.memory_space<vmem>>, vector<1x16xf32>,
        %get3A_1214 = vector.shape_cast %get3A_1213 : vector<1x16xf32> to vector<16xf32>
        %add3A_1215 = arith.addf %scan3A_1191, %get3A_1214 : vector<16xf32>
        %mul3A_1216 = arith.constant 4 : i32
        %mul3A_1217 = arith.muli %scan3A_1187, %mul3A_1216 : i32
        %add3A_1218 = arith.constant 1 : i32
        %add3A_1219 = arith.addi %mul3A_1217, %add3A_1218 : i32
        %get3A_1220 = arith.index_cast %add3A_1219 : i32 to index
        %get3A_1221 = arith.constant 64 : index
        %get3A_1222 = tpu.vector_load %arg5[%get3A_1220, %get3A_1221] {strides = array<i32>} : memref<64x768xf32, #tpu.memory_space<vmem>>, vector<1x16xf32>,
        %get3A_1223 = vector.shape_cast %get3A_1222 : vector<1x16xf32> to vector<16xf32>
        %add3A_1224 = arith.addf %add3A_1200, %get3A_1223 : vector<16xf32>
        %get3A_1225 = arith.index_cast %add3A_1219 : i32 to index
        %get3A_1226 = arith.constant 80 : index
        %get3A_1227 = tpu.vector_load %arg5[%get3A_1225, %get3A_1226] {strides = array<i32>} : memref<64x768xf32, #tpu.memory_space<vmem>>, vector<1x16xf32>,
        %get3A_1228 = vector.shape_cast %get3A_1227 : vector<1x16xf32> to vector<16xf32>
        %add3A_1229 = arith.addf %add3A_1205, %get3A_1228 : vector<16xf32>
        %get3A_1230 = arith.index_cast %add3A_1219 : i32 to index
        %get3A_1231 = arith.constant 96 : index
        %get3A_1232 = tpu.vector_load %arg5[%get3A_1230, %get3A_1231] {strides = array<i32>} : memref<64x768xf32, #tpu.memory_space<vmem>>, vector<1x16xf32>,
        %get3A_1233 = vector.shape_cast %get3A_1232 : vector<1x16xf32> to vector<16xf32>
        %add3A_1234 = arith.addf %add3A_1210, %get3A_1233 : vector<16xf32>
        %get3A_1235 = arith.index_cast %add3A_1219 : i32 to index
        %get3A_1236 = arith.constant 112 : index
        %get3A_1237 = tpu.vector_load %arg5[%get3A_1235, %get3A_1236] {strides = array<i32>} : memref<64x768xf32, #tpu.memory_space<vmem>>, vector<1x16xf32>,
        %get3A_1238 = vector.shape_cast %get3A_1237 : vector<1x16xf32> to vector<16xf32>
        %add3A_1239 = arith.addf %add3A_1215, %get3A_1238 : vector<16xf32>
        %mul3A_1240 = arith.constant 4 : i32
        %mul3A_1241 = arith.muli %scan3A_1187, %mul3A_1240 : i32
        %add3A_1242 = arith.constant 2 : i32
        %add3A_1243 = arith.addi %mul3A_1241, %add3A_1242 : i32
        %get3A_1244 = arith.index_cast %add3A_1243 : i32 to index
        %get3A_1245 = arith.constant 64 : index
        %get3A_1246 = tpu.vector_load %arg5[%get3A_1244, %get3A_1245] {strides = array<i32>} : memref<64x768xf32, #tpu.memory_space<vmem>>, vector<1x16xf32>,
        %get3A_1247 = vector.shape_cast %get3A_1246 : vector<1x16xf32> to vector<16xf32>
        %add3A_1248 = arith.addf %add3A_1224, %get3A_1247 : vector<16xf32>
        %get3A_1249 = arith.index_cast %add3A_1243 : i32 to index
        %get3A_1250 = arith.constant 80 : index
        %get3A_1251 = tpu.vector_load %arg5[%get3A_1249, %get3A_1250] {strides = array<i32>} : memref<64x768xf32, #tpu.memory_space<vmem>>, vector<1x16xf32>,
        %get3A_1252 = vector.shape_cast %get3A_1251 : vector<1x16xf32> to vector<16xf32>
        %add3A_1253 = arith.addf %add3A_1229, %get3A_1252 : vector<16xf32>
        %get3A_1254 = arith.index_cast %add3A_1243 : i32 to index
        %get3A_1255 = arith.constant 96 : index
        %get3A_1256 = tpu.vector_load %arg5[%get3A_1254, %get3A_1255] {strides = array<i32>} : memref<64x768xf32, #tpu.memory_space<vmem>>, vector<1x16xf32>,
        %get3A_1257 = vector.shape_cast %get3A_1256 : vector<1x16xf32> to vector<16xf32>
        %add3A_1258 = arith.addf %add3A_1234, %get3A_1257 : vector<16xf32>
        %get3A_1259 = arith.index_cast %add3A_1243 : i32 to index
        %get3A_1260 = arith.constant 112 : index
        %get3A_1261 = tpu.vector_load %arg5[%get3A_1259, %get3A_1260] {strides = array<i32>} : memref<64x768xf32, #tpu.memory_space<vmem>>, vector<1x16xf32>,
        %get3A_1262 = vector.shape_cast %get3A_1261 : vector<1x16xf32> to vector<16xf32>
        %add3A_1263 = arith.addf %add3A_1239, %get3A_1262 : vector<16xf32>
        %mul3A_1264 = arith.constant 4 : i32
        %mul3A_1265 = arith.muli %scan3A_1187, %mul3A_1264 : i32
        %add3A_1266 = arith.constant 3 : i32
        %add3A_1267 = arith.addi %mul3A_1265, %add3A_1266 : i32
        %get3A_1268 = arith.index_cast %add3A_1267 : i32 to index
        %get3A_1269 = arith.constant 64 : index
        %get3A_1270 = tpu.vector_load %arg5[%get3A_1268, %get3A_1269] {strides = array<i32>} : memref<64x768xf32, #tpu.memory_space<vmem>>, vector<1x16xf32>,
        %get3A_1271 = vector.shape_cast %get3A_1270 : vector<1x16xf32> to vector<16xf32>
        %add3A_1272 = arith.addf %add3A_1248, %get3A_1271 : vector<16xf32>
        %get3A_1273 = arith.index_cast %add3A_1267 : i32 to index
        %get3A_1274 = arith.constant 80 : index
        %get3A_1275 = tpu.vector_load %arg5[%get3A_1273, %get3A_1274] {strides = array<i32>} : memref<64x768xf32, #tpu.memory_space<vmem>>, vector<1x16xf32>,
        %get3A_1276 = vector.shape_cast %get3A_1275 : vector<1x16xf32> to vector<16xf32>
        %add3A_1277 = arith.addf %add3A_1253, %get3A_1276 : vector<16xf32>
        %get3A_1278 = arith.index_cast %add3A_1267 : i32 to index
        %get3A_1279 = arith.constant 96 : index
        %get3A_1280 = tpu.vector_load %arg5[%get3A_1278, %get3A_1279] {strides = array<i32>} : memref<64x768xf32, #tpu.memory_space<vmem>>, vector<1x16xf32>,
        %get3A_1281 = vector.shape_cast %get3A_1280 : vector<1x16xf32> to vector<16xf32>
        %add3A_1282 = arith.addf %add3A_1258, %get3A_1281 : vector<16xf32>
        %get3A_1283 = arith.index_cast %add3A_1267 : i32 to index
        %get3A_1284 = arith.constant 112 : index
        %get3A_1285 = tpu.vector_load %arg5[%get3A_1283, %get3A_1284] {strides = array<i32>} : memref<64x768xf32, #tpu.memory_space<vmem>>, vector<1x16xf32>,
        %get3A_1286 = vector.shape_cast %get3A_1285 : vector<1x16xf32> to vector<16xf32>
        %add3A_1287 = arith.addf %add3A_1263, %get3A_1286 : vector<16xf32>
        scf.yield %add3A_1272, %add3A_1277, %add3A_1282, %add3A_1287 : vector<16xf32>, vector<16xf32>, vector<16xf32>, vector<16xf32>
      }
      %scan3A_823 = arith.constant 16 : i32
      %swap3A_824 = arith.constant 64 : index
      %swap3A_825 = tpu.vector_load %arg6[%swap3A_824] {strides = array<i32>} : memref<768xf32, #tpu.memory_space<vmem>>, vector<16xf32>,
      %swap3A_826 = vector.shape_cast %swap3A_825 : vector<16xf32> to vector<16xf32>
      %swap3A_827 = vector.shape_cast %scan3A_822#0 : vector<16xf32> to vector<16xf32>
      tpu.vector_store %arg6[%swap3A_824], %swap3A_827 {strides = array<i32>} : memref<768xf32, #tpu.memory_space<vmem>>, vector<16xf32>,
      %swap3A_828 = arith.constant 80 : index
      %swap3A_829 = tpu.vector_load %arg6[%swap3A_828] {strides = array<i32>} : memref<768xf32, #tpu.memory_space<vmem>>, vector<16xf32>,
      %swap3A_830 = vector.shape_cast %swap3A_829 : vector<16xf32> to vector<16xf32>
      %swap3A_831 = vector.shape_cast %scan3A_822#1 : vector<16xf32> to vector<16xf32>
      tpu.vector_store %arg6[%swap3A_828], %swap3A_831 {strides = array<i32>} : memref<768xf32, #tpu.memory_space<vmem>>, vector<16xf32>,
      %swap3A_832 = arith.constant 96 : index
      %swap3A_833 = tpu.vector_load %arg6[%swap3A_832] {strides = array<i32>} : memref<768xf32, #tpu.memory_space<vmem>>, vector<16xf32>,
      %swap3A_834 = vector.shape_cast %swap3A_833 : vector<16xf32> to vector<16xf32>
      %swap3A_835 = vector.shape_cast %scan3A_822#2 : vector<16xf32> to vector<16xf32>
      tpu.vector_store %arg6[%swap3A_832], %swap3A_835 {strides = array<i32>} : memref<768xf32, #tpu.memory_space<vmem>>, vector<16xf32>,
      %swap3A_836 = arith.constant 112 : index
      %swap3A_837 = tpu.vector_load %arg6[%swap3A_836] {strides = array<i32>} : memref<768xf32, #tpu.memory_space<vmem>>, vector<16xf32>,
      %swap3A_838 = vector.shape_cast %swap3A_837 : vector<16xf32> to vector<16xf32>
      %swap3A_839 = vector.shape_cast %scan3A_822#3 : vector<16xf32> to vector<16xf32>
      tpu.vector_store %arg6[%swap3A_836], %swap3A_839 {strides = array<i32>} : memref<768xf32, #tpu.memory_space<vmem>>, vector<16xf32>,
      %get3A_840 = arith.constant 128 : index
      %get3A_841 = tpu.vector_load %arg6[%get3A_840] {strides = array<i32>} : memref<768xf32, #tpu.memory_space<vmem>>, vector<16xf32>,
      %get3A_842 = vector.shape_cast %get3A_841 : vector<16xf32> to vector<16xf32>
      %get3A_843 = arith.constant 144 : index
      %get3A_844 = tpu.vector_load %arg6[%get3A_843] {strides = array<i32>} : memref<768xf32, #tpu.memory_space<vmem>>, vector<16xf32>,
      %get3A_845 = vector.shape_cast %get3A_844 : vector<16xf32> to vector<16xf32>
      %get3A_846 = arith.constant 160 : index
      %get3A_847 = tpu.vector_load %arg6[%get3A_846] {strides = array<i32>} : memref<768xf32, #tpu.memory_space<vmem>>, vector<16xf32>,
      %get3A_848 = vector.shape_cast %get3A_847 : vector<16xf32> to vector<16xf32>
      %get3A_849 = arith.constant 176 : index
      %get3A_850 = tpu.vector_load %arg6[%get3A_849] {strides = array<i32>} : memref<768xf32, #tpu.memory_space<vmem>>, vector<16xf32>,
      %get3A_851 = vector.shape_cast %get3A_850 : vector<16xf32> to vector<16xf32>
      %scan3A_852 = arith.constant 0 : i32
      %scan3A_853 = arith.constant 16 : i32
      %scan3A_854 = arith.addi %scan3A_852, %scan3A_853 : i32
      %scan3A_855 = arith.constant 1 : i32
      %scan3A_856:4 = scf.for %scan3A_1187 = %scan3A_852 to %scan3A_854 step %scan3A_855 iter_args(%scan3A_1188 = %get3A_842, %scan3A_1189 = %get3A_845, %scan3A_1190 = %get3A_848, %scan3A_1191 = %get3A_851) -> (vector<16xf32>, vector<16xf32>, vector<16xf32>, vector<16xf32>)  : i32 {
        %mul3A_1192 = arith.constant 4 : i32
        %mul3A_1193 = arith.muli %scan3A_1187, %mul3A_1192 : i32
        %add3A_1194 = arith.constant 0 : i32
        %add3A_1195 = arith.addi %mul3A_1193, %add3A_1194 : i32
        %get3A_1196 = arith.index_cast %add3A_1195 : i32 to index
        %get3A_1197 = arith.constant 128 : index
        %get3A_1198 = tpu.vector_load %arg5[%get3A_1196, %get3A_1197] {strides = array<i32>} : memref<64x768xf32, #tpu.memory_space<vmem>>, vector<1x16xf32>,
        %get3A_1199 = vector.shape_cast %get3A_1198 : vector<1x16xf32> to vector<16xf32>
        %add3A_1200 = arith.addf %scan3A_1188, %get3A_1199 : vector<16xf32>
        %get3A_1201 = arith.index_cast %add3A_1195 : i32 to index
        %get3A_1202 = arith.constant 144 : index
        %get3A_1203 = tpu.vector_load %arg5[%get3A_1201, %get3A_1202] {strides = array<i32>} : memref<64x768xf32, #tpu.memory_space<vmem>>, vector<1x16xf32>,
        %get3A_1204 = vector.shape_cast %get3A_1203 : vector<1x16xf32> to vector<16xf32>
        %add3A_1205 = arith.addf %scan3A_1189, %get3A_1204 : vector<16xf32>
        %get3A_1206 = arith.index_cast %add3A_1195 : i32 to index
        %get3A_1207 = arith.constant 160 : index
        %get3A_1208 = tpu.vector_load %arg5[%get3A_1206, %get3A_1207] {strides = array<i32>} : memref<64x768xf32, #tpu.memory_space<vmem>>, vector<1x16xf32>,
        %get3A_1209 = vector.shape_cast %get3A_1208 : vector<1x16xf32> to vector<16xf32>
        %add3A_1210 = arith.addf %scan3A_1190, %get3A_1209 : vector<16xf32>
        %get3A_1211 = arith.index_cast %add3A_1195 : i32 to index
        %get3A_1212 = arith.constant 176 : index
        %get3A_1213 = tpu.vector_load %arg5[%get3A_1211, %get3A_1212] {strides = array<i32>} : memref<64x768xf32, #tpu.memory_space<vmem>>, vector<1x16xf32>,
        %get3A_1214 = vector.shape_cast %get3A_1213 : vector<1x16xf32> to vector<16xf32>
        %add3A_1215 = arith.addf %scan3A_1191, %get3A_1214 : vector<16xf32>
        %mul3A_1216 = arith.constant 4 : i32
        %mul3A_1217 = arith.muli %scan3A_1187, %mul3A_1216 : i32
        %add3A_1218 = arith.constant 1 : i32
        %add3A_1219 = arith.addi %mul3A_1217, %add3A_1218 : i32
        %get3A_1220 = arith.index_cast %add3A_1219 : i32 to index
        %get3A_1221 = arith.constant 128 : index
        %get3A_1222 = tpu.vector_load %arg5[%get3A_1220, %get3A_1221] {strides = array<i32>} : memref<64x768xf32, #tpu.memory_space<vmem>>, vector<1x16xf32>,
        %get3A_1223 = vector.shape_cast %get3A_1222 : vector<1x16xf32> to vector<16xf32>
        %add3A_1224 = arith.addf %add3A_1200, %get3A_1223 : vector<16xf32>
        %get3A_1225 = arith.index_cast %add3A_1219 : i32 to index
        %get3A_1226 = arith.constant 144 : index
        %get3A_1227 = tpu.vector_load %arg5[%get3A_1225, %get3A_1226] {strides = array<i32>} : memref<64x768xf32, #tpu.memory_space<vmem>>, vector<1x16xf32>,
        %get3A_1228 = vector.shape_cast %get3A_1227 : vector<1x16xf32> to vector<16xf32>
        %add3A_1229 = arith.addf %add3A_1205, %get3A_1228 : vector<16xf32>
        %get3A_1230 = arith.index_cast %add3A_1219 : i32 to index
        %get3A_1231 = arith.constant 160 : index
        %get3A_1232 = tpu.vector_load %arg5[%get3A_1230, %get3A_1231] {strides = array<i32>} : memref<64x768xf32, #tpu.memory_space<vmem>>, vector<1x16xf32>,
        %get3A_1233 = vector.shape_cast %get3A_1232 : vector<1x16xf32> to vector<16xf32>
        %add3A_1234 = arith.addf %add3A_1210, %get3A_1233 : vector<16xf32>
        %get3A_1235 = arith.index_cast %add3A_1219 : i32 to index
        %get3A_1236 = arith.constant 176 : index
        %get3A_1237 = tpu.vector_load %arg5[%get3A_1235, %get3A_1236] {strides = array<i32>} : memref<64x768xf32, #tpu.memory_space<vmem>>, vector<1x16xf32>,
        %get3A_1238 = vector.shape_cast %get3A_1237 : vector<1x16xf32> to vector<16xf32>
        %add3A_1239 = arith.addf %add3A_1215, %get3A_1238 : vector<16xf32>
        %mul3A_1240 = arith.constant 4 : i32
        %mul3A_1241 = arith.muli %scan3A_1187, %mul3A_1240 : i32
        %add3A_1242 = arith.constant 2 : i32
        %add3A_1243 = arith.addi %mul3A_1241, %add3A_1242 : i32
        %get3A_1244 = arith.index_cast %add3A_1243 : i32 to index
        %get3A_1245 = arith.constant 128 : index
        %get3A_1246 = tpu.vector_load %arg5[%get3A_1244, %get3A_1245] {strides = array<i32>} : memref<64x768xf32, #tpu.memory_space<vmem>>, vector<1x16xf32>,
        %get3A_1247 = vector.shape_cast %get3A_1246 : vector<1x16xf32> to vector<16xf32>
        %add3A_1248 = arith.addf %add3A_1224, %get3A_1247 : vector<16xf32>
        %get3A_1249 = arith.index_cast %add3A_1243 : i32 to index
        %get3A_1250 = arith.constant 144 : index
        %get3A_1251 = tpu.vector_load %arg5[%get3A_1249, %get3A_1250] {strides = array<i32>} : memref<64x768xf32, #tpu.memory_space<vmem>>, vector<1x16xf32>,
        %get3A_1252 = vector.shape_cast %get3A_1251 : vector<1x16xf32> to vector<16xf32>
        %add3A_1253 = arith.addf %add3A_1229, %get3A_1252 : vector<16xf32>
        %get3A_1254 = arith.index_cast %add3A_1243 : i32 to index
        %get3A_1255 = arith.constant 160 : index
        %get3A_1256 = tpu.vector_load %arg5[%get3A_1254, %get3A_1255] {strides = array<i32>} : memref<64x768xf32, #tpu.memory_space<vmem>>, vector<1x16xf32>,
        %get3A_1257 = vector.shape_cast %get3A_1256 : vector<1x16xf32> to vector<16xf32>
        %add3A_1258 = arith.addf %add3A_1234, %get3A_1257 : vector<16xf32>
        %get3A_1259 = arith.index_cast %add3A_1243 : i32 to index
        %get3A_1260 = arith.constant 176 : index
        %get3A_1261 = tpu.vector_load %arg5[%get3A_1259, %get3A_1260] {strides = array<i32>} : memref<64x768xf32, #tpu.memory_space<vmem>>, vector<1x16xf32>,
        %get3A_1262 = vector.shape_cast %get3A_1261 : vector<1x16xf32> to vector<16xf32>
        %add3A_1263 = arith.addf %add3A_1239, %get3A_1262 : vector<16xf32>
        %mul3A_1264 = arith.constant 4 : i32
        %mul3A_1265 = arith.muli %scan3A_1187, %mul3A_1264 : i32
        %add3A_1266 = arith.constant 3 : i32
        %add3A_1267 = arith.addi %mul3A_1265, %add3A_1266 : i32
        %get3A_1268 = arith.index_cast %add3A_1267 : i32 to index
        %get3A_1269 = arith.constant 128 : index
        %get3A_1270 = tpu.vector_load %arg5[%get3A_1268, %get3A_1269] {strides = array<i32>} : memref<64x768xf32, #tpu.memory_space<vmem>>, vector<1x16xf32>,
        %get3A_1271 = vector.shape_cast %get3A_1270 : vector<1x16xf32> to vector<16xf32>
        %add3A_1272 = arith.addf %add3A_1248, %get3A_1271 : vector<16xf32>
        %get3A_1273 = arith.index_cast %add3A_1267 : i32 to index
        %get3A_1274 = arith.constant 144 : index
        %get3A_1275 = tpu.vector_load %arg5[%get3A_1273, %get3A_1274] {strides = array<i32>} : memref<64x768xf32, #tpu.memory_space<vmem>>, vector<1x16xf32>,
        %get3A_1276 = vector.shape_cast %get3A_1275 : vector<1x16xf32> to vector<16xf32>
        %add3A_1277 = arith.addf %add3A_1253, %get3A_1276 : vector<16xf32>
        %get3A_1278 = arith.index_cast %add3A_1267 : i32 to index
        %get3A_1279 = arith.constant 160 : index
        %get3A_1280 = tpu.vector_load %arg5[%get3A_1278, %get3A_1279] {strides = array<i32>} : memref<64x768xf32, #tpu.memory_space<vmem>>, vector<1x16xf32>,
        %get3A_1281 = vector.shape_cast %get3A_1280 : vector<1x16xf32> to vector<16xf32>
        %add3A_1282 = arith.addf %add3A_1258, %get3A_1281 : vector<16xf32>
        %get3A_1283 = arith.index_cast %add3A_1267 : i32 to index
        %get3A_1284 = arith.constant 176 : index
        %get3A_1285 = tpu.vector_load %arg5[%get3A_1283, %get3A_1284] {strides = array<i32>} : memref<64x768xf32, #tpu.memory_space<vmem>>, vector<1x16xf32>,
        %get3A_1286 = vector.shape_cast %get3A_1285 : vector<1x16xf32> to vector<16xf32>
        %add3A_1287 = arith.addf %add3A_1263, %get3A_1286 : vector<16xf32>
        scf.yield %add3A_1272, %add3A_1277, %add3A_1282, %add3A_1287 : vector<16xf32>, vector<16xf32>, vector<16xf32>, vector<16xf32>
      }
      %scan3A_857 = arith.constant 16 : i32
      %swap3A_858 = arith.constant 128 : index
      %swap3A_859 = tpu.vector_load %arg6[%swap3A_858] {strides = array<i32>} : memref<768xf32, #tpu.memory_space<vmem>>, vector<16xf32>,
      %swap3A_860 = vector.shape_cast %swap3A_859 : vector<16xf32> to vector<16xf32>
      %swap3A_861 = vector.shape_cast %scan3A_856#0 : vector<16xf32> to vector<16xf32>
      tpu.vector_store %arg6[%swap3A_858], %swap3A_861 {strides = array<i32>} : memref<768xf32, #tpu.memory_space<vmem>>, vector<16xf32>,
      %swap3A_862 = arith.constant 144 : index
      %swap3A_863 = tpu.vector_load %arg6[%swap3A_862] {strides = array<i32>} : memref<768xf32, #tpu.memory_space<vmem>>, vector<16xf32>,
      %swap3A_864 = vector.shape_cast %swap3A_863 : vector<16xf32> to vector<16xf32>
      %swap3A_865 = vector.shape_cast %scan3A_856#1 : vector<16xf32> to vector<16xf32>
      tpu.vector_store %arg6[%swap3A_862], %swap3A_865 {strides = array<i32>} : memref<768xf32, #tpu.memory_space<vmem>>, vector<16xf32>,
      %swap3A_866 = arith.constant 160 : index
      %swap3A_867 = tpu.vector_load %arg6[%swap3A_866] {strides = array<i32>} : memref<768xf32, #tpu.memory_space<vmem>>, vector<16xf32>,
      %swap3A_868 = vector.shape_cast %swap3A_867 : vector<16xf32> to vector<16xf32>
      %swap3A_869 = vector.shape_cast %scan3A_856#2 : vector<16xf32> to vector<16xf32>
      tpu.vector_store %arg6[%swap3A_866], %swap3A_869 {strides = array<i32>} : memref<768xf32, #tpu.memory_space<vmem>>, vector<16xf32>,
      %swap3A_870 = arith.constant 176 : index
      %swap3A_871 = tpu.vector_load %arg6[%swap3A_870] {strides = array<i32>} : memref<768xf32, #tpu.memory_space<vmem>>, vector<16xf32>,
      %swap3A_872 = vector.shape_cast %swap3A_871 : vector<16xf32> to vector<16xf32>
      %swap3A_873 = vector.shape_cast %scan3A_856#3 : vector<16xf32> to vector<16xf32>
      tpu.vector_store %arg6[%swap3A_870], %swap3A_873 {strides = array<i32>} : memref<768xf32, #tpu.memory_space<vmem>>, vector<16xf32>,
      %get3A_874 = arith.constant 192 : index
      %get3A_875 = tpu.vector_load %arg6[%get3A_874] {strides = array<i32>} : memref<768xf32, #tpu.memory_space<vmem>>, vector<16xf32>,
      %get3A_876 = vector.shape_cast %get3A_875 : vector<16xf32> to vector<16xf32>
      %get3A_877 = arith.constant 208 : index
      %get3A_878 = tpu.vector_load %arg6[%get3A_877] {strides = array<i32>} : memref<768xf32, #tpu.memory_space<vmem>>, vector<16xf32>,
      %get3A_879 = vector.shape_cast %get3A_878 : vector<16xf32> to vector<16xf32>
      %get3A_880 = arith.constant 224 : index
      %get3A_881 = tpu.vector_load %arg6[%get3A_880] {strides = array<i32>} : memref<768xf32, #tpu.memory_space<vmem>>, vector<16xf32>,
      %get3A_882 = vector.shape_cast %get3A_881 : vector<16xf32> to vector<16xf32>
      %get3A_883 = arith.constant 240 : index
      %get3A_884 = tpu.vector_load %arg6[%get3A_883] {strides = array<i32>} : memref<768xf32, #tpu.memory_space<vmem>>, vector<16xf32>,
      %get3A_885 = vector.shape_cast %get3A_884 : vector<16xf32> to vector<16xf32>
      %scan3A_886 = arith.constant 0 : i32
      %scan3A_887 = arith.constant 16 : i32
      %scan3A_888 = arith.addi %scan3A_886, %scan3A_887 : i32
      %scan3A_889 = arith.constant 1 : i32
      %scan3A_890:4 = scf.for %scan3A_1187 = %scan3A_886 to %scan3A_888 step %scan3A_889 iter_args(%scan3A_1188 = %get3A_876, %scan3A_1189 = %get3A_879, %scan3A_1190 = %get3A_882, %scan3A_1191 = %get3A_885) -> (vector<16xf32>, vector<16xf32>, vector<16xf32>, vector<16xf32>)  : i32 {
        %mul3A_1192 = arith.constant 4 : i32
        %mul3A_1193 = arith.muli %scan3A_1187, %mul3A_1192 : i32
        %add3A_1194 = arith.constant 0 : i32
        %add3A_1195 = arith.addi %mul3A_1193, %add3A_1194 : i32
        %get3A_1196 = arith.index_cast %add3A_1195 : i32 to index
        %get3A_1197 = arith.constant 192 : index
        %get3A_1198 = tpu.vector_load %arg5[%get3A_1196, %get3A_1197] {strides = array<i32>} : memref<64x768xf32, #tpu.memory_space<vmem>>, vector<1x16xf32>,
        %get3A_1199 = vector.shape_cast %get3A_1198 : vector<1x16xf32> to vector<16xf32>
        %add3A_1200 = arith.addf %scan3A_1188, %get3A_1199 : vector<16xf32>
        %get3A_1201 = arith.index_cast %add3A_1195 : i32 to index
        %get3A_1202 = arith.constant 208 : index
        %get3A_1203 = tpu.vector_load %arg5[%get3A_1201, %get3A_1202] {strides = array<i32>} : memref<64x768xf32, #tpu.memory_space<vmem>>, vector<1x16xf32>,
        %get3A_1204 = vector.shape_cast %get3A_1203 : vector<1x16xf32> to vector<16xf32>
        %add3A_1205 = arith.addf %scan3A_1189, %get3A_1204 : vector<16xf32>
        %get3A_1206 = arith.index_cast %add3A_1195 : i32 to index
        %get3A_1207 = arith.constant 224 : index
        %get3A_1208 = tpu.vector_load %arg5[%get3A_1206, %get3A_1207] {strides = array<i32>} : memref<64x768xf32, #tpu.memory_space<vmem>>, vector<1x16xf32>,
        %get3A_1209 = vector.shape_cast %get3A_1208 : vector<1x16xf32> to vector<16xf32>
        %add3A_1210 = arith.addf %scan3A_1190, %get3A_1209 : vector<16xf32>
        %get3A_1211 = arith.index_cast %add3A_1195 : i32 to index
        %get3A_1212 = arith.constant 240 : index
        %get3A_1213 = tpu.vector_load %arg5[%get3A_1211, %get3A_1212] {strides = array<i32>} : memref<64x768xf32, #tpu.memory_space<vmem>>, vector<1x16xf32>,
        %get3A_1214 = vector.shape_cast %get3A_1213 : vector<1x16xf32> to vector<16xf32>
        %add3A_1215 = arith.addf %scan3A_1191, %get3A_1214 : vector<16xf32>
        %mul3A_1216 = arith.constant 4 : i32
        %mul3A_1217 = arith.muli %scan3A_1187, %mul3A_1216 : i32
        %add3A_1218 = arith.constant 1 : i32
        %add3A_1219 = arith.addi %mul3A_1217, %add3A_1218 : i32
        %get3A_1220 = arith.index_cast %add3A_1219 : i32 to index
        %get3A_1221 = arith.constant 192 : index
        %get3A_1222 = tpu.vector_load %arg5[%get3A_1220, %get3A_1221] {strides = array<i32>} : memref<64x768xf32, #tpu.memory_space<vmem>>, vector<1x16xf32>,
        %get3A_1223 = vector.shape_cast %get3A_1222 : vector<1x16xf32> to vector<16xf32>
        %add3A_1224 = arith.addf %add3A_1200, %get3A_1223 : vector<16xf32>
        %get3A_1225 = arith.index_cast %add3A_1219 : i32 to index
        %get3A_1226 = arith.constant 208 : index
        %get3A_1227 = tpu.vector_load %arg5[%get3A_1225, %get3A_1226] {strides = array<i32>} : memref<64x768xf32, #tpu.memory_space<vmem>>, vector<1x16xf32>,
        %get3A_1228 = vector.shape_cast %get3A_1227 : vector<1x16xf32> to vector<16xf32>
        %add3A_1229 = arith.addf %add3A_1205, %get3A_1228 : vector<16xf32>
        %get3A_1230 = arith.index_cast %add3A_1219 : i32 to index
        %get3A_1231 = arith.constant 224 : index
        %get3A_1232 = tpu.vector_load %arg5[%get3A_1230, %get3A_1231] {strides = array<i32>} : memref<64x768xf32, #tpu.memory_space<vmem>>, vector<1x16xf32>,
        %get3A_1233 = vector.shape_cast %get3A_1232 : vector<1x16xf32> to vector<16xf32>
        %add3A_1234 = arith.addf %add3A_1210, %get3A_1233 : vector<16xf32>
        %get3A_1235 = arith.index_cast %add3A_1219 : i32 to index
        %get3A_1236 = arith.constant 240 : index
        %get3A_1237 = tpu.vector_load %arg5[%get3A_1235, %get3A_1236] {strides = array<i32>} : memref<64x768xf32, #tpu.memory_space<vmem>>, vector<1x16xf32>,
        %get3A_1238 = vector.shape_cast %get3A_1237 : vector<1x16xf32> to vector<16xf32>
        %add3A_1239 = arith.addf %add3A_1215, %get3A_1238 : vector<16xf32>
        %mul3A_1240 = arith.constant 4 : i32
        %mul3A_1241 = arith.muli %scan3A_1187, %mul3A_1240 : i32
        %add3A_1242 = arith.constant 2 : i32
        %add3A_1243 = arith.addi %mul3A_1241, %add3A_1242 : i32
        %get3A_1244 = arith.index_cast %add3A_1243 : i32 to index
        %get3A_1245 = arith.constant 192 : index
        %get3A_1246 = tpu.vector_load %arg5[%get3A_1244, %get3A_1245] {strides = array<i32>} : memref<64x768xf32, #tpu.memory_space<vmem>>, vector<1x16xf32>,
        %get3A_1247 = vector.shape_cast %get3A_1246 : vector<1x16xf32> to vector<16xf32>
        %add3A_1248 = arith.addf %add3A_1224, %get3A_1247 : vector<16xf32>
        %get3A_1249 = arith.index_cast %add3A_1243 : i32 to index
        %get3A_1250 = arith.constant 208 : index
        %get3A_1251 = tpu.vector_load %arg5[%get3A_1249, %get3A_1250] {strides = array<i32>} : memref<64x768xf32, #tpu.memory_space<vmem>>, vector<1x16xf32>,
        %get3A_1252 = vector.shape_cast %get3A_1251 : vector<1x16xf32> to vector<16xf32>
        %add3A_1253 = arith.addf %add3A_1229, %get3A_1252 : vector<16xf32>
        %get3A_1254 = arith.index_cast %add3A_1243 : i32 to index
        %get3A_1255 = arith.constant 224 : index
        %get3A_1256 = tpu.vector_load %arg5[%get3A_1254, %get3A_1255] {strides = array<i32>} : memref<64x768xf32, #tpu.memory_space<vmem>>, vector<1x16xf32>,
        %get3A_1257 = vector.shape_cast %get3A_1256 : vector<1x16xf32> to vector<16xf32>
        %add3A_1258 = arith.addf %add3A_1234, %get3A_1257 : vector<16xf32>
        %get3A_1259 = arith.index_cast %add3A_1243 : i32 to index
        %get3A_1260 = arith.constant 240 : index
        %get3A_1261 = tpu.vector_load %arg5[%get3A_1259, %get3A_1260] {strides = array<i32>} : memref<64x768xf32, #tpu.memory_space<vmem>>, vector<1x16xf32>,
        %get3A_1262 = vector.shape_cast %get3A_1261 : vector<1x16xf32> to vector<16xf32>
        %add3A_1263 = arith.addf %add3A_1239, %get3A_1262 : vector<16xf32>
        %mul3A_1264 = arith.constant 4 : i32
        %mul3A_1265 = arith.muli %scan3A_1187, %mul3A_1264 : i32
        %add3A_1266 = arith.constant 3 : i32
        %add3A_1267 = arith.addi %mul3A_1265, %add3A_1266 : i32
        %get3A_1268 = arith.index_cast %add3A_1267 : i32 to index
        %get3A_1269 = arith.constant 192 : index
        %get3A_1270 = tpu.vector_load %arg5[%get3A_1268, %get3A_1269] {strides = array<i32>} : memref<64x768xf32, #tpu.memory_space<vmem>>, vector<1x16xf32>,
        %get3A_1271 = vector.shape_cast %get3A_1270 : vector<1x16xf32> to vector<16xf32>
        %add3A_1272 = arith.addf %add3A_1248, %get3A_1271 : vector<16xf32>
        %get3A_1273 = arith.index_cast %add3A_1267 : i32 to index
        %get3A_1274 = arith.constant 208 : index
        %get3A_1275 = tpu.vector_load %arg5[%get3A_1273, %get3A_1274] {strides = array<i32>} : memref<64x768xf32, #tpu.memory_space<vmem>>, vector<1x16xf32>,
        %get3A_1276 = vector.shape_cast %get3A_1275 : vector<1x16xf32> to vector<16xf32>
        %add3A_1277 = arith.addf %add3A_1253, %get3A_1276 : vector<16xf32>
        %get3A_1278 = arith.index_cast %add3A_1267 : i32 to index
        %get3A_1279 = arith.constant 224 : index
        %get3A_1280 = tpu.vector_load %arg5[%get3A_1278, %get3A_1279] {strides = array<i32>} : memref<64x768xf32, #tpu.memory_space<vmem>>, vector<1x16xf32>,
        %get3A_1281 = vector.shape_cast %get3A_1280 : vector<1x16xf32> to vector<16xf32>
        %add3A_1282 = arith.addf %add3A_1258, %get3A_1281 : vector<16xf32>
        %get3A_1283 = arith.index_cast %add3A_1267 : i32 to index
        %get3A_1284 = arith.constant 240 : index
        %get3A_1285 = tpu.vector_load %arg5[%get3A_1283, %get3A_1284] {strides = array<i32>} : memref<64x768xf32, #tpu.memory_space<vmem>>, vector<1x16xf32>,
        %get3A_1286 = vector.shape_cast %get3A_1285 : vector<1x16xf32> to vector<16xf32>
        %add3A_1287 = arith.addf %add3A_1263, %get3A_1286 : vector<16xf32>
        scf.yield %add3A_1272, %add3A_1277, %add3A_1282, %add3A_1287 : vector<16xf32>, vector<16xf32>, vector<16xf32>, vector<16xf32>
      }
      %scan3A_891 = arith.constant 16 : i32
      %swap3A_892 = arith.constant 192 : index
      %swap3A_893 = tpu.vector_load %arg6[%swap3A_892] {strides = array<i32>} : memref<768xf32, #tpu.memory_space<vmem>>, vector<16xf32>,
      %swap3A_894 = vector.shape_cast %swap3A_893 : vector<16xf32> to vector<16xf32>
      %swap3A_895 = vector.shape_cast %scan3A_890#0 : vector<16xf32> to vector<16xf32>
      tpu.vector_store %arg6[%swap3A_892], %swap3A_895 {strides = array<i32>} : memref<768xf32, #tpu.memory_space<vmem>>, vector<16xf32>,
      %swap3A_896 = arith.constant 208 : index
      %swap3A_897 = tpu.vector_load %arg6[%swap3A_896] {strides = array<i32>} : memref<768xf32, #tpu.memory_space<vmem>>, vector<16xf32>,
      %swap3A_898 = vector.shape_cast %swap3A_897 : vector<16xf32> to vector<16xf32>
      %swap3A_899 = vector.shape_cast %scan3A_890#1 : vector<16xf32> to vector<16xf32>
      tpu.vector_store %arg6[%swap3A_896], %swap3A_899 {strides = array<i32>} : memref<768xf32, #tpu.memory_space<vmem>>, vector<16xf32>,
      %swap3A_900 = arith.constant 224 : index
      %swap3A_901 = tpu.vector_load %arg6[%swap3A_900] {strides = array<i32>} : memref<768xf32, #tpu.memory_space<vmem>>, vector<16xf32>,
      %swap3A_902 = vector.shape_cast %swap3A_901 : vector<16xf32> to vector<16xf32>
      %swap3A_903 = vector.shape_cast %scan3A_890#2 : vector<16xf32> to vector<16xf32>
      tpu.vector_store %arg6[%swap3A_900], %swap3A_903 {strides = array<i32>} : memref<768xf32, #tpu.memory_space<vmem>>, vector<16xf32>,
      %swap3A_904 = arith.constant 240 : index
      %swap3A_905 = tpu.vector_load %arg6[%swap3A_904] {strides = array<i32>} : memref<768xf32, #tpu.memory_space<vmem>>, vector<16xf32>,
      %swap3A_906 = vector.shape_cast %swap3A_905 : vector<16xf32> to vector<16xf32>
      %swap3A_907 = vector.shape_cast %scan3A_890#3 : vector<16xf32> to vector<16xf32>
      tpu.vector_store %arg6[%swap3A_904], %swap3A_907 {strides = array<i32>} : memref<768xf32, #tpu.memory_space<vmem>>, vector<16xf32>,
      %get3A_908 = arith.constant 256 : index
      %get3A_909 = tpu.vector_load %arg6[%get3A_908] {strides = array<i32>} : memref<768xf32, #tpu.memory_space<vmem>>, vector<16xf32>,
      %get3A_910 = vector.shape_cast %get3A_909 : vector<16xf32> to vector<16xf32>
      %get3A_911 = arith.constant 272 : index
      %get3A_912 = tpu.vector_load %arg6[%get3A_911] {strides = array<i32>} : memref<768xf32, #tpu.memory_space<vmem>>, vector<16xf32>,
      %get3A_913 = vector.shape_cast %get3A_912 : vector<16xf32> to vector<16xf32>
      %get3A_914 = arith.constant 288 : index
      %get3A_915 = tpu.vector_load %arg6[%get3A_914] {strides = array<i32>} : memref<768xf32, #tpu.memory_space<vmem>>, vector<16xf32>,
      %get3A_916 = vector.shape_cast %get3A_915 : vector<16xf32> to vector<16xf32>
      %get3A_917 = arith.constant 304 : index
      %get3A_918 = tpu.vector_load %arg6[%get3A_917] {strides = array<i32>} : memref<768xf32, #tpu.memory_space<vmem>>, vector<16xf32>,
      %get3A_919 = vector.shape_cast %get3A_918 : vector<16xf32> to vector<16xf32>
      %scan3A_920 = arith.constant 0 : i32
      %scan3A_921 = arith.constant 16 : i32
      %scan3A_922 = arith.addi %scan3A_920, %scan3A_921 : i32
      %scan3A_923 = arith.constant 1 : i32
      %scan3A_924:4 = scf.for %scan3A_1187 = %scan3A_920 to %scan3A_922 step %scan3A_923 iter_args(%scan3A_1188 = %get3A_910, %scan3A_1189 = %get3A_913, %scan3A_1190 = %get3A_916, %scan3A_1191 = %get3A_919) -> (vector<16xf32>, vector<16xf32>, vector<16xf32>, vector<16xf32>)  : i32 {
        %mul3A_1192 = arith.constant 4 : i32
        %mul3A_1193 = arith.muli %scan3A_1187, %mul3A_1192 : i32
        %add3A_1194 = arith.constant 0 : i32
        %add3A_1195 = arith.addi %mul3A_1193, %add3A_1194 : i32
        %get3A_1196 = arith.index_cast %add3A_1195 : i32 to index
        %get3A_1197 = arith.constant 256 : index
        %get3A_1198 = tpu.vector_load %arg5[%get3A_1196, %get3A_1197] {strides = array<i32>} : memref<64x768xf32, #tpu.memory_space<vmem>>, vector<1x16xf32>,
        %get3A_1199 = vector.shape_cast %get3A_1198 : vector<1x16xf32> to vector<16xf32>
        %add3A_1200 = arith.addf %scan3A_1188, %get3A_1199 : vector<16xf32>
        %get3A_1201 = arith.index_cast %add3A_1195 : i32 to index
        %get3A_1202 = arith.constant 272 : index
        %get3A_1203 = tpu.vector_load %arg5[%get3A_1201, %get3A_1202] {strides = array<i32>} : memref<64x768xf32, #tpu.memory_space<vmem>>, vector<1x16xf32>,
        %get3A_1204 = vector.shape_cast %get3A_1203 : vector<1x16xf32> to vector<16xf32>
        %add3A_1205 = arith.addf %scan3A_1189, %get3A_1204 : vector<16xf32>
        %get3A_1206 = arith.index_cast %add3A_1195 : i32 to index
        %get3A_1207 = arith.constant 288 : index
        %get3A_1208 = tpu.vector_load %arg5[%get3A_1206, %get3A_1207] {strides = array<i32>} : memref<64x768xf32, #tpu.memory_space<vmem>>, vector<1x16xf32>,
        %get3A_1209 = vector.shape_cast %get3A_1208 : vector<1x16xf32> to vector<16xf32>
        %add3A_1210 = arith.addf %scan3A_1190, %get3A_1209 : vector<16xf32>
        %get3A_1211 = arith.index_cast %add3A_1195 : i32 to index
        %get3A_1212 = arith.constant 304 : index
        %get3A_1213 = tpu.vector_load %arg5[%get3A_1211, %get3A_1212] {strides = array<i32>} : memref<64x768xf32, #tpu.memory_space<vmem>>, vector<1x16xf32>,
        %get3A_1214 = vector.shape_cast %get3A_1213 : vector<1x16xf32> to vector<16xf32>
        %add3A_1215 = arith.addf %scan3A_1191, %get3A_1214 : vector<16xf32>
        %mul3A_1216 = arith.constant 4 : i32
        %mul3A_1217 = arith.muli %scan3A_1187, %mul3A_1216 : i32
        %add3A_1218 = arith.constant 1 : i32
        %add3A_1219 = arith.addi %mul3A_1217, %add3A_1218 : i32
        %get3A_1220 = arith.index_cast %add3A_1219 : i32 to index
        %get3A_1221 = arith.constant 256 : index
        %get3A_1222 = tpu.vector_load %arg5[%get3A_1220, %get3A_1221] {strides = array<i32>} : memref<64x768xf32, #tpu.memory_space<vmem>>, vector<1x16xf32>,
        %get3A_1223 = vector.shape_cast %get3A_1222 : vector<1x16xf32> to vector<16xf32>
        %add3A_1224 = arith.addf %add3A_1200, %get3A_1223 : vector<16xf32>
        %get3A_1225 = arith.index_cast %add3A_1219 : i32 to index
        %get3A_1226 = arith.constant 272 : index
        %get3A_1227 = tpu.vector_load %arg5[%get3A_1225, %get3A_1226] {strides = array<i32>} : memref<64x768xf32, #tpu.memory_space<vmem>>, vector<1x16xf32>,
        %get3A_1228 = vector.shape_cast %get3A_1227 : vector<1x16xf32> to vector<16xf32>
        %add3A_1229 = arith.addf %add3A_1205, %get3A_1228 : vector<16xf32>
        %get3A_1230 = arith.index_cast %add3A_1219 : i32 to index
        %get3A_1231 = arith.constant 288 : index
        %get3A_1232 = tpu.vector_load %arg5[%get3A_1230, %get3A_1231] {strides = array<i32>} : memref<64x768xf32, #tpu.memory_space<vmem>>, vector<1x16xf32>,
        %get3A_1233 = vector.shape_cast %get3A_1232 : vector<1x16xf32> to vector<16xf32>
        %add3A_1234 = arith.addf %add3A_1210, %get3A_1233 : vector<16xf32>
        %get3A_1235 = arith.index_cast %add3A_1219 : i32 to index
        %get3A_1236 = arith.constant 304 : index
        %get3A_1237 = tpu.vector_load %arg5[%get3A_1235, %get3A_1236] {strides = array<i32>} : memref<64x768xf32, #tpu.memory_space<vmem>>, vector<1x16xf32>,
        %get3A_1238 = vector.shape_cast %get3A_1237 : vector<1x16xf32> to vector<16xf32>
        %add3A_1239 = arith.addf %add3A_1215, %get3A_1238 : vector<16xf32>
        %mul3A_1240 = arith.constant 4 : i32
        %mul3A_1241 = arith.muli %scan3A_1187, %mul3A_1240 : i32
        %add3A_1242 = arith.constant 2 : i32
        %add3A_1243 = arith.addi %mul3A_1241, %add3A_1242 : i32
        %get3A_1244 = arith.index_cast %add3A_1243 : i32 to index
        %get3A_1245 = arith.constant 256 : index
        %get3A_1246 = tpu.vector_load %arg5[%get3A_1244, %get3A_1245] {strides = array<i32>} : memref<64x768xf32, #tpu.memory_space<vmem>>, vector<1x16xf32>,
        %get3A_1247 = vector.shape_cast %get3A_1246 : vector<1x16xf32> to vector<16xf32>
        %add3A_1248 = arith.addf %add3A_1224, %get3A_1247 : vector<16xf32>
        %get3A_1249 = arith.index_cast %add3A_1243 : i32 to index
        %get3A_1250 = arith.constant 272 : index
        %get3A_1251 = tpu.vector_load %arg5[%get3A_1249, %get3A_1250] {strides = array<i32>} : memref<64x768xf32, #tpu.memory_space<vmem>>, vector<1x16xf32>,
        %get3A_1252 = vector.shape_cast %get3A_1251 : vector<1x16xf32> to vector<16xf32>
        %add3A_1253 = arith.addf %add3A_1229, %get3A_1252 : vector<16xf32>
        %get3A_1254 = arith.index_cast %add3A_1243 : i32 to index
        %get3A_1255 = arith.constant 288 : index
        %get3A_1256 = tpu.vector_load %arg5[%get3A_1254, %get3A_1255] {strides = array<i32>} : memref<64x768xf32, #tpu.memory_space<vmem>>, vector<1x16xf32>,
        %get3A_1257 = vector.shape_cast %get3A_1256 : vector<1x16xf32> to vector<16xf32>
        %add3A_1258 = arith.addf %add3A_1234, %get3A_1257 : vector<16xf32>
        %get3A_1259 = arith.index_cast %add3A_1243 : i32 to index
        %get3A_1260 = arith.constant 304 : index
        %get3A_1261 = tpu.vector_load %arg5[%get3A_1259, %get3A_1260] {strides = array<i32>} : memref<64x768xf32, #tpu.memory_space<vmem>>, vector<1x16xf32>,
        %get3A_1262 = vector.shape_cast %get3A_1261 : vector<1x16xf32> to vector<16xf32>
        %add3A_1263 = arith.addf %add3A_1239, %get3A_1262 : vector<16xf32>
        %mul3A_1264 = arith.constant 4 : i32
        %mul3A_1265 = arith.muli %scan3A_1187, %mul3A_1264 : i32
        %add3A_1266 = arith.constant 3 : i32
        %add3A_1267 = arith.addi %mul3A_1265, %add3A_1266 : i32
        %get3A_1268 = arith.index_cast %add3A_1267 : i32 to index
        %get3A_1269 = arith.constant 256 : index
        %get3A_1270 = tpu.vector_load %arg5[%get3A_1268, %get3A_1269] {strides = array<i32>} : memref<64x768xf32, #tpu.memory_space<vmem>>, vector<1x16xf32>,
        %get3A_1271 = vector.shape_cast %get3A_1270 : vector<1x16xf32> to vector<16xf32>
        %add3A_1272 = arith.addf %add3A_1248, %get3A_1271 : vector<16xf32>
        %get3A_1273 = arith.index_cast %add3A_1267 : i32 to index
        %get3A_1274 = arith.constant 272 : index
        %get3A_1275 = tpu.vector_load %arg5[%get3A_1273, %get3A_1274] {strides = array<i32>} : memref<64x768xf32, #tpu.memory_space<vmem>>, vector<1x16xf32>,
        %get3A_1276 = vector.shape_cast %get3A_1275 : vector<1x16xf32> to vector<16xf32>
        %add3A_1277 = arith.addf %add3A_1253, %get3A_1276 : vector<16xf32>
        %get3A_1278 = arith.index_cast %add3A_1267 : i32 to index
        %get3A_1279 = arith.constant 288 : index
        %get3A_1280 = tpu.vector_load %arg5[%get3A_1278, %get3A_1279] {strides = array<i32>} : memref<64x768xf32, #tpu.memory_space<vmem>>, vector<1x16xf32>,
        %get3A_1281 = vector.shape_cast %get3A_1280 : vector<1x16xf32> to vector<16xf32>
        %add3A_1282 = arith.addf %add3A_1258, %get3A_1281 : vector<16xf32>
        %get3A_1283 = arith.index_cast %add3A_1267 : i32 to index
        %get3A_1284 = arith.constant 304 : index
        %get3A_1285 = tpu.vector_load %arg5[%get3A_1283, %get3A_1284] {strides = array<i32>} : memref<64x768xf32, #tpu.memory_space<vmem>>, vector<1x16xf32>,
        %get3A_1286 = vector.shape_cast %get3A_1285 : vector<1x16xf32> to vector<16xf32>
        %add3A_1287 = arith.addf %add3A_1263, %get3A_1286 : vector<16xf32>
        scf.yield %add3A_1272, %add3A_1277, %add3A_1282, %add3A_1287 : vector<16xf32>, vector<16xf32>, vector<16xf32>, vector<16xf32>
      }
      %scan3A_925 = arith.constant 16 : i32
      %swap3A_926 = arith.constant 256 : index
      %swap3A_927 = tpu.vector_load %arg6[%swap3A_926] {strides = array<i32>} : memref<768xf32, #tpu.memory_space<vmem>>, vector<16xf32>,
      %swap3A_928 = vector.shape_cast %swap3A_927 : vector<16xf32> to vector<16xf32>
      %swap3A_929 = vector.shape_cast %scan3A_924#0 : vector<16xf32> to vector<16xf32>
      tpu.vector_store %arg6[%swap3A_926], %swap3A_929 {strides = array<i32>} : memref<768xf32, #tpu.memory_space<vmem>>, vector<16xf32>,
      %swap3A_930 = arith.constant 272 : index
      %swap3A_931 = tpu.vector_load %arg6[%swap3A_930] {strides = array<i32>} : memref<768xf32, #tpu.memory_space<vmem>>, vector<16xf32>,
      %swap3A_932 = vector.shape_cast %swap3A_931 : vector<16xf32> to vector<16xf32>
      %swap3A_933 = vector.shape_cast %scan3A_924#1 : vector<16xf32> to vector<16xf32>
      tpu.vector_store %arg6[%swap3A_930], %swap3A_933 {strides = array<i32>} : memref<768xf32, #tpu.memory_space<vmem>>, vector<16xf32>,
      %swap3A_934 = arith.constant 288 : index
      %swap3A_935 = tpu.vector_load %arg6[%swap3A_934] {strides = array<i32>} : memref<768xf32, #tpu.memory_space<vmem>>, vector<16xf32>,
      %swap3A_936 = vector.shape_cast %swap3A_935 : vector<16xf32> to vector<16xf32>
      %swap3A_937 = vector.shape_cast %scan3A_924#2 : vector<16xf32> to vector<16xf32>
      tpu.vector_store %arg6[%swap3A_934], %swap3A_937 {strides = array<i32>} : memref<768xf32, #tpu.memory_space<vmem>>, vector<16xf32>,
      %swap3A_938 = arith.constant 304 : index
      %swap3A_939 = tpu.vector_load %arg6[%swap3A_938] {strides = array<i32>} : memref<768xf32, #tpu.memory_space<vmem>>, vector<16xf32>,
      %swap3A_940 = vector.shape_cast %swap3A_939 : vector<16xf32> to vector<16xf32>
      %swap3A_941 = vector.shape_cast %scan3A_924#3 : vector<16xf32> to vector<16xf32>
      tpu.vector_store %arg6[%swap3A_938], %swap3A_941 {strides = array<i32>} : memref<768xf32, #tpu.memory_space<vmem>>, vector<16xf32>,
      %get3A_942 = arith.constant 320 : index
      %get3A_943 = tpu.vector_load %arg6[%get3A_942] {strides = array<i32>} : memref<768xf32, #tpu.memory_space<vmem>>, vector<16xf32>,
      %get3A_944 = vector.shape_cast %get3A_943 : vector<16xf32> to vector<16xf32>
      %get3A_945 = arith.constant 336 : index
      %get3A_946 = tpu.vector_load %arg6[%get3A_945] {strides = array<i32>} : memref<768xf32, #tpu.memory_space<vmem>>, vector<16xf32>,
      %get3A_947 = vector.shape_cast %get3A_946 : vector<16xf32> to vector<16xf32>
      %get3A_948 = arith.constant 352 : index
      %get3A_949 = tpu.vector_load %arg6[%get3A_948] {strides = array<i32>} : memref<768xf32, #tpu.memory_space<vmem>>, vector<16xf32>,
      %get3A_950 = vector.shape_cast %get3A_949 : vector<16xf32> to vector<16xf32>
      %get3A_951 = arith.constant 368 : index
      %get3A_952 = tpu.vector_load %arg6[%get3A_951] {strides = array<i32>} : memref<768xf32, #tpu.memory_space<vmem>>, vector<16xf32>,
      %get3A_953 = vector.shape_cast %get3A_952 : vector<16xf32> to vector<16xf32>
      %scan3A_954 = arith.constant 0 : i32
      %scan3A_955 = arith.constant 16 : i32
      %scan3A_956 = arith.addi %scan3A_954, %scan3A_955 : i32
      %scan3A_957 = arith.constant 1 : i32
      %scan3A_958:4 = scf.for %scan3A_1187 = %scan3A_954 to %scan3A_956 step %scan3A_957 iter_args(%scan3A_1188 = %get3A_944, %scan3A_1189 = %get3A_947, %scan3A_1190 = %get3A_950, %scan3A_1191 = %get3A_953) -> (vector<16xf32>, vector<16xf32>, vector<16xf32>, vector<16xf32>)  : i32 {
        %mul3A_1192 = arith.constant 4 : i32
        %mul3A_1193 = arith.muli %scan3A_1187, %mul3A_1192 : i32
        %add3A_1194 = arith.constant 0 : i32
        %add3A_1195 = arith.addi %mul3A_1193, %add3A_1194 : i32
        %get3A_1196 = arith.index_cast %add3A_1195 : i32 to index
        %get3A_1197 = arith.constant 320 : index
        %get3A_1198 = tpu.vector_load %arg5[%get3A_1196, %get3A_1197] {strides = array<i32>} : memref<64x768xf32, #tpu.memory_space<vmem>>, vector<1x16xf32>,
        %get3A_1199 = vector.shape_cast %get3A_1198 : vector<1x16xf32> to vector<16xf32>
        %add3A_1200 = arith.addf %scan3A_1188, %get3A_1199 : vector<16xf32>
        %get3A_1201 = arith.index_cast %add3A_1195 : i32 to index
        %get3A_1202 = arith.constant 336 : index
        %get3A_1203 = tpu.vector_load %arg5[%get3A_1201, %get3A_1202] {strides = array<i32>} : memref<64x768xf32, #tpu.memory_space<vmem>>, vector<1x16xf32>,
        %get3A_1204 = vector.shape_cast %get3A_1203 : vector<1x16xf32> to vector<16xf32>
        %add3A_1205 = arith.addf %scan3A_1189, %get3A_1204 : vector<16xf32>
        %get3A_1206 = arith.index_cast %add3A_1195 : i32 to index
        %get3A_1207 = arith.constant 352 : index
        %get3A_1208 = tpu.vector_load %arg5[%get3A_1206, %get3A_1207] {strides = array<i32>} : memref<64x768xf32, #tpu.memory_space<vmem>>, vector<1x16xf32>,
        %get3A_1209 = vector.shape_cast %get3A_1208 : vector<1x16xf32> to vector<16xf32>
        %add3A_1210 = arith.addf %scan3A_1190, %get3A_1209 : vector<16xf32>
        %get3A_1211 = arith.index_cast %add3A_1195 : i32 to index
        %get3A_1212 = arith.constant 368 : index
        %get3A_1213 = tpu.vector_load %arg5[%get3A_1211, %get3A_1212] {strides = array<i32>} : memref<64x768xf32, #tpu.memory_space<vmem>>, vector<1x16xf32>,
        %get3A_1214 = vector.shape_cast %get3A_1213 : vector<1x16xf32> to vector<16xf32>
        %add3A_1215 = arith.addf %scan3A_1191, %get3A_1214 : vector<16xf32>
        %mul3A_1216 = arith.constant 4 : i32
        %mul3A_1217 = arith.muli %scan3A_1187, %mul3A_1216 : i32
        %add3A_1218 = arith.constant 1 : i32
        %add3A_1219 = arith.addi %mul3A_1217, %add3A_1218 : i32
        %get3A_1220 = arith.index_cast %add3A_1219 : i32 to index
        %get3A_1221 = arith.constant 320 : index
        %get3A_1222 = tpu.vector_load %arg5[%get3A_1220, %get3A_1221] {strides = array<i32>} : memref<64x768xf32, #tpu.memory_space<vmem>>, vector<1x16xf32>,
        %get3A_1223 = vector.shape_cast %get3A_1222 : vector<1x16xf32> to vector<16xf32>
        %add3A_1224 = arith.addf %add3A_1200, %get3A_1223 : vector<16xf32>
        %get3A_1225 = arith.index_cast %add3A_1219 : i32 to index
        %get3A_1226 = arith.constant 336 : index
        %get3A_1227 = tpu.vector_load %arg5[%get3A_1225, %get3A_1226] {strides = array<i32>} : memref<64x768xf32, #tpu.memory_space<vmem>>, vector<1x16xf32>,
        %get3A_1228 = vector.shape_cast %get3A_1227 : vector<1x16xf32> to vector<16xf32>
        %add3A_1229 = arith.addf %add3A_1205, %get3A_1228 : vector<16xf32>
        %get3A_1230 = arith.index_cast %add3A_1219 : i32 to index
        %get3A_1231 = arith.constant 352 : index
        %get3A_1232 = tpu.vector_load %arg5[%get3A_1230, %get3A_1231] {strides = array<i32>} : memref<64x768xf32, #tpu.memory_space<vmem>>, vector<1x16xf32>,
        %get3A_1233 = vector.shape_cast %get3A_1232 : vector<1x16xf32> to vector<16xf32>
        %add3A_1234 = arith.addf %add3A_1210, %get3A_1233 : vector<16xf32>
        %get3A_1235 = arith.index_cast %add3A_1219 : i32 to index
        %get3A_1236 = arith.constant 368 : index
        %get3A_1237 = tpu.vector_load %arg5[%get3A_1235, %get3A_1236] {strides = array<i32>} : memref<64x768xf32, #tpu.memory_space<vmem>>, vector<1x16xf32>,
        %get3A_1238 = vector.shape_cast %get3A_1237 : vector<1x16xf32> to vector<16xf32>
        %add3A_1239 = arith.addf %add3A_1215, %get3A_1238 : vector<16xf32>
        %mul3A_1240 = arith.constant 4 : i32
        %mul3A_1241 = arith.muli %scan3A_1187, %mul3A_1240 : i32
        %add3A_1242 = arith.constant 2 : i32
        %add3A_1243 = arith.addi %mul3A_1241, %add3A_1242 : i32
        %get3A_1244 = arith.index_cast %add3A_1243 : i32 to index
        %get3A_1245 = arith.constant 320 : index
        %get3A_1246 = tpu.vector_load %arg5[%get3A_1244, %get3A_1245] {strides = array<i32>} : memref<64x768xf32, #tpu.memory_space<vmem>>, vector<1x16xf32>,
        %get3A_1247 = vector.shape_cast %get3A_1246 : vector<1x16xf32> to vector<16xf32>
        %add3A_1248 = arith.addf %add3A_1224, %get3A_1247 : vector<16xf32>
        %get3A_1249 = arith.index_cast %add3A_1243 : i32 to index
        %get3A_1250 = arith.constant 336 : index
        %get3A_1251 = tpu.vector_load %arg5[%get3A_1249, %get3A_1250] {strides = array<i32>} : memref<64x768xf32, #tpu.memory_space<vmem>>, vector<1x16xf32>,
        %get3A_1252 = vector.shape_cast %get3A_1251 : vector<1x16xf32> to vector<16xf32>
        %add3A_1253 = arith.addf %add3A_1229, %get3A_1252 : vector<16xf32>
        %get3A_1254 = arith.index_cast %add3A_1243 : i32 to index
        %get3A_1255 = arith.constant 352 : index
        %get3A_1256 = tpu.vector_load %arg5[%get3A_1254, %get3A_1255] {strides = array<i32>} : memref<64x768xf32, #tpu.memory_space<vmem>>, vector<1x16xf32>,
        %get3A_1257 = vector.shape_cast %get3A_1256 : vector<1x16xf32> to vector<16xf32>
        %add3A_1258 = arith.addf %add3A_1234, %get3A_1257 : vector<16xf32>
        %get3A_1259 = arith.index_cast %add3A_1243 : i32 to index
        %get3A_1260 = arith.constant 368 : index
        %get3A_1261 = tpu.vector_load %arg5[%get3A_1259, %get3A_1260] {strides = array<i32>} : memref<64x768xf32, #tpu.memory_space<vmem>>, vector<1x16xf32>,
        %get3A_1262 = vector.shape_cast %get3A_1261 : vector<1x16xf32> to vector<16xf32>
        %add3A_1263 = arith.addf %add3A_1239, %get3A_1262 : vector<16xf32>
        %mul3A_1264 = arith.constant 4 : i32
        %mul3A_1265 = arith.muli %scan3A_1187, %mul3A_1264 : i32
        %add3A_1266 = arith.constant 3 : i32
        %add3A_1267 = arith.addi %mul3A_1265, %add3A_1266 : i32
        %get3A_1268 = arith.index_cast %add3A_1267 : i32 to index
        %get3A_1269 = arith.constant 320 : index
        %get3A_1270 = tpu.vector_load %arg5[%get3A_1268, %get3A_1269] {strides = array<i32>} : memref<64x768xf32, #tpu.memory_space<vmem>>, vector<1x16xf32>,
        %get3A_1271 = vector.shape_cast %get3A_1270 : vector<1x16xf32> to vector<16xf32>
        %add3A_1272 = arith.addf %add3A_1248, %get3A_1271 : vector<16xf32>
        %get3A_1273 = arith.index_cast %add3A_1267 : i32 to index
        %get3A_1274 = arith.constant 336 : index
        %get3A_1275 = tpu.vector_load %arg5[%get3A_1273, %get3A_1274] {strides = array<i32>} : memref<64x768xf32, #tpu.memory_space<vmem>>, vector<1x16xf32>,
        %get3A_1276 = vector.shape_cast %get3A_1275 : vector<1x16xf32> to vector<16xf32>
        %add3A_1277 = arith.addf %add3A_1253, %get3A_1276 : vector<16xf32>
        %get3A_1278 = arith.index_cast %add3A_1267 : i32 to index
        %get3A_1279 = arith.constant 352 : index
        %get3A_1280 = tpu.vector_load %arg5[%get3A_1278, %get3A_1279] {strides = array<i32>} : memref<64x768xf32, #tpu.memory_space<vmem>>, vector<1x16xf32>,
        %get3A_1281 = vector.shape_cast %get3A_1280 : vector<1x16xf32> to vector<16xf32>
        %add3A_1282 = arith.addf %add3A_1258, %get3A_1281 : vector<16xf32>
        %get3A_1283 = arith.index_cast %add3A_1267 : i32 to index
        %get3A_1284 = arith.constant 368 : index
        %get3A_1285 = tpu.vector_load %arg5[%get3A_1283, %get3A_1284] {strides = array<i32>} : memref<64x768xf32, #tpu.memory_space<vmem>>, vector<1x16xf32>,
        %get3A_1286 = vector.shape_cast %get3A_1285 : vector<1x16xf32> to vector<16xf32>
        %add3A_1287 = arith.addf %add3A_1263, %get3A_1286 : vector<16xf32>
        scf.yield %add3A_1272, %add3A_1277, %add3A_1282, %add3A_1287 : vector<16xf32>, vector<16xf32>, vector<16xf32>, vector<16xf32>
      }
      %scan3A_959 = arith.constant 16 : i32
      %swap3A_960 = arith.constant 320 : index
      %swap3A_961 = tpu.vector_load %arg6[%swap3A_960] {strides = array<i32>} : memref<768xf32, #tpu.memory_space<vmem>>, vector<16xf32>,
      %swap3A_962 = vector.shape_cast %swap3A_961 : vector<16xf32> to vector<16xf32>
      %swap3A_963 = vector.shape_cast %scan3A_958#0 : vector<16xf32> to vector<16xf32>
      tpu.vector_store %arg6[%swap3A_960], %swap3A_963 {strides = array<i32>} : memref<768xf32, #tpu.memory_space<vmem>>, vector<16xf32>,
      %swap3A_964 = arith.constant 336 : index
      %swap3A_965 = tpu.vector_load %arg6[%swap3A_964] {strides = array<i32>} : memref<768xf32, #tpu.memory_space<vmem>>, vector<16xf32>,
      %swap3A_966 = vector.shape_cast %swap3A_965 : vector<16xf32> to vector<16xf32>
      %swap3A_967 = vector.shape_cast %scan3A_958#1 : vector<16xf32> to vector<16xf32>
      tpu.vector_store %arg6[%swap3A_964], %swap3A_967 {strides = array<i32>} : memref<768xf32, #tpu.memory_space<vmem>>, vector<16xf32>,
      %swap3A_968 = arith.constant 352 : index
      %swap3A_969 = tpu.vector_load %arg6[%swap3A_968] {strides = array<i32>} : memref<768xf32, #tpu.memory_space<vmem>>, vector<16xf32>,
      %swap3A_970 = vector.shape_cast %swap3A_969 : vector<16xf32> to vector<16xf32>
      %swap3A_971 = vector.shape_cast %scan3A_958#2 : vector<16xf32> to vector<16xf32>
      tpu.vector_store %arg6[%swap3A_968], %swap3A_971 {strides = array<i32>} : memref<768xf32, #tpu.memory_space<vmem>>, vector<16xf32>,
      %swap3A_972 = arith.constant 368 : index
      %swap3A_973 = tpu.vector_load %arg6[%swap3A_972] {strides = array<i32>} : memref<768xf32, #tpu.memory_space<vmem>>, vector<16xf32>,
      %swap3A_974 = vector.shape_cast %swap3A_973 : vector<16xf32> to vector<16xf32>
      %swap3A_975 = vector.shape_cast %scan3A_958#3 : vector<16xf32> to vector<16xf32>
      tpu.vector_store %arg6[%swap3A_972], %swap3A_975 {strides = array<i32>} : memref<768xf32, #tpu.memory_space<vmem>>, vector<16xf32>,
      %get3A_976 = arith.constant 384 : index
      %get3A_977 = tpu.vector_load %arg6[%get3A_976] {strides = array<i32>} : memref<768xf32, #tpu.memory_space<vmem>>, vector<16xf32>,
      %get3A_978 = vector.shape_cast %get3A_977 : vector<16xf32> to vector<16xf32>
      %get3A_979 = arith.constant 400 : index
      %get3A_980 = tpu.vector_load %arg6[%get3A_979] {strides = array<i32>} : memref<768xf32, #tpu.memory_space<vmem>>, vector<16xf32>,
      %get3A_981 = vector.shape_cast %get3A_980 : vector<16xf32> to vector<16xf32>
      %get3A_982 = arith.constant 416 : index
      %get3A_983 = tpu.vector_load %arg6[%get3A_982] {strides = array<i32>} : memref<768xf32, #tpu.memory_space<vmem>>, vector<16xf32>,
      %get3A_984 = vector.shape_cast %get3A_983 : vector<16xf32> to vector<16xf32>
      %get3A_985 = arith.constant 432 : index
      %get3A_986 = tpu.vector_load %arg6[%get3A_985] {strides = array<i32>} : memref<768xf32, #tpu.memory_space<vmem>>, vector<16xf32>,
      %get3A_987 = vector.shape_cast %get3A_986 : vector<16xf32> to vector<16xf32>
      %scan3A_988 = arith.constant 0 : i32
      %scan3A_989 = arith.constant 16 : i32
      %scan3A_990 = arith.addi %scan3A_988, %scan3A_989 : i32
      %scan3A_991 = arith.constant 1 : i32
      %scan3A_992:4 = scf.for %scan3A_1187 = %scan3A_988 to %scan3A_990 step %scan3A_991 iter_args(%scan3A_1188 = %get3A_978, %scan3A_1189 = %get3A_981, %scan3A_1190 = %get3A_984, %scan3A_1191 = %get3A_987) -> (vector<16xf32>, vector<16xf32>, vector<16xf32>, vector<16xf32>)  : i32 {
        %mul3A_1192 = arith.constant 4 : i32
        %mul3A_1193 = arith.muli %scan3A_1187, %mul3A_1192 : i32
        %add3A_1194 = arith.constant 0 : i32
        %add3A_1195 = arith.addi %mul3A_1193, %add3A_1194 : i32
        %get3A_1196 = arith.index_cast %add3A_1195 : i32 to index
        %get3A_1197 = arith.constant 384 : index
        %get3A_1198 = tpu.vector_load %arg5[%get3A_1196, %get3A_1197] {strides = array<i32>} : memref<64x768xf32, #tpu.memory_space<vmem>>, vector<1x16xf32>,
        %get3A_1199 = vector.shape_cast %get3A_1198 : vector<1x16xf32> to vector<16xf32>
        %add3A_1200 = arith.addf %scan3A_1188, %get3A_1199 : vector<16xf32>
        %get3A_1201 = arith.index_cast %add3A_1195 : i32 to index
        %get3A_1202 = arith.constant 400 : index
        %get3A_1203 = tpu.vector_load %arg5[%get3A_1201, %get3A_1202] {strides = array<i32>} : memref<64x768xf32, #tpu.memory_space<vmem>>, vector<1x16xf32>,
        %get3A_1204 = vector.shape_cast %get3A_1203 : vector<1x16xf32> to vector<16xf32>
        %add3A_1205 = arith.addf %scan3A_1189, %get3A_1204 : vector<16xf32>
        %get3A_1206 = arith.index_cast %add3A_1195 : i32 to index
        %get3A_1207 = arith.constant 416 : index
        %get3A_1208 = tpu.vector_load %arg5[%get3A_1206, %get3A_1207] {strides = array<i32>} : memref<64x768xf32, #tpu.memory_space<vmem>>, vector<1x16xf32>,
        %get3A_1209 = vector.shape_cast %get3A_1208 : vector<1x16xf32> to vector<16xf32>
        %add3A_1210 = arith.addf %scan3A_1190, %get3A_1209 : vector<16xf32>
        %get3A_1211 = arith.index_cast %add3A_1195 : i32 to index
        %get3A_1212 = arith.constant 432 : index
        %get3A_1213 = tpu.vector_load %arg5[%get3A_1211, %get3A_1212] {strides = array<i32>} : memref<64x768xf32, #tpu.memory_space<vmem>>, vector<1x16xf32>,
        %get3A_1214 = vector.shape_cast %get3A_1213 : vector<1x16xf32> to vector<16xf32>
        %add3A_1215 = arith.addf %scan3A_1191, %get3A_1214 : vector<16xf32>
        %mul3A_1216 = arith.constant 4 : i32
        %mul3A_1217 = arith.muli %scan3A_1187, %mul3A_1216 : i32
        %add3A_1218 = arith.constant 1 : i32
        %add3A_1219 = arith.addi %mul3A_1217, %add3A_1218 : i32
        %get3A_1220 = arith.index_cast %add3A_1219 : i32 to index
        %get3A_1221 = arith.constant 384 : index
        %get3A_1222 = tpu.vector_load %arg5[%get3A_1220, %get3A_1221] {strides = array<i32>} : memref<64x768xf32, #tpu.memory_space<vmem>>, vector<1x16xf32>,
        %get3A_1223 = vector.shape_cast %get3A_1222 : vector<1x16xf32> to vector<16xf32>
        %add3A_1224 = arith.addf %add3A_1200, %get3A_1223 : vector<16xf32>
        %get3A_1225 = arith.index_cast %add3A_1219 : i32 to index
        %get3A_1226 = arith.constant 400 : index
        %get3A_1227 = tpu.vector_load %arg5[%get3A_1225, %get3A_1226] {strides = array<i32>} : memref<64x768xf32, #tpu.memory_space<vmem>>, vector<1x16xf32>,
        %get3A_1228 = vector.shape_cast %get3A_1227 : vector<1x16xf32> to vector<16xf32>
        %add3A_1229 = arith.addf %add3A_1205, %get3A_1228 : vector<16xf32>
        %get3A_1230 = arith.index_cast %add3A_1219 : i32 to index
        %get3A_1231 = arith.constant 416 : index
        %get3A_1232 = tpu.vector_load %arg5[%get3A_1230, %get3A_1231] {strides = array<i32>} : memref<64x768xf32, #tpu.memory_space<vmem>>, vector<1x16xf32>,
        %get3A_1233 = vector.shape_cast %get3A_1232 : vector<1x16xf32> to vector<16xf32>
        %add3A_1234 = arith.addf %add3A_1210, %get3A_1233 : vector<16xf32>
        %get3A_1235 = arith.index_cast %add3A_1219 : i32 to index
        %get3A_1236 = arith.constant 432 : index
        %get3A_1237 = tpu.vector_load %arg5[%get3A_1235, %get3A_1236] {strides = array<i32>} : memref<64x768xf32, #tpu.memory_space<vmem>>, vector<1x16xf32>,
        %get3A_1238 = vector.shape_cast %get3A_1237 : vector<1x16xf32> to vector<16xf32>
        %add3A_1239 = arith.addf %add3A_1215, %get3A_1238 : vector<16xf32>
        %mul3A_1240 = arith.constant 4 : i32
        %mul3A_1241 = arith.muli %scan3A_1187, %mul3A_1240 : i32
        %add3A_1242 = arith.constant 2 : i32
        %add3A_1243 = arith.addi %mul3A_1241, %add3A_1242 : i32
        %get3A_1244 = arith.index_cast %add3A_1243 : i32 to index
        %get3A_1245 = arith.constant 384 : index
        %get3A_1246 = tpu.vector_load %arg5[%get3A_1244, %get3A_1245] {strides = array<i32>} : memref<64x768xf32, #tpu.memory_space<vmem>>, vector<1x16xf32>,
        %get3A_1247 = vector.shape_cast %get3A_1246 : vector<1x16xf32> to vector<16xf32>
        %add3A_1248 = arith.addf %add3A_1224, %get3A_1247 : vector<16xf32>
        %get3A_1249 = arith.index_cast %add3A_1243 : i32 to index
        %get3A_1250 = arith.constant 400 : index
        %get3A_1251 = tpu.vector_load %arg5[%get3A_1249, %get3A_1250] {strides = array<i32>} : memref<64x768xf32, #tpu.memory_space<vmem>>, vector<1x16xf32>,
        %get3A_1252 = vector.shape_cast %get3A_1251 : vector<1x16xf32> to vector<16xf32>
        %add3A_1253 = arith.addf %add3A_1229, %get3A_1252 : vector<16xf32>
        %get3A_1254 = arith.index_cast %add3A_1243 : i32 to index
        %get3A_1255 = arith.constant 416 : index
        %get3A_1256 = tpu.vector_load %arg5[%get3A_1254, %get3A_1255] {strides = array<i32>} : memref<64x768xf32, #tpu.memory_space<vmem>>, vector<1x16xf32>,
        %get3A_1257 = vector.shape_cast %get3A_1256 : vector<1x16xf32> to vector<16xf32>
        %add3A_1258 = arith.addf %add3A_1234, %get3A_1257 : vector<16xf32>
        %get3A_1259 = arith.index_cast %add3A_1243 : i32 to index
        %get3A_1260 = arith.constant 432 : index
        %get3A_1261 = tpu.vector_load %arg5[%get3A_1259, %get3A_1260] {strides = array<i32>} : memref<64x768xf32, #tpu.memory_space<vmem>>, vector<1x16xf32>,
        %get3A_1262 = vector.shape_cast %get3A_1261 : vector<1x16xf32> to vector<16xf32>
        %add3A_1263 = arith.addf %add3A_1239, %get3A_1262 : vector<16xf32>
        %mul3A_1264 = arith.constant 4 : i32
        %mul3A_1265 = arith.muli %scan3A_1187, %mul3A_1264 : i32
        %add3A_1266 = arith.constant 3 : i32
        %add3A_1267 = arith.addi %mul3A_1265, %add3A_1266 : i32
        %get3A_1268 = arith.index_cast %add3A_1267 : i32 to index
        %get3A_1269 = arith.constant 384 : index
        %get3A_1270 = tpu.vector_load %arg5[%get3A_1268, %get3A_1269] {strides = array<i32>} : memref<64x768xf32, #tpu.memory_space<vmem>>, vector<1x16xf32>,
        %get3A_1271 = vector.shape_cast %get3A_1270 : vector<1x16xf32> to vector<16xf32>
        %add3A_1272 = arith.addf %add3A_1248, %get3A_1271 : vector<16xf32>
        %get3A_1273 = arith.index_cast %add3A_1267 : i32 to index
        %get3A_1274 = arith.constant 400 : index
        %get3A_1275 = tpu.vector_load %arg5[%get3A_1273, %get3A_1274] {strides = array<i32>} : memref<64x768xf32, #tpu.memory_space<vmem>>, vector<1x16xf32>,
        %get3A_1276 = vector.shape_cast %get3A_1275 : vector<1x16xf32> to vector<16xf32>
        %add3A_1277 = arith.addf %add3A_1253, %get3A_1276 : vector<16xf32>
        %get3A_1278 = arith.index_cast %add3A_1267 : i32 to index
        %get3A_1279 = arith.constant 416 : index
        %get3A_1280 = tpu.vector_load %arg5[%get3A_1278, %get3A_1279] {strides = array<i32>} : memref<64x768xf32, #tpu.memory_space<vmem>>, vector<1x16xf32>,
        %get3A_1281 = vector.shape_cast %get3A_1280 : vector<1x16xf32> to vector<16xf32>
        %add3A_1282 = arith.addf %add3A_1258, %get3A_1281 : vector<16xf32>
        %get3A_1283 = arith.index_cast %add3A_1267 : i32 to index
        %get3A_1284 = arith.constant 432 : index
        %get3A_1285 = tpu.vector_load %arg5[%get3A_1283, %get3A_1284] {strides = array<i32>} : memref<64x768xf32, #tpu.memory_space<vmem>>, vector<1x16xf32>,
        %get3A_1286 = vector.shape_cast %get3A_1285 : vector<1x16xf32> to vector<16xf32>
        %add3A_1287 = arith.addf %add3A_1263, %get3A_1286 : vector<16xf32>
        scf.yield %add3A_1272, %add3A_1277, %add3A_1282, %add3A_1287 : vector<16xf32>, vector<16xf32>, vector<16xf32>, vector<16xf32>
      }
      %scan3A_993 = arith.constant 16 : i32
      %swap3A_994 = arith.constant 384 : index
      %swap3A_995 = tpu.vector_load %arg6[%swap3A_994] {strides = array<i32>} : memref<768xf32, #tpu.memory_space<vmem>>, vector<16xf32>,
      %swap3A_996 = vector.shape_cast %swap3A_995 : vector<16xf32> to vector<16xf32>
      %swap3A_997 = vector.shape_cast %scan3A_992#0 : vector<16xf32> to vector<16xf32>
      tpu.vector_store %arg6[%swap3A_994], %swap3A_997 {strides = array<i32>} : memref<768xf32, #tpu.memory_space<vmem>>, vector<16xf32>,
      %swap3A_998 = arith.constant 400 : index
      %swap3A_999 = tpu.vector_load %arg6[%swap3A_998] {strides = array<i32>} : memref<768xf32, #tpu.memory_space<vmem>>, vector<16xf32>,
      %swap3A_1000 = vector.shape_cast %swap3A_999 : vector<16xf32> to vector<16xf32>
      %swap3A_1001 = vector.shape_cast %scan3A_992#1 : vector<16xf32> to vector<16xf32>
      tpu.vector_store %arg6[%swap3A_998], %swap3A_1001 {strides = array<i32>} : memref<768xf32, #tpu.memory_space<vmem>>, vector<16xf32>,
      %swap3A_1002 = arith.constant 416 : index
      %swap3A_1003 = tpu.vector_load %arg6[%swap3A_1002] {strides = array<i32>} : memref<768xf32, #tpu.memory_space<vmem>>, vector<16xf32>,
      %swap3A_1004 = vector.shape_cast %swap3A_1003 : vector<16xf32> to vector<16xf32>
      %swap3A_1005 = vector.shape_cast %scan3A_992#2 : vector<16xf32> to vector<16xf32>
      tpu.vector_store %arg6[%swap3A_1002], %swap3A_1005 {strides = array<i32>} : memref<768xf32, #tpu.memory_space<vmem>>, vector<16xf32>,
      %swap3A_1006 = arith.constant 432 : index
      %swap3A_1007 = tpu.vector_load %arg6[%swap3A_1006] {strides = array<i32>} : memref<768xf32, #tpu.memory_space<vmem>>, vector<16xf32>,
      %swap3A_1008 = vector.shape_cast %swap3A_1007 : vector<16xf32> to vector<16xf32>
      %swap3A_1009 = vector.shape_cast %scan3A_992#3 : vector<16xf32> to vector<16xf32>
      tpu.vector_store %arg6[%swap3A_1006], %swap3A_1009 {strides = array<i32>} : memref<768xf32, #tpu.memory_space<vmem>>, vector<16xf32>,
      %get3A_1010 = arith.constant 448 : index
      %get3A_1011 = tpu.vector_load %arg6[%get3A_1010] {strides = array<i32>} : memref<768xf32, #tpu.memory_space<vmem>>, vector<16xf32>,
      %get3A_1012 = vector.shape_cast %get3A_1011 : vector<16xf32> to vector<16xf32>
      %get3A_1013 = arith.constant 464 : index
      %get3A_1014 = tpu.vector_load %arg6[%get3A_1013] {strides = array<i32>} : memref<768xf32, #tpu.memory_space<vmem>>, vector<16xf32>,
      %get3A_1015 = vector.shape_cast %get3A_1014 : vector<16xf32> to vector<16xf32>
      %get3A_1016 = arith.constant 480 : index
      %get3A_1017 = tpu.vector_load %arg6[%get3A_1016] {strides = array<i32>} : memref<768xf32, #tpu.memory_space<vmem>>, vector<16xf32>,
      %get3A_1018 = vector.shape_cast %get3A_1017 : vector<16xf32> to vector<16xf32>
      %get3A_1019 = arith.constant 496 : index
      %get3A_1020 = tpu.vector_load %arg6[%get3A_1019] {strides = array<i32>} : memref<768xf32, #tpu.memory_space<vmem>>, vector<16xf32>,
      %get3A_1021 = vector.shape_cast %get3A_1020 : vector<16xf32> to vector<16xf32>
      %scan3A_1022 = arith.constant 0 : i32
      %scan3A_1023 = arith.constant 16 : i32
      %scan3A_1024 = arith.addi %scan3A_1022, %scan3A_1023 : i32
      %scan3A_1025 = arith.constant 1 : i32
      %scan3A_1026:4 = scf.for %scan3A_1187 = %scan3A_1022 to %scan3A_1024 step %scan3A_1025 iter_args(%scan3A_1188 = %get3A_1012, %scan3A_1189 = %get3A_1015, %scan3A_1190 = %get3A_1018, %scan3A_1191 = %get3A_1021) -> (vector<16xf32>, vector<16xf32>, vector<16xf32>, vector<16xf32>)  : i32 {
        %mul3A_1192 = arith.constant 4 : i32
        %mul3A_1193 = arith.muli %scan3A_1187, %mul3A_1192 : i32
        %add3A_1194 = arith.constant 0 : i32
        %add3A_1195 = arith.addi %mul3A_1193, %add3A_1194 : i32
        %get3A_1196 = arith.index_cast %add3A_1195 : i32 to index
        %get3A_1197 = arith.constant 448 : index
        %get3A_1198 = tpu.vector_load %arg5[%get3A_1196, %get3A_1197] {strides = array<i32>} : memref<64x768xf32, #tpu.memory_space<vmem>>, vector<1x16xf32>,
        %get3A_1199 = vector.shape_cast %get3A_1198 : vector<1x16xf32> to vector<16xf32>
        %add3A_1200 = arith.addf %scan3A_1188, %get3A_1199 : vector<16xf32>
        %get3A_1201 = arith.index_cast %add3A_1195 : i32 to index
        %get3A_1202 = arith.constant 464 : index
        %get3A_1203 = tpu.vector_load %arg5[%get3A_1201, %get3A_1202] {strides = array<i32>} : memref<64x768xf32, #tpu.memory_space<vmem>>, vector<1x16xf32>,
        %get3A_1204 = vector.shape_cast %get3A_1203 : vector<1x16xf32> to vector<16xf32>
        %add3A_1205 = arith.addf %scan3A_1189, %get3A_1204 : vector<16xf32>
        %get3A_1206 = arith.index_cast %add3A_1195 : i32 to index
        %get3A_1207 = arith.constant 480 : index
        %get3A_1208 = tpu.vector_load %arg5[%get3A_1206, %get3A_1207] {strides = array<i32>} : memref<64x768xf32, #tpu.memory_space<vmem>>, vector<1x16xf32>,
        %get3A_1209 = vector.shape_cast %get3A_1208 : vector<1x16xf32> to vector<16xf32>
        %add3A_1210 = arith.addf %scan3A_1190, %get3A_1209 : vector<16xf32>
        %get3A_1211 = arith.index_cast %add3A_1195 : i32 to index
        %get3A_1212 = arith.constant 496 : index
        %get3A_1213 = tpu.vector_load %arg5[%get3A_1211, %get3A_1212] {strides = array<i32>} : memref<64x768xf32, #tpu.memory_space<vmem>>, vector<1x16xf32>,
        %get3A_1214 = vector.shape_cast %get3A_1213 : vector<1x16xf32> to vector<16xf32>
        %add3A_1215 = arith.addf %scan3A_1191, %get3A_1214 : vector<16xf32>
        %mul3A_1216 = arith.constant 4 : i32
        %mul3A_1217 = arith.muli %scan3A_1187, %mul3A_1216 : i32
        %add3A_1218 = arith.constant 1 : i32
        %add3A_1219 = arith.addi %mul3A_1217, %add3A_1218 : i32
        %get3A_1220 = arith.index_cast %add3A_1219 : i32 to index
        %get3A_1221 = arith.constant 448 : index
        %get3A_1222 = tpu.vector_load %arg5[%get3A_1220, %get3A_1221] {strides = array<i32>} : memref<64x768xf32, #tpu.memory_space<vmem>>, vector<1x16xf32>,
        %get3A_1223 = vector.shape_cast %get3A_1222 : vector<1x16xf32> to vector<16xf32>
        %add3A_1224 = arith.addf %add3A_1200, %get3A_1223 : vector<16xf32>
        %get3A_1225 = arith.index_cast %add3A_1219 : i32 to index
        %get3A_1226 = arith.constant 464 : index
        %get3A_1227 = tpu.vector_load %arg5[%get3A_1225, %get3A_1226] {strides = array<i32>} : memref<64x768xf32, #tpu.memory_space<vmem>>, vector<1x16xf32>,
        %get3A_1228 = vector.shape_cast %get3A_1227 : vector<1x16xf32> to vector<16xf32>
        %add3A_1229 = arith.addf %add3A_1205, %get3A_1228 : vector<16xf32>
        %get3A_1230 = arith.index_cast %add3A_1219 : i32 to index
        %get3A_1231 = arith.constant 480 : index
        %get3A_1232 = tpu.vector_load %arg5[%get3A_1230, %get3A_1231] {strides = array<i32>} : memref<64x768xf32, #tpu.memory_space<vmem>>, vector<1x16xf32>,
        %get3A_1233 = vector.shape_cast %get3A_1232 : vector<1x16xf32> to vector<16xf32>
        %add3A_1234 = arith.addf %add3A_1210, %get3A_1233 : vector<16xf32>
        %get3A_1235 = arith.index_cast %add3A_1219 : i32 to index
        %get3A_1236 = arith.constant 496 : index
        %get3A_1237 = tpu.vector_load %arg5[%get3A_1235, %get3A_1236] {strides = array<i32>} : memref<64x768xf32, #tpu.memory_space<vmem>>, vector<1x16xf32>,
        %get3A_1238 = vector.shape_cast %get3A_1237 : vector<1x16xf32> to vector<16xf32>
        %add3A_1239 = arith.addf %add3A_1215, %get3A_1238 : vector<16xf32>
        %mul3A_1240 = arith.constant 4 : i32
        %mul3A_1241 = arith.muli %scan3A_1187, %mul3A_1240 : i32
        %add3A_1242 = arith.constant 2 : i32
        %add3A_1243 = arith.addi %mul3A_1241, %add3A_1242 : i32
        %get3A_1244 = arith.index_cast %add3A_1243 : i32 to index
        %get3A_1245 = arith.constant 448 : index
        %get3A_1246 = tpu.vector_load %arg5[%get3A_1244, %get3A_1245] {strides = array<i32>} : memref<64x768xf32, #tpu.memory_space<vmem>>, vector<1x16xf32>,
        %get3A_1247 = vector.shape_cast %get3A_1246 : vector<1x16xf32> to vector<16xf32>
        %add3A_1248 = arith.addf %add3A_1224, %get3A_1247 : vector<16xf32>
        %get3A_1249 = arith.index_cast %add3A_1243 : i32 to index
        %get3A_1250 = arith.constant 464 : index
        %get3A_1251 = tpu.vector_load %arg5[%get3A_1249, %get3A_1250] {strides = array<i32>} : memref<64x768xf32, #tpu.memory_space<vmem>>, vector<1x16xf32>,
        %get3A_1252 = vector.shape_cast %get3A_1251 : vector<1x16xf32> to vector<16xf32>
        %add3A_1253 = arith.addf %add3A_1229, %get3A_1252 : vector<16xf32>
        %get3A_1254 = arith.index_cast %add3A_1243 : i32 to index
        %get3A_1255 = arith.constant 480 : index
        %get3A_1256 = tpu.vector_load %arg5[%get3A_1254, %get3A_1255] {strides = array<i32>} : memref<64x768xf32, #tpu.memory_space<vmem>>, vector<1x16xf32>,
        %get3A_1257 = vector.shape_cast %get3A_1256 : vector<1x16xf32> to vector<16xf32>
        %add3A_1258 = arith.addf %add3A_1234, %get3A_1257 : vector<16xf32>
        %get3A_1259 = arith.index_cast %add3A_1243 : i32 to index
        %get3A_1260 = arith.constant 496 : index
        %get3A_1261 = tpu.vector_load %arg5[%get3A_1259, %get3A_1260] {strides = array<i32>} : memref<64x768xf32, #tpu.memory_space<vmem>>, vector<1x16xf32>,
        %get3A_1262 = vector.shape_cast %get3A_1261 : vector<1x16xf32> to vector<16xf32>
        %add3A_1263 = arith.addf %add3A_1239, %get3A_1262 : vector<16xf32>
        %mul3A_1264 = arith.constant 4 : i32
        %mul3A_1265 = arith.muli %scan3A_1187, %mul3A_1264 : i32
        %add3A_1266 = arith.constant 3 : i32
        %add3A_1267 = arith.addi %mul3A_1265, %add3A_1266 : i32
        %get3A_1268 = arith.index_cast %add3A_1267 : i32 to index
        %get3A_1269 = arith.constant 448 : index
        %get3A_1270 = tpu.vector_load %arg5[%get3A_1268, %get3A_1269] {strides = array<i32>} : memref<64x768xf32, #tpu.memory_space<vmem>>, vector<1x16xf32>,
        %get3A_1271 = vector.shape_cast %get3A_1270 : vector<1x16xf32> to vector<16xf32>
        %add3A_1272 = arith.addf %add3A_1248, %get3A_1271 : vector<16xf32>
        %get3A_1273 = arith.index_cast %add3A_1267 : i32 to index
        %get3A_1274 = arith.constant 464 : index
        %get3A_1275 = tpu.vector_load %arg5[%get3A_1273, %get3A_1274] {strides = array<i32>} : memref<64x768xf32, #tpu.memory_space<vmem>>, vector<1x16xf32>,
        %get3A_1276 = vector.shape_cast %get3A_1275 : vector<1x16xf32> to vector<16xf32>
        %add3A_1277 = arith.addf %add3A_1253, %get3A_1276 : vector<16xf32>
        %get3A_1278 = arith.index_cast %add3A_1267 : i32 to index
        %get3A_1279 = arith.constant 480 : index
        %get3A_1280 = tpu.vector_load %arg5[%get3A_1278, %get3A_1279] {strides = array<i32>} : memref<64x768xf32, #tpu.memory_space<vmem>>, vector<1x16xf32>,
        %get3A_1281 = vector.shape_cast %get3A_1280 : vector<1x16xf32> to vector<16xf32>
        %add3A_1282 = arith.addf %add3A_1258, %get3A_1281 : vector<16xf32>
        %get3A_1283 = arith.index_cast %add3A_1267 : i32 to index
        %get3A_1284 = arith.constant 496 : index
        %get3A_1285 = tpu.vector_load %arg5[%get3A_1283, %get3A_1284] {strides = array<i32>} : memref<64x768xf32, #tpu.memory_space<vmem>>, vector<1x16xf32>,
        %get3A_1286 = vector.shape_cast %get3A_1285 : vector<1x16xf32> to vector<16xf32>
        %add3A_1287 = arith.addf %add3A_1263, %get3A_1286 : vector<16xf32>
        scf.yield %add3A_1272, %add3A_1277, %add3A_1282, %add3A_1287 : vector<16xf32>, vector<16xf32>, vector<16xf32>, vector<16xf32>
      }
      %scan3A_1027 = arith.constant 16 : i32
      %swap3A_1028 = arith.constant 448 : index
      %swap3A_1029 = tpu.vector_load %arg6[%swap3A_1028] {strides = array<i32>} : memref<768xf32, #tpu.memory_space<vmem>>, vector<16xf32>,
      %swap3A_1030 = vector.shape_cast %swap3A_1029 : vector<16xf32> to vector<16xf32>
      %swap3A_1031 = vector.shape_cast %scan3A_1026#0 : vector<16xf32> to vector<16xf32>
      tpu.vector_store %arg6[%swap3A_1028], %swap3A_1031 {strides = array<i32>} : memref<768xf32, #tpu.memory_space<vmem>>, vector<16xf32>,
      %swap3A_1032 = arith.constant 464 : index
      %swap3A_1033 = tpu.vector_load %arg6[%swap3A_1032] {strides = array<i32>} : memref<768xf32, #tpu.memory_space<vmem>>, vector<16xf32>,
      %swap3A_1034 = vector.shape_cast %swap3A_1033 : vector<16xf32> to vector<16xf32>
      %swap3A_1035 = vector.shape_cast %scan3A_1026#1 : vector<16xf32> to vector<16xf32>
      tpu.vector_store %arg6[%swap3A_1032], %swap3A_1035 {strides = array<i32>} : memref<768xf32, #tpu.memory_space<vmem>>, vector<16xf32>,
      %swap3A_1036 = arith.constant 480 : index
      %swap3A_1037 = tpu.vector_load %arg6[%swap3A_1036] {strides = array<i32>} : memref<768xf32, #tpu.memory_space<vmem>>, vector<16xf32>,
      %swap3A_1038 = vector.shape_cast %swap3A_1037 : vector<16xf32> to vector<16xf32>
      %swap3A_1039 = vector.shape_cast %scan3A_1026#2 : vector<16xf32> to vector<16xf32>
      tpu.vector_store %arg6[%swap3A_1036], %swap3A_1039 {strides = array<i32>} : memref<768xf32, #tpu.memory_space<vmem>>, vector<16xf32>,
      %swap3A_1040 = arith.constant 496 : index
      %swap3A_1041 = tpu.vector_load %arg6[%swap3A_1040] {strides = array<i32>} : memref<768xf32, #tpu.memory_space<vmem>>, vector<16xf32>,
      %swap3A_1042 = vector.shape_cast %swap3A_1041 : vector<16xf32> to vector<16xf32>
      %swap3A_1043 = vector.shape_cast %scan3A_1026#3 : vector<16xf32> to vector<16xf32>
      tpu.vector_store %arg6[%swap3A_1040], %swap3A_1043 {strides = array<i32>} : memref<768xf32, #tpu.memory_space<vmem>>, vector<16xf32>,
      %get3A_1044 = arith.constant 512 : index
      %get3A_1045 = tpu.vector_load %arg6[%get3A_1044] {strides = array<i32>} : memref<768xf32, #tpu.memory_space<vmem>>, vector<16xf32>,
      %get3A_1046 = vector.shape_cast %get3A_1045 : vector<16xf32> to vector<16xf32>
      %get3A_1047 = arith.constant 528 : index
      %get3A_1048 = tpu.vector_load %arg6[%get3A_1047] {strides = array<i32>} : memref<768xf32, #tpu.memory_space<vmem>>, vector<16xf32>,
      %get3A_1049 = vector.shape_cast %get3A_1048 : vector<16xf32> to vector<16xf32>
      %get3A_1050 = arith.constant 544 : index
      %get3A_1051 = tpu.vector_load %arg6[%get3A_1050] {strides = array<i32>} : memref<768xf32, #tpu.memory_space<vmem>>, vector<16xf32>,
      %get3A_1052 = vector.shape_cast %get3A_1051 : vector<16xf32> to vector<16xf32>
      %get3A_1053 = arith.constant 560 : index
      %get3A_1054 = tpu.vector_load %arg6[%get3A_1053] {strides = array<i32>} : memref<768xf32, #tpu.memory_space<vmem>>, vector<16xf32>,
      %get3A_1055 = vector.shape_cast %get3A_1054 : vector<16xf32> to vector<16xf32>
      %scan3A_1056 = arith.constant 0 : i32
      %scan3A_1057 = arith.constant 16 : i32
      %scan3A_1058 = arith.addi %scan3A_1056, %scan3A_1057 : i32
      %scan3A_1059 = arith.constant 1 : i32
      %scan3A_1060:4 = scf.for %scan3A_1187 = %scan3A_1056 to %scan3A_1058 step %scan3A_1059 iter_args(%scan3A_1188 = %get3A_1046, %scan3A_1189 = %get3A_1049, %scan3A_1190 = %get3A_1052, %scan3A_1191 = %get3A_1055) -> (vector<16xf32>, vector<16xf32>, vector<16xf32>, vector<16xf32>)  : i32 {
        %mul3A_1192 = arith.constant 4 : i32
        %mul3A_1193 = arith.muli %scan3A_1187, %mul3A_1192 : i32
        %add3A_1194 = arith.constant 0 : i32
        %add3A_1195 = arith.addi %mul3A_1193, %add3A_1194 : i32
        %get3A_1196 = arith.index_cast %add3A_1195 : i32 to index
        %get3A_1197 = arith.constant 512 : index
        %get3A_1198 = tpu.vector_load %arg5[%get3A_1196, %get3A_1197] {strides = array<i32>} : memref<64x768xf32, #tpu.memory_space<vmem>>, vector<1x16xf32>,
        %get3A_1199 = vector.shape_cast %get3A_1198 : vector<1x16xf32> to vector<16xf32>
        %add3A_1200 = arith.addf %scan3A_1188, %get3A_1199 : vector<16xf32>
        %get3A_1201 = arith.index_cast %add3A_1195 : i32 to index
        %get3A_1202 = arith.constant 528 : index
        %get3A_1203 = tpu.vector_load %arg5[%get3A_1201, %get3A_1202] {strides = array<i32>} : memref<64x768xf32, #tpu.memory_space<vmem>>, vector<1x16xf32>,
        %get3A_1204 = vector.shape_cast %get3A_1203 : vector<1x16xf32> to vector<16xf32>
        %add3A_1205 = arith.addf %scan3A_1189, %get3A_1204 : vector<16xf32>
        %get3A_1206 = arith.index_cast %add3A_1195 : i32 to index
        %get3A_1207 = arith.constant 544 : index
        %get3A_1208 = tpu.vector_load %arg5[%get3A_1206, %get3A_1207] {strides = array<i32>} : memref<64x768xf32, #tpu.memory_space<vmem>>, vector<1x16xf32>,
        %get3A_1209 = vector.shape_cast %get3A_1208 : vector<1x16xf32> to vector<16xf32>
        %add3A_1210 = arith.addf %scan3A_1190, %get3A_1209 : vector<16xf32>
        %get3A_1211 = arith.index_cast %add3A_1195 : i32 to index
        %get3A_1212 = arith.constant 560 : index
        %get3A_1213 = tpu.vector_load %arg5[%get3A_1211, %get3A_1212] {strides = array<i32>} : memref<64x768xf32, #tpu.memory_space<vmem>>, vector<1x16xf32>,
        %get3A_1214 = vector.shape_cast %get3A_1213 : vector<1x16xf32> to vector<16xf32>
        %add3A_1215 = arith.addf %scan3A_1191, %get3A_1214 : vector<16xf32>
        %mul3A_1216 = arith.constant 4 : i32
        %mul3A_1217 = arith.muli %scan3A_1187, %mul3A_1216 : i32
        %add3A_1218 = arith.constant 1 : i32
        %add3A_1219 = arith.addi %mul3A_1217, %add3A_1218 : i32
        %get3A_1220 = arith.index_cast %add3A_1219 : i32 to index
        %get3A_1221 = arith.constant 512 : index
        %get3A_1222 = tpu.vector_load %arg5[%get3A_1220, %get3A_1221] {strides = array<i32>} : memref<64x768xf32, #tpu.memory_space<vmem>>, vector<1x16xf32>,
        %get3A_1223 = vector.shape_cast %get3A_1222 : vector<1x16xf32> to vector<16xf32>
        %add3A_1224 = arith.addf %add3A_1200, %get3A_1223 : vector<16xf32>
        %get3A_1225 = arith.index_cast %add3A_1219 : i32 to index
        %get3A_1226 = arith.constant 528 : index
        %get3A_1227 = tpu.vector_load %arg5[%get3A_1225, %get3A_1226] {strides = array<i32>} : memref<64x768xf32, #tpu.memory_space<vmem>>, vector<1x16xf32>,
        %get3A_1228 = vector.shape_cast %get3A_1227 : vector<1x16xf32> to vector<16xf32>
        %add3A_1229 = arith.addf %add3A_1205, %get3A_1228 : vector<16xf32>
        %get3A_1230 = arith.index_cast %add3A_1219 : i32 to index
        %get3A_1231 = arith.constant 544 : index
        %get3A_1232 = tpu.vector_load %arg5[%get3A_1230, %get3A_1231] {strides = array<i32>} : memref<64x768xf32, #tpu.memory_space<vmem>>, vector<1x16xf32>,
        %get3A_1233 = vector.shape_cast %get3A_1232 : vector<1x16xf32> to vector<16xf32>
        %add3A_1234 = arith.addf %add3A_1210, %get3A_1233 : vector<16xf32>
        %get3A_1235 = arith.index_cast %add3A_1219 : i32 to index
        %get3A_1236 = arith.constant 560 : index
        %get3A_1237 = tpu.vector_load %arg5[%get3A_1235, %get3A_1236] {strides = array<i32>} : memref<64x768xf32, #tpu.memory_space<vmem>>, vector<1x16xf32>,
        %get3A_1238 = vector.shape_cast %get3A_1237 : vector<1x16xf32> to vector<16xf32>
        %add3A_1239 = arith.addf %add3A_1215, %get3A_1238 : vector<16xf32>
        %mul3A_1240 = arith.constant 4 : i32
        %mul3A_1241 = arith.muli %scan3A_1187, %mul3A_1240 : i32
        %add3A_1242 = arith.constant 2 : i32
        %add3A_1243 = arith.addi %mul3A_1241, %add3A_1242 : i32
        %get3A_1244 = arith.index_cast %add3A_1243 : i32 to index
        %get3A_1245 = arith.constant 512 : index
        %get3A_1246 = tpu.vector_load %arg5[%get3A_1244, %get3A_1245] {strides = array<i32>} : memref<64x768xf32, #tpu.memory_space<vmem>>, vector<1x16xf32>,
        %get3A_1247 = vector.shape_cast %get3A_1246 : vector<1x16xf32> to vector<16xf32>
        %add3A_1248 = arith.addf %add3A_1224, %get3A_1247 : vector<16xf32>
        %get3A_1249 = arith.index_cast %add3A_1243 : i32 to index
        %get3A_1250 = arith.constant 528 : index
        %get3A_1251 = tpu.vector_load %arg5[%get3A_1249, %get3A_1250] {strides = array<i32>} : memref<64x768xf32, #tpu.memory_space<vmem>>, vector<1x16xf32>,
        %get3A_1252 = vector.shape_cast %get3A_1251 : vector<1x16xf32> to vector<16xf32>
        %add3A_1253 = arith.addf %add3A_1229, %get3A_1252 : vector<16xf32>
        %get3A_1254 = arith.index_cast %add3A_1243 : i32 to index
        %get3A_1255 = arith.constant 544 : index
        %get3A_1256 = tpu.vector_load %arg5[%get3A_1254, %get3A_1255] {strides = array<i32>} : memref<64x768xf32, #tpu.memory_space<vmem>>, vector<1x16xf32>,
        %get3A_1257 = vector.shape_cast %get3A_1256 : vector<1x16xf32> to vector<16xf32>
        %add3A_1258 = arith.addf %add3A_1234, %get3A_1257 : vector<16xf32>
        %get3A_1259 = arith.index_cast %add3A_1243 : i32 to index
        %get3A_1260 = arith.constant 560 : index
        %get3A_1261 = tpu.vector_load %arg5[%get3A_1259, %get3A_1260] {strides = array<i32>} : memref<64x768xf32, #tpu.memory_space<vmem>>, vector<1x16xf32>,
        %get3A_1262 = vector.shape_cast %get3A_1261 : vector<1x16xf32> to vector<16xf32>
        %add3A_1263 = arith.addf %add3A_1239, %get3A_1262 : vector<16xf32>
        %mul3A_1264 = arith.constant 4 : i32
        %mul3A_1265 = arith.muli %scan3A_1187, %mul3A_1264 : i32
        %add3A_1266 = arith.constant 3 : i32
        %add3A_1267 = arith.addi %mul3A_1265, %add3A_1266 : i32
        %get3A_1268 = arith.index_cast %add3A_1267 : i32 to index
        %get3A_1269 = arith.constant 512 : index
        %get3A_1270 = tpu.vector_load %arg5[%get3A_1268, %get3A_1269] {strides = array<i32>} : memref<64x768xf32, #tpu.memory_space<vmem>>, vector<1x16xf32>,
        %get3A_1271 = vector.shape_cast %get3A_1270 : vector<1x16xf32> to vector<16xf32>
        %add3A_1272 = arith.addf %add3A_1248, %get3A_1271 : vector<16xf32>
        %get3A_1273 = arith.index_cast %add3A_1267 : i32 to index
        %get3A_1274 = arith.constant 528 : index
        %get3A_1275 = tpu.vector_load %arg5[%get3A_1273, %get3A_1274] {strides = array<i32>} : memref<64x768xf32, #tpu.memory_space<vmem>>, vector<1x16xf32>,
        %get3A_1276 = vector.shape_cast %get3A_1275 : vector<1x16xf32> to vector<16xf32>
        %add3A_1277 = arith.addf %add3A_1253, %get3A_1276 : vector<16xf32>
        %get3A_1278 = arith.index_cast %add3A_1267 : i32 to index
        %get3A_1279 = arith.constant 544 : index
        %get3A_1280 = tpu.vector_load %arg5[%get3A_1278, %get3A_1279] {strides = array<i32>} : memref<64x768xf32, #tpu.memory_space<vmem>>, vector<1x16xf32>,
        %get3A_1281 = vector.shape_cast %get3A_1280 : vector<1x16xf32> to vector<16xf32>
        %add3A_1282 = arith.addf %add3A_1258, %get3A_1281 : vector<16xf32>
        %get3A_1283 = arith.index_cast %add3A_1267 : i32 to index
        %get3A_1284 = arith.constant 560 : index
        %get3A_1285 = tpu.vector_load %arg5[%get3A_1283, %get3A_1284] {strides = array<i32>} : memref<64x768xf32, #tpu.memory_space<vmem>>, vector<1x16xf32>,
        %get3A_1286 = vector.shape_cast %get3A_1285 : vector<1x16xf32> to vector<16xf32>
        %add3A_1287 = arith.addf %add3A_1263, %get3A_1286 : vector<16xf32>
        scf.yield %add3A_1272, %add3A_1277, %add3A_1282, %add3A_1287 : vector<16xf32>, vector<16xf32>, vector<16xf32>, vector<16xf32>
      }
      %scan3A_1061 = arith.constant 16 : i32
      %swap3A_1062 = arith.constant 512 : index
      %swap3A_1063 = tpu.vector_load %arg6[%swap3A_1062] {strides = array<i32>} : memref<768xf32, #tpu.memory_space<vmem>>, vector<16xf32>,
      %swap3A_1064 = vector.shape_cast %swap3A_1063 : vector<16xf32> to vector<16xf32>
      %swap3A_1065 = vector.shape_cast %scan3A_1060#0 : vector<16xf32> to vector<16xf32>
      tpu.vector_store %arg6[%swap3A_1062], %swap3A_1065 {strides = array<i32>} : memref<768xf32, #tpu.memory_space<vmem>>, vector<16xf32>,
      %swap3A_1066 = arith.constant 528 : index
      %swap3A_1067 = tpu.vector_load %arg6[%swap3A_1066] {strides = array<i32>} : memref<768xf32, #tpu.memory_space<vmem>>, vector<16xf32>,
      %swap3A_1068 = vector.shape_cast %swap3A_1067 : vector<16xf32> to vector<16xf32>
      %swap3A_1069 = vector.shape_cast %scan3A_1060#1 : vector<16xf32> to vector<16xf32>
      tpu.vector_store %arg6[%swap3A_1066], %swap3A_1069 {strides = array<i32>} : memref<768xf32, #tpu.memory_space<vmem>>, vector<16xf32>,
      %swap3A_1070 = arith.constant 544 : index
      %swap3A_1071 = tpu.vector_load %arg6[%swap3A_1070] {strides = array<i32>} : memref<768xf32, #tpu.memory_space<vmem>>, vector<16xf32>,
      %swap3A_1072 = vector.shape_cast %swap3A_1071 : vector<16xf32> to vector<16xf32>
      %swap3A_1073 = vector.shape_cast %scan3A_1060#2 : vector<16xf32> to vector<16xf32>
      tpu.vector_store %arg6[%swap3A_1070], %swap3A_1073 {strides = array<i32>} : memref<768xf32, #tpu.memory_space<vmem>>, vector<16xf32>,
      %swap3A_1074 = arith.constant 560 : index
      %swap3A_1075 = tpu.vector_load %arg6[%swap3A_1074] {strides = array<i32>} : memref<768xf32, #tpu.memory_space<vmem>>, vector<16xf32>,
      %swap3A_1076 = vector.shape_cast %swap3A_1075 : vector<16xf32> to vector<16xf32>
      %swap3A_1077 = vector.shape_cast %scan3A_1060#3 : vector<16xf32> to vector<16xf32>
      tpu.vector_store %arg6[%swap3A_1074], %swap3A_1077 {strides = array<i32>} : memref<768xf32, #tpu.memory_space<vmem>>, vector<16xf32>,
      %get3A_1078 = arith.constant 576 : index
      %get3A_1079 = tpu.vector_load %arg6[%get3A_1078] {strides = array<i32>} : memref<768xf32, #tpu.memory_space<vmem>>, vector<16xf32>,
      %get3A_1080 = vector.shape_cast %get3A_1079 : vector<16xf32> to vector<16xf32>
      %get3A_1081 = arith.constant 592 : index
      %get3A_1082 = tpu.vector_load %arg6[%get3A_1081] {strides = array<i32>} : memref<768xf32, #tpu.memory_space<vmem>>, vector<16xf32>,
      %get3A_1083 = vector.shape_cast %get3A_1082 : vector<16xf32> to vector<16xf32>
      %get3A_1084 = arith.constant 608 : index
      %get3A_1085 = tpu.vector_load %arg6[%get3A_1084] {strides = array<i32>} : memref<768xf32, #tpu.memory_space<vmem>>, vector<16xf32>,
      %get3A_1086 = vector.shape_cast %get3A_1085 : vector<16xf32> to vector<16xf32>
      %get3A_1087 = arith.constant 624 : index
      %get3A_1088 = tpu.vector_load %arg6[%get3A_1087] {strides = array<i32>} : memref<768xf32, #tpu.memory_space<vmem>>, vector<16xf32>,
      %get3A_1089 = vector.shape_cast %get3A_1088 : vector<16xf32> to vector<16xf32>
      %scan3A_1090 = arith.constant 0 : i32
      %scan3A_1091 = arith.constant 16 : i32
      %scan3A_1092 = arith.addi %scan3A_1090, %scan3A_1091 : i32
      %scan3A_1093 = arith.constant 1 : i32
      %scan3A_1094:4 = scf.for %scan3A_1187 = %scan3A_1090 to %scan3A_1092 step %scan3A_1093 iter_args(%scan3A_1188 = %get3A_1080, %scan3A_1189 = %get3A_1083, %scan3A_1190 = %get3A_1086, %scan3A_1191 = %get3A_1089) -> (vector<16xf32>, vector<16xf32>, vector<16xf32>, vector<16xf32>)  : i32 {
        %mul3A_1192 = arith.constant 4 : i32
        %mul3A_1193 = arith.muli %scan3A_1187, %mul3A_1192 : i32
        %add3A_1194 = arith.constant 0 : i32
        %add3A_1195 = arith.addi %mul3A_1193, %add3A_1194 : i32
        %get3A_1196 = arith.index_cast %add3A_1195 : i32 to index
        %get3A_1197 = arith.constant 576 : index
        %get3A_1198 = tpu.vector_load %arg5[%get3A_1196, %get3A_1197] {strides = array<i32>} : memref<64x768xf32, #tpu.memory_space<vmem>>, vector<1x16xf32>,
        %get3A_1199 = vector.shape_cast %get3A_1198 : vector<1x16xf32> to vector<16xf32>
        %add3A_1200 = arith.addf %scan3A_1188, %get3A_1199 : vector<16xf32>
        %get3A_1201 = arith.index_cast %add3A_1195 : i32 to index
        %get3A_1202 = arith.constant 592 : index
        %get3A_1203 = tpu.vector_load %arg5[%get3A_1201, %get3A_1202] {strides = array<i32>} : memref<64x768xf32, #tpu.memory_space<vmem>>, vector<1x16xf32>,
        %get3A_1204 = vector.shape_cast %get3A_1203 : vector<1x16xf32> to vector<16xf32>
        %add3A_1205 = arith.addf %scan3A_1189, %get3A_1204 : vector<16xf32>
        %get3A_1206 = arith.index_cast %add3A_1195 : i32 to index
        %get3A_1207 = arith.constant 608 : index
        %get3A_1208 = tpu.vector_load %arg5[%get3A_1206, %get3A_1207] {strides = array<i32>} : memref<64x768xf32, #tpu.memory_space<vmem>>, vector<1x16xf32>,
        %get3A_1209 = vector.shape_cast %get3A_1208 : vector<1x16xf32> to vector<16xf32>
        %add3A_1210 = arith.addf %scan3A_1190, %get3A_1209 : vector<16xf32>
        %get3A_1211 = arith.index_cast %add3A_1195 : i32 to index
        %get3A_1212 = arith.constant 624 : index
        %get3A_1213 = tpu.vector_load %arg5[%get3A_1211, %get3A_1212] {strides = array<i32>} : memref<64x768xf32, #tpu.memory_space<vmem>>, vector<1x16xf32>,
        %get3A_1214 = vector.shape_cast %get3A_1213 : vector<1x16xf32> to vector<16xf32>
        %add3A_1215 = arith.addf %scan3A_1191, %get3A_1214 : vector<16xf32>
        %mul3A_1216 = arith.constant 4 : i32
        %mul3A_1217 = arith.muli %scan3A_1187, %mul3A_1216 : i32
        %add3A_1218 = arith.constant 1 : i32
        %add3A_1219 = arith.addi %mul3A_1217, %add3A_1218 : i32
        %get3A_1220 = arith.index_cast %add3A_1219 : i32 to index
        %get3A_1221 = arith.constant 576 : index
        %get3A_1222 = tpu.vector_load %arg5[%get3A_1220, %get3A_1221] {strides = array<i32>} : memref<64x768xf32, #tpu.memory_space<vmem>>, vector<1x16xf32>,
        %get3A_1223 = vector.shape_cast %get3A_1222 : vector<1x16xf32> to vector<16xf32>
        %add3A_1224 = arith.addf %add3A_1200, %get3A_1223 : vector<16xf32>
        %get3A_1225 = arith.index_cast %add3A_1219 : i32 to index
        %get3A_1226 = arith.constant 592 : index
        %get3A_1227 = tpu.vector_load %arg5[%get3A_1225, %get3A_1226] {strides = array<i32>} : memref<64x768xf32, #tpu.memory_space<vmem>>, vector<1x16xf32>,
        %get3A_1228 = vector.shape_cast %get3A_1227 : vector<1x16xf32> to vector<16xf32>
        %add3A_1229 = arith.addf %add3A_1205, %get3A_1228 : vector<16xf32>
        %get3A_1230 = arith.index_cast %add3A_1219 : i32 to index
        %get3A_1231 = arith.constant 608 : index
        %get3A_1232 = tpu.vector_load %arg5[%get3A_1230, %get3A_1231] {strides = array<i32>} : memref<64x768xf32, #tpu.memory_space<vmem>>, vector<1x16xf32>,
        %get3A_1233 = vector.shape_cast %get3A_1232 : vector<1x16xf32> to vector<16xf32>
        %add3A_1234 = arith.addf %add3A_1210, %get3A_1233 : vector<16xf32>
        %get3A_1235 = arith.index_cast %add3A_1219 : i32 to index
        %get3A_1236 = arith.constant 624 : index
        %get3A_1237 = tpu.vector_load %arg5[%get3A_1235, %get3A_1236] {strides = array<i32>} : memref<64x768xf32, #tpu.memory_space<vmem>>, vector<1x16xf32>,
        %get3A_1238 = vector.shape_cast %get3A_1237 : vector<1x16xf32> to vector<16xf32>
        %add3A_1239 = arith.addf %add3A_1215, %get3A_1238 : vector<16xf32>
        %mul3A_1240 = arith.constant 4 : i32
        %mul3A_1241 = arith.muli %scan3A_1187, %mul3A_1240 : i32
        %add3A_1242 = arith.constant 2 : i32
        %add3A_1243 = arith.addi %mul3A_1241, %add3A_1242 : i32
        %get3A_1244 = arith.index_cast %add3A_1243 : i32 to index
        %get3A_1245 = arith.constant 576 : index
        %get3A_1246 = tpu.vector_load %arg5[%get3A_1244, %get3A_1245] {strides = array<i32>} : memref<64x768xf32, #tpu.memory_space<vmem>>, vector<1x16xf32>,
        %get3A_1247 = vector.shape_cast %get3A_1246 : vector<1x16xf32> to vector<16xf32>
        %add3A_1248 = arith.addf %add3A_1224, %get3A_1247 : vector<16xf32>
        %get3A_1249 = arith.index_cast %add3A_1243 : i32 to index
        %get3A_1250 = arith.constant 592 : index
        %get3A_1251 = tpu.vector_load %arg5[%get3A_1249, %get3A_1250] {strides = array<i32>} : memref<64x768xf32, #tpu.memory_space<vmem>>, vector<1x16xf32>,
        %get3A_1252 = vector.shape_cast %get3A_1251 : vector<1x16xf32> to vector<16xf32>
        %add3A_1253 = arith.addf %add3A_1229, %get3A_1252 : vector<16xf32>
        %get3A_1254 = arith.index_cast %add3A_1243 : i32 to index
        %get3A_1255 = arith.constant 608 : index
        %get3A_1256 = tpu.vector_load %arg5[%get3A_1254, %get3A_1255] {strides = array<i32>} : memref<64x768xf32, #tpu.memory_space<vmem>>, vector<1x16xf32>,
        %get3A_1257 = vector.shape_cast %get3A_1256 : vector<1x16xf32> to vector<16xf32>
        %add3A_1258 = arith.addf %add3A_1234, %get3A_1257 : vector<16xf32>
        %get3A_1259 = arith.index_cast %add3A_1243 : i32 to index
        %get3A_1260 = arith.constant 624 : index
        %get3A_1261 = tpu.vector_load %arg5[%get3A_1259, %get3A_1260] {strides = array<i32>} : memref<64x768xf32, #tpu.memory_space<vmem>>, vector<1x16xf32>,
        %get3A_1262 = vector.shape_cast %get3A_1261 : vector<1x16xf32> to vector<16xf32>
        %add3A_1263 = arith.addf %add3A_1239, %get3A_1262 : vector<16xf32>
        %mul3A_1264 = arith.constant 4 : i32
        %mul3A_1265 = arith.muli %scan3A_1187, %mul3A_1264 : i32
        %add3A_1266 = arith.constant 3 : i32
        %add3A_1267 = arith.addi %mul3A_1265, %add3A_1266 : i32
        %get3A_1268 = arith.index_cast %add3A_1267 : i32 to index
        %get3A_1269 = arith.constant 576 : index
        %get3A_1270 = tpu.vector_load %arg5[%get3A_1268, %get3A_1269] {strides = array<i32>} : memref<64x768xf32, #tpu.memory_space<vmem>>, vector<1x16xf32>,
        %get3A_1271 = vector.shape_cast %get3A_1270 : vector<1x16xf32> to vector<16xf32>
        %add3A_1272 = arith.addf %add3A_1248, %get3A_1271 : vector<16xf32>
        %get3A_1273 = arith.index_cast %add3A_1267 : i32 to index
        %get3A_1274 = arith.constant 592 : index
        %get3A_1275 = tpu.vector_load %arg5[%get3A_1273, %get3A_1274] {strides = array<i32>} : memref<64x768xf32, #tpu.memory_space<vmem>>, vector<1x16xf32>,
        %get3A_1276 = vector.shape_cast %get3A_1275 : vector<1x16xf32> to vector<16xf32>
        %add3A_1277 = arith.addf %add3A_1253, %get3A_1276 : vector<16xf32>
        %get3A_1278 = arith.index_cast %add3A_1267 : i32 to index
        %get3A_1279 = arith.constant 608 : index
        %get3A_1280 = tpu.vector_load %arg5[%get3A_1278, %get3A_1279] {strides = array<i32>} : memref<64x768xf32, #tpu.memory_space<vmem>>, vector<1x16xf32>,
        %get3A_1281 = vector.shape_cast %get3A_1280 : vector<1x16xf32> to vector<16xf32>
        %add3A_1282 = arith.addf %add3A_1258, %get3A_1281 : vector<16xf32>
        %get3A_1283 = arith.index_cast %add3A_1267 : i32 to index
        %get3A_1284 = arith.constant 624 : index
        %get3A_1285 = tpu.vector_load %arg5[%get3A_1283, %get3A_1284] {strides = array<i32>} : memref<64x768xf32, #tpu.memory_space<vmem>>, vector<1x16xf32>,
        %get3A_1286 = vector.shape_cast %get3A_1285 : vector<1x16xf32> to vector<16xf32>
        %add3A_1287 = arith.addf %add3A_1263, %get3A_1286 : vector<16xf32>
        scf.yield %add3A_1272, %add3A_1277, %add3A_1282, %add3A_1287 : vector<16xf32>, vector<16xf32>, vector<16xf32>, vector<16xf32>
      }
      %scan3A_1095 = arith.constant 16 : i32
      %swap3A_1096 = arith.constant 576 : index
      %swap3A_1097 = tpu.vector_load %arg6[%swap3A_1096] {strides = array<i32>} : memref<768xf32, #tpu.memory_space<vmem>>, vector<16xf32>,
      %swap3A_1098 = vector.shape_cast %swap3A_1097 : vector<16xf32> to vector<16xf32>
      %swap3A_1099 = vector.shape_cast %scan3A_1094#0 : vector<16xf32> to vector<16xf32>
      tpu.vector_store %arg6[%swap3A_1096], %swap3A_1099 {strides = array<i32>} : memref<768xf32, #tpu.memory_space<vmem>>, vector<16xf32>,
      %swap3A_1100 = arith.constant 592 : index
      %swap3A_1101 = tpu.vector_load %arg6[%swap3A_1100] {strides = array<i32>} : memref<768xf32, #tpu.memory_space<vmem>>, vector<16xf32>,
      %swap3A_1102 = vector.shape_cast %swap3A_1101 : vector<16xf32> to vector<16xf32>
      %swap3A_1103 = vector.shape_cast %scan3A_1094#1 : vector<16xf32> to vector<16xf32>
      tpu.vector_store %arg6[%swap3A_1100], %swap3A_1103 {strides = array<i32>} : memref<768xf32, #tpu.memory_space<vmem>>, vector<16xf32>,
      %swap3A_1104 = arith.constant 608 : index
      %swap3A_1105 = tpu.vector_load %arg6[%swap3A_1104] {strides = array<i32>} : memref<768xf32, #tpu.memory_space<vmem>>, vector<16xf32>,
      %swap3A_1106 = vector.shape_cast %swap3A_1105 : vector<16xf32> to vector<16xf32>
      %swap3A_1107 = vector.shape_cast %scan3A_1094#2 : vector<16xf32> to vector<16xf32>
      tpu.vector_store %arg6[%swap3A_1104], %swap3A_1107 {strides = array<i32>} : memref<768xf32, #tpu.memory_space<vmem>>, vector<16xf32>,
      %swap3A_1108 = arith.constant 624 : index
      %swap3A_1109 = tpu.vector_load %arg6[%swap3A_1108] {strides = array<i32>} : memref<768xf32, #tpu.memory_space<vmem>>, vector<16xf32>,
      %swap3A_1110 = vector.shape_cast %swap3A_1109 : vector<16xf32> to vector<16xf32>
      %swap3A_1111 = vector.shape_cast %scan3A_1094#3 : vector<16xf32> to vector<16xf32>
      tpu.vector_store %arg6[%swap3A_1108], %swap3A_1111 {strides = array<i32>} : memref<768xf32, #tpu.memory_space<vmem>>, vector<16xf32>,
      %get3A_1112 = arith.constant 640 : index
      %get3A_1113 = tpu.vector_load %arg6[%get3A_1112] {strides = array<i32>} : memref<768xf32, #tpu.memory_space<vmem>>, vector<16xf32>,
      %get3A_1114 = vector.shape_cast %get3A_1113 : vector<16xf32> to vector<16xf32>
      %get3A_1115 = arith.constant 656 : index
      %get3A_1116 = tpu.vector_load %arg6[%get3A_1115] {strides = array<i32>} : memref<768xf32, #tpu.memory_space<vmem>>, vector<16xf32>,
      %get3A_1117 = vector.shape_cast %get3A_1116 : vector<16xf32> to vector<16xf32>
      %get3A_1118 = arith.constant 672 : index
      %get3A_1119 = tpu.vector_load %arg6[%get3A_1118] {strides = array<i32>} : memref<768xf32, #tpu.memory_space<vmem>>, vector<16xf32>,
      %get3A_1120 = vector.shape_cast %get3A_1119 : vector<16xf32> to vector<16xf32>
      %get3A_1121 = arith.constant 688 : index
      %get3A_1122 = tpu.vector_load %arg6[%get3A_1121] {strides = array<i32>} : memref<768xf32, #tpu.memory_space<vmem>>, vector<16xf32>,
      %get3A_1123 = vector.shape_cast %get3A_1122 : vector<16xf32> to vector<16xf32>
      %scan3A_1124 = arith.constant 0 : i32
      %scan3A_1125 = arith.constant 16 : i32
      %scan3A_1126 = arith.addi %scan3A_1124, %scan3A_1125 : i32
      %scan3A_1127 = arith.constant 1 : i32
      %scan3A_1128:4 = scf.for %scan3A_1187 = %scan3A_1124 to %scan3A_1126 step %scan3A_1127 iter_args(%scan3A_1188 = %get3A_1114, %scan3A_1189 = %get3A_1117, %scan3A_1190 = %get3A_1120, %scan3A_1191 = %get3A_1123) -> (vector<16xf32>, vector<16xf32>, vector<16xf32>, vector<16xf32>)  : i32 {
        %mul3A_1192 = arith.constant 4 : i32
        %mul3A_1193 = arith.muli %scan3A_1187, %mul3A_1192 : i32
        %add3A_1194 = arith.constant 0 : i32
        %add3A_1195 = arith.addi %mul3A_1193, %add3A_1194 : i32
        %get3A_1196 = arith.index_cast %add3A_1195 : i32 to index
        %get3A_1197 = arith.constant 640 : index
        %get3A_1198 = tpu.vector_load %arg5[%get3A_1196, %get3A_1197] {strides = array<i32>} : memref<64x768xf32, #tpu.memory_space<vmem>>, vector<1x16xf32>,
        %get3A_1199 = vector.shape_cast %get3A_1198 : vector<1x16xf32> to vector<16xf32>
        %add3A_1200 = arith.addf %scan3A_1188, %get3A_1199 : vector<16xf32>
        %get3A_1201 = arith.index_cast %add3A_1195 : i32 to index
        %get3A_1202 = arith.constant 656 : index
        %get3A_1203 = tpu.vector_load %arg5[%get3A_1201, %get3A_1202] {strides = array<i32>} : memref<64x768xf32, #tpu.memory_space<vmem>>, vector<1x16xf32>,
        %get3A_1204 = vector.shape_cast %get3A_1203 : vector<1x16xf32> to vector<16xf32>
        %add3A_1205 = arith.addf %scan3A_1189, %get3A_1204 : vector<16xf32>
        %get3A_1206 = arith.index_cast %add3A_1195 : i32 to index
        %get3A_1207 = arith.constant 672 : index
        %get3A_1208 = tpu.vector_load %arg5[%get3A_1206, %get3A_1207] {strides = array<i32>} : memref<64x768xf32, #tpu.memory_space<vmem>>, vector<1x16xf32>,
        %get3A_1209 = vector.shape_cast %get3A_1208 : vector<1x16xf32> to vector<16xf32>
        %add3A_1210 = arith.addf %scan3A_1190, %get3A_1209 : vector<16xf32>
        %get3A_1211 = arith.index_cast %add3A_1195 : i32 to index
        %get3A_1212 = arith.constant 688 : index
        %get3A_1213 = tpu.vector_load %arg5[%get3A_1211, %get3A_1212] {strides = array<i32>} : memref<64x768xf32, #tpu.memory_space<vmem>>, vector<1x16xf32>,
        %get3A_1214 = vector.shape_cast %get3A_1213 : vector<1x16xf32> to vector<16xf32>
        %add3A_1215 = arith.addf %scan3A_1191, %get3A_1214 : vector<16xf32>
        %mul3A_1216 = arith.constant 4 : i32
        %mul3A_1217 = arith.muli %scan3A_1187, %mul3A_1216 : i32
        %add3A_1218 = arith.constant 1 : i32
        %add3A_1219 = arith.addi %mul3A_1217, %add3A_1218 : i32
        %get3A_1220 = arith.index_cast %add3A_1219 : i32 to index
        %get3A_1221 = arith.constant 640 : index
        %get3A_1222 = tpu.vector_load %arg5[%get3A_1220, %get3A_1221] {strides = array<i32>} : memref<64x768xf32, #tpu.memory_space<vmem>>, vector<1x16xf32>,
        %get3A_1223 = vector.shape_cast %get3A_1222 : vector<1x16xf32> to vector<16xf32>
        %add3A_1224 = arith.addf %add3A_1200, %get3A_1223 : vector<16xf32>
        %get3A_1225 = arith.index_cast %add3A_1219 : i32 to index
        %get3A_1226 = arith.constant 656 : index
        %get3A_1227 = tpu.vector_load %arg5[%get3A_1225, %get3A_1226] {strides = array<i32>} : memref<64x768xf32, #tpu.memory_space<vmem>>, vector<1x16xf32>,
        %get3A_1228 = vector.shape_cast %get3A_1227 : vector<1x16xf32> to vector<16xf32>
        %add3A_1229 = arith.addf %add3A_1205, %get3A_1228 : vector<16xf32>
        %get3A_1230 = arith.index_cast %add3A_1219 : i32 to index
        %get3A_1231 = arith.constant 672 : index
        %get3A_1232 = tpu.vector_load %arg5[%get3A_1230, %get3A_1231] {strides = array<i32>} : memref<64x768xf32, #tpu.memory_space<vmem>>, vector<1x16xf32>,
        %get3A_1233 = vector.shape_cast %get3A_1232 : vector<1x16xf32> to vector<16xf32>
        %add3A_1234 = arith.addf %add3A_1210, %get3A_1233 : vector<16xf32>
        %get3A_1235 = arith.index_cast %add3A_1219 : i32 to index
        %get3A_1236 = arith.constant 688 : index
        %get3A_1237 = tpu.vector_load %arg5[%get3A_1235, %get3A_1236] {strides = array<i32>} : memref<64x768xf32, #tpu.memory_space<vmem>>, vector<1x16xf32>,
        %get3A_1238 = vector.shape_cast %get3A_1237 : vector<1x16xf32> to vector<16xf32>
        %add3A_1239 = arith.addf %add3A_1215, %get3A_1238 : vector<16xf32>
        %mul3A_1240 = arith.constant 4 : i32
        %mul3A_1241 = arith.muli %scan3A_1187, %mul3A_1240 : i32
        %add3A_1242 = arith.constant 2 : i32
        %add3A_1243 = arith.addi %mul3A_1241, %add3A_1242 : i32
        %get3A_1244 = arith.index_cast %add3A_1243 : i32 to index
        %get3A_1245 = arith.constant 640 : index
        %get3A_1246 = tpu.vector_load %arg5[%get3A_1244, %get3A_1245] {strides = array<i32>} : memref<64x768xf32, #tpu.memory_space<vmem>>, vector<1x16xf32>,
        %get3A_1247 = vector.shape_cast %get3A_1246 : vector<1x16xf32> to vector<16xf32>
        %add3A_1248 = arith.addf %add3A_1224, %get3A_1247 : vector<16xf32>
        %get3A_1249 = arith.index_cast %add3A_1243 : i32 to index
        %get3A_1250 = arith.constant 656 : index
        %get3A_1251 = tpu.vector_load %arg5[%get3A_1249, %get3A_1250] {strides = array<i32>} : memref<64x768xf32, #tpu.memory_space<vmem>>, vector<1x16xf32>,
        %get3A_1252 = vector.shape_cast %get3A_1251 : vector<1x16xf32> to vector<16xf32>
        %add3A_1253 = arith.addf %add3A_1229, %get3A_1252 : vector<16xf32>
        %get3A_1254 = arith.index_cast %add3A_1243 : i32 to index
        %get3A_1255 = arith.constant 672 : index
        %get3A_1256 = tpu.vector_load %arg5[%get3A_1254, %get3A_1255] {strides = array<i32>} : memref<64x768xf32, #tpu.memory_space<vmem>>, vector<1x16xf32>,
        %get3A_1257 = vector.shape_cast %get3A_1256 : vector<1x16xf32> to vector<16xf32>
        %add3A_1258 = arith.addf %add3A_1234, %get3A_1257 : vector<16xf32>
        %get3A_1259 = arith.index_cast %add3A_1243 : i32 to index
        %get3A_1260 = arith.constant 688 : index
        %get3A_1261 = tpu.vector_load %arg5[%get3A_1259, %get3A_1260] {strides = array<i32>} : memref<64x768xf32, #tpu.memory_space<vmem>>, vector<1x16xf32>,
        %get3A_1262 = vector.shape_cast %get3A_1261 : vector<1x16xf32> to vector<16xf32>
        %add3A_1263 = arith.addf %add3A_1239, %get3A_1262 : vector<16xf32>
        %mul3A_1264 = arith.constant 4 : i32
        %mul3A_1265 = arith.muli %scan3A_1187, %mul3A_1264 : i32
        %add3A_1266 = arith.constant 3 : i32
        %add3A_1267 = arith.addi %mul3A_1265, %add3A_1266 : i32
        %get3A_1268 = arith.index_cast %add3A_1267 : i32 to index
        %get3A_1269 = arith.constant 640 : index
        %get3A_1270 = tpu.vector_load %arg5[%get3A_1268, %get3A_1269] {strides = array<i32>} : memref<64x768xf32, #tpu.memory_space<vmem>>, vector<1x16xf32>,
        %get3A_1271 = vector.shape_cast %get3A_1270 : vector<1x16xf32> to vector<16xf32>
        %add3A_1272 = arith.addf %add3A_1248, %get3A_1271 : vector<16xf32>
        %get3A_1273 = arith.index_cast %add3A_1267 : i32 to index
        %get3A_1274 = arith.constant 656 : index
        %get3A_1275 = tpu.vector_load %arg5[%get3A_1273, %get3A_1274] {strides = array<i32>} : memref<64x768xf32, #tpu.memory_space<vmem>>, vector<1x16xf32>,
        %get3A_1276 = vector.shape_cast %get3A_1275 : vector<1x16xf32> to vector<16xf32>
        %add3A_1277 = arith.addf %add3A_1253, %get3A_1276 : vector<16xf32>
        %get3A_1278 = arith.index_cast %add3A_1267 : i32 to index
        %get3A_1279 = arith.constant 672 : index
        %get3A_1280 = tpu.vector_load %arg5[%get3A_1278, %get3A_1279] {strides = array<i32>} : memref<64x768xf32, #tpu.memory_space<vmem>>, vector<1x16xf32>,
        %get3A_1281 = vector.shape_cast %get3A_1280 : vector<1x16xf32> to vector<16xf32>
        %add3A_1282 = arith.addf %add3A_1258, %get3A_1281 : vector<16xf32>
        %get3A_1283 = arith.index_cast %add3A_1267 : i32 to index
        %get3A_1284 = arith.constant 688 : index
        %get3A_1285 = tpu.vector_load %arg5[%get3A_1283, %get3A_1284] {strides = array<i32>} : memref<64x768xf32, #tpu.memory_space<vmem>>, vector<1x16xf32>,
        %get3A_1286 = vector.shape_cast %get3A_1285 : vector<1x16xf32> to vector<16xf32>
        %add3A_1287 = arith.addf %add3A_1263, %get3A_1286 : vector<16xf32>
        scf.yield %add3A_1272, %add3A_1277, %add3A_1282, %add3A_1287 : vector<16xf32>, vector<16xf32>, vector<16xf32>, vector<16xf32>
      }
      %scan3A_1129 = arith.constant 16 : i32
      %swap3A_1130 = arith.constant 640 : index
      %swap3A_1131 = tpu.vector_load %arg6[%swap3A_1130] {strides = array<i32>} : memref<768xf32, #tpu.memory_space<vmem>>, vector<16xf32>,
      %swap3A_1132 = vector.shape_cast %swap3A_1131 : vector<16xf32> to vector<16xf32>
      %swap3A_1133 = vector.shape_cast %scan3A_1128#0 : vector<16xf32> to vector<16xf32>
      tpu.vector_store %arg6[%swap3A_1130], %swap3A_1133 {strides = array<i32>} : memref<768xf32, #tpu.memory_space<vmem>>, vector<16xf32>,
      %swap3A_1134 = arith.constant 656 : index
      %swap3A_1135 = tpu.vector_load %arg6[%swap3A_1134] {strides = array<i32>} : memref<768xf32, #tpu.memory_space<vmem>>, vector<16xf32>,
      %swap3A_1136 = vector.shape_cast %swap3A_1135 : vector<16xf32> to vector<16xf32>
      %swap3A_1137 = vector.shape_cast %scan3A_1128#1 : vector<16xf32> to vector<16xf32>
      tpu.vector_store %arg6[%swap3A_1134], %swap3A_1137 {strides = array<i32>} : memref<768xf32, #tpu.memory_space<vmem>>, vector<16xf32>,
      %swap3A_1138 = arith.constant 672 : index
      %swap3A_1139 = tpu.vector_load %arg6[%swap3A_1138] {strides = array<i32>} : memref<768xf32, #tpu.memory_space<vmem>>, vector<16xf32>,
      %swap3A_1140 = vector.shape_cast %swap3A_1139 : vector<16xf32> to vector<16xf32>
      %swap3A_1141 = vector.shape_cast %scan3A_1128#2 : vector<16xf32> to vector<16xf32>
      tpu.vector_store %arg6[%swap3A_1138], %swap3A_1141 {strides = array<i32>} : memref<768xf32, #tpu.memory_space<vmem>>, vector<16xf32>,
      %swap3A_1142 = arith.constant 688 : index
      %swap3A_1143 = tpu.vector_load %arg6[%swap3A_1142] {strides = array<i32>} : memref<768xf32, #tpu.memory_space<vmem>>, vector<16xf32>,
      %swap3A_1144 = vector.shape_cast %swap3A_1143 : vector<16xf32> to vector<16xf32>
      %swap3A_1145 = vector.shape_cast %scan3A_1128#3 : vector<16xf32> to vector<16xf32>
      tpu.vector_store %arg6[%swap3A_1142], %swap3A_1145 {strides = array<i32>} : memref<768xf32, #tpu.memory_space<vmem>>, vector<16xf32>,
      %get3A_1146 = arith.constant 704 : index
      %get3A_1147 = tpu.vector_load %arg6[%get3A_1146] {strides = array<i32>} : memref<768xf32, #tpu.memory_space<vmem>>, vector<16xf32>,
      %get3A_1148 = vector.shape_cast %get3A_1147 : vector<16xf32> to vector<16xf32>
      %get3A_1149 = arith.constant 720 : index
      %get3A_1150 = tpu.vector_load %arg6[%get3A_1149] {strides = array<i32>} : memref<768xf32, #tpu.memory_space<vmem>>, vector<16xf32>,
      %get3A_1151 = vector.shape_cast %get3A_1150 : vector<16xf32> to vector<16xf32>
      %get3A_1152 = arith.constant 736 : index
      %get3A_1153 = tpu.vector_load %arg6[%get3A_1152] {strides = array<i32>} : memref<768xf32, #tpu.memory_space<vmem>>, vector<16xf32>,
      %get3A_1154 = vector.shape_cast %get3A_1153 : vector<16xf32> to vector<16xf32>
      %get3A_1155 = arith.constant 752 : index
      %get3A_1156 = tpu.vector_load %arg6[%get3A_1155] {strides = array<i32>} : memref<768xf32, #tpu.memory_space<vmem>>, vector<16xf32>,
      %get3A_1157 = vector.shape_cast %get3A_1156 : vector<16xf32> to vector<16xf32>
      %scan3A_1158 = arith.constant 0 : i32
      %scan3A_1159 = arith.constant 16 : i32
      %scan3A_1160 = arith.addi %scan3A_1158, %scan3A_1159 : i32
      %scan3A_1161 = arith.constant 1 : i32
      %scan3A_1162:4 = scf.for %scan3A_1187 = %scan3A_1158 to %scan3A_1160 step %scan3A_1161 iter_args(%scan3A_1188 = %get3A_1148, %scan3A_1189 = %get3A_1151, %scan3A_1190 = %get3A_1154, %scan3A_1191 = %get3A_1157) -> (vector<16xf32>, vector<16xf32>, vector<16xf32>, vector<16xf32>)  : i32 {
        %mul3A_1192 = arith.constant 4 : i32
        %mul3A_1193 = arith.muli %scan3A_1187, %mul3A_1192 : i32
        %add3A_1194 = arith.constant 0 : i32
        %add3A_1195 = arith.addi %mul3A_1193, %add3A_1194 : i32
        %get3A_1196 = arith.index_cast %add3A_1195 : i32 to index
        %get3A_1197 = arith.constant 704 : index
        %get3A_1198 = tpu.vector_load %arg5[%get3A_1196, %get3A_1197] {strides = array<i32>} : memref<64x768xf32, #tpu.memory_space<vmem>>, vector<1x16xf32>,
        %get3A_1199 = vector.shape_cast %get3A_1198 : vector<1x16xf32> to vector<16xf32>
        %add3A_1200 = arith.addf %scan3A_1188, %get3A_1199 : vector<16xf32>
        %get3A_1201 = arith.index_cast %add3A_1195 : i32 to index
        %get3A_1202 = arith.constant 720 : index
        %get3A_1203 = tpu.vector_load %arg5[%get3A_1201, %get3A_1202] {strides = array<i32>} : memref<64x768xf32, #tpu.memory_space<vmem>>, vector<1x16xf32>,
        %get3A_1204 = vector.shape_cast %get3A_1203 : vector<1x16xf32> to vector<16xf32>
        %add3A_1205 = arith.addf %scan3A_1189, %get3A_1204 : vector<16xf32>
        %get3A_1206 = arith.index_cast %add3A_1195 : i32 to index
        %get3A_1207 = arith.constant 736 : index
        %get3A_1208 = tpu.vector_load %arg5[%get3A_1206, %get3A_1207] {strides = array<i32>} : memref<64x768xf32, #tpu.memory_space<vmem>>, vector<1x16xf32>,
        %get3A_1209 = vector.shape_cast %get3A_1208 : vector<1x16xf32> to vector<16xf32>
        %add3A_1210 = arith.addf %scan3A_1190, %get3A_1209 : vector<16xf32>
        %get3A_1211 = arith.index_cast %add3A_1195 : i32 to index
        %get3A_1212 = arith.constant 752 : index
        %get3A_1213 = tpu.vector_load %arg5[%get3A_1211, %get3A_1212] {strides = array<i32>} : memref<64x768xf32, #tpu.memory_space<vmem>>, vector<1x16xf32>,
        %get3A_1214 = vector.shape_cast %get3A_1213 : vector<1x16xf32> to vector<16xf32>
        %add3A_1215 = arith.addf %scan3A_1191, %get3A_1214 : vector<16xf32>
        %mul3A_1216 = arith.constant 4 : i32
        %mul3A_1217 = arith.muli %scan3A_1187, %mul3A_1216 : i32
        %add3A_1218 = arith.constant 1 : i32
        %add3A_1219 = arith.addi %mul3A_1217, %add3A_1218 : i32
        %get3A_1220 = arith.index_cast %add3A_1219 : i32 to index
        %get3A_1221 = arith.constant 704 : index
        %get3A_1222 = tpu.vector_load %arg5[%get3A_1220, %get3A_1221] {strides = array<i32>} : memref<64x768xf32, #tpu.memory_space<vmem>>, vector<1x16xf32>,
        %get3A_1223 = vector.shape_cast %get3A_1222 : vector<1x16xf32> to vector<16xf32>
        %add3A_1224 = arith.addf %add3A_1200, %get3A_1223 : vector<16xf32>
        %get3A_1225 = arith.index_cast %add3A_1219 : i32 to index
        %get3A_1226 = arith.constant 720 : index
        %get3A_1227 = tpu.vector_load %arg5[%get3A_1225, %get3A_1226] {strides = array<i32>} : memref<64x768xf32, #tpu.memory_space<vmem>>, vector<1x16xf32>,
        %get3A_1228 = vector.shape_cast %get3A_1227 : vector<1x16xf32> to vector<16xf32>
        %add3A_1229 = arith.addf %add3A_1205, %get3A_1228 : vector<16xf32>
        %get3A_1230 = arith.index_cast %add3A_1219 : i32 to index
        %get3A_1231 = arith.constant 736 : index
        %get3A_1232 = tpu.vector_load %arg5[%get3A_1230, %get3A_1231] {strides = array<i32>} : memref<64x768xf32, #tpu.memory_space<vmem>>, vector<1x16xf32>,
        %get3A_1233 = vector.shape_cast %get3A_1232 : vector<1x16xf32> to vector<16xf32>
        %add3A_1234 = arith.addf %add3A_1210, %get3A_1233 : vector<16xf32>
        %get3A_1235 = arith.index_cast %add3A_1219 : i32 to index
        %get3A_1236 = arith.constant 752 : index
        %get3A_1237 = tpu.vector_load %arg5[%get3A_1235, %get3A_1236] {strides = array<i32>} : memref<64x768xf32, #tpu.memory_space<vmem>>, vector<1x16xf32>,
        %get3A_1238 = vector.shape_cast %get3A_1237 : vector<1x16xf32> to vector<16xf32>
        %add3A_1239 = arith.addf %add3A_1215, %get3A_1238 : vector<16xf32>
        %mul3A_1240 = arith.constant 4 : i32
        %mul3A_1241 = arith.muli %scan3A_1187, %mul3A_1240 : i32
        %add3A_1242 = arith.constant 2 : i32
        %add3A_1243 = arith.addi %mul3A_1241, %add3A_1242 : i32
        %get3A_1244 = arith.index_cast %add3A_1243 : i32 to index
        %get3A_1245 = arith.constant 704 : index
        %get3A_1246 = tpu.vector_load %arg5[%get3A_1244, %get3A_1245] {strides = array<i32>} : memref<64x768xf32, #tpu.memory_space<vmem>>, vector<1x16xf32>,
        %get3A_1247 = vector.shape_cast %get3A_1246 : vector<1x16xf32> to vector<16xf32>
        %add3A_1248 = arith.addf %add3A_1224, %get3A_1247 : vector<16xf32>
        %get3A_1249 = arith.index_cast %add3A_1243 : i32 to index
        %get3A_1250 = arith.constant 720 : index
        %get3A_1251 = tpu.vector_load %arg5[%get3A_1249, %get3A_1250] {strides = array<i32>} : memref<64x768xf32, #tpu.memory_space<vmem>>, vector<1x16xf32>,
        %get3A_1252 = vector.shape_cast %get3A_1251 : vector<1x16xf32> to vector<16xf32>
        %add3A_1253 = arith.addf %add3A_1229, %get3A_1252 : vector<16xf32>
        %get3A_1254 = arith.index_cast %add3A_1243 : i32 to index
        %get3A_1255 = arith.constant 736 : index
        %get3A_1256 = tpu.vector_load %arg5[%get3A_1254, %get3A_1255] {strides = array<i32>} : memref<64x768xf32, #tpu.memory_space<vmem>>, vector<1x16xf32>,
        %get3A_1257 = vector.shape_cast %get3A_1256 : vector<1x16xf32> to vector<16xf32>
        %add3A_1258 = arith.addf %add3A_1234, %get3A_1257 : vector<16xf32>
        %get3A_1259 = arith.index_cast %add3A_1243 : i32 to index
        %get3A_1260 = arith.constant 752 : index
        %get3A_1261 = tpu.vector_load %arg5[%get3A_1259, %get3A_1260] {strides = array<i32>} : memref<64x768xf32, #tpu.memory_space<vmem>>, vector<1x16xf32>,
        %get3A_1262 = vector.shape_cast %get3A_1261 : vector<1x16xf32> to vector<16xf32>
        %add3A_1263 = arith.addf %add3A_1239, %get3A_1262 : vector<16xf32>
        %mul3A_1264 = arith.constant 4 : i32
        %mul3A_1265 = arith.muli %scan3A_1187, %mul3A_1264 : i32
        %add3A_1266 = arith.constant 3 : i32
        %add3A_1267 = arith.addi %mul3A_1265, %add3A_1266 : i32
        %get3A_1268 = arith.index_cast %add3A_1267 : i32 to index
        %get3A_1269 = arith.constant 704 : index
        %get3A_1270 = tpu.vector_load %arg5[%get3A_1268, %get3A_1269] {strides = array<i32>} : memref<64x768xf32, #tpu.memory_space<vmem>>, vector<1x16xf32>,
        %get3A_1271 = vector.shape_cast %get3A_1270 : vector<1x16xf32> to vector<16xf32>
        %add3A_1272 = arith.addf %add3A_1248, %get3A_1271 : vector<16xf32>
        %get3A_1273 = arith.index_cast %add3A_1267 : i32 to index
        %get3A_1274 = arith.constant 720 : index
        %get3A_1275 = tpu.vector_load %arg5[%get3A_1273, %get3A_1274] {strides = array<i32>} : memref<64x768xf32, #tpu.memory_space<vmem>>, vector<1x16xf32>,
        %get3A_1276 = vector.shape_cast %get3A_1275 : vector<1x16xf32> to vector<16xf32>
        %add3A_1277 = arith.addf %add3A_1253, %get3A_1276 : vector<16xf32>
        %get3A_1278 = arith.index_cast %add3A_1267 : i32 to index
        %get3A_1279 = arith.constant 736 : index
        %get3A_1280 = tpu.vector_load %arg5[%get3A_1278, %get3A_1279] {strides = array<i32>} : memref<64x768xf32, #tpu.memory_space<vmem>>, vector<1x16xf32>,
        %get3A_1281 = vector.shape_cast %get3A_1280 : vector<1x16xf32> to vector<16xf32>
        %add3A_1282 = arith.addf %add3A_1258, %get3A_1281 : vector<16xf32>
        %get3A_1283 = arith.index_cast %add3A_1267 : i32 to index
        %get3A_1284 = arith.constant 752 : index
        %get3A_1285 = tpu.vector_load %arg5[%get3A_1283, %get3A_1284] {strides = array<i32>} : memref<64x768xf32, #tpu.memory_space<vmem>>, vector<1x16xf32>,
        %get3A_1286 = vector.shape_cast %get3A_1285 : vector<1x16xf32> to vector<16xf32>
        %add3A_1287 = arith.addf %add3A_1263, %get3A_1286 : vector<16xf32>
        scf.yield %add3A_1272, %add3A_1277, %add3A_1282, %add3A_1287 : vector<16xf32>, vector<16xf32>, vector<16xf32>, vector<16xf32>
      }
      %scan3A_1163 = arith.constant 16 : i32
      %swap3A_1164 = arith.constant 704 : index
      %swap3A_1165 = tpu.vector_load %arg6[%swap3A_1164] {strides = array<i32>} : memref<768xf32, #tpu.memory_space<vmem>>, vector<16xf32>,
      %swap3A_1166 = vector.shape_cast %swap3A_1165 : vector<16xf32> to vector<16xf32>
      %swap3A_1167 = vector.shape_cast %scan3A_1162#0 : vector<16xf32> to vector<16xf32>
      tpu.vector_store %arg6[%swap3A_1164], %swap3A_1167 {strides = array<i32>} : memref<768xf32, #tpu.memory_space<vmem>>, vector<16xf32>,
      %swap3A_1168 = arith.constant 720 : index
      %swap3A_1169 = tpu.vector_load %arg6[%swap3A_1168] {strides = array<i32>} : memref<768xf32, #tpu.memory_space<vmem>>, vector<16xf32>,
      %swap3A_1170 = vector.shape_cast %swap3A_1169 : vector<16xf32> to vector<16xf32>
      %swap3A_1171 = vector.shape_cast %scan3A_1162#1 : vector<16xf32> to vector<16xf32>
      tpu.vector_store %arg6[%swap3A_1168], %swap3A_1171 {strides = array<i32>} : memref<768xf32, #tpu.memory_space<vmem>>, vector<16xf32>,
      %swap3A_1172 = arith.constant 736 : index
      %swap3A_1173 = tpu.vector_load %arg6[%swap3A_1172] {strides = array<i32>} : memref<768xf32, #tpu.memory_space<vmem>>, vector<16xf32>,
      %swap3A_1174 = vector.shape_cast %swap3A_1173 : vector<16xf32> to vector<16xf32>
      %swap3A_1175 = vector.shape_cast %scan3A_1162#2 : vector<16xf32> to vector<16xf32>
      tpu.vector_store %arg6[%swap3A_1172], %swap3A_1175 {strides = array<i32>} : memref<768xf32, #tpu.memory_space<vmem>>, vector<16xf32>,
      %swap3A_1176 = arith.constant 752 : index
      %swap3A_1177 = tpu.vector_load %arg6[%swap3A_1176] {strides = array<i32>} : memref<768xf32, #tpu.memory_space<vmem>>, vector<16xf32>,
      %swap3A_1178 = vector.shape_cast %swap3A_1177 : vector<16xf32> to vector<16xf32>
      %swap3A_1179 = vector.shape_cast %scan3A_1162#3 : vector<16xf32> to vector<16xf32>
      tpu.vector_store %arg6[%swap3A_1176], %swap3A_1179 {strides = array<i32>} : memref<768xf32, #tpu.memory_space<vmem>>, vector<16xf32>,
      %add3A_1180 = arith.constant 2 : i32
      %add3A_1181 = arith.addi %add3A_764, %add3A_1180 : i32
      %lt3A_1182 = arith.constant 4 : i32
      %lt3A_1183 = arith.cmpi slt, %add3A_1181, %lt3A_1182 : i32
      %convert_element_type3A_1184 = arith.extui %lt3A_1183 : i1 to i32
      %cond3A_1185 = arith.constant 0 : i32
      %cond3A_1186 = arith.cmpi ne, %convert_element_type3A_1184, %cond3A_1185 : i32
      scf.if %cond3A_1186 {
        %add3A_1187 = arith.constant 2 : i32
        %add3A_1188 = arith.addi %add3A_764, %add3A_1187 : i32
        %mul3A_1189 = arith.constant 64 : i32
        %mul3A_1190 = arith.muli %add3A_1188, %mul3A_1189 : i32
        %add3A_1191 = arith.addi %add3A_37, %mul3A_1190 : i32
        %dma_start3A_1192 = arith.constant 0 : i32
        %dma_start3A_1193 = tpu.memref_slice %arg2[%add3A_1191, %dma_start3A_1192] : memref<32768x768xf32, #tpu.memory_space<hbm>> -> memref<64x768xf32, #tpu.memory_space<hbm>>
        %dma_start3A_1194 = arith.constant 0 : i32
        %dma_start3A_1195 = tpu.memref_slice %arg2[%add3A_1191, %dma_start3A_1194] : memref<32768x768xf32, #tpu.memory_space<hbm>> -> memref<64x768xf32, #tpu.memory_space<hbm>>
        tpu.enqueue_dma source(%dma_start3A_1195 : memref<64x768xf32, #tpu.memory_space<hbm>>) target(%arg5 : memref<64x768xf32, #tpu.memory_space<vmem>>) target_semaphore(%arg8 : memref<!tpu.dma_semaphore, #tpu.memory_space<semaphore_mem>>)
      } else {
      }
    }
    %scan3A_337 = arith.constant 2 : i32
    "tpu.region"() ({
      %run_scoped3A = tpu.sem_alloc : memref<!tpu.dma_semaphore, #tpu.memory_space<semaphore_mem>>
      %dma_start3A_338 = arith.constant 0 : i32
      %dma_start3A_339 = tpu.memref_slice %arg3[%add3A, %dma_start3A_338] : memref<32x768xf32, #tpu.memory_space<hbm>> -> memref<1x768xf32, #tpu.memory_space<hbm>>
      %dma_start3A_340 = tpu.memref_squeeze %dma_start3A_339 : memref<1x768xf32, #tpu.memory_space<hbm>> -> memref<768xf32, #tpu.memory_space<hbm>>
      %dma_start3A_341 = arith.constant 0 : i32
      %dma_start3A_342 = tpu.memref_slice %arg3[%add3A, %dma_start3A_341] : memref<32x768xf32, #tpu.memory_space<hbm>> -> memref<1x768xf32, #tpu.memory_space<hbm>>
      %dma_start3A_343 = tpu.memref_squeeze %dma_start3A_342 : memref<1x768xf32, #tpu.memory_space<hbm>> -> memref<768xf32, #tpu.memory_space<hbm>>
      tpu.enqueue_dma source(%arg6 : memref<768xf32, #tpu.memory_space<vmem>>) target(%dma_start3A_343 : memref<768xf32, #tpu.memory_space<hbm>>) target_semaphore(%run_scoped3A : memref<!tpu.dma_semaphore, #tpu.memory_space<semaphore_mem>>)
      %dma_wait3A = arith.constant 0 : i32
      %dma_wait3A_344 = tpu.memref_slice %arg3[%add3A, %dma_wait3A] : memref<32x768xf32, #tpu.memory_space<hbm>> -> memref<1x768xf32, #tpu.memory_space<hbm>>
      %dma_wait3A_345 = tpu.memref_squeeze %dma_wait3A_344 : memref<1x768xf32, #tpu.memory_space<hbm>> -> memref<768xf32, #tpu.memory_space<hbm>>
      %dma_wait3A_346 = arith.constant 0 : i32
      %dma_wait3A_347 = tpu.memref_slice %arg3[%add3A, %dma_wait3A_346] : memref<32x768xf32, #tpu.memory_space<hbm>> -> memref<1x768xf32, #tpu.memory_space<hbm>>
      %dma_wait3A_348 = tpu.memref_squeeze %dma_wait3A_347 : memref<1x768xf32, #tpu.memory_space<hbm>> -> memref<768xf32, #tpu.memory_space<hbm>>
      tpu.wait_dma2 semaphore(%run_scoped3A : memref<!tpu.dma_semaphore, #tpu.memory_space<semaphore_mem>>) src(%arg6 : memref<768xf32, #tpu.memory_space<vmem>>) dst(%dma_wait3A_348 : memref<768xf32, #tpu.memory_space<hbm>>)
      tpu.yield
    }) : () -> ()
    return
  }
}

module attributes {stable_mosaic.version = 14 : i64} {
  func.func @_finish_body(%arg0: memref<4x768xf32, #tpu.memory_space<vmem>>, %arg1: memref<4x8x768xf32, #tpu.memory_space<vmem>>, %arg2: memref<768x64xf32, #tpu.memory_space<vmem>>, %arg3: memref<64xf32, #tpu.memory_space<vmem>>, %arg4: memref<4x64xf32, #tpu.memory_space<vmem>>, %arg5: memref<4x64xf32, #tpu.memory_space<vmem>>, %arg6: memref<4x2xi32, #tpu.memory_space<vmem>>, %arg7: memref<4x2xf32, #tpu.memory_space<vmem>>) attributes {dimension_semantics = [], scalar_prefetch = 0 : i64, scratch_operands = 0 : i64, tpu.core_type = #tpu.core_type<tc>} {
    %get3A = arith.constant 0 : index
    %get3A_0 = arith.constant 0 : index
    %get3A_1 = vector.load %arg0[%get3A, %get3A_0] : memref<4x768xf32, #tpu.memory_space<vmem>>, vector<4x768xf32>
    %get3A_2 = arith.constant 0 : index
    %get3A_3 = arith.constant 0 : index
    %get3A_4 = arith.constant 0 : index
    %get3A_5 = vector.load %arg1[%get3A_2, %get3A_3, %get3A_4] : memref<4x8x768xf32, #tpu.memory_space<vmem>>, vector<4x8x768xf32>
    %reduce_sum3A = arith.constant dense<0.000000e+00> : vector<4x768xf32>
    %reduce_sum3A_6 = vector.multi_reduction <add>, %get3A_5, %reduce_sum3A [1] : vector<4x8x768xf32> to vector<4x768xf32>
    %add3A = arith.addf %get3A_1, %reduce_sum3A_6 : vector<4x768xf32>
    %mul3A = arith.constant 1.22070313E-4 : f32
    %mul3A_7 = vector.broadcast %mul3A : f32 to vector<4x768xf32>
    %mul3A_8 = arith.mulf %add3A, %mul3A_7 : vector<4x768xf32>
    %get3A_9 = arith.constant 0 : index
    %get3A_10 = arith.constant 0 : index
    %get3A_11 = vector.load %arg2[%get3A_9, %get3A_10] : memref<768x64xf32, #tpu.memory_space<vmem>>, vector<768x64xf32>
    %dot_general3A = arith.constant dense<0.000000e+00> : vector<4x64xf32>
    %dot_general3A_12 = tpu.matmul %mul3A_8, %get3A_11, %dot_general3A {dimension_numbers = #tpu.dot_dimension_numbers<[1], [0], [0], [1], [0, 0, 1, 1], [], []>, transpose_lhs_hint = false} : vector<4x768xf32>, vector<768x64xf32>, vector<4x64xf32> -> vector<4x64xf32>
    %get3A_13 = arith.constant 0 : index
    %get3A_14 = vector.load %arg3[%get3A_13] : memref<64xf32, #tpu.memory_space<vmem>>, vector<64xf32>
    %broadcast_in_dim3A = vector.shape_cast %get3A_14 : vector<64xf32> to vector<1x64xf32>
    %add3A_15 = vector.broadcast %broadcast_in_dim3A : vector<1x64xf32> to vector<4x64xf32>
    %add3A_16 = arith.addf %dot_general3A_12, %add3A_15 : vector<4x64xf32>
    %get3A_17 = arith.constant 0 : index
    %get3A_18 = arith.constant 0 : index
    %get3A_19 = vector.load %arg4[%get3A_17, %get3A_18] : memref<4x64xf32, #tpu.memory_space<vmem>>, vector<4x64xf32>
    %add3A_20 = arith.addf %add3A_16, %get3A_19 : vector<4x64xf32>
    %reduce_max3A = arith.constant dense<0xFF800000> : vector<4xf32>
    %reduce_max3A_21 = vector.multi_reduction <maximumf>, %add3A_20, %reduce_max3A [1] : vector<4x64xf32> to vector<4xf32>
    %broadcast_in_dim3A_22 = vector.shape_cast %reduce_max3A_21 : vector<4xf32> to vector<4x1xf32>
    %sub3A = vector.broadcast %broadcast_in_dim3A_22 : vector<4x1xf32> to vector<4x64xf32>
    %sub3A_23 = arith.subf %add3A_20, %sub3A : vector<4x64xf32>
    %exp3A = math.exp %sub3A_23 : vector<4x64xf32>
    %reduce_sum3A_24 = arith.constant dense<0.000000e+00> : vector<4xf32>
    %reduce_sum3A_25 = vector.multi_reduction <add>, %exp3A, %reduce_sum3A_24 [1] : vector<4x64xf32> to vector<4xf32>
    %broadcast_in_dim3A_26 = vector.shape_cast %reduce_sum3A_25 : vector<4xf32> to vector<4x1xf32>
    %div3A = vector.broadcast %broadcast_in_dim3A_26 : vector<4x1xf32> to vector<4x64xf32>
    %div3A_27 = arith.divf %exp3A, %div3A : vector<4x64xf32>
    %iota3A = tpu.iota {dimensions = array<i32: 1>} : vector<4x64xi32>
    %reduce_max3A_28 = arith.constant dense<0xFF800000> : vector<4xf32>
    %reduce_max3A_29 = vector.multi_reduction <maximumf>, %div3A_27, %reduce_max3A_28 [1] : vector<4x64xf32> to vector<4xf32>
    %broadcast_in_dim3A_30 = vector.shape_cast %reduce_max3A_29 : vector<4xf32> to vector<4x1xf32>
    %eq3A = vector.broadcast %broadcast_in_dim3A_30 : vector<4x1xf32> to vector<4x64xf32>
    %eq3A_31 = arith.cmpf oeq, %div3A_27, %eq3A : vector<4x64xf32>
    %jit3A = arith.constant 64 : i32
    %broadcast_in_dim3A_32 = vector.broadcast %jit3A : i32 to vector<4x64xi32>
    %select_n3A = arith.select %eq3A_31, %iota3A, %broadcast_in_dim3A_32 : vector<4x64xi1>, vector<4x64xi32>
    %reduce_min3A = arith.constant dense<2147483647> : vector<4xi32>
    %reduce_min3A_33 = vector.multi_reduction <minsi>, %select_n3A, %reduce_min3A [1] : vector<4x64xi32> to vector<4xi32>
    %broadcast_in_dim3A_34 = vector.shape_cast %reduce_min3A_33 : vector<4xi32> to vector<4x1xi32>
    %eq3A_35 = vector.broadcast %broadcast_in_dim3A_34 : vector<4x1xi32> to vector<4x64xi32>
    %eq3A_36 = arith.cmpi eq, %iota3A, %eq3A_35 : vector<4x64xi32>
    %jit3A_37 = arith.constant 0xFF800000 : f32
    %broadcast_in_dim3A_38 = vector.broadcast %jit3A_37 : f32 to vector<4x64xf32>
    %select_n3A_39 = arith.select %eq3A_36, %broadcast_in_dim3A_38, %div3A_27 : vector<4x64xi1>, vector<4x64xf32>
    %reduce_max3A_40 = arith.constant dense<0xFF800000> : vector<4xf32>
    %reduce_max3A_41 = vector.multi_reduction <maximumf>, %select_n3A_39, %reduce_max3A_40 [1] : vector<4x64xf32> to vector<4xf32>
    %broadcast_in_dim3A_42 = vector.shape_cast %reduce_max3A_41 : vector<4xf32> to vector<4x1xf32>
    %eq3A_43 = vector.broadcast %broadcast_in_dim3A_42 : vector<4x1xf32> to vector<4x64xf32>
    %eq3A_44 = arith.cmpf oeq, %select_n3A_39, %eq3A_43 : vector<4x64xf32>
    %jit3A_45 = arith.constant 64 : i32
    %broadcast_in_dim3A_46 = vector.broadcast %jit3A_45 : i32 to vector<4x64xi32>
    %select_n3A_47 = arith.select %eq3A_44, %iota3A, %broadcast_in_dim3A_46 : vector<4x64xi1>, vector<4x64xi32>
    %reduce_min3A_48 = arith.constant dense<2147483647> : vector<4xi32>
    %reduce_min3A_49 = vector.multi_reduction <minsi>, %select_n3A_47, %reduce_min3A_48 [1] : vector<4x64xi32> to vector<4xi32>
    %broadcast_in_dim3A_50 = vector.shape_cast %reduce_min3A_49 : vector<4xi32> to vector<4x1xi32>
    %add3A_51 = arith.addf %broadcast_in_dim3A_30, %broadcast_in_dim3A_42 : vector<4x1xf32>
    %add3A_52 = arith.constant 9.99999971E-10 : f32
    %add3A_53 = vector.broadcast %add3A_52 : f32 to vector<4x1xf32>
    %add3A_54 = arith.addf %add3A_51, %add3A_53 : vector<4x1xf32>
    %eq3A_55 = vector.broadcast %broadcast_in_dim3A_34 : vector<4x1xi32> to vector<4x64xi32>
    %eq3A_56 = arith.cmpi eq, %iota3A, %eq3A_55 : vector<4x64xi32>
    %div3A_57 = arith.divf %broadcast_in_dim3A_30, %add3A_54 : vector<4x1xf32>
    %jit3A_58 = arith.constant 0.000000e+00 : f32
    %broadcast_in_dim3A_59 = vector.shape_cast %div3A_57 : vector<4x1xf32> to vector<4x1xf32>
    %broadcast_in_dim3A_60 = vector.broadcast %broadcast_in_dim3A_59 : vector<4x1xf32> to vector<4x64xf32>
    %broadcast_in_dim3A_61 = vector.broadcast %jit3A_58 : f32 to vector<4x64xf32>
    %select_n3A_62 = arith.select %eq3A_56, %broadcast_in_dim3A_60, %broadcast_in_dim3A_61 : vector<4x64xi1>, vector<4x64xf32>
    %eq3A_63 = vector.broadcast %broadcast_in_dim3A_50 : vector<4x1xi32> to vector<4x64xi32>
    %eq3A_64 = arith.cmpi eq, %iota3A, %eq3A_63 : vector<4x64xi32>
    %div3A_65 = arith.divf %broadcast_in_dim3A_42, %add3A_54 : vector<4x1xf32>
    %jit3A_66 = arith.constant 0.000000e+00 : f32
    %broadcast_in_dim3A_67 = vector.shape_cast %div3A_65 : vector<4x1xf32> to vector<4x1xf32>
    %broadcast_in_dim3A_68 = vector.broadcast %broadcast_in_dim3A_67 : vector<4x1xf32> to vector<4x64xf32>
    %broadcast_in_dim3A_69 = vector.broadcast %jit3A_66 : f32 to vector<4x64xf32>
    %select_n3A_70 = arith.select %eq3A_64, %broadcast_in_dim3A_68, %broadcast_in_dim3A_69 : vector<4x64xi1>, vector<4x64xf32>
    %add3A_71 = arith.addf %select_n3A_62, %select_n3A_70 : vector<4x64xf32>
    %swap3A = arith.constant 0 : index
    %swap3A_72 = arith.constant 0 : index
    %swap3A_73 = vector.load %arg5[%swap3A, %swap3A_72] : memref<4x64xf32, #tpu.memory_space<vmem>>, vector<4x64xf32>
    tpu.vector_store %arg5[%swap3A, %swap3A_72], %add3A_71 {strides = array<i32>} : memref<4x64xf32, #tpu.memory_space<vmem>>, vector<4x64xf32>,
    %concatenate3A = tpu.concatenate %broadcast_in_dim3A_34, %broadcast_in_dim3A_50 in 1 : vector<4x1xi32>, vector<4x1xi32> -> vector<4x2xi32>
    %swap3A_74 = arith.constant 0 : index
    %swap3A_75 = arith.constant 0 : index
    %swap3A_76 = vector.load %arg6[%swap3A_74, %swap3A_75] : memref<4x2xi32, #tpu.memory_space<vmem>>, vector<4x2xi32>
    tpu.vector_store %arg6[%swap3A_74, %swap3A_75], %concatenate3A {strides = array<i32>} : memref<4x2xi32, #tpu.memory_space<vmem>>, vector<4x2xi32>,
    %concatenate3A_77 = tpu.concatenate %broadcast_in_dim3A_30, %broadcast_in_dim3A_42 in 1 : vector<4x1xf32>, vector<4x1xf32> -> vector<4x2xf32>
    %swap3A_78 = arith.constant 0 : index
    %swap3A_79 = arith.constant 0 : index
    %swap3A_80 = vector.load %arg7[%swap3A_78, %swap3A_79] : memref<4x2xf32, #tpu.memory_space<vmem>>, vector<4x2xf32>
    tpu.vector_store %arg7[%swap3A_78, %swap3A_79], %concatenate3A_77 {strides = array<i32>} : memref<4x2xf32, #tpu.memory_space<vmem>>, vector<4x2xf32>,
    return
  }
}

module attributes {stable_mosaic.version = 14 : i64} {
  func.func @_tc_reduce_body(%arg0: i32, %arg1: memref<4x512x768xf32, #tpu.memory_space<vmem>>, %arg2: memref<4x768xf32, #tpu.memory_space<vmem>>) attributes {dimension_semantics = [#tpu.dimension_semantics<arbitrary>], iteration_bounds = array<i64: 12>, scalar_prefetch = 0 : i64, scratch_operands = 0 : i64, tpu.core_type = #tpu.core_type<tc>, window_params = [{transform_indices = @transform_0, window_bounds = array<i64: 4, 512, 768>}, {pipeline_mode = #tpu.pipeline_mode<synchronous>, transform_indices = @transform_1, window_bounds = array<i64: 4, 768>}]} {
    %eq3A = arith.constant 0 : i32
    %eq3A_0 = arith.cmpi eq, %arg0, %eq3A : i32
    %convert_element_type3A = arith.extui %eq3A_0 : i1 to i32
    %cond3A = arith.constant 0 : i32
    %cond3A_1 = arith.cmpi ne, %convert_element_type3A, %cond3A : i32
    scf.if %cond3A_1 {
      %broadcast_in_dim3A = arith.constant 0.000000e+00 : f32
      %broadcast_in_dim3A_11 = vector.broadcast %broadcast_in_dim3A : f32 to vector<4x768xf32>
      %swap3A_12 = arith.constant 0 : index
      %swap3A_13 = arith.constant 0 : index
      %swap3A_14 = vector.load %arg2[%swap3A_12, %swap3A_13] : memref<4x768xf32, #tpu.memory_space<vmem>>, vector<4x768xf32>
      tpu.vector_store %arg2[%swap3A_12, %swap3A_13], %broadcast_in_dim3A_11 {strides = array<i32>} : memref<4x768xf32, #tpu.memory_space<vmem>>, vector<4x768xf32>,
    } else {
    }
    %get3A = arith.constant 0 : index
    %get3A_2 = arith.constant 0 : index
    %get3A_3 = vector.load %arg2[%get3A, %get3A_2] : memref<4x768xf32, #tpu.memory_space<vmem>>, vector<4x768xf32>
    %get3A_4 = arith.constant 0 : index
    %get3A_5 = arith.constant 0 : index
    %get3A_6 = arith.constant 0 : index
    %get3A_7 = vector.load %arg1[%get3A_4, %get3A_5, %get3A_6] : memref<4x512x768xf32, #tpu.memory_space<vmem>>, vector<4x512x768xf32>
    %reduce_sum3A = arith.constant dense<0.000000e+00> : vector<4x768xf32>
    %reduce_sum3A_8 = vector.multi_reduction <add>, %get3A_7, %reduce_sum3A [1] : vector<4x512x768xf32> to vector<4x768xf32>
    %add3A = arith.addf %get3A_3, %reduce_sum3A_8 : vector<4x768xf32>
    %swap3A = arith.constant 0 : index
    %swap3A_9 = arith.constant 0 : index
    %swap3A_10 = vector.load %arg2[%swap3A, %swap3A_9] : memref<4x768xf32, #tpu.memory_space<vmem>>, vector<4x768xf32>
    tpu.vector_store %arg2[%swap3A, %swap3A_9], %add3A {strides = array<i32>} : memref<4x768xf32, #tpu.memory_space<vmem>>, vector<4x768xf32>,
    return
  }
  func.func @transform_0(%arg0: i32) -> (i32, i32, i32) {
    %c0_i32 = arith.constant 0 : i32
    %c0_i32_0 = arith.constant 0 : i32
    %c0_i32_1 = arith.constant 0 : i32
    return %c0_i32, %arg0, %c0_i32_0 : i32, i32, i32
  }
  func.func @transform_1(%arg0: i32) -> (i32, i32) {
    %c0_i32 = arith.constant 0 : i32
    %c0_i32_0 = arith.constant 0 : i32
    %c0_i32_1 = arith.constant 0 : i32
    return %c0_i32, %c0_i32_0 : i32, i32
  }
}

</mosaic_0001>

<sc_bundles>
// kernel: kernel.5.cloned.1.call-start
scs
__scs_entry_jumppad:
0x0: {  	(pc) =	sbr.rel $0x88, $3  }
0x1: {  	(tag) =	ssettag $0x0;
	lr =	simm.s32 $0x1  }
0x2: {  	[smem:$0x3F9D] =	sst lr;
	_ =	strace $0xD0000000  }
0x3: {  	_ = 	snop  }
0x4: {  	_ = 	snop  }
0x5: {  	_ = 	snop  }
0x6: {  	_ = 	snop  }
0x7: {  	_ = 	snop  }
__scs_overlays_trampoline_lowered:
0x8: {  	[smem:$0x3FAC] =	sst s0  }
0x9: {  	[smem:$0x3FAD] =	sst s1  }
0xa: {  	[smem:$0x3FAE] =	sst s2  }
0xb: {  	[smem:$0x3FAF] =	sst s3  }
0xc: {  	[smem:$0x3FB0] =	sst s4  }
0xd: {  	[smem:$0x3FB1] =	sst s5  }
0xe: {  	[smem:$0x3FB2] =	sst s6  }
0xf: {  	[smem:$0x3FB3] =	sst s7  }
0x10: {  	[smem:$0x3FB4] =	sst s8  }
0x11: {  	[smem:$0x3FB5] =	sst s9;
	s0 =	simm.s32 @!p0 $0x0  }
0x12: {  	s1 =	sld [smem:$0x3F9B];
	s0 =	simm.s32 @p0 $0x1  }
0x13: {  	[smem:$0x3FB6] =	sst s0;
	s0 =	simm.s32 @!p1 $0x0  }
0x14: {  	s2 =	sld [smem:$0x3F9A];
	s0 =	simm.s32 @p1 $0x1  }
0x15: {  	[smem:$0x3FB7] =	sst s0;
	s0 =	simm.s32 @!p2 $0x0  }
0x16: {  	s3 =	sld [smem:$0x3FDB];
	s0 =	simm.s32 @p2 $0x1  }
0x17: {  	s4 =	simm.s32 $0x1BF5;
	[smem:$0x3FB9] =	sst s0  }
0x18: {  	s0 =	sld [smem:$0x3F9C];
	_ =	swait.ge [sflag:s4], $0x0  }
0x19: {  	s7 =	sld [smem:$0x3F9D]  }
0x1a: {  	s8 =	sadd.s32 $0xFFFFE003, lr  }
0x1b: {  	s9 =	sadd.s32 $0xFFFFFEF7, lr;
	s5 =	simm.s32 $0xFFFFFFFF;
	p2 =	slt.u32 s8, $0xFFFFF086  }
0x1c: {  	p1 =	slt.u32 s9, $0xF7A;
	s5 =	simm.s32 @!p2 $0x0  }
0x1d: {  	s5 =	simm.s32 @p1 $0x1;
	p0 =	seq.s32 s7, s2  }
0x1e: {  	s7 =	smul.u32 @!p0 $0xF7A, s2;
	p2 =	seq.s32 @!p0 s5, $0x0  }
0x1f: {  	s9 =	smul.u32 $0xF7A, s1;
	s8 =	simm.s32 @!p0 $0x1BF5;
	p2 =	por !p2, p0  }
0x20: {  	[sflag:s8] =	ssyncset.s32 @!p0 $0xFFFFF086;
	s6 =	sadd.s32 @!p0 s3, s7;
	s7 =	simm.s32 @!p0 $0x108  }
0x21: {  	s3 =	sadd.s32 s3, s9;
	s6 =	sadd.s32 @!p0 $0x88, s6;
	s7 =	simm.s32 @p2 $0x1082  }
0x22: {  	[simem:s7], [sflag:s8] =	dma.local @!p0 [hbm:s6], $0xF7A  }
0x23: {  	s9 =	sor.u32 $0xD0000000, s2;
	s6 =	simm.s32 $0x108;
	_ =	swait.ge @!p0 [sflag:s8], $0x0  }
0x24: {  	s3 =	sadd.s32 $0x88, s3;
	s6 =	simm.s32 @!p1 $0x1082;
	[sflag:s4] =	ssyncset.s32 $0xFFFFF086  }
0x25: {  	[simem:s6], [sflag:s4] =	dma.local [hbm:s3], $0xF7A  }
0x26: {  	[smem:$0x3F9D] =	sst s1;
	(tag) =	ssettag s2;
	_ =	strace s9  }
0x27: {  	s1 =	sld [smem:$0x3FAD]  }
0x28: {  	s2 =	sld [smem:$0x3FAE]  }
0x29: {  	s4 =	sld [smem:$0x3FB0]  }
0x2a: {  	p0 =	seq.s32 s5, $0x0;
	s5 =	sld [smem:$0x3FB1]  }
0x2b: {  	s6 =	sld [smem:$0x3FB2]  }
0x2c: {  	s7 =	sld [smem:$0x3FB3]  }
0x2d: {  	s3 =	simm.s32 $0x108;
	s8 =	sld [smem:$0x3FB4]  }
0x2e: {  	s3 =	simm.s32 @!p0 $0x1082;
	s9 =	sld [smem:$0x3FB5]  }
0x2f: {  	lr =	sadd.s32 s0, s3;
	s0 =	sld [smem:$0x3FAC]  }
0x30: {  	s3 =	sld [smem:$0x3FAF]  }
0x31: {  	[smem:$0x3FB8] =	sst s10  }
0x32: {  	s10 =	sld [smem:$0x3FB6];
	_ =	sdelay $0x3  }
0x33: {  	p0 =	seq.s32 s10, $0x1;
	s10 =	sld [smem:$0x3FB8];
	_ =	sdelay $0x3  }
0x34: {  	[smem:$0x3FB8] =	sst s10  }
0x35: {  	s10 =	sld [smem:$0x3FB7];
	_ =	sdelay $0x3  }
0x36: {  	p1 =	seq.s32 s10, $0x1;
	s10 =	sld [smem:$0x3FB8];
	_ =	sdelay $0x3  }
0x37: {  	[smem:$0x3FB8] =	sst s10  }
0x38: {  	s10 =	sld [smem:$0x3FB9]  }
0x39: {  	_ = 	snop;
	(pc) =	sbr.ind lr, $3  }
0x3a: {  	_ = 	snop  }
0x3b: {  	_ = 	snop  }
0x3c: {  	p2 =	seq.s32 s10, $0x1;
	s10 =	sld [smem:$0x3FB8]  }
0x3d: {  	_ =	shalt  }
0x3e: {  	_ =	shalt  }
0x3f: {  	_ =	shalt  }
0x40: {  	_ =	shalt  }
0x41: {  	_ =	shalt  }
0x42: {  	_ =	shalt  }
0x43: {  	_ =	shalt  }
0x44: {  	_ =	shalt  }
0x45: {  	_ =	shalt  }
0x46: {  	_ =	shalt  }
0x47: {  	_ =	shalt  }
0x48: {  	_ =	shalt  }
0x49: {  	_ =	shalt  }
0x4a: {  	_ =	shalt  }
0x4b: {  	_ =	shalt  }
0x4c: {  	_ =	shalt  }
0x4d: {  	_ =	shalt  }
0x4e: {  	_ =	shalt  }
0x4f: {  	_ =	shalt  }
0x50: {  	_ =	shalt  }
0x51: {  	_ =	shalt  }
0x52: {  	_ =	shalt  }
0x53: {  	_ =	shalt  }
0x54: {  	_ =	shalt  }
0x55: {  	_ =	shalt  }
0x56: {  	_ =	shalt  }
0x57: {  	_ =	shalt  }
0x58: {  	_ =	shalt  }
0x59: {  	_ =	shalt  }
0x5a: {  	_ =	shalt  }
0x5b: {  	_ =	shalt  }
0x5c: {  	_ =	shalt  }
0x5d: {  	_ =	shalt  }
0x5e: {  	_ =	shalt  }
0x5f: {  	_ =	shalt  }
0x60: {  	_ =	shalt  }
0x61: {  	_ =	shalt  }
0x62: {  	_ =	shalt  }
0x63: {  	_ =	shalt  }
0x64: {  	_ =	shalt  }
0x65: {  	_ =	shalt  }
0x66: {  	_ =	shalt  }
0x67: {  	_ =	shalt  }
0x68: {  	_ =	shalt  }
0x69: {  	_ =	shalt  }
0x6a: {  	_ =	shalt  }
0x6b: {  	_ =	shalt  }
0x6c: {  	_ =	shalt  }
0x6d: {  	_ =	shalt  }
0x6e: {  	_ =	shalt  }
0x6f: {  	_ =	shalt  }
0x70: {  	_ =	shalt  }
0x71: {  	_ =	shalt  }
0x72: {  	_ =	shalt  }
0x73: {  	_ =	shalt  }
0x74: {  	_ =	shalt  }
0x75: {  	_ =	shalt  }
0x76: {  	_ =	shalt  }
0x77: {  	_ =	shalt  }
0x78: {  	_ =	shalt  }
0x79: {  	_ =	shalt  }
0x7a: {  	_ =	shalt  }
0x7b: {  	_ =	shalt  }
0x7c: {  	_ =	shalt  }
0x7d: {  	_ =	shalt  }
0x7e: {  	_ =	shalt  }
0x7f: {  	_ =	shalt  }
0x80: {  	_ =	shalt  }
0x81: {  	_ =	shalt  }
0x82: {  	_ =	shalt  }
0x83: {  	_ =	shalt  }
0x84: {  	_ =	shalt  }
0x85: {  	_ =	shalt  }
0x86: {  	_ =	shalt  }
0x87: {  	_ =	shalt  }
.Lfunc_end0:
.L_simem_size_0:
called_computation_lowered:
.L_overlay_start_0:
0x88: {  	s2 =	sld [smem:$0x3FD9]  }
0x89: {  	s3 =	sld [smem:$0x3FFE];
	_ =	sdelay $0x1  }
0x8a: {  	s1 =	srdreg.scid  }
0x8b: {  	s0 =	sand.u32 $0x1, s1  }
0x8c: {  	s17 =	sshll.u32 s0, $0xA;
	s2 =	sadd.s32 s3, s2  }
0x8d: {  	s2 =	sadd.s32 s2, s17  }
0x8e: {  	[smem:$0x3FC4] =	sst s2  }
0x8f: {  	_ = 	snop  }
0x90: {  	s2 =	sld [smem:$0x3FC9];
	(tm) =	ssettm $0x1  }
0x91: {  	s18 =	sld [smem:$0x3FFB];
	_ =	sdelay $0x3  }
0x92: {  	_ =	strace s18  }
0x93: {  	s3 =	sld [smem:$0x3FFC];
	_ =	sdelay $0x3  }
0x94: {  	_ =	strace s3  }
0x95: {  	s3 =	sld [smem:$0x3FFD];
	_ =	sdelay $0x3  }
0x96: {  	_ =	strace s3  }
0x97: {  	_ =	strace $0x8FFFFFFF  }
0x98: {  	s19 =	sld [smem:$0x3FDB];
	_ =	sdelay $0x1  }
0x99: {  	s4 =	simm.s32 $_scs_section_size  }
0x9a: {  	s5 =	simm.s32 $_size__tile_overlayer_lowered;
	s6 =	simm.s32 $_tile_overlayer_lowered  }
0x9b: {  	s22 =	simm.s32 $0x1BFF;
	s21 =	sshll.u32 s6, $0x1;
	s3 =	sadd.s32 s4, s19  }
0x9c: {  	s7 =	simm.s32 $0x0;
	s20 =	sshll.u32 s5, $0x1;
	s5 =	sadd.s32 s21, s3  }
0x9d: {  	[timem:s7], [sflag:s22] =	dma.local [hbm:s5], s20  }
0x9e: {  	_ =	swait.ge [sflag:s22], s20  }
0x9f: {  	s4 =	ssub.s32 $0x0, s20;
	[sflag:s22] =	ssyncset.done $0x0  }
0xa0: {  	[sflag:s22] =	ssyncadd.s32 s4;
	_ =	sdelay $0x1  }
0xa1: {  	s23 =	simm.s32 $0x1B8B  }
0xa2: {  	_ =	swait.ge [sflag:s23], $0x1  }
0xa3: {  	[sflag:s23] =	ssyncset.done $0x0  }
0xa4: {  	s25 =	simm.s32 $0x1B8E;
	s24 =	sld [smem:$0x3FFE];
	[sflag:s23] =	ssyncadd.s32 $0xFFFFFFFF  }
0xa5: {  	s26 =	simm.s32 $execute0_lowered;
	[smem:$0x3FD2] =	sst s25  }
0xa6: {  	s5 =	sshll.u32 s26, $0x1;
	_ =	strace $0x80000046;
	[dreg:$0x1] =	wrdreg $0xFFFFFFFF  }
0xa7: {  	s28 =	simm.s32 $_size_execute0_lowered;
	s3 =	sadd.s32 s3, s5;
	[dreg:$0x0] =	wrdreg $0x0  }
0xa8: {  	s5 =	sshll.u32 s28, $0x1;
	[dreg:$0x2] =	wrdreg s3  }
0xa9: {  	[dreg:$0x3] =	wrdreg s5  }
0xaa: {  	[dreg:$0x4] =	wrdreg $0xC0  }
0xab: {  	_ =	task [dreg:s7], $0x5FFFF  }
0xac: {  	[dreg:$0x1] =	wrdreg $0xFFFFFFFF  }
0xad: {  	[dreg:$0x0] =	wrdreg $0x60  }
0xae: {  	[dreg:$0x2] =	wrdreg s2  }
0xaf: {  	[dreg:$0x3] =	wrdreg s24  }
0xb0: {  	[dreg:$0x4] =	wrdreg $0x9  }
0xb1: {  	_ =	task.clear_ibuf [dreg:s7], $0x5FFFF;
	_ =	strace $0x90000046  }
0xb2: {  	s29 =	simm.s32 $0x9;
	_ =	strace $0x80000048  }
0xb3: {  	_ =	swait.ge [sflag:s29], $0x1  }
0xb4: {  	[sflag:s29] =	ssyncadd.s32 $0xFFFFFFFF  }
0xb5: {  	_ =	strace $0x90000048  }
0xb6: {  	_ =	sfence  }
0xb7: {  	s30 =	sld [smem:$0x0];
	_ =	sdelay $0x2  }
0xb8: {  	s31 =	sshll.u32 s1, $0xD;
	s1 =	sshrl.u32 s1, $0x2  }
0xb9: {  	s3 =	sand.u32 $0x4000, s31;
	s1 =	sadd.s32 s1, s30  }
0xba: {  	s0 =	sor.u32 s3, s0;
	s1 =	sshll.u32 s1, $0x11  }
0xbb: {  	s0 =	sor.u32 s1, s0  }
0xbc: {  	s0 =	sadd.s32 $0x8F2B, s0  }
0xbd: {  	[sflag:s0] =	ssyncadd.remote.s32 $0x1  }
0xbe: {  	_ =	sfence.sel $0xFFFF  }
0xbf: {  	[dreg:$0x0] =	wrdreg $0xFFFFFFFF;
	(pc) =	sbr.abs _section_cstart, $3  }
0xc0: {  	[dreg:$0x1] =	wrdreg $0xFFFFFFFF  }
0xc1: {  	_ =	task.clear_ibuf [dreg:s7], $0x2FFFF;
	_ =	strace $0x9FFFFFFF  }
0xc2: {  	(tm) =	ssettm $0x7FFFFFFF  }
0xc3: {  	_ =	shalt  }
tec
execute0_lowered:
.L_overlay_start_1:
0x0: {  	(tag) =	ssettag $0x1  }
0x1: {  	s0 =	srdreg.scid  }
0x2: {  	s3 =	sand.u32 $0x1, s0  }
0x3: {  	s4 =	simm.s32 $0x1;
	s0 =	stileid.u32;
	s1 =	sshll.u32 s3, $0x4  }
0x4: {  	s5 =	rddreg [dreg:$0x0];
	s2 =	sand.u32 $0x7, s0;
	s1 =	sor.u32 s0, s1  }
0x5: {  	s7 =	rddreg [dreg:$0x1];
	p1 =	sne.s32 s2, $0x0;
	p0 =	seq.s32 s1, $0x0  }
0x6: {  	s11 =	simm.s32 $0x2;
	s12 =	simm.s32 $0x80;
	p0 =	por !p1, !p0  }
0x7: {  	s13 =	simm.s32 $0x400;
	s14 =	simm.s32 $0x18000;
	p0 =	por !p0, !p0  }
0x8: {  	s15 =	simm.s32 $0x3;
	s6 =	sshrl.u32 s1, $0x3;
	s4 =	simm.s32 @!p0 $0x0  }
0x9: {  	s16 =	simm.s32 $0x0;
	s8 =	sshll.u32 s0, $0x7;
	s4 =	ssub.s32 s6, s4  }
0xa: {  	s3 =	ssub.s32 $0x2, s3;
	s2 =	sshll.u32 s2, $0x8;
	s4 =	sshll.u32 s4, $0xD  }
0xb: {  	s8 =	sand.u32 $0x380, s8;
	s6 =	smul.u32 $0x1800, s6;
	s4 =	sor.u32 s2, s4  }
0xc: {  	s29 =	sshrl.u32 s3, $0x1;
	s1 =	rddreg [dreg:$0x2];
	s4 =	sshrl.u32 s4, $0x3  }
0xd: {  	s10 =	ssub.s32 s3, s29;
	s6 =	sor.u32 s8, s6;
	s28 =	smul.u32 $0x300, s4  }
0xe: {  	s2 =	simm.s32 $0x0;
	s6 =	sshrl.u32 s6, $0x3;
	s4 =	smul.u32 $0x1800, s4  }
.Ltmp0:
0xf: {  	[smem:$0x7FF] =	sst s2;
	s9 =	sadd.s32 s6, s7;
	(pc) =	sbr.rel .LBB2_1-.Ltmp0, $4  }
0x10: {  	s3 =	simm.s32 $0x1;
	_ =	strace $0x80000047;
	s8 =	sadd.s32 $0xE00, s9  }
0x11: {  	s9 =	smax.u32 s10, $0x1;
	s30 =	sadd.s32 s28, s5;
	s31 =	sadd.s32 $0x48C000, s4  }
0x12: {  	s10 =	simm.s32 $0xC000;
	s4 =	sadd.s32 $0x90000, s30;
	s6 =	sshrl.u32 s31, $0x3  }
0x13: {  	v0 =	vimm.f32 $0.0e+00;
	s7 =	sadd.s32 $0x94800, s30;
	s5 =	sadd.s32 s5, s6;
	s6 =	sadd.s32 $0x93000, s30  }
.LBB2_52:
0x14: {  	s16 =	sadd.s32 $0x1, s16  }
0x15: {  	p0 =	sne.s32 s16, s9  }
.Ltmp1:
0x16: {  	_ = 	snop;
	(pc) =	sbr.rel @!p0 .LBB2_53-.Ltmp1, $4  }
0x17: {  	[hbm4b:s8+s12] =	stream.strided.scatter [tilespmem:s14], [sflag:$0x3], $0x300, s13, s12, $0x38;
	[tilespmem:$0x18300] =	vst v63  }
0x18: {  	_ =	swait.ge [sflag:s15], $0x300  }
0x19: {  	[sflag:s15] =	ssyncset.done $0x0  }
0x1a: {  	[sflag:s15] =	ssyncadd.s32 $0xFFFFFD00  }
.LBB2_1:
0x1b: {  	[tilespmem:$0x18000] =	vst v0  }
0x1c: {  	[tilespmem:$0x18010] =	vst v0  }
0x1d: {  	[tilespmem:$0x18020] =	vst v0  }
0x1e: {  	[tilespmem:$0x18030] =	vst v0  }
0x1f: {  	[tilespmem:$0x18040] =	vst v0  }
0x20: {  	[tilespmem:$0x18050] =	vst v0  }
0x21: {  	[tilespmem:$0x18060] =	vst v0  }
0x22: {  	[tilespmem:$0x18070] =	vst v0  }
0x23: {  	[tilespmem:$0x18080] =	vst v0  }
0x24: {  	[tilespmem:$0x18090] =	vst v0  }
0x25: {  	[tilespmem:$0x180A0] =	vst v0  }
0x26: {  	[tilespmem:$0x180B0] =	vst v0  }
0x27: {  	[tilespmem:$0x180C0] =	vst v0  }
0x28: {  	[tilespmem:$0x180D0] =	vst v0  }
0x29: {  	[tilespmem:$0x180E0] =	vst v0  }
0x2a: {  	[tilespmem:$0x180F0] =	vst v0  }
0x2b: {  	[tilespmem:$0x18100] =	vst v0  }
0x2c: {  	[tilespmem:$0x18110] =	vst v0  }
0x2d: {  	[tilespmem:$0x18120] =	vst v0  }
0x2e: {  	[tilespmem:$0x18130] =	vst v0  }
0x2f: {  	[tilespmem:$0x18140] =	vst v0  }
0x30: {  	[tilespmem:$0x18150] =	vst v0  }
0x31: {  	[tilespmem:$0x18160] =	vst v0  }
0x32: {  	[tilespmem:$0x18170] =	vst v0  }
0x33: {  	[tilespmem:$0x18180] =	vst v0  }
0x34: {  	[tilespmem:$0x18190] =	vst v0  }
0x35: {  	[tilespmem:$0x181A0] =	vst v0  }
0x36: {  	[tilespmem:$0x181B0] =	vst v0  }
0x37: {  	[tilespmem:$0x181C0] =	vst v0  }
0x38: {  	[tilespmem:$0x181D0] =	vst v0  }
0x39: {  	[tilespmem:$0x181E0] =	vst v0  }
0x3a: {  	[tilespmem:$0x181F0] =	vst v0  }
0x3b: {  	[tilespmem:$0x18200] =	vst v0  }
0x3c: {  	[tilespmem:$0x18210] =	vst v0  }
0x3d: {  	[tilespmem:$0x18220] =	vst v0  }
0x3e: {  	[tilespmem:$0x18230] =	vst v0  }
0x3f: {  	[tilespmem:$0x18240] =	vst v0  }
0x40: {  	[tilespmem:$0x18250] =	vst v0  }
0x41: {  	[tilespmem:$0x18260] =	vst v0  }
0x42: {  	[tilespmem:$0x18270] =	vst v0  }
0x43: {  	[tilespmem:$0x18280] =	vst v0  }
0x44: {  	[tilespmem:$0x18290] =	vst v0  }
0x45: {  	[tilespmem:$0x182A0] =	vst v0  }
0x46: {  	[tilespmem:$0x182B0] =	vst v0  }
0x47: {  	[tilespmem:$0x182C0] =	vst v0  }
0x48: {  	[tilespmem:$0x182D0] =	vst v0  }
0x49: {  	[tilespmem:$0x182E0] =	vst v0  }
0x4a: {  	[tilespmem:$0x182F0] =	vst v0;
	p0 =	por $0x1, $0x1;
	s17 =	smov.u32 s5  }
0x4b: {  	[tilespmem:s2], [sflag:$0x1] =	stream.linear.gather [hbm4b:s4+s2], $0xC000, $0x38;
	[tilespmem:$0x18300] =	vst v63  }
.LBB2_2:
0x4c: {  	s18 =	simm.s32 $0x0  }
0x4d: {  	[tilespmem:s10], [sflag:$0x2] =	stream.linear.gather [hbm4b:s17+s18], $0xC000, $0x38;
	[tilespmem:$0x18300] =	vst v63  }
0x4e: {  	_ =	swait.ge [sflag:s3], $0xC000  }
0x4f: {  	[sflag:s3] =	ssyncset.done $0x0  }
0x50: {  	s31 =	simm.s32 $0x0;
	[sflag:s3] =	ssyncadd.s32 $0xFFFF4000  }
0x51: {  	s17 =	smul.u32 $0x6000, s31;
	v8 =	vld [tilespmem:$0x18000]  }
0x52: {  	v9 =	vld [tilespmem:$0x18010]  }
0x53: {  	s19 =	sand.u32 $0x200, s18;
	s17 =	sshra.s32 s17, $0x2;
	v3 =	vld [tilespmem:$0x18020]  }
0x54: {  	s17 =	sor.u32 s19, s17;
	v4 =	vld [tilespmem:$0x18030]  }
0x55: {  	v5 =	vld [tilespmem:s17+$0x180]  }
0x56: {  	v6 =	vld [tilespmem:s17+$0x190]  }
0x57: {  	v1 =	vld [tilespmem:s17+$0x100]  }
0x58: {  	v2 =	vld [tilespmem:s17+$0x110]  }
0x59: {  	s19 =	simm.s32 $0x1;
	v7 =	vld [tilespmem:s17+$0x80]  }
.LBB2_3:
0x5a: {  	p1 =	sne.s32 s19, $0xF;
	v10 =	vld [tilespmem:s17+$0x90];
	v11 =	vmov v5  }
0x5b: {  	v5 =	vld [tilespmem:s17+$0x0];
	v12 =	vmov v6  }
0x5c: {  	v6 =	vld [tilespmem:s17+$0x10]  }
0x5d: {  	v13 =	vld [tilespmem:s17+$0x20]  }
0x5e: {  	v14 =	vld [tilespmem:s17+$0x30]  }
0x5f: {  	v15 =	vld [tilespmem:s17+$0xA0]  }
0x60: {  	s20 =	sshrl.u32 s19, $0x1;
	v16 =	vld [tilespmem:s17+$0xB0]  }
0x61: {  	s20 =	smul.u32 $0x6000, s20;
	v17 =	vld [tilespmem:s17+$0x120]  }
0x62: {  	s18 =	sadd.s32 $0x200, s18;
	v5 =	vadd.f32 v5, v8;
	v6 =	vadd.f32 v6, v9;
	v8 =	vld [tilespmem:s17+$0x130]  }
0x63: {  	s21 =	sand.u32 $0x200, s18;
	s20 =	sshra.s32 s20, $0x2;
	v3 =	vadd.f32 v13, v3;
	v4 =	vadd.f32 v14, v4;
	v13 =	vld [tilespmem:s17+$0x1A0]  }
0x64: {  	v7 =	vadd.f32 v7, v5;
	v9 =	vadd.f32 v10, v6;
	v10 =	vld [tilespmem:s17+$0x1B0];
	s17 =	sor.u32 s21, s20  }
.Ltmp2:
0x65: {  	v3 =	vadd.f32 v15, v3;
	v5 =	vld [tilespmem:s17+$0x180];
	v4 =	vadd.f32 v16, v4;
	(pc) =	sbr.rel @p1 .LBB2_3-.Ltmp2, $4  }
0x66: {  	v7 =	vadd.f32 v1, v7;
	v9 =	vadd.f32 v2, v9;
	v6 =	vld [tilespmem:s17+$0x190]  }
0x67: {  	v3 =	vadd.f32 v17, v3;
	v1 =	vld [tilespmem:s17+$0x100];
	v4 =	vadd.f32 v8, v4  }
0x68: {  	v8 =	vadd.f32 v11, v7;
	v9 =	vadd.f32 v12, v9;
	v2 =	vld [tilespmem:s17+$0x110]  }
0x69: {  	s19 =	sadd.s32 $0x1, s19;
	v3 =	vadd.f32 v13, v3;
	v7 =	vld [tilespmem:s17+$0x80];
	v4 =	vadd.f32 v10, v4  }
0x6a: {  	v10 =	vld [tilespmem:s17+$0x90]  }
0x6b: {  	v11 =	vld [tilespmem:s17+$0x0]  }
0x6c: {  	v12 =	vld [tilespmem:s17+$0x10]  }
0x6d: {  	v13 =	vld [tilespmem:s17+$0x20]  }
0x6e: {  	v14 =	vld [tilespmem:s17+$0x30]  }
0x6f: {  	v15 =	vld [tilespmem:s17+$0xA0]  }
0x70: {  	v16 =	vld [tilespmem:s17+$0xB0];
	v8 =	vadd.f32 v11, v8  }
0x71: {  	v11 =	vld [tilespmem:s17+$0x120];
	v9 =	vadd.f32 v12, v9  }
0x72: {  	v63 =	vld [tilespmem:s17+$0x130];
	v3 =	vadd.f32 v13, v3;
	v7 =	vadd.f32 v7, v8  }
0x73: {  	v4 =	vadd.f32 v14, v4;
	v8 =	vld [tilespmem:s17+$0x1A0];
	v9 =	vadd.f32 v10, v9  }
0x74: {  	v10 =	vld [tilespmem:s17+$0x1B0];
	v3 =	vadd.f32 v15, v3;
	v1 =	vadd.f32 v1, v7  }
0x75: {  	v4 =	vadd.f32 v16, v4;
	v2 =	vadd.f32 v2, v9  }
0x76: {  	v3 =	vadd.f32 v11, v3;
	v1 =	vadd.f32 v5, v1  }
0x77: {  	s31 =	simm.s32 $0x0;
	v4 =	vadd.f32 v63, v4;
	v2 =	vadd.f32 v6, v2  }
0x78: {  	s17 =	smul.u32 $0x6000, s31;
	v5 =	vld [tilespmem:$0x18050];
	v6 =	vadd.f32 v8, v3;
	[tilespmem:$0x18000] =	vst v1  }
0x79: {  	s18 =	simm.s32 $0x0;
	v3 =	vld [tilespmem:$0x18040];
	v1 =	vadd.f32 v10, v4;
	[tilespmem:$0x18010] =	vst v2  }
0x7a: {  	s19 =	sand.u32 $0x200, s18;
	s17 =	sshra.s32 s17, $0x2;
	v4 =	vld [tilespmem:$0x18060];
	[tilespmem:$0x18020] =	vst v6  }
0x7b: {  	s17 =	sor.u32 s19, s17;
	v6 =	vld [tilespmem:$0x18070];
	[tilespmem:$0x18030] =	vst v1  }
0x7c: {  	v7 =	vld [tilespmem:s17+$0x1C0]  }
0x7d: {  	v8 =	vld [tilespmem:s17+$0x1D0]  }
0x7e: {  	v1 =	vld [tilespmem:s17+$0x140]  }
0x7f: {  	v2 =	vld [tilespmem:s17+$0x150]  }
0x80: {  	s19 =	simm.s32 $0x1;
	v9 =	vld [tilespmem:s17+$0xC0]  }
.LBB2_5:
0x81: {  	p1 =	sne.s32 s19, $0xF;
	v10 =	vld [tilespmem:s17+$0xD0];
	v11 =	vmov v7  }
0x82: {  	v7 =	vld [tilespmem:s17+$0x40];
	v12 =	vmov v8  }
0x83: {  	v8 =	vld [tilespmem:s17+$0x50]  }
0x84: {  	v13 =	vld [tilespmem:s17+$0x60]  }
0x85: {  	v14 =	vld [tilespmem:s17+$0x70]  }
0x86: {  	v15 =	vld [tilespmem:s17+$0xE0]  }
0x87: {  	s20 =	sshrl.u32 s19, $0x1;
	v16 =	vld [tilespmem:s17+$0xF0]  }
0x88: {  	s20 =	smul.u32 $0x6000, s20;
	v17 =	vld [tilespmem:s17+$0x160]  }
0x89: {  	s18 =	sadd.s32 $0x200, s18;
	v3 =	vadd.f32 v7, v3;
	v5 =	vadd.f32 v8, v5;
	v18 =	vld [tilespmem:s17+$0x170]  }
0x8a: {  	s21 =	sand.u32 $0x200, s18;
	s20 =	sshra.s32 s20, $0x2;
	v4 =	vadd.f32 v13, v4;
	v6 =	vadd.f32 v14, v6;
	v13 =	vld [tilespmem:s17+$0x1E0]  }
0x8b: {  	v3 =	vadd.f32 v9, v3;
	v5 =	vadd.f32 v10, v5;
	v10 =	vld [tilespmem:s17+$0x1F0];
	s17 =	sor.u32 s21, s20  }
.Ltmp3:
0x8c: {  	v4 =	vadd.f32 v15, v4;
	v7 =	vld [tilespmem:s17+$0x1C0];
	v6 =	vadd.f32 v16, v6;
	(pc) =	sbr.rel @p1 .LBB2_5-.Ltmp3, $4  }
0x8d: {  	v3 =	vadd.f32 v1, v3;
	v5 =	vadd.f32 v2, v5;
	v8 =	vld [tilespmem:s17+$0x1D0]  }
0x8e: {  	v4 =	vadd.f32 v17, v4;
	v1 =	vld [tilespmem:s17+$0x140];
	v6 =	vadd.f32 v18, v6  }
0x8f: {  	v3 =	vadd.f32 v11, v3;
	v5 =	vadd.f32 v12, v5;
	v2 =	vld [tilespmem:s17+$0x150]  }
0x90: {  	s19 =	sadd.s32 $0x1, s19;
	v4 =	vadd.f32 v13, v4;
	v9 =	vld [tilespmem:s17+$0xC0];
	v6 =	vadd.f32 v10, v6  }
0x91: {  	v10 =	vld [tilespmem:s17+$0xD0]  }
0x92: {  	v11 =	vld [tilespmem:s17+$0x40]  }
0x93: {  	v12 =	vld [tilespmem:s17+$0x50]  }
0x94: {  	v13 =	vld [tilespmem:s17+$0x60]  }
0x95: {  	v14 =	vld [tilespmem:s17+$0x70]  }
0x96: {  	v15 =	vld [tilespmem:s17+$0xE0]  }
0x97: {  	v16 =	vld [tilespmem:s17+$0xF0];
	v3 =	vadd.f32 v11, v3  }
0x98: {  	v11 =	vld [tilespmem:s17+$0x160];
	v5 =	vadd.f32 v12, v5  }
0x99: {  	v63 =	vld [tilespmem:s17+$0x170];
	v4 =	vadd.f32 v13, v4;
	v3 =	vadd.f32 v9, v3  }
0x9a: {  	v6 =	vadd.f32 v14, v6;
	v9 =	vld [tilespmem:s17+$0x1E0];
	v5 =	vadd.f32 v10, v5  }
0x9b: {  	v10 =	vld [tilespmem:s17+$0x1F0];
	v4 =	vadd.f32 v15, v4;
	v1 =	vadd.f32 v1, v3  }
0x9c: {  	v3 =	vadd.f32 v16, v6;
	v2 =	vadd.f32 v2, v5  }
0x9d: {  	v4 =	vadd.f32 v11, v4;
	v1 =	vadd.f32 v7, v1  }
0x9e: {  	s31 =	simm.s32 $0x0;
	v5 =	vadd.f32 v63, v3;
	v2 =	vadd.f32 v8, v2  }
0x9f: {  	s17 =	smul.u32 $0x6000, s31;
	v6 =	vld [tilespmem:$0x180B0];
	v4 =	vadd.f32 v9, v4;
	[tilespmem:$0x18040] =	vst v1  }
0xa0: {  	s18 =	simm.s32 $0x0;
	v3 =	vld [tilespmem:$0x18080];
	v1 =	vadd.f32 v10, v5;
	[tilespmem:$0x18050] =	vst v2  }
0xa1: {  	s19 =	sand.u32 $0x200, s18;
	s17 =	sshra.s32 s17, $0x2;
	v5 =	vld [tilespmem:$0x18090];
	[tilespmem:$0x18060] =	vst v4  }
0xa2: {  	s17 =	sor.u32 s19, s17;
	v4 =	vld [tilespmem:$0x180A0];
	[tilespmem:$0x18070] =	vst v1  }
0xa3: {  	v7 =	vld [tilespmem:s17+$0x580]  }
0xa4: {  	v8 =	vld [tilespmem:s17+$0x590]  }
0xa5: {  	v1 =	vld [tilespmem:s17+$0x500]  }
0xa6: {  	v2 =	vld [tilespmem:s17+$0x510]  }
0xa7: {  	s19 =	simm.s32 $0x1;
	v9 =	vld [tilespmem:s17+$0x480]  }
.LBB2_7:
0xa8: {  	p1 =	sne.s32 s19, $0xF;
	v10 =	vld [tilespmem:s17+$0x490];
	v11 =	vmov v7  }
0xa9: {  	v7 =	vld [tilespmem:s17+$0x400];
	v12 =	vmov v8  }
0xaa: {  	v8 =	vld [tilespmem:s17+$0x410]  }
0xab: {  	v13 =	vld [tilespmem:s17+$0x420]  }
0xac: {  	v14 =	vld [tilespmem:s17+$0x430]  }
0xad: {  	v15 =	vld [tilespmem:s17+$0x4A0]  }
0xae: {  	s20 =	sshrl.u32 s19, $0x1;
	v16 =	vld [tilespmem:s17+$0x4B0]  }
0xaf: {  	s20 =	smul.u32 $0x6000, s20;
	v17 =	vld [tilespmem:s17+$0x520]  }
0xb0: {  	s18 =	sadd.s32 $0x200, s18;
	v3 =	vadd.f32 v7, v3;
	v5 =	vadd.f32 v8, v5;
	v18 =	vld [tilespmem:s17+$0x530]  }
0xb1: {  	s21 =	sand.u32 $0x200, s18;
	s20 =	sshra.s32 s20, $0x2;
	v4 =	vadd.f32 v13, v4;
	v6 =	vadd.f32 v14, v6;
	v13 =	vld [tilespmem:s17+$0x5A0]  }
0xb2: {  	v3 =	vadd.f32 v9, v3;
	v5 =	vadd.f32 v10, v5;
	v10 =	vld [tilespmem:s17+$0x5B0];
	s17 =	sor.u32 s21, s20  }
.Ltmp4:
0xb3: {  	v4 =	vadd.f32 v15, v4;
	v7 =	vld [tilespmem:s17+$0x580];
	v6 =	vadd.f32 v16, v6;
	(pc) =	sbr.rel @p1 .LBB2_7-.Ltmp4, $4  }
0xb4: {  	v3 =	vadd.f32 v1, v3;
	v5 =	vadd.f32 v2, v5;
	v8 =	vld [tilespmem:s17+$0x590]  }
0xb5: {  	v4 =	vadd.f32 v17, v4;
	v1 =	vld [tilespmem:s17+$0x500];
	v6 =	vadd.f32 v18, v6  }
0xb6: {  	v3 =	vadd.f32 v11, v3;
	v5 =	vadd.f32 v12, v5;
	v2 =	vld [tilespmem:s17+$0x510]  }
0xb7: {  	s19 =	sadd.s32 $0x1, s19;
	v4 =	vadd.f32 v13, v4;
	v9 =	vld [tilespmem:s17+$0x480];
	v6 =	vadd.f32 v10, v6  }
0xb8: {  	v10 =	vld [tilespmem:s17+$0x490]  }
0xb9: {  	v11 =	vld [tilespmem:s17+$0x400]  }
0xba: {  	v12 =	vld [tilespmem:s17+$0x410]  }
0xbb: {  	v13 =	vld [tilespmem:s17+$0x420]  }
0xbc: {  	v14 =	vld [tilespmem:s17+$0x430]  }
0xbd: {  	v15 =	vld [tilespmem:s17+$0x4A0]  }
0xbe: {  	v16 =	vld [tilespmem:s17+$0x4B0];
	v3 =	vadd.f32 v11, v3  }
0xbf: {  	v11 =	vld [tilespmem:s17+$0x520];
	v5 =	vadd.f32 v12, v5  }
0xc0: {  	v63 =	vld [tilespmem:s17+$0x530];
	v4 =	vadd.f32 v13, v4;
	v3 =	vadd.f32 v9, v3  }
0xc1: {  	v6 =	vadd.f32 v14, v6;
	v9 =	vld [tilespmem:s17+$0x5A0];
	v5 =	vadd.f32 v10, v5  }
0xc2: {  	v10 =	vld [tilespmem:s17+$0x5B0];
	v4 =	vadd.f32 v15, v4;
	v1 =	vadd.f32 v1, v3  }
0xc3: {  	v3 =	vadd.f32 v16, v6;
	v2 =	vadd.f32 v2, v5  }
0xc4: {  	v4 =	vadd.f32 v11, v4;
	v1 =	vadd.f32 v7, v1  }
0xc5: {  	s31 =	simm.s32 $0x0;
	v5 =	vadd.f32 v63, v3;
	v2 =	vadd.f32 v8, v2  }
0xc6: {  	s17 =	smul.u32 $0x6000, s31;
	v6 =	vld [tilespmem:$0x180F0];
	v4 =	vadd.f32 v9, v4;
	[tilespmem:$0x18080] =	vst v1  }
0xc7: {  	s18 =	simm.s32 $0x0;
	v3 =	vld [tilespmem:$0x180C0];
	v1 =	vadd.f32 v10, v5;
	[tilespmem:$0x18090] =	vst v2  }
0xc8: {  	s19 =	sand.u32 $0x200, s18;
	s17 =	sshra.s32 s17, $0x2;
	v5 =	vld [tilespmem:$0x180D0];
	[tilespmem:$0x180A0] =	vst v4  }
0xc9: {  	s17 =	sor.u32 s19, s17;
	v4 =	vld [tilespmem:$0x180E0];
	[tilespmem:$0x180B0] =	vst v1  }
0xca: {  	v7 =	vld [tilespmem:s17+$0x5C0]  }
0xcb: {  	v8 =	vld [tilespmem:s17+$0x5D0]  }
0xcc: {  	v1 =	vld [tilespmem:s17+$0x540]  }
0xcd: {  	v2 =	vld [tilespmem:s17+$0x550]  }
0xce: {  	s19 =	simm.s32 $0x1;
	v9 =	vld [tilespmem:s17+$0x4C0]  }
.LBB2_9:
0xcf: {  	p1 =	sne.s32 s19, $0xF;
	v10 =	vld [tilespmem:s17+$0x4D0];
	v11 =	vmov v7  }
0xd0: {  	v7 =	vld [tilespmem:s17+$0x440];
	v12 =	vmov v8  }
0xd1: {  	v8 =	vld [tilespmem:s17+$0x450]  }
0xd2: {  	v13 =	vld [tilespmem:s17+$0x460]  }
0xd3: {  	v14 =	vld [tilespmem:s17+$0x470]  }
0xd4: {  	v15 =	vld [tilespmem:s17+$0x4E0]  }
0xd5: {  	s20 =	sshrl.u32 s19, $0x1;
	v16 =	vld [tilespmem:s17+$0x4F0]  }
0xd6: {  	s20 =	smul.u32 $0x6000, s20;
	v17 =	vld [tilespmem:s17+$0x560]  }
0xd7: {  	s18 =	sadd.s32 $0x200, s18;
	v3 =	vadd.f32 v7, v3;
	v5 =	vadd.f32 v8, v5;
	v18 =	vld [tilespmem:s17+$0x570]  }
0xd8: {  	s21 =	sand.u32 $0x200, s18;
	s20 =	sshra.s32 s20, $0x2;
	v4 =	vadd.f32 v13, v4;
	v6 =	vadd.f32 v14, v6;
	v13 =	vld [tilespmem:s17+$0x5E0]  }
0xd9: {  	v3 =	vadd.f32 v9, v3;
	v5 =	vadd.f32 v10, v5;
	v10 =	vld [tilespmem:s17+$0x5F0];
	s17 =	sor.u32 s21, s20  }
.Ltmp5:
0xda: {  	v4 =	vadd.f32 v15, v4;
	v7 =	vld [tilespmem:s17+$0x5C0];
	v6 =	vadd.f32 v16, v6;
	(pc) =	sbr.rel @p1 .LBB2_9-.Ltmp5, $4  }
0xdb: {  	v3 =	vadd.f32 v1, v3;
	v5 =	vadd.f32 v2, v5;
	v8 =	vld [tilespmem:s17+$0x5D0]  }
0xdc: {  	v4 =	vadd.f32 v17, v4;
	v1 =	vld [tilespmem:s17+$0x540];
	v6 =	vadd.f32 v18, v6  }
0xdd: {  	v3 =	vadd.f32 v11, v3;
	v5 =	vadd.f32 v12, v5;
	v2 =	vld [tilespmem:s17+$0x550]  }
0xde: {  	s19 =	sadd.s32 $0x1, s19;
	v4 =	vadd.f32 v13, v4;
	v9 =	vld [tilespmem:s17+$0x4C0];
	v6 =	vadd.f32 v10, v6  }
0xdf: {  	v10 =	vld [tilespmem:s17+$0x4D0]  }
0xe0: {  	v11 =	vld [tilespmem:s17+$0x440]  }
0xe1: {  	v12 =	vld [tilespmem:s17+$0x450]  }
0xe2: {  	v13 =	vld [tilespmem:s17+$0x460]  }
0xe3: {  	v14 =	vld [tilespmem:s17+$0x470]  }
0xe4: {  	v15 =	vld [tilespmem:s17+$0x4E0]  }
0xe5: {  	v16 =	vld [tilespmem:s17+$0x4F0];
	v3 =	vadd.f32 v11, v3  }
0xe6: {  	v11 =	vld [tilespmem:s17+$0x560];
	v5 =	vadd.f32 v12, v5  }
0xe7: {  	v63 =	vld [tilespmem:s17+$0x570];
	v4 =	vadd.f32 v13, v4;
	v3 =	vadd.f32 v9, v3  }
0xe8: {  	v6 =	vadd.f32 v14, v6;
	v9 =	vld [tilespmem:s17+$0x5E0];
	v5 =	vadd.f32 v10, v5  }
0xe9: {  	v10 =	vld [tilespmem:s17+$0x5F0];
	v4 =	vadd.f32 v15, v4;
	v1 =	vadd.f32 v1, v3  }
0xea: {  	v3 =	vadd.f32 v16, v6;
	v2 =	vadd.f32 v2, v5  }
0xeb: {  	v4 =	vadd.f32 v11, v4;
	v1 =	vadd.f32 v7, v1  }
0xec: {  	s31 =	simm.s32 $0x0;
	v5 =	vadd.f32 v63, v3;
	v2 =	vadd.f32 v8, v2  }
0xed: {  	s17 =	smul.u32 $0x6000, s31;
	v6 =	vld [tilespmem:$0x18130];
	v4 =	vadd.f32 v9, v4;
	[tilespmem:$0x180C0] =	vst v1  }
0xee: {  	s18 =	simm.s32 $0x0;
	v3 =	vld [tilespmem:$0x18100];
	v1 =	vadd.f32 v10, v5;
	[tilespmem:$0x180D0] =	vst v2  }
0xef: {  	s19 =	sand.u32 $0x200, s18;
	s17 =	sshra.s32 s17, $0x2;
	v5 =	vld [tilespmem:$0x18110];
	[tilespmem:$0x180E0] =	vst v4  }
0xf0: {  	s17 =	sor.u32 s19, s17;
	v4 =	vld [tilespmem:$0x18120];
	[tilespmem:$0x180F0] =	vst v1  }
0xf1: {  	v7 =	vld [tilespmem:s17+$0x980]  }
0xf2: {  	v8 =	vld [tilespmem:s17+$0x990]  }
0xf3: {  	v1 =	vld [tilespmem:s17+$0x900]  }
0xf4: {  	v2 =	vld [tilespmem:s17+$0x910]  }
0xf5: {  	s19 =	simm.s32 $0x1;
	v9 =	vld [tilespmem:s17+$0x880]  }
.LBB2_11:
0xf6: {  	p1 =	sne.s32 s19, $0xF;
	v10 =	vld [tilespmem:s17+$0x890];
	v11 =	vmov v7  }
0xf7: {  	v7 =	vld [tilespmem:s17+$0x800];
	v12 =	vmov v8  }
0xf8: {  	v8 =	vld [tilespmem:s17+$0x810]  }
0xf9: {  	v13 =	vld [tilespmem:s17+$0x820]  }
0xfa: {  	v14 =	vld [tilespmem:s17+$0x830]  }
0xfb: {  	v15 =	vld [tilespmem:s17+$0x8A0]  }
0xfc: {  	s20 =	sshrl.u32 s19, $0x1;
	v16 =	vld [tilespmem:s17+$0x8B0]  }
0xfd: {  	s20 =	smul.u32 $0x6000, s20;
	v17 =	vld [tilespmem:s17+$0x920]  }
0xfe: {  	s18 =	sadd.s32 $0x200, s18;
	v3 =	vadd.f32 v7, v3;
	v5 =	vadd.f32 v8, v5;
	v18 =	vld [tilespmem:s17+$0x930]  }
0xff: {  	s21 =	sand.u32 $0x200, s18;
	s20 =	sshra.s32 s20, $0x2;
	v4 =	vadd.f32 v13, v4;
	v6 =	vadd.f32 v14, v6;
	v13 =	vld [tilespmem:s17+$0x9A0]  }
0x100: {  	v3 =	vadd.f32 v9, v3;
	v5 =	vadd.f32 v10, v5;
	v10 =	vld [tilespmem:s17+$0x9B0];
	s17 =	sor.u32 s21, s20  }
.Ltmp6:
0x101: {  	v4 =	vadd.f32 v15, v4;
	v7 =	vld [tilespmem:s17+$0x980];
	v6 =	vadd.f32 v16, v6;
	(pc) =	sbr.rel @p1 .LBB2_11-.Ltmp6, $4  }
0x102: {  	v3 =	vadd.f32 v1, v3;
	v5 =	vadd.f32 v2, v5;
	v8 =	vld [tilespmem:s17+$0x990]  }
0x103: {  	v4 =	vadd.f32 v17, v4;
	v1 =	vld [tilespmem:s17+$0x900];
	v6 =	vadd.f32 v18, v6  }
0x104: {  	v3 =	vadd.f32 v11, v3;
	v5 =	vadd.f32 v12, v5;
	v2 =	vld [tilespmem:s17+$0x910]  }
0x105: {  	s19 =	sadd.s32 $0x1, s19;
	v4 =	vadd.f32 v13, v4;
	v9 =	vld [tilespmem:s17+$0x880];
	v6 =	vadd.f32 v10, v6  }
0x106: {  	v10 =	vld [tilespmem:s17+$0x890]  }
0x107: {  	v11 =	vld [tilespmem:s17+$0x800]  }
0x108: {  	v12 =	vld [tilespmem:s17+$0x810]  }
0x109: {  	v13 =	vld [tilespmem:s17+$0x820]  }
0x10a: {  	v14 =	vld [tilespmem:s17+$0x830]  }
0x10b: {  	v15 =	vld [tilespmem:s17+$0x8A0]  }
0x10c: {  	v16 =	vld [tilespmem:s17+$0x8B0];
	v3 =	vadd.f32 v11, v3  }
0x10d: {  	v11 =	vld [tilespmem:s17+$0x920];
	v5 =	vadd.f32 v12, v5  }
0x10e: {  	v63 =	vld [tilespmem:s17+$0x930];
	v4 =	vadd.f32 v13, v4;
	v3 =	vadd.f32 v9, v3  }
0x10f: {  	v6 =	vadd.f32 v14, v6;
	v9 =	vld [tilespmem:s17+$0x9A0];
	v5 =	vadd.f32 v10, v5  }
0x110: {  	v10 =	vld [tilespmem:s17+$0x9B0];
	v4 =	vadd.f32 v15, v4;
	v1 =	vadd.f32 v1, v3  }
0x111: {  	v3 =	vadd.f32 v16, v6;
	v2 =	vadd.f32 v2, v5  }
0x112: {  	v4 =	vadd.f32 v11, v4;
	v1 =	vadd.f32 v7, v1  }
0x113: {  	s31 =	simm.s32 $0x0;
	v5 =	vadd.f32 v63, v3;
	v2 =	vadd.f32 v8, v2  }
0x114: {  	s17 =	smul.u32 $0x6000, s31;
	v6 =	vld [tilespmem:$0x18170];
	v4 =	vadd.f32 v9, v4;
	[tilespmem:$0x18100] =	vst v1  }
0x115: {  	s18 =	simm.s32 $0x0;
	v3 =	vld [tilespmem:$0x18140];
	v1 =	vadd.f32 v10, v5;
	[tilespmem:$0x18110] =	vst v2  }
0x116: {  	s19 =	sand.u32 $0x200, s18;
	s17 =	sshra.s32 s17, $0x2;
	v5 =	vld [tilespmem:$0x18150];
	[tilespmem:$0x18120] =	vst v4  }
0x117: {  	s17 =	sor.u32 s19, s17;
	v4 =	vld [tilespmem:$0x18160];
	[tilespmem:$0x18130] =	vst v1  }
0x118: {  	v7 =	vld [tilespmem:s17+$0x9C0]  }
0x119: {  	v8 =	vld [tilespmem:s17+$0x9D0]  }
0x11a: {  	v1 =	vld [tilespmem:s17+$0x940]  }
0x11b: {  	v2 =	vld [tilespmem:s17+$0x950]  }
0x11c: {  	s19 =	simm.s32 $0x1;
	v9 =	vld [tilespmem:s17+$0x8C0]  }
.LBB2_13:
0x11d: {  	p1 =	sne.s32 s19, $0xF;
	v10 =	vld [tilespmem:s17+$0x8D0];
	v11 =	vmov v7  }
0x11e: {  	v7 =	vld [tilespmem:s17+$0x840];
	v12 =	vmov v8  }
0x11f: {  	v8 =	vld [tilespmem:s17+$0x850]  }
0x120: {  	v13 =	vld [tilespmem:s17+$0x860]  }
0x121: {  	v14 =	vld [tilespmem:s17+$0x870]  }
0x122: {  	v15 =	vld [tilespmem:s17+$0x8E0]  }
0x123: {  	s20 =	sshrl.u32 s19, $0x1;
	v16 =	vld [tilespmem:s17+$0x8F0]  }
0x124: {  	s20 =	smul.u32 $0x6000, s20;
	v17 =	vld [tilespmem:s17+$0x960]  }
0x125: {  	s18 =	sadd.s32 $0x200, s18;
	v3 =	vadd.f32 v7, v3;
	v5 =	vadd.f32 v8, v5;
	v18 =	vld [tilespmem:s17+$0x970]  }
0x126: {  	s21 =	sand.u32 $0x200, s18;
	s20 =	sshra.s32 s20, $0x2;
	v4 =	vadd.f32 v13, v4;
	v6 =	vadd.f32 v14, v6;
	v13 =	vld [tilespmem:s17+$0x9E0]  }
0x127: {  	v3 =	vadd.f32 v9, v3;
	v5 =	vadd.f32 v10, v5;
	v10 =	vld [tilespmem:s17+$0x9F0];
	s17 =	sor.u32 s21, s20  }
.Ltmp7:
0x128: {  	v4 =	vadd.f32 v15, v4;
	v7 =	vld [tilespmem:s17+$0x9C0];
	v6 =	vadd.f32 v16, v6;
	(pc) =	sbr.rel @p1 .LBB2_13-.Ltmp7, $4  }
0x129: {  	v3 =	vadd.f32 v1, v3;
	v5 =	vadd.f32 v2, v5;
	v8 =	vld [tilespmem:s17+$0x9D0]  }
0x12a: {  	v4 =	vadd.f32 v17, v4;
	v1 =	vld [tilespmem:s17+$0x940];
	v6 =	vadd.f32 v18, v6  }
0x12b: {  	v3 =	vadd.f32 v11, v3;
	v5 =	vadd.f32 v12, v5;
	v2 =	vld [tilespmem:s17+$0x950]  }
0x12c: {  	s19 =	sadd.s32 $0x1, s19;
	v4 =	vadd.f32 v13, v4;
	v9 =	vld [tilespmem:s17+$0x8C0];
	v6 =	vadd.f32 v10, v6  }
0x12d: {  	v10 =	vld [tilespmem:s17+$0x8D0]  }
0x12e: {  	v11 =	vld [tilespmem:s17+$0x840]  }
0x12f: {  	v12 =	vld [tilespmem:s17+$0x850]  }
0x130: {  	v13 =	vld [tilespmem:s17+$0x860]  }
0x131: {  	v14 =	vld [tilespmem:s17+$0x870]  }
0x132: {  	v15 =	vld [tilespmem:s17+$0x8E0]  }
0x133: {  	v16 =	vld [tilespmem:s17+$0x8F0];
	v3 =	vadd.f32 v11, v3  }
0x134: {  	v11 =	vld [tilespmem:s17+$0x960];
	v5 =	vadd.f32 v12, v5  }
0x135: {  	v63 =	vld [tilespmem:s17+$0x970];
	v4 =	vadd.f32 v13, v4;
	v3 =	vadd.f32 v9, v3  }
0x136: {  	v6 =	vadd.f32 v14, v6;
	v9 =	vld [tilespmem:s17+$0x9E0];
	v5 =	vadd.f32 v10, v5  }
0x137: {  	v10 =	vld [tilespmem:s17+$0x9F0];
	v4 =	vadd.f32 v15, v4;
	v1 =	vadd.f32 v1, v3  }
0x138: {  	v3 =	vadd.f32 v16, v6;
	v2 =	vadd.f32 v2, v5  }
0x139: {  	v4 =	vadd.f32 v11, v4;
	v1 =	vadd.f32 v7, v1  }
0x13a: {  	s31 =	simm.s32 $0x0;
	v5 =	vadd.f32 v63, v3;
	v2 =	vadd.f32 v8, v2  }
0x13b: {  	s17 =	smul.u32 $0x6000, s31;
	v6 =	vld [tilespmem:$0x181B0];
	v4 =	vadd.f32 v9, v4;
	[tilespmem:$0x18140] =	vst v1  }
0x13c: {  	s18 =	simm.s32 $0x0;
	v3 =	vld [tilespmem:$0x18180];
	v1 =	vadd.f32 v10, v5;
	[tilespmem:$0x18150] =	vst v2  }
0x13d: {  	s19 =	sand.u32 $0x200, s18;
	s17 =	sshra.s32 s17, $0x2;
	v5 =	vld [tilespmem:$0x18190];
	[tilespmem:$0x18160] =	vst v4  }
0x13e: {  	s17 =	sor.u32 s19, s17;
	v4 =	vld [tilespmem:$0x181A0];
	[tilespmem:$0x18170] =	vst v1  }
0x13f: {  	v7 =	vld [tilespmem:s17+$0xD80]  }
0x140: {  	v8 =	vld [tilespmem:s17+$0xD90]  }
0x141: {  	v1 =	vld [tilespmem:s17+$0xD00]  }
0x142: {  	v2 =	vld [tilespmem:s17+$0xD10]  }
0x143: {  	s19 =	simm.s32 $0x1;
	v9 =	vld [tilespmem:s17+$0xC80]  }
.LBB2_15:
0x144: {  	p1 =	sne.s32 s19, $0xF;
	v10 =	vld [tilespmem:s17+$0xC90];
	v11 =	vmov v7  }
0x145: {  	v7 =	vld [tilespmem:s17+$0xC00];
	v12 =	vmov v8  }
0x146: {  	v8 =	vld [tilespmem:s17+$0xC10]  }
0x147: {  	v13 =	vld [tilespmem:s17+$0xC20]  }
0x148: {  	v14 =	vld [tilespmem:s17+$0xC30]  }
0x149: {  	v15 =	vld [tilespmem:s17+$0xCA0]  }
0x14a: {  	s20 =	sshrl.u32 s19, $0x1;
	v16 =	vld [tilespmem:s17+$0xCB0]  }
0x14b: {  	s20 =	smul.u32 $0x6000, s20;
	v17 =	vld [tilespmem:s17+$0xD20]  }
0x14c: {  	s18 =	sadd.s32 $0x200, s18;
	v3 =	vadd.f32 v7, v3;
	v5 =	vadd.f32 v8, v5;
	v18 =	vld [tilespmem:s17+$0xD30]  }
0x14d: {  	s21 =	sand.u32 $0x200, s18;
	s20 =	sshra.s32 s20, $0x2;
	v4 =	vadd.f32 v13, v4;
	v6 =	vadd.f32 v14, v6;
	v13 =	vld [tilespmem:s17+$0xDA0]  }
0x14e: {  	v3 =	vadd.f32 v9, v3;
	v5 =	vadd.f32 v10, v5;
	v10 =	vld [tilespmem:s17+$0xDB0];
	s17 =	sor.u32 s21, s20  }
.Ltmp8:
0x14f: {  	v4 =	vadd.f32 v15, v4;
	v7 =	vld [tilespmem:s17+$0xD80];
	v6 =	vadd.f32 v16, v6;
	(pc) =	sbr.rel @p1 .LBB2_15-.Ltmp8, $4  }
0x150: {  	v3 =	vadd.f32 v1, v3;
	v5 =	vadd.f32 v2, v5;
	v8 =	vld [tilespmem:s17+$0xD90]  }
0x151: {  	v4 =	vadd.f32 v17, v4;
	v1 =	vld [tilespmem:s17+$0xD00];
	v6 =	vadd.f32 v18, v6  }
0x152: {  	v3 =	vadd.f32 v11, v3;
	v5 =	vadd.f32 v12, v5;
	v2 =	vld [tilespmem:s17+$0xD10]  }
0x153: {  	s19 =	sadd.s32 $0x1, s19;
	v4 =	vadd.f32 v13, v4;
	v9 =	vld [tilespmem:s17+$0xC80];
	v6 =	vadd.f32 v10, v6  }
0x154: {  	v10 =	vld [tilespmem:s17+$0xC90]  }
0x155: {  	v11 =	vld [tilespmem:s17+$0xC00]  }
0x156: {  	v12 =	vld [tilespmem:s17+$0xC10]  }
0x157: {  	v13 =	vld [tilespmem:s17+$0xC20]  }
0x158: {  	v14 =	vld [tilespmem:s17+$0xC30]  }
0x159: {  	v15 =	vld [tilespmem:s17+$0xCA0]  }
0x15a: {  	v16 =	vld [tilespmem:s17+$0xCB0];
	v3 =	vadd.f32 v11, v3  }
0x15b: {  	v11 =	vld [tilespmem:s17+$0xD20];
	v5 =	vadd.f32 v12, v5  }
0x15c: {  	v63 =	vld [tilespmem:s17+$0xD30];
	v4 =	vadd.f32 v13, v4;
	v3 =	vadd.f32 v9, v3  }
0x15d: {  	v6 =	vadd.f32 v14, v6;
	v9 =	vld [tilespmem:s17+$0xDA0];
	v5 =	vadd.f32 v10, v5  }
0x15e: {  	v10 =	vld [tilespmem:s17+$0xDB0];
	v4 =	vadd.f32 v15, v4;
	v1 =	vadd.f32 v1, v3  }
0x15f: {  	v3 =	vadd.f32 v16, v6;
	v2 =	vadd.f32 v2, v5  }
0x160: {  	v4 =	vadd.f32 v11, v4;
	v1 =	vadd.f32 v7, v1  }
0x161: {  	s31 =	simm.s32 $0x0;
	v5 =	vadd.f32 v63, v3;
	v2 =	vadd.f32 v8, v2  }
0x162: {  	s17 =	smul.u32 $0x6000, s31;
	v6 =	vld [tilespmem:$0x181F0];
	v4 =	vadd.f32 v9, v4;
	[tilespmem:$0x18180] =	vst v1  }
0x163: {  	s18 =	simm.s32 $0x0;
	v3 =	vld [tilespmem:$0x181C0];
	v1 =	vadd.f32 v10, v5;
	[tilespmem:$0x18190] =	vst v2  }
0x164: {  	s19 =	sand.u32 $0x200, s18;
	s17 =	sshra.s32 s17, $0x2;
	v5 =	vld [tilespmem:$0x181D0];
	[tilespmem:$0x181A0] =	vst v4  }
0x165: {  	s17 =	sor.u32 s19, s17;
	v4 =	vld [tilespmem:$0x181E0];
	[tilespmem:$0x181B0] =	vst v1  }
0x166: {  	v7 =	vld [tilespmem:s17+$0xDC0]  }
0x167: {  	v8 =	vld [tilespmem:s17+$0xDD0]  }
0x168: {  	v1 =	vld [tilespmem:s17+$0xD40]  }
0x169: {  	v2 =	vld [tilespmem:s17+$0xD50]  }
0x16a: {  	s19 =	simm.s32 $0x1;
	v9 =	vld [tilespmem:s17+$0xCC0]  }
.LBB2_17:
0x16b: {  	p1 =	sne.s32 s19, $0xF;
	v10 =	vld [tilespmem:s17+$0xCD0];
	v11 =	vmov v7  }
0x16c: {  	v7 =	vld [tilespmem:s17+$0xC40];
	v12 =	vmov v8  }
0x16d: {  	v8 =	vld [tilespmem:s17+$0xC50]  }
0x16e: {  	v13 =	vld [tilespmem:s17+$0xC60]  }
0x16f: {  	v14 =	vld [tilespmem:s17+$0xC70]  }
0x170: {  	v15 =	vld [tilespmem:s17+$0xCE0]  }
0x171: {  	s20 =	sshrl.u32 s19, $0x1;
	v16 =	vld [tilespmem:s17+$0xCF0]  }
0x172: {  	s20 =	smul.u32 $0x6000, s20;
	v17 =	vld [tilespmem:s17+$0xD60]  }
0x173: {  	s18 =	sadd.s32 $0x200, s18;
	v3 =	vadd.f32 v7, v3;
	v5 =	vadd.f32 v8, v5;
	v18 =	vld [tilespmem:s17+$0xD70]  }
0x174: {  	s21 =	sand.u32 $0x200, s18;
	s20 =	sshra.s32 s20, $0x2;
	v4 =	vadd.f32 v13, v4;
	v6 =	vadd.f32 v14, v6;
	v13 =	vld [tilespmem:s17+$0xDE0]  }
0x175: {  	v3 =	vadd.f32 v9, v3;
	v5 =	vadd.f32 v10, v5;
	v10 =	vld [tilespmem:s17+$0xDF0];
	s17 =	sor.u32 s21, s20  }
.Ltmp9:
0x176: {  	v4 =	vadd.f32 v15, v4;
	v7 =	vld [tilespmem:s17+$0xDC0];
	v6 =	vadd.f32 v16, v6;
	(pc) =	sbr.rel @p1 .LBB2_17-.Ltmp9, $4  }
0x177: {  	v3 =	vadd.f32 v1, v3;
	v5 =	vadd.f32 v2, v5;
	v8 =	vld [tilespmem:s17+$0xDD0]  }
0x178: {  	v4 =	vadd.f32 v17, v4;
	v1 =	vld [tilespmem:s17+$0xD40];
	v6 =	vadd.f32 v18, v6  }
0x179: {  	v3 =	vadd.f32 v11, v3;
	v5 =	vadd.f32 v12, v5;
	v2 =	vld [tilespmem:s17+$0xD50]  }
0x17a: {  	s19 =	sadd.s32 $0x1, s19;
	v4 =	vadd.f32 v13, v4;
	v9 =	vld [tilespmem:s17+$0xCC0];
	v6 =	vadd.f32 v10, v6  }
0x17b: {  	v10 =	vld [tilespmem:s17+$0xCD0]  }
0x17c: {  	v11 =	vld [tilespmem:s17+$0xC40]  }
0x17d: {  	v12 =	vld [tilespmem:s17+$0xC50]  }
0x17e: {  	v13 =	vld [tilespmem:s17+$0xC60]  }
0x17f: {  	v14 =	vld [tilespmem:s17+$0xC70]  }
0x180: {  	v15 =	vld [tilespmem:s17+$0xCE0]  }
0x181: {  	v16 =	vld [tilespmem:s17+$0xCF0];
	v3 =	vadd.f32 v11, v3  }
0x182: {  	v11 =	vld [tilespmem:s17+$0xD60];
	v5 =	vadd.f32 v12, v5  }
0x183: {  	v63 =	vld [tilespmem:s17+$0xD70];
	v4 =	vadd.f32 v13, v4;
	v3 =	vadd.f32 v9, v3  }
0x184: {  	v6 =	vadd.f32 v14, v6;
	v9 =	vld [tilespmem:s17+$0xDE0];
	v5 =	vadd.f32 v10, v5  }
0x185: {  	v10 =	vld [tilespmem:s17+$0xDF0];
	v4 =	vadd.f32 v15, v4;
	v1 =	vadd.f32 v1, v3  }
0x186: {  	v3 =	vadd.f32 v16, v6;
	v2 =	vadd.f32 v2, v5  }
0x187: {  	v4 =	vadd.f32 v11, v4;
	v1 =	vadd.f32 v7, v1  }
0x188: {  	s31 =	simm.s32 $0x0;
	v5 =	vadd.f32 v63, v3;
	v2 =	vadd.f32 v8, v2  }
0x189: {  	s17 =	smul.u32 $0x6000, s31;
	v6 =	vld [tilespmem:$0x18230];
	v4 =	vadd.f32 v9, v4;
	[tilespmem:$0x181C0] =	vst v1  }
0x18a: {  	s18 =	simm.s32 $0x0;
	v3 =	vld [tilespmem:$0x18200];
	v1 =	vadd.f32 v10, v5;
	[tilespmem:$0x181D0] =	vst v2  }
0x18b: {  	s19 =	sand.u32 $0x200, s18;
	s17 =	sshra.s32 s17, $0x2;
	v5 =	vld [tilespmem:$0x18210];
	[tilespmem:$0x181E0] =	vst v4  }
0x18c: {  	s17 =	sor.u32 s19, s17;
	v4 =	vld [tilespmem:$0x18220];
	[tilespmem:$0x181F0] =	vst v1  }
0x18d: {  	v7 =	vld [tilespmem:s17+$0x1180]  }
0x18e: {  	v8 =	vld [tilespmem:s17+$0x1190]  }
0x18f: {  	v1 =	vld [tilespmem:s17+$0x1100]  }
0x190: {  	v2 =	vld [tilespmem:s17+$0x1110]  }
0x191: {  	s19 =	simm.s32 $0x1;
	v9 =	vld [tilespmem:s17+$0x1080]  }
.LBB2_19:
0x192: {  	p1 =	sne.s32 s19, $0xF;
	v10 =	vld [tilespmem:s17+$0x1090];
	v11 =	vmov v7  }
0x193: {  	v7 =	vld [tilespmem:s17+$0x1000];
	v12 =	vmov v8  }
0x194: {  	v8 =	vld [tilespmem:s17+$0x1010]  }
0x195: {  	v13 =	vld [tilespmem:s17+$0x1020]  }
0x196: {  	v14 =	vld [tilespmem:s17+$0x1030]  }
0x197: {  	v15 =	vld [tilespmem:s17+$0x10A0]  }
0x198: {  	s20 =	sshrl.u32 s19, $0x1;
	v16 =	vld [tilespmem:s17+$0x10B0]  }
0x199: {  	s20 =	smul.u32 $0x6000, s20;
	v17 =	vld [tilespmem:s17+$0x1120]  }
0x19a: {  	s18 =	sadd.s32 $0x200, s18;
	v3 =	vadd.f32 v7, v3;
	v5 =	vadd.f32 v8, v5;
	v18 =	vld [tilespmem:s17+$0x1130]  }
0x19b: {  	s21 =	sand.u32 $0x200, s18;
	s20 =	sshra.s32 s20, $0x2;
	v4 =	vadd.f32 v13, v4;
	v6 =	vadd.f32 v14, v6;
	v13 =	vld [tilespmem:s17+$0x11A0]  }
0x19c: {  	v3 =	vadd.f32 v9, v3;
	v5 =	vadd.f32 v10, v5;
	v10 =	vld [tilespmem:s17+$0x11B0];
	s17 =	sor.u32 s21, s20  }
.Ltmp10:
0x19d: {  	v4 =	vadd.f32 v15, v4;
	v7 =	vld [tilespmem:s17+$0x1180];
	v6 =	vadd.f32 v16, v6;
	(pc) =	sbr.rel @p1 .LBB2_19-.Ltmp10, $4  }
0x19e: {  	v3 =	vadd.f32 v1, v3;
	v5 =	vadd.f32 v2, v5;
	v8 =	vld [tilespmem:s17+$0x1190]  }
0x19f: {  	v4 =	vadd.f32 v17, v4;
	v1 =	vld [tilespmem:s17+$0x1100];
	v6 =	vadd.f32 v18, v6  }
0x1a0: {  	v3 =	vadd.f32 v11, v3;
	v5 =	vadd.f32 v12, v5;
	v2 =	vld [tilespmem:s17+$0x1110]  }
0x1a1: {  	s19 =	sadd.s32 $0x1, s19;
	v4 =	vadd.f32 v13, v4;
	v9 =	vld [tilespmem:s17+$0x1080];
	v6 =	vadd.f32 v10, v6  }
0x1a2: {  	v10 =	vld [tilespmem:s17+$0x1090]  }
0x1a3: {  	v11 =	vld [tilespmem:s17+$0x1000]  }
0x1a4: {  	v12 =	vld [tilespmem:s17+$0x1010]  }
0x1a5: {  	v13 =	vld [tilespmem:s17+$0x1020]  }
0x1a6: {  	v14 =	vld [tilespmem:s17+$0x1030]  }
0x1a7: {  	v15 =	vld [tilespmem:s17+$0x10A0]  }
0x1a8: {  	v16 =	vld [tilespmem:s17+$0x10B0];
	v3 =	vadd.f32 v11, v3  }
0x1a9: {  	v11 =	vld [tilespmem:s17+$0x1120];
	v5 =	vadd.f32 v12, v5  }
0x1aa: {  	v63 =	vld [tilespmem:s17+$0x1130];
	v4 =	vadd.f32 v13, v4;
	v3 =	vadd.f32 v9, v3  }
0x1ab: {  	v6 =	vadd.f32 v14, v6;
	v9 =	vld [tilespmem:s17+$0x11A0];
	v5 =	vadd.f32 v10, v5  }
0x1ac: {  	v10 =	vld [tilespmem:s17+$0x11B0];
	v4 =	vadd.f32 v15, v4;
	v1 =	vadd.f32 v1, v3  }
0x1ad: {  	v3 =	vadd.f32 v16, v6;
	v2 =	vadd.f32 v2, v5  }
0x1ae: {  	v4 =	vadd.f32 v11, v4;
	v1 =	vadd.f32 v7, v1  }
0x1af: {  	s31 =	simm.s32 $0x0;
	v5 =	vadd.f32 v63, v3;
	v2 =	vadd.f32 v8, v2  }
0x1b0: {  	s17 =	smul.u32 $0x6000, s31;
	v6 =	vld [tilespmem:$0x18270];
	v4 =	vadd.f32 v9, v4;
	[tilespmem:$0x18200] =	vst v1  }
0x1b1: {  	s18 =	simm.s32 $0x0;
	v3 =	vld [tilespmem:$0x18240];
	v1 =	vadd.f32 v10, v5;
	[tilespmem:$0x18210] =	vst v2  }
0x1b2: {  	s19 =	sand.u32 $0x200, s18;
	s17 =	sshra.s32 s17, $0x2;
	v5 =	vld [tilespmem:$0x18250];
	[tilespmem:$0x18220] =	vst v4  }
0x1b3: {  	s17 =	sor.u32 s19, s17;
	v4 =	vld [tilespmem:$0x18260];
	[tilespmem:$0x18230] =	vst v1  }
0x1b4: {  	v7 =	vld [tilespmem:s17+$0x11C0]  }
0x1b5: {  	v8 =	vld [tilespmem:s17+$0x11D0]  }
0x1b6: {  	v1 =	vld [tilespmem:s17+$0x1140]  }
0x1b7: {  	v2 =	vld [tilespmem:s17+$0x1150]  }
0x1b8: {  	s19 =	simm.s32 $0x1;
	v9 =	vld [tilespmem:s17+$0x10C0]  }
.LBB2_21:
0x1b9: {  	p1 =	sne.s32 s19, $0xF;
	v10 =	vld [tilespmem:s17+$0x10D0];
	v11 =	vmov v7  }
0x1ba: {  	v7 =	vld [tilespmem:s17+$0x1040];
	v12 =	vmov v8  }
0x1bb: {  	v8 =	vld [tilespmem:s17+$0x1050]  }
0x1bc: {  	v13 =	vld [tilespmem:s17+$0x1060]  }
0x1bd: {  	v14 =	vld [tilespmem:s17+$0x1070]  }
0x1be: {  	v15 =	vld [tilespmem:s17+$0x10E0]  }
0x1bf: {  	s20 =	sshrl.u32 s19, $0x1;
	v16 =	vld [tilespmem:s17+$0x10F0]  }
0x1c0: {  	s20 =	smul.u32 $0x6000, s20;
	v17 =	vld [tilespmem:s17+$0x1160]  }
0x1c1: {  	s18 =	sadd.s32 $0x200, s18;
	v3 =	vadd.f32 v7, v3;
	v5 =	vadd.f32 v8, v5;
	v18 =	vld [tilespmem:s17+$0x1170]  }
0x1c2: {  	s21 =	sand.u32 $0x200, s18;
	s20 =	sshra.s32 s20, $0x2;
	v4 =	vadd.f32 v13, v4;
	v6 =	vadd.f32 v14, v6;
	v13 =	vld [tilespmem:s17+$0x11E0]  }
0x1c3: {  	v3 =	vadd.f32 v9, v3;
	v5 =	vadd.f32 v10, v5;
	v10 =	vld [tilespmem:s17+$0x11F0];
	s17 =	sor.u32 s21, s20  }
.Ltmp11:
0x1c4: {  	v4 =	vadd.f32 v15, v4;
	v7 =	vld [tilespmem:s17+$0x11C0];
	v6 =	vadd.f32 v16, v6;
	(pc) =	sbr.rel @p1 .LBB2_21-.Ltmp11, $4  }
0x1c5: {  	v3 =	vadd.f32 v1, v3;
	v5 =	vadd.f32 v2, v5;
	v8 =	vld [tilespmem:s17+$0x11D0]  }
0x1c6: {  	v4 =	vadd.f32 v17, v4;
	v1 =	vld [tilespmem:s17+$0x1140];
	v6 =	vadd.f32 v18, v6  }
0x1c7: {  	v3 =	vadd.f32 v11, v3;
	v5 =	vadd.f32 v12, v5;
	v2 =	vld [tilespmem:s17+$0x1150]  }
0x1c8: {  	s19 =	sadd.s32 $0x1, s19;
	v4 =	vadd.f32 v13, v4;
	v9 =	vld [tilespmem:s17+$0x10C0];
	v6 =	vadd.f32 v10, v6  }
0x1c9: {  	v10 =	vld [tilespmem:s17+$0x10D0]  }
0x1ca: {  	v11 =	vld [tilespmem:s17+$0x1040]  }
0x1cb: {  	v12 =	vld [tilespmem:s17+$0x1050]  }
0x1cc: {  	v13 =	vld [tilespmem:s17+$0x1060]  }
0x1cd: {  	v14 =	vld [tilespmem:s17+$0x1070]  }
0x1ce: {  	v15 =	vld [tilespmem:s17+$0x10E0]  }
0x1cf: {  	v16 =	vld [tilespmem:s17+$0x10F0];
	v3 =	vadd.f32 v11, v3  }
0x1d0: {  	v11 =	vld [tilespmem:s17+$0x1160];
	v5 =	vadd.f32 v12, v5  }
0x1d1: {  	v63 =	vld [tilespmem:s17+$0x1170];
	v4 =	vadd.f32 v13, v4;
	v3 =	vadd.f32 v9, v3  }
0x1d2: {  	v6 =	vadd.f32 v14, v6;
	v9 =	vld [tilespmem:s17+$0x11E0];
	v5 =	vadd.f32 v10, v5  }
0x1d3: {  	v10 =	vld [tilespmem:s17+$0x11F0];
	v4 =	vadd.f32 v15, v4;
	v1 =	vadd.f32 v1, v3  }
0x1d4: {  	v3 =	vadd.f32 v16, v6;
	v2 =	vadd.f32 v2, v5  }
0x1d5: {  	v4 =	vadd.f32 v11, v4;
	v1 =	vadd.f32 v7, v1  }
0x1d6: {  	s31 =	simm.s32 $0x0;
	v5 =	vadd.f32 v63, v3;
	v2 =	vadd.f32 v8, v2  }
0x1d7: {  	s17 =	smul.u32 $0x6000, s31;
	v6 =	vld [tilespmem:$0x182B0];
	v4 =	vadd.f32 v9, v4;
	[tilespmem:$0x18240] =	vst v1  }
0x1d8: {  	s18 =	simm.s32 $0x0;
	v3 =	vld [tilespmem:$0x18280];
	v1 =	vadd.f32 v10, v5;
	[tilespmem:$0x18250] =	vst v2  }
0x1d9: {  	s19 =	sand.u32 $0x200, s18;
	s17 =	sshra.s32 s17, $0x2;
	v5 =	vld [tilespmem:$0x18290];
	[tilespmem:$0x18260] =	vst v4  }
0x1da: {  	s17 =	sor.u32 s19, s17;
	v4 =	vld [tilespmem:$0x182A0];
	[tilespmem:$0x18270] =	vst v1  }
0x1db: {  	v7 =	vld [tilespmem:s17+$0x1580]  }
0x1dc: {  	v8 =	vld [tilespmem:s17+$0x1590]  }
0x1dd: {  	v1 =	vld [tilespmem:s17+$0x1500]  }
0x1de: {  	v2 =	vld [tilespmem:s17+$0x1510]  }
0x1df: {  	s19 =	simm.s32 $0x1;
	v9 =	vld [tilespmem:s17+$0x1480]  }
.LBB2_23:
0x1e0: {  	p1 =	sne.s32 s19, $0xF;
	v10 =	vld [tilespmem:s17+$0x1490];
	v11 =	vmov v7  }
0x1e1: {  	v7 =	vld [tilespmem:s17+$0x1400];
	v12 =	vmov v8  }
0x1e2: {  	v8 =	vld [tilespmem:s17+$0x1410]  }
0x1e3: {  	v13 =	vld [tilespmem:s17+$0x1420]  }
0x1e4: {  	v14 =	vld [tilespmem:s17+$0x1430]  }
0x1e5: {  	v15 =	vld [tilespmem:s17+$0x14A0]  }
0x1e6: {  	s20 =	sshrl.u32 s19, $0x1;
	v16 =	vld [tilespmem:s17+$0x14B0]  }
0x1e7: {  	s20 =	smul.u32 $0x6000, s20;
	v17 =	vld [tilespmem:s17+$0x1520]  }
0x1e8: {  	s18 =	sadd.s32 $0x200, s18;
	v3 =	vadd.f32 v7, v3;
	v5 =	vadd.f32 v8, v5;
	v18 =	vld [tilespmem:s17+$0x1530]  }
0x1e9: {  	s21 =	sand.u32 $0x200, s18;
	s20 =	sshra.s32 s20, $0x2;
	v4 =	vadd.f32 v13, v4;
	v6 =	vadd.f32 v14, v6;
	v13 =	vld [tilespmem:s17+$0x15A0]  }
0x1ea: {  	v3 =	vadd.f32 v9, v3;
	v5 =	vadd.f32 v10, v5;
	v10 =	vld [tilespmem:s17+$0x15B0];
	s17 =	sor.u32 s21, s20  }
.Ltmp12:
0x1eb: {  	v4 =	vadd.f32 v15, v4;
	v7 =	vld [tilespmem:s17+$0x1580];
	v6 =	vadd.f32 v16, v6;
	(pc) =	sbr.rel @p1 .LBB2_23-.Ltmp12, $4  }
0x1ec: {  	v3 =	vadd.f32 v1, v3;
	v5 =	vadd.f32 v2, v5;
	v8 =	vld [tilespmem:s17+$0x1590]  }
0x1ed: {  	v4 =	vadd.f32 v17, v4;
	v1 =	vld [tilespmem:s17+$0x1500];
	v6 =	vadd.f32 v18, v6  }
0x1ee: {  	v3 =	vadd.f32 v11, v3;
	v5 =	vadd.f32 v12, v5;
	v2 =	vld [tilespmem:s17+$0x1510]  }
0x1ef: {  	s19 =	sadd.s32 $0x1, s19;
	v4 =	vadd.f32 v13, v4;
	v9 =	vld [tilespmem:s17+$0x1480];
	v6 =	vadd.f32 v10, v6  }
0x1f0: {  	v10 =	vld [tilespmem:s17+$0x1490]  }
0x1f1: {  	v11 =	vld [tilespmem:s17+$0x1400]  }
0x1f2: {  	v12 =	vld [tilespmem:s17+$0x1410]  }
0x1f3: {  	v13 =	vld [tilespmem:s17+$0x1420]  }
0x1f4: {  	v14 =	vld [tilespmem:s17+$0x1430]  }
0x1f5: {  	v15 =	vld [tilespmem:s17+$0x14A0]  }
0x1f6: {  	v16 =	vld [tilespmem:s17+$0x14B0];
	v3 =	vadd.f32 v11, v3  }
0x1f7: {  	v11 =	vld [tilespmem:s17+$0x1520];
	v5 =	vadd.f32 v12, v5  }
0x1f8: {  	v63 =	vld [tilespmem:s17+$0x1530];
	v4 =	vadd.f32 v13, v4;
	v3 =	vadd.f32 v9, v3  }
0x1f9: {  	v6 =	vadd.f32 v14, v6;
	v9 =	vld [tilespmem:s17+$0x15A0];
	v5 =	vadd.f32 v10, v5  }
0x1fa: {  	v10 =	vld [tilespmem:s17+$0x15B0];
	v4 =	vadd.f32 v15, v4;
	v1 =	vadd.f32 v1, v3  }
0x1fb: {  	v3 =	vadd.f32 v16, v6;
	v2 =	vadd.f32 v2, v5  }
0x1fc: {  	v4 =	vadd.f32 v11, v4;
	v1 =	vadd.f32 v7, v1  }
0x1fd: {  	s31 =	simm.s32 $0x0;
	v5 =	vadd.f32 v63, v3;
	v2 =	vadd.f32 v8, v2  }
0x1fe: {  	s17 =	smul.u32 $0x6000, s31;
	v6 =	vld [tilespmem:$0x182F0];
	v4 =	vadd.f32 v9, v4;
	[tilespmem:$0x18280] =	vst v1  }
0x1ff: {  	s18 =	simm.s32 $0x0;
	v3 =	vld [tilespmem:$0x182C0];
	v1 =	vadd.f32 v10, v5;
	[tilespmem:$0x18290] =	vst v2  }
0x200: {  	s19 =	sand.u32 $0x200, s18;
	s17 =	sshra.s32 s17, $0x2;
	v5 =	vld [tilespmem:$0x182D0];
	[tilespmem:$0x182A0] =	vst v4  }
0x201: {  	s17 =	sor.u32 s19, s17;
	v4 =	vld [tilespmem:$0x182E0];
	[tilespmem:$0x182B0] =	vst v1  }
0x202: {  	v7 =	vld [tilespmem:s17+$0x15C0]  }
0x203: {  	v8 =	vld [tilespmem:s17+$0x15D0]  }
0x204: {  	v1 =	vld [tilespmem:s17+$0x1540]  }
0x205: {  	v2 =	vld [tilespmem:s17+$0x1550]  }
0x206: {  	s19 =	simm.s32 $0x1;
	v9 =	vld [tilespmem:s17+$0x14C0]  }
.LBB2_25:
0x207: {  	p1 =	sne.s32 s19, $0xF;
	v10 =	vld [tilespmem:s17+$0x14D0];
	v11 =	vmov v7  }
0x208: {  	v7 =	vld [tilespmem:s17+$0x1440];
	v12 =	vmov v8  }
0x209: {  	v8 =	vld [tilespmem:s17+$0x1450]  }
0x20a: {  	v13 =	vld [tilespmem:s17+$0x1460]  }
0x20b: {  	v14 =	vld [tilespmem:s17+$0x1470]  }
0x20c: {  	v15 =	vld [tilespmem:s17+$0x14E0]  }
0x20d: {  	s20 =	sshrl.u32 s19, $0x1;
	v16 =	vld [tilespmem:s17+$0x14F0]  }
0x20e: {  	s20 =	smul.u32 $0x6000, s20;
	v17 =	vld [tilespmem:s17+$0x1560]  }
0x20f: {  	s18 =	sadd.s32 $0x200, s18;
	v3 =	vadd.f32 v7, v3;
	v5 =	vadd.f32 v8, v5;
	v18 =	vld [tilespmem:s17+$0x1570]  }
0x210: {  	s21 =	sand.u32 $0x200, s18;
	s20 =	sshra.s32 s20, $0x2;
	v4 =	vadd.f32 v13, v4;
	v6 =	vadd.f32 v14, v6;
	v13 =	vld [tilespmem:s17+$0x15E0]  }
0x211: {  	v3 =	vadd.f32 v9, v3;
	v5 =	vadd.f32 v10, v5;
	v10 =	vld [tilespmem:s17+$0x15F0];
	s17 =	sor.u32 s21, s20  }
.Ltmp13:
0x212: {  	v4 =	vadd.f32 v15, v4;
	v7 =	vld [tilespmem:s17+$0x15C0];
	v6 =	vadd.f32 v16, v6;
	(pc) =	sbr.rel @p1 .LBB2_25-.Ltmp13, $4  }
0x213: {  	v3 =	vadd.f32 v1, v3;
	v5 =	vadd.f32 v2, v5;
	v8 =	vld [tilespmem:s17+$0x15D0]  }
0x214: {  	v4 =	vadd.f32 v17, v4;
	v1 =	vld [tilespmem:s17+$0x1540];
	v6 =	vadd.f32 v18, v6  }
0x215: {  	v3 =	vadd.f32 v11, v3;
	v5 =	vadd.f32 v12, v5;
	v2 =	vld [tilespmem:s17+$0x1550]  }
0x216: {  	s19 =	sadd.s32 $0x1, s19;
	v4 =	vadd.f32 v13, v4;
	v9 =	vld [tilespmem:s17+$0x14C0];
	v6 =	vadd.f32 v10, v6  }
0x217: {  	v10 =	vld [tilespmem:s17+$0x14D0]  }
0x218: {  	v11 =	vld [tilespmem:s17+$0x1440]  }
0x219: {  	v12 =	vld [tilespmem:s17+$0x1450]  }
0x21a: {  	v13 =	vld [tilespmem:s17+$0x1460]  }
0x21b: {  	v14 =	vld [tilespmem:s17+$0x1470]  }
0x21c: {  	v15 =	vld [tilespmem:s17+$0x14E0]  }
0x21d: {  	v16 =	vld [tilespmem:s17+$0x14F0];
	v3 =	vadd.f32 v11, v3  }
0x21e: {  	v11 =	vld [tilespmem:s17+$0x1560];
	v5 =	vadd.f32 v12, v5  }
0x21f: {  	v63 =	vld [tilespmem:s17+$0x1570];
	v4 =	vadd.f32 v13, v4;
	v3 =	vadd.f32 v9, v3  }
0x220: {  	v6 =	vadd.f32 v14, v6;
	v9 =	vld [tilespmem:s17+$0x15E0];
	v5 =	vadd.f32 v10, v5  }
0x221: {  	v10 =	vld [tilespmem:s17+$0x15F0];
	v4 =	vadd.f32 v15, v4;
	v1 =	vadd.f32 v1, v3  }
0x222: {  	v3 =	vadd.f32 v16, v6;
	v2 =	vadd.f32 v2, v5  }
0x223: {  	v4 =	vadd.f32 v11, v4;
	v1 =	vadd.f32 v7, v1  }
0x224: {  	v3 =	vadd.f32 v63, v3;
	v2 =	vadd.f32 v8, v2  }
0x225: {  	v4 =	vadd.f32 v9, v4;
	[tilespmem:$0x182C0] =	vst v1  }
0x226: {  	v1 =	vadd.f32 v10, v3;
	[tilespmem:$0x182D0] =	vst v2  }
0x227: {  	[tilespmem:$0x182E0] =	vst v4  }
0x228: {  	s17 =	simm.s32 @p0 $0x0;
	[tilespmem:$0x182F0] =	vst v1  }
0x229: {  	[tilespmem:s17], [sflag:$0x1] =	stream.linear.gather @p0 [hbm4b:s6+s17], $0xC000, $0x38;
	[tilespmem:$0x18300] =	vst v63  }
0x22a: {  	_ =	swait.ge [sflag:s11], $0xC000  }
0x22b: {  	[sflag:s11] =	ssyncset.done $0x0  }
0x22c: {  	s31 =	simm.s32 $0x0;
	[sflag:s11] =	ssyncadd.s32 $0xFFFF4000  }
0x22d: {  	s17 =	smul.u32 $0x6000, s31;
	v7 =	vld [tilespmem:$0x18000]  }
0x22e: {  	s18 =	simm.s32 $0x0;
	v8 =	vld [tilespmem:$0x18010]  }
0x22f: {  	s19 =	sand.u32 $0x200, s18;
	s17 =	sshra.s32 s17, $0x2;
	v3 =	vld [tilespmem:$0x18020]  }
0x230: {  	s17 =	sor.u32 s19, s17;
	v4 =	vld [tilespmem:$0x18030]  }
0x231: {  	v5 =	vld [tilespmem:s17+$0xC180]  }
0x232: {  	v6 =	vld [tilespmem:s17+$0xC190]  }
0x233: {  	v1 =	vld [tilespmem:s17+$0xC100]  }
0x234: {  	v2 =	vld [tilespmem:s17+$0xC110]  }
0x235: {  	s19 =	simm.s32 $0x1;
	v9 =	vld [tilespmem:s17+$0xC080]  }
.LBB2_27:
0x236: {  	p1 =	sne.s32 s19, $0xF;
	v10 =	vld [tilespmem:s17+$0xC090];
	v11 =	vmov v5  }
0x237: {  	v5 =	vld [tilespmem:s17+$0xC000];
	v12 =	vmov v6  }
0x238: {  	v6 =	vld [tilespmem:s17+$0xC010]  }
0x239: {  	v13 =	vld [tilespmem:s17+$0xC020]  }
0x23a: {  	v14 =	vld [tilespmem:s17+$0xC030]  }
0x23b: {  	v15 =	vld [tilespmem:s17+$0xC0A0]  }
0x23c: {  	s20 =	sshrl.u32 s19, $0x1;
	v16 =	vld [tilespmem:s17+$0xC0B0]  }
0x23d: {  	s20 =	smul.u32 $0x6000, s20;
	v17 =	vld [tilespmem:s17+$0xC120]  }
0x23e: {  	s18 =	sadd.s32 $0x200, s18;
	v5 =	vadd.f32 v5, v7;
	v6 =	vadd.f32 v6, v8;
	v7 =	vld [tilespmem:s17+$0xC130]  }
0x23f: {  	s21 =	sand.u32 $0x200, s18;
	s20 =	sshra.s32 s20, $0x2;
	v3 =	vadd.f32 v13, v3;
	v4 =	vadd.f32 v14, v4;
	v13 =	vld [tilespmem:s17+$0xC1A0]  }
0x240: {  	v8 =	vadd.f32 v9, v5;
	v9 =	vadd.f32 v10, v6;
	v10 =	vld [tilespmem:s17+$0xC1B0];
	s17 =	sor.u32 s21, s20  }
.Ltmp14:
0x241: {  	v3 =	vadd.f32 v15, v3;
	v5 =	vld [tilespmem:s17+$0xC180];
	v4 =	vadd.f32 v16, v4;
	(pc) =	sbr.rel @p1 .LBB2_27-.Ltmp14, $4  }
0x242: {  	v8 =	vadd.f32 v1, v8;
	v9 =	vadd.f32 v2, v9;
	v6 =	vld [tilespmem:s17+$0xC190]  }
0x243: {  	v3 =	vadd.f32 v17, v3;
	v1 =	vld [tilespmem:s17+$0xC100];
	v4 =	vadd.f32 v7, v4  }
0x244: {  	v7 =	vadd.f32 v11, v8;
	v8 =	vadd.f32 v12, v9;
	v2 =	vld [tilespmem:s17+$0xC110]  }
0x245: {  	s19 =	sadd.s32 $0x1, s19;
	v3 =	vadd.f32 v13, v3;
	v9 =	vld [tilespmem:s17+$0xC080];
	v4 =	vadd.f32 v10, v4  }
0x246: {  	v10 =	vld [tilespmem:s17+$0xC090]  }
0x247: {  	v11 =	vld [tilespmem:s17+$0xC000]  }
0x248: {  	v12 =	vld [tilespmem:s17+$0xC010]  }
0x249: {  	v13 =	vld [tilespmem:s17+$0xC020]  }
0x24a: {  	v14 =	vld [tilespmem:s17+$0xC030]  }
0x24b: {  	v15 =	vld [tilespmem:s17+$0xC0A0]  }
0x24c: {  	v16 =	vld [tilespmem:s17+$0xC0B0];
	v7 =	vadd.f32 v11, v7  }
0x24d: {  	v11 =	vld [tilespmem:s17+$0xC120];
	v8 =	vadd.f32 v12, v8  }
0x24e: {  	v63 =	vld [tilespmem:s17+$0xC130];
	v3 =	vadd.f32 v13, v3;
	v7 =	vadd.f32 v9, v7  }
0x24f: {  	v4 =	vadd.f32 v14, v4;
	v9 =	vld [tilespmem:s17+$0xC1A0];
	v8 =	vadd.f32 v10, v8  }
0x250: {  	v10 =	vld [tilespmem:s17+$0xC1B0];
	v3 =	vadd.f32 v15, v3;
	v1 =	vadd.f32 v1, v7  }
0x251: {  	v4 =	vadd.f32 v16, v4;
	v2 =	vadd.f32 v2, v8  }
0x252: {  	v3 =	vadd.f32 v11, v3;
	v1 =	vadd.f32 v5, v1  }
0x253: {  	s31 =	simm.s32 $0x0;
	v4 =	vadd.f32 v63, v4;
	v2 =	vadd.f32 v6, v2  }
0x254: {  	s17 =	smul.u32 $0x6000, s31;
	v5 =	vld [tilespmem:$0x18050];
	v6 =	vadd.f32 v9, v3;
	[tilespmem:$0x18000] =	vst v1  }
0x255: {  	s18 =	simm.s32 $0x0;
	v3 =	vld [tilespmem:$0x18040];
	v1 =	vadd.f32 v10, v4;
	[tilespmem:$0x18010] =	vst v2  }
0x256: {  	s19 =	sand.u32 $0x200, s18;
	s17 =	sshra.s32 s17, $0x2;
	v4 =	vld [tilespmem:$0x18060];
	[tilespmem:$0x18020] =	vst v6  }
0x257: {  	s17 =	sor.u32 s19, s17;
	v6 =	vld [tilespmem:$0x18070];
	[tilespmem:$0x18030] =	vst v1  }
0x258: {  	v7 =	vld [tilespmem:s17+$0xC1C0]  }
0x259: {  	v8 =	vld [tilespmem:s17+$0xC1D0]  }
0x25a: {  	v1 =	vld [tilespmem:s17+$0xC140]  }
0x25b: {  	v2 =	vld [tilespmem:s17+$0xC150]  }
0x25c: {  	s19 =	simm.s32 $0x1;
	v9 =	vld [tilespmem:s17+$0xC0C0]  }
.LBB2_29:
0x25d: {  	p1 =	sne.s32 s19, $0xF;
	v10 =	vld [tilespmem:s17+$0xC0D0];
	v11 =	vmov v7  }
0x25e: {  	v7 =	vld [tilespmem:s17+$0xC040];
	v12 =	vmov v8  }
0x25f: {  	v8 =	vld [tilespmem:s17+$0xC050]  }
0x260: {  	v13 =	vld [tilespmem:s17+$0xC060]  }
0x261: {  	v14 =	vld [tilespmem:s17+$0xC070]  }
0x262: {  	v15 =	vld [tilespmem:s17+$0xC0E0]  }
0x263: {  	s20 =	sshrl.u32 s19, $0x1;
	v16 =	vld [tilespmem:s17+$0xC0F0]  }
0x264: {  	s20 =	smul.u32 $0x6000, s20;
	v17 =	vld [tilespmem:s17+$0xC160]  }
0x265: {  	s18 =	sadd.s32 $0x200, s18;
	v3 =	vadd.f32 v7, v3;
	v5 =	vadd.f32 v8, v5;
	v18 =	vld [tilespmem:s17+$0xC170]  }
0x266: {  	s21 =	sand.u32 $0x200, s18;
	s20 =	sshra.s32 s20, $0x2;
	v4 =	vadd.f32 v13, v4;
	v6 =	vadd.f32 v14, v6;
	v13 =	vld [tilespmem:s17+$0xC1E0]  }
0x267: {  	v3 =	vadd.f32 v9, v3;
	v5 =	vadd.f32 v10, v5;
	v10 =	vld [tilespmem:s17+$0xC1F0];
	s17 =	sor.u32 s21, s20  }
.Ltmp15:
0x268: {  	v4 =	vadd.f32 v15, v4;
	v7 =	vld [tilespmem:s17+$0xC1C0];
	v6 =	vadd.f32 v16, v6;
	(pc) =	sbr.rel @p1 .LBB2_29-.Ltmp15, $4  }
0x269: {  	v3 =	vadd.f32 v1, v3;
	v5 =	vadd.f32 v2, v5;
	v8 =	vld [tilespmem:s17+$0xC1D0]  }
0x26a: {  	v4 =	vadd.f32 v17, v4;
	v1 =	vld [tilespmem:s17+$0xC140];
	v6 =	vadd.f32 v18, v6  }
0x26b: {  	v3 =	vadd.f32 v11, v3;
	v5 =	vadd.f32 v12, v5;
	v2 =	vld [tilespmem:s17+$0xC150]  }
0x26c: {  	s19 =	sadd.s32 $0x1, s19;
	v4 =	vadd.f32 v13, v4;
	v9 =	vld [tilespmem:s17+$0xC0C0];
	v6 =	vadd.f32 v10, v6  }
0x26d: {  	v10 =	vld [tilespmem:s17+$0xC0D0]  }
0x26e: {  	v11 =	vld [tilespmem:s17+$0xC040]  }
0x26f: {  	v12 =	vld [tilespmem:s17+$0xC050]  }
0x270: {  	v13 =	vld [tilespmem:s17+$0xC060]  }
0x271: {  	v14 =	vld [tilespmem:s17+$0xC070]  }
0x272: {  	v15 =	vld [tilespmem:s17+$0xC0E0]  }
0x273: {  	v16 =	vld [tilespmem:s17+$0xC0F0];
	v3 =	vadd.f32 v11, v3  }
0x274: {  	v11 =	vld [tilespmem:s17+$0xC160];
	v5 =	vadd.f32 v12, v5  }
0x275: {  	v63 =	vld [tilespmem:s17+$0xC170];
	v4 =	vadd.f32 v13, v4;
	v3 =	vadd.f32 v9, v3  }
0x276: {  	v6 =	vadd.f32 v14, v6;
	v9 =	vld [tilespmem:s17+$0xC1E0];
	v5 =	vadd.f32 v10, v5  }
0x277: {  	v10 =	vld [tilespmem:s17+$0xC1F0];
	v4 =	vadd.f32 v15, v4;
	v1 =	vadd.f32 v1, v3  }
0x278: {  	v3 =	vadd.f32 v16, v6;
	v2 =	vadd.f32 v2, v5  }
0x279: {  	v4 =	vadd.f32 v11, v4;
	v1 =	vadd.f32 v7, v1  }
0x27a: {  	s31 =	simm.s32 $0x0;
	v5 =	vadd.f32 v63, v3;
	v2 =	vadd.f32 v8, v2  }
0x27b: {  	s17 =	smul.u32 $0x6000, s31;
	v6 =	vld [tilespmem:$0x180B0];
	v4 =	vadd.f32 v9, v4;
	[tilespmem:$0x18040] =	vst v1  }
0x27c: {  	s18 =	simm.s32 $0x0;
	v3 =	vld [tilespmem:$0x18080];
	v1 =	vadd.f32 v10, v5;
	[tilespmem:$0x18050] =	vst v2  }
0x27d: {  	s19 =	sand.u32 $0x200, s18;
	s17 =	sshra.s32 s17, $0x2;
	v5 =	vld [tilespmem:$0x18090];
	[tilespmem:$0x18060] =	vst v4  }
0x27e: {  	s17 =	sor.u32 s19, s17;
	v4 =	vld [tilespmem:$0x180A0];
	[tilespmem:$0x18070] =	vst v1  }
0x27f: {  	v7 =	vld [tilespmem:s17+$0xC580]  }
0x280: {  	v8 =	vld [tilespmem:s17+$0xC590]  }
0x281: {  	v1 =	vld [tilespmem:s17+$0xC500]  }
0x282: {  	v2 =	vld [tilespmem:s17+$0xC510]  }
0x283: {  	s19 =	simm.s32 $0x1;
	v9 =	vld [tilespmem:s17+$0xC480]  }
.LBB2_31:
0x284: {  	p1 =	sne.s32 s19, $0xF;
	v10 =	vld [tilespmem:s17+$0xC490];
	v11 =	vmov v7  }
0x285: {  	v7 =	vld [tilespmem:s17+$0xC400];
	v12 =	vmov v8  }
0x286: {  	v8 =	vld [tilespmem:s17+$0xC410]  }
0x287: {  	v13 =	vld [tilespmem:s17+$0xC420]  }
0x288: {  	v14 =	vld [tilespmem:s17+$0xC430]  }
0x289: {  	v15 =	vld [tilespmem:s17+$0xC4A0]  }
0x28a: {  	s20 =	sshrl.u32 s19, $0x1;
	v16 =	vld [tilespmem:s17+$0xC4B0]  }
0x28b: {  	s20 =	smul.u32 $0x6000, s20;
	v17 =	vld [tilespmem:s17+$0xC520]  }
0x28c: {  	s18 =	sadd.s32 $0x200, s18;
	v3 =	vadd.f32 v7, v3;
	v5 =	vadd.f32 v8, v5;
	v18 =	vld [tilespmem:s17+$0xC530]  }
0x28d: {  	s21 =	sand.u32 $0x200, s18;
	s20 =	sshra.s32 s20, $0x2;
	v4 =	vadd.f32 v13, v4;
	v6 =	vadd.f32 v14, v6;
	v13 =	vld [tilespmem:s17+$0xC5A0]  }
0x28e: {  	v3 =	vadd.f32 v9, v3;
	v5 =	vadd.f32 v10, v5;
	v10 =	vld [tilespmem:s17+$0xC5B0];
	s17 =	sor.u32 s21, s20  }
.Ltmp16:
0x28f: {  	v4 =	vadd.f32 v15, v4;
	v7 =	vld [tilespmem:s17+$0xC580];
	v6 =	vadd.f32 v16, v6;
	(pc) =	sbr.rel @p1 .LBB2_31-.Ltmp16, $4  }
0x290: {  	v3 =	vadd.f32 v1, v3;
	v5 =	vadd.f32 v2, v5;
	v8 =	vld [tilespmem:s17+$0xC590]  }
0x291: {  	v4 =	vadd.f32 v17, v4;
	v1 =	vld [tilespmem:s17+$0xC500];
	v6 =	vadd.f32 v18, v6  }
0x292: {  	v3 =	vadd.f32 v11, v3;
	v5 =	vadd.f32 v12, v5;
	v2 =	vld [tilespmem:s17+$0xC510]  }
0x293: {  	s19 =	sadd.s32 $0x1, s19;
	v4 =	vadd.f32 v13, v4;
	v9 =	vld [tilespmem:s17+$0xC480];
	v6 =	vadd.f32 v10, v6  }
0x294: {  	v10 =	vld [tilespmem:s17+$0xC490]  }
0x295: {  	v11 =	vld [tilespmem:s17+$0xC400]  }
0x296: {  	v12 =	vld [tilespmem:s17+$0xC410]  }
0x297: {  	v13 =	vld [tilespmem:s17+$0xC420]  }
0x298: {  	v14 =	vld [tilespmem:s17+$0xC430]  }
0x299: {  	v15 =	vld [tilespmem:s17+$0xC4A0]  }
0x29a: {  	v16 =	vld [tilespmem:s17+$0xC4B0];
	v3 =	vadd.f32 v11, v3  }
0x29b: {  	v11 =	vld [tilespmem:s17+$0xC520];
	v5 =	vadd.f32 v12, v5  }
0x29c: {  	v63 =	vld [tilespmem:s17+$0xC530];
	v4 =	vadd.f32 v13, v4;
	v3 =	vadd.f32 v9, v3  }
0x29d: {  	v6 =	vadd.f32 v14, v6;
	v9 =	vld [tilespmem:s17+$0xC5A0];
	v5 =	vadd.f32 v10, v5  }
0x29e: {  	v10 =	vld [tilespmem:s17+$0xC5B0];
	v4 =	vadd.f32 v15, v4;
	v1 =	vadd.f32 v1, v3  }
0x29f: {  	v3 =	vadd.f32 v16, v6;
	v2 =	vadd.f32 v2, v5  }
0x2a0: {  	v4 =	vadd.f32 v11, v4;
	v1 =	vadd.f32 v7, v1  }
0x2a1: {  	s31 =	simm.s32 $0x0;
	v5 =	vadd.f32 v63, v3;
	v2 =	vadd.f32 v8, v2  }
0x2a2: {  	s17 =	smul.u32 $0x6000, s31;
	v6 =	vld [tilespmem:$0x180F0];
	v4 =	vadd.f32 v9, v4;
	[tilespmem:$0x18080] =	vst v1  }
0x2a3: {  	s18 =	simm.s32 $0x0;
	v3 =	vld [tilespmem:$0x180C0];
	v1 =	vadd.f32 v10, v5;
	[tilespmem:$0x18090] =	vst v2  }
0x2a4: {  	s19 =	sand.u32 $0x200, s18;
	s17 =	sshra.s32 s17, $0x2;
	v5 =	vld [tilespmem:$0x180D0];
	[tilespmem:$0x180A0] =	vst v4  }
0x2a5: {  	s17 =	sor.u32 s19, s17;
	v4 =	vld [tilespmem:$0x180E0];
	[tilespmem:$0x180B0] =	vst v1  }
0x2a6: {  	v7 =	vld [tilespmem:s17+$0xC5C0]  }
0x2a7: {  	v8 =	vld [tilespmem:s17+$0xC5D0]  }
0x2a8: {  	v1 =	vld [tilespmem:s17+$0xC540]  }
0x2a9: {  	v2 =	vld [tilespmem:s17+$0xC550]  }
0x2aa: {  	s19 =	simm.s32 $0x1;
	v9 =	vld [tilespmem:s17+$0xC4C0]  }
.LBB2_33:
0x2ab: {  	p1 =	sne.s32 s19, $0xF;
	v10 =	vld [tilespmem:s17+$0xC4D0];
	v11 =	vmov v7  }
0x2ac: {  	v7 =	vld [tilespmem:s17+$0xC440];
	v12 =	vmov v8  }
0x2ad: {  	v8 =	vld [tilespmem:s17+$0xC450]  }
0x2ae: {  	v13 =	vld [tilespmem:s17+$0xC460]  }
0x2af: {  	v14 =	vld [tilespmem:s17+$0xC470]  }
0x2b0: {  	v15 =	vld [tilespmem:s17+$0xC4E0]  }
0x2b1: {  	s20 =	sshrl.u32 s19, $0x1;
	v16 =	vld [tilespmem:s17+$0xC4F0]  }
0x2b2: {  	s20 =	smul.u32 $0x6000, s20;
	v17 =	vld [tilespmem:s17+$0xC560]  }
0x2b3: {  	s18 =	sadd.s32 $0x200, s18;
	v3 =	vadd.f32 v7, v3;
	v5 =	vadd.f32 v8, v5;
	v18 =	vld [tilespmem:s17+$0xC570]  }
0x2b4: {  	s21 =	sand.u32 $0x200, s18;
	s20 =	sshra.s32 s20, $0x2;
	v4 =	vadd.f32 v13, v4;
	v6 =	vadd.f32 v14, v6;
	v13 =	vld [tilespmem:s17+$0xC5E0]  }
0x2b5: {  	v3 =	vadd.f32 v9, v3;
	v5 =	vadd.f32 v10, v5;
	v10 =	vld [tilespmem:s17+$0xC5F0];
	s17 =	sor.u32 s21, s20  }
.Ltmp17:
0x2b6: {  	v4 =	vadd.f32 v15, v4;
	v7 =	vld [tilespmem:s17+$0xC5C0];
	v6 =	vadd.f32 v16, v6;
	(pc) =	sbr.rel @p1 .LBB2_33-.Ltmp17, $4  }
0x2b7: {  	v3 =	vadd.f32 v1, v3;
	v5 =	vadd.f32 v2, v5;
	v8 =	vld [tilespmem:s17+$0xC5D0]  }
0x2b8: {  	v4 =	vadd.f32 v17, v4;
	v1 =	vld [tilespmem:s17+$0xC540];
	v6 =	vadd.f32 v18, v6  }
0x2b9: {  	v3 =	vadd.f32 v11, v3;
	v5 =	vadd.f32 v12, v5;
	v2 =	vld [tilespmem:s17+$0xC550]  }
0x2ba: {  	s19 =	sadd.s32 $0x1, s19;
	v4 =	vadd.f32 v13, v4;
	v9 =	vld [tilespmem:s17+$0xC4C0];
	v6 =	vadd.f32 v10, v6  }
0x2bb: {  	v10 =	vld [tilespmem:s17+$0xC4D0]  }
0x2bc: {  	v11 =	vld [tilespmem:s17+$0xC440]  }
0x2bd: {  	v12 =	vld [tilespmem:s17+$0xC450]  }
0x2be: {  	v13 =	vld [tilespmem:s17+$0xC460]  }
0x2bf: {  	v14 =	vld [tilespmem:s17+$0xC470]  }
0x2c0: {  	v15 =	vld [tilespmem:s17+$0xC4E0]  }
0x2c1: {  	v16 =	vld [tilespmem:s17+$0xC4F0];
	v3 =	vadd.f32 v11, v3  }
0x2c2: {  	v11 =	vld [tilespmem:s17+$0xC560];
	v5 =	vadd.f32 v12, v5  }
0x2c3: {  	v63 =	vld [tilespmem:s17+$0xC570];
	v4 =	vadd.f32 v13, v4;
	v3 =	vadd.f32 v9, v3  }
0x2c4: {  	v6 =	vadd.f32 v14, v6;
	v9 =	vld [tilespmem:s17+$0xC5E0];
	v5 =	vadd.f32 v10, v5  }
0x2c5: {  	v10 =	vld [tilespmem:s17+$0xC5F0];
	v4 =	vadd.f32 v15, v4;
	v1 =	vadd.f32 v1, v3  }
0x2c6: {  	v3 =	vadd.f32 v16, v6;
	v2 =	vadd.f32 v2, v5  }
0x2c7: {  	v4 =	vadd.f32 v11, v4;
	v1 =	vadd.f32 v7, v1  }
0x2c8: {  	s31 =	simm.s32 $0x0;
	v5 =	vadd.f32 v63, v3;
	v2 =	vadd.f32 v8, v2  }
0x2c9: {  	s17 =	smul.u32 $0x6000, s31;
	v6 =	vld [tilespmem:$0x18130];
	v4 =	vadd.f32 v9, v4;
	[tilespmem:$0x180C0] =	vst v1  }
0x2ca: {  	s18 =	simm.s32 $0x0;
	v3 =	vld [tilespmem:$0x18100];
	v1 =	vadd.f32 v10, v5;
	[tilespmem:$0x180D0] =	vst v2  }
0x2cb: {  	s19 =	sand.u32 $0x200, s18;
	s17 =	sshra.s32 s17, $0x2;
	v5 =	vld [tilespmem:$0x18110];
	[tilespmem:$0x180E0] =	vst v4  }
0x2cc: {  	s17 =	sor.u32 s19, s17;
	v4 =	vld [tilespmem:$0x18120];
	[tilespmem:$0x180F0] =	vst v1  }
0x2cd: {  	v7 =	vld [tilespmem:s17+$0xC980]  }
0x2ce: {  	v8 =	vld [tilespmem:s17+$0xC990]  }
0x2cf: {  	v1 =	vld [tilespmem:s17+$0xC900]  }
0x2d0: {  	v2 =	vld [tilespmem:s17+$0xC910]  }
0x2d1: {  	s19 =	simm.s32 $0x1;
	v9 =	vld [tilespmem:s17+$0xC880]  }
.LBB2_35:
0x2d2: {  	p1 =	sne.s32 s19, $0xF;
	v10 =	vld [tilespmem:s17+$0xC890];
	v11 =	vmov v7  }
0x2d3: {  	v7 =	vld [tilespmem:s17+$0xC800];
	v12 =	vmov v8  }
0x2d4: {  	v8 =	vld [tilespmem:s17+$0xC810]  }
0x2d5: {  	v13 =	vld [tilespmem:s17+$0xC820]  }
0x2d6: {  	v14 =	vld [tilespmem:s17+$0xC830]  }
0x2d7: {  	v15 =	vld [tilespmem:s17+$0xC8A0]  }
0x2d8: {  	s20 =	sshrl.u32 s19, $0x1;
	v16 =	vld [tilespmem:s17+$0xC8B0]  }
0x2d9: {  	s20 =	smul.u32 $0x6000, s20;
	v17 =	vld [tilespmem:s17+$0xC920]  }
0x2da: {  	s18 =	sadd.s32 $0x200, s18;
	v3 =	vadd.f32 v7, v3;
	v5 =	vadd.f32 v8, v5;
	v18 =	vld [tilespmem:s17+$0xC930]  }
0x2db: {  	s21 =	sand.u32 $0x200, s18;
	s20 =	sshra.s32 s20, $0x2;
	v4 =	vadd.f32 v13, v4;
	v6 =	vadd.f32 v14, v6;
	v13 =	vld [tilespmem:s17+$0xC9A0]  }
0x2dc: {  	v3 =	vadd.f32 v9, v3;
	v5 =	vadd.f32 v10, v5;
	v10 =	vld [tilespmem:s17+$0xC9B0];
	s17 =	sor.u32 s21, s20  }
.Ltmp18:
0x2dd: {  	v4 =	vadd.f32 v15, v4;
	v7 =	vld [tilespmem:s17+$0xC980];
	v6 =	vadd.f32 v16, v6;
	(pc) =	sbr.rel @p1 .LBB2_35-.Ltmp18, $4  }
0x2de: {  	v3 =	vadd.f32 v1, v3;
	v5 =	vadd.f32 v2, v5;
	v8 =	vld [tilespmem:s17+$0xC990]  }
0x2df: {  	v4 =	vadd.f32 v17, v4;
	v1 =	vld [tilespmem:s17+$0xC900];
	v6 =	vadd.f32 v18, v6  }
0x2e0: {  	v3 =	vadd.f32 v11, v3;
	v5 =	vadd.f32 v12, v5;
	v2 =	vld [tilespmem:s17+$0xC910]  }
0x2e1: {  	s19 =	sadd.s32 $0x1, s19;
	v4 =	vadd.f32 v13, v4;
	v9 =	vld [tilespmem:s17+$0xC880];
	v6 =	vadd.f32 v10, v6  }
0x2e2: {  	v10 =	vld [tilespmem:s17+$0xC890]  }
0x2e3: {  	v11 =	vld [tilespmem:s17+$0xC800]  }
0x2e4: {  	v12 =	vld [tilespmem:s17+$0xC810]  }
0x2e5: {  	v13 =	vld [tilespmem:s17+$0xC820]  }
0x2e6: {  	v14 =	vld [tilespmem:s17+$0xC830]  }
0x2e7: {  	v15 =	vld [tilespmem:s17+$0xC8A0]  }
0x2e8: {  	v16 =	vld [tilespmem:s17+$0xC8B0];
	v3 =	vadd.f32 v11, v3  }
0x2e9: {  	v11 =	vld [tilespmem:s17+$0xC920];
	v5 =	vadd.f32 v12, v5  }
0x2ea: {  	v63 =	vld [tilespmem:s17+$0xC930];
	v4 =	vadd.f32 v13, v4;
	v3 =	vadd.f32 v9, v3  }
0x2eb: {  	v6 =	vadd.f32 v14, v6;
	v9 =	vld [tilespmem:s17+$0xC9A0];
	v5 =	vadd.f32 v10, v5  }
0x2ec: {  	v10 =	vld [tilespmem:s17+$0xC9B0];
	v4 =	vadd.f32 v15, v4;
	v1 =	vadd.f32 v1, v3  }
0x2ed: {  	v3 =	vadd.f32 v16, v6;
	v2 =	vadd.f32 v2, v5  }
0x2ee: {  	v4 =	vadd.f32 v11, v4;
	v1 =	vadd.f32 v7, v1  }
0x2ef: {  	s31 =	simm.s32 $0x0;
	v5 =	vadd.f32 v63, v3;
	v2 =	vadd.f32 v8, v2  }
0x2f0: {  	s17 =	smul.u32 $0x6000, s31;
	v6 =	vld [tilespmem:$0x18170];
	v4 =	vadd.f32 v9, v4;
	[tilespmem:$0x18100] =	vst v1  }
0x2f1: {  	s18 =	simm.s32 $0x0;
	v3 =	vld [tilespmem:$0x18140];
	v1 =	vadd.f32 v10, v5;
	[tilespmem:$0x18110] =	vst v2  }
0x2f2: {  	s19 =	sand.u32 $0x200, s18;
	s17 =	sshra.s32 s17, $0x2;
	v5 =	vld [tilespmem:$0x18150];
	[tilespmem:$0x18120] =	vst v4  }
0x2f3: {  	s17 =	sor.u32 s19, s17;
	v4 =	vld [tilespmem:$0x18160];
	[tilespmem:$0x18130] =	vst v1  }
0x2f4: {  	v7 =	vld [tilespmem:s17+$0xC9C0]  }
0x2f5: {  	v8 =	vld [tilespmem:s17+$0xC9D0]  }
0x2f6: {  	v1 =	vld [tilespmem:s17+$0xC940]  }
0x2f7: {  	v2 =	vld [tilespmem:s17+$0xC950]  }
0x2f8: {  	s19 =	simm.s32 $0x1;
	v9 =	vld [tilespmem:s17+$0xC8C0]  }
.LBB2_37:
0x2f9: {  	p1 =	sne.s32 s19, $0xF;
	v10 =	vld [tilespmem:s17+$0xC8D0];
	v11 =	vmov v7  }
0x2fa: {  	v7 =	vld [tilespmem:s17+$0xC840];
	v12 =	vmov v8  }
0x2fb: {  	v8 =	vld [tilespmem:s17+$0xC850]  }
0x2fc: {  	v13 =	vld [tilespmem:s17+$0xC860]  }
0x2fd: {  	v14 =	vld [tilespmem:s17+$0xC870]  }
0x2fe: {  	v15 =	vld [tilespmem:s17+$0xC8E0]  }
0x2ff: {  	s20 =	sshrl.u32 s19, $0x1;
	v16 =	vld [tilespmem:s17+$0xC8F0]  }
0x300: {  	s20 =	smul.u32 $0x6000, s20;
	v17 =	vld [tilespmem:s17+$0xC960]  }
0x301: {  	s18 =	sadd.s32 $0x200, s18;
	v3 =	vadd.f32 v7, v3;
	v5 =	vadd.f32 v8, v5;
	v18 =	vld [tilespmem:s17+$0xC970]  }
0x302: {  	s21 =	sand.u32 $0x200, s18;
	s20 =	sshra.s32 s20, $0x2;
	v4 =	vadd.f32 v13, v4;
	v6 =	vadd.f32 v14, v6;
	v13 =	vld [tilespmem:s17+$0xC9E0]  }
0x303: {  	v3 =	vadd.f32 v9, v3;
	v5 =	vadd.f32 v10, v5;
	v10 =	vld [tilespmem:s17+$0xC9F0];
	s17 =	sor.u32 s21, s20  }
.Ltmp19:
0x304: {  	v4 =	vadd.f32 v15, v4;
	v7 =	vld [tilespmem:s17+$0xC9C0];
	v6 =	vadd.f32 v16, v6;
	(pc) =	sbr.rel @p1 .LBB2_37-.Ltmp19, $4  }
0x305: {  	v3 =	vadd.f32 v1, v3;
	v5 =	vadd.f32 v2, v5;
	v8 =	vld [tilespmem:s17+$0xC9D0]  }
0x306: {  	v4 =	vadd.f32 v17, v4;
	v1 =	vld [tilespmem:s17+$0xC940];
	v6 =	vadd.f32 v18, v6  }
0x307: {  	v3 =	vadd.f32 v11, v3;
	v5 =	vadd.f32 v12, v5;
	v2 =	vld [tilespmem:s17+$0xC950]  }
0x308: {  	s19 =	sadd.s32 $0x1, s19;
	v4 =	vadd.f32 v13, v4;
	v9 =	vld [tilespmem:s17+$0xC8C0];
	v6 =	vadd.f32 v10, v6  }
0x309: {  	v10 =	vld [tilespmem:s17+$0xC8D0]  }
0x30a: {  	v11 =	vld [tilespmem:s17+$0xC840]  }
0x30b: {  	v12 =	vld [tilespmem:s17+$0xC850]  }
0x30c: {  	v13 =	vld [tilespmem:s17+$0xC860]  }
0x30d: {  	v14 =	vld [tilespmem:s17+$0xC870]  }
0x30e: {  	v15 =	vld [tilespmem:s17+$0xC8E0]  }
0x30f: {  	v16 =	vld [tilespmem:s17+$0xC8F0];
	v3 =	vadd.f32 v11, v3  }
0x310: {  	v11 =	vld [tilespmem:s17+$0xC960];
	v5 =	vadd.f32 v12, v5  }
0x311: {  	v63 =	vld [tilespmem:s17+$0xC970];
	v4 =	vadd.f32 v13, v4;
	v3 =	vadd.f32 v9, v3  }
0x312: {  	v6 =	vadd.f32 v14, v6;
	v9 =	vld [tilespmem:s17+$0xC9E0];
	v5 =	vadd.f32 v10, v5  }
0x313: {  	v10 =	vld [tilespmem:s17+$0xC9F0];
	v4 =	vadd.f32 v15, v4;
	v1 =	vadd.f32 v1, v3  }
0x314: {  	v3 =	vadd.f32 v16, v6;
	v2 =	vadd.f32 v2, v5  }
0x315: {  	v4 =	vadd.f32 v11, v4;
	v1 =	vadd.f32 v7, v1  }
0x316: {  	s31 =	simm.s32 $0x0;
	v5 =	vadd.f32 v63, v3;
	v2 =	vadd.f32 v8, v2  }
0x317: {  	s17 =	smul.u32 $0x6000, s31;
	v6 =	vld [tilespmem:$0x181B0];
	v4 =	vadd.f32 v9, v4;
	[tilespmem:$0x18140] =	vst v1  }
0x318: {  	s18 =	simm.s32 $0x0;
	v3 =	vld [tilespmem:$0x18180];
	v1 =	vadd.f32 v10, v5;
	[tilespmem:$0x18150] =	vst v2  }
0x319: {  	s19 =	sand.u32 $0x200, s18;
	s17 =	sshra.s32 s17, $0x2;
	v5 =	vld [tilespmem:$0x18190];
	[tilespmem:$0x18160] =	vst v4  }
0x31a: {  	s17 =	sor.u32 s19, s17;
	v4 =	vld [tilespmem:$0x181A0];
	[tilespmem:$0x18170] =	vst v1  }
0x31b: {  	v7 =	vld [tilespmem:s17+$0xCD80]  }
0x31c: {  	v8 =	vld [tilespmem:s17+$0xCD90]  }
0x31d: {  	v1 =	vld [tilespmem:s17+$0xCD00]  }
0x31e: {  	v2 =	vld [tilespmem:s17+$0xCD10]  }
0x31f: {  	s19 =	simm.s32 $0x1;
	v9 =	vld [tilespmem:s17+$0xCC80]  }
.LBB2_39:
0x320: {  	p1 =	sne.s32 s19, $0xF;
	v10 =	vld [tilespmem:s17+$0xCC90];
	v11 =	vmov v7  }
0x321: {  	v7 =	vld [tilespmem:s17+$0xCC00];
	v12 =	vmov v8  }
0x322: {  	v8 =	vld [tilespmem:s17+$0xCC10]  }
0x323: {  	v13 =	vld [tilespmem:s17+$0xCC20]  }
0x324: {  	v14 =	vld [tilespmem:s17+$0xCC30]  }
0x325: {  	v15 =	vld [tilespmem:s17+$0xCCA0]  }
0x326: {  	s20 =	sshrl.u32 s19, $0x1;
	v16 =	vld [tilespmem:s17+$0xCCB0]  }
0x327: {  	s20 =	smul.u32 $0x6000, s20;
	v17 =	vld [tilespmem:s17+$0xCD20]  }
0x328: {  	s18 =	sadd.s32 $0x200, s18;
	v3 =	vadd.f32 v7, v3;
	v5 =	vadd.f32 v8, v5;
	v18 =	vld [tilespmem:s17+$0xCD30]  }
0x329: {  	s21 =	sand.u32 $0x200, s18;
	s20 =	sshra.s32 s20, $0x2;
	v4 =	vadd.f32 v13, v4;
	v6 =	vadd.f32 v14, v6;
	v13 =	vld [tilespmem:s17+$0xCDA0]  }
0x32a: {  	v3 =	vadd.f32 v9, v3;
	v5 =	vadd.f32 v10, v5;
	v10 =	vld [tilespmem:s17+$0xCDB0];
	s17 =	sor.u32 s21, s20  }
.Ltmp20:
0x32b: {  	v4 =	vadd.f32 v15, v4;
	v7 =	vld [tilespmem:s17+$0xCD80];
	v6 =	vadd.f32 v16, v6;
	(pc) =	sbr.rel @p1 .LBB2_39-.Ltmp20, $4  }
0x32c: {  	v3 =	vadd.f32 v1, v3;
	v5 =	vadd.f32 v2, v5;
	v8 =	vld [tilespmem:s17+$0xCD90]  }
0x32d: {  	v4 =	vadd.f32 v17, v4;
	v1 =	vld [tilespmem:s17+$0xCD00];
	v6 =	vadd.f32 v18, v6  }
0x32e: {  	v3 =	vadd.f32 v11, v3;
	v5 =	vadd.f32 v12, v5;
	v2 =	vld [tilespmem:s17+$0xCD10]  }
0x32f: {  	s19 =	sadd.s32 $0x1, s19;
	v4 =	vadd.f32 v13, v4;
	v9 =	vld [tilespmem:s17+$0xCC80];
	v6 =	vadd.f32 v10, v6  }
0x330: {  	v10 =	vld [tilespmem:s17+$0xCC90]  }
0x331: {  	v11 =	vld [tilespmem:s17+$0xCC00]  }
0x332: {  	v12 =	vld [tilespmem:s17+$0xCC10]  }
0x333: {  	v13 =	vld [tilespmem:s17+$0xCC20]  }
0x334: {  	v14 =	vld [tilespmem:s17+$0xCC30]  }
0x335: {  	v15 =	vld [tilespmem:s17+$0xCCA0]  }
0x336: {  	v16 =	vld [tilespmem:s17+$0xCCB0];
	v3 =	vadd.f32 v11, v3  }
0x337: {  	v11 =	vld [tilespmem:s17+$0xCD20];
	v5 =	vadd.f32 v12, v5  }
0x338: {  	v63 =	vld [tilespmem:s17+$0xCD30];
	v4 =	vadd.f32 v13, v4;
	v3 =	vadd.f32 v9, v3  }
0x339: {  	v6 =	vadd.f32 v14, v6;
	v9 =	vld [tilespmem:s17+$0xCDA0];
	v5 =	vadd.f32 v10, v5  }
0x33a: {  	v10 =	vld [tilespmem:s17+$0xCDB0];
	v4 =	vadd.f32 v15, v4;
	v1 =	vadd.f32 v1, v3  }
0x33b: {  	v3 =	vadd.f32 v16, v6;
	v2 =	vadd.f32 v2, v5  }
0x33c: {  	v4 =	vadd.f32 v11, v4;
	v1 =	vadd.f32 v7, v1  }
0x33d: {  	s31 =	simm.s32 $0x0;
	v5 =	vadd.f32 v63, v3;
	v2 =	vadd.f32 v8, v2  }
0x33e: {  	s17 =	smul.u32 $0x6000, s31;
	v6 =	vld [tilespmem:$0x181F0];
	v4 =	vadd.f32 v9, v4;
	[tilespmem:$0x18180] =	vst v1  }
0x33f: {  	s18 =	simm.s32 $0x0;
	v3 =	vld [tilespmem:$0x181C0];
	v1 =	vadd.f32 v10, v5;
	[tilespmem:$0x18190] =	vst v2  }
0x340: {  	s19 =	sand.u32 $0x200, s18;
	s17 =	sshra.s32 s17, $0x2;
	v5 =	vld [tilespmem:$0x181D0];
	[tilespmem:$0x181A0] =	vst v4  }
0x341: {  	s17 =	sor.u32 s19, s17;
	v4 =	vld [tilespmem:$0x181E0];
	[tilespmem:$0x181B0] =	vst v1  }
0x342: {  	v7 =	vld [tilespmem:s17+$0xCDC0]  }
0x343: {  	v8 =	vld [tilespmem:s17+$0xCDD0]  }
0x344: {  	v1 =	vld [tilespmem:s17+$0xCD40]  }
0x345: {  	v2 =	vld [tilespmem:s17+$0xCD50]  }
0x346: {  	s19 =	simm.s32 $0x1;
	v9 =	vld [tilespmem:s17+$0xCCC0]  }
.LBB2_41:
0x347: {  	p1 =	sne.s32 s19, $0xF;
	v10 =	vld [tilespmem:s17+$0xCCD0];
	v11 =	vmov v7  }
0x348: {  	v7 =	vld [tilespmem:s17+$0xCC40];
	v12 =	vmov v8  }
0x349: {  	v8 =	vld [tilespmem:s17+$0xCC50]  }
0x34a: {  	v13 =	vld [tilespmem:s17+$0xCC60]  }
0x34b: {  	v14 =	vld [tilespmem:s17+$0xCC70]  }
0x34c: {  	v15 =	vld [tilespmem:s17+$0xCCE0]  }
0x34d: {  	s20 =	sshrl.u32 s19, $0x1;
	v16 =	vld [tilespmem:s17+$0xCCF0]  }
0x34e: {  	s20 =	smul.u32 $0x6000, s20;
	v17 =	vld [tilespmem:s17+$0xCD60]  }
0x34f: {  	s18 =	sadd.s32 $0x200, s18;
	v3 =	vadd.f32 v7, v3;
	v5 =	vadd.f32 v8, v5;
	v18 =	vld [tilespmem:s17+$0xCD70]  }
0x350: {  	s21 =	sand.u32 $0x200, s18;
	s20 =	sshra.s32 s20, $0x2;
	v4 =	vadd.f32 v13, v4;
	v6 =	vadd.f32 v14, v6;
	v13 =	vld [tilespmem:s17+$0xCDE0]  }
0x351: {  	v3 =	vadd.f32 v9, v3;
	v5 =	vadd.f32 v10, v5;
	v10 =	vld [tilespmem:s17+$0xCDF0];
	s17 =	sor.u32 s21, s20  }
.Ltmp21:
0x352: {  	v4 =	vadd.f32 v15, v4;
	v7 =	vld [tilespmem:s17+$0xCDC0];
	v6 =	vadd.f32 v16, v6;
	(pc) =	sbr.rel @p1 .LBB2_41-.Ltmp21, $4  }
0x353: {  	v3 =	vadd.f32 v1, v3;
	v5 =	vadd.f32 v2, v5;
	v8 =	vld [tilespmem:s17+$0xCDD0]  }
0x354: {  	v4 =	vadd.f32 v17, v4;
	v1 =	vld [tilespmem:s17+$0xCD40];
	v6 =	vadd.f32 v18, v6  }
0x355: {  	v3 =	vadd.f32 v11, v3;
	v5 =	vadd.f32 v12, v5;
	v2 =	vld [tilespmem:s17+$0xCD50]  }
0x356: {  	s19 =	sadd.s32 $0x1, s19;
	v4 =	vadd.f32 v13, v4;
	v9 =	vld [tilespmem:s17+$0xCCC0];
	v6 =	vadd.f32 v10, v6  }
0x357: {  	v10 =	vld [tilespmem:s17+$0xCCD0]  }
0x358: {  	v11 =	vld [tilespmem:s17+$0xCC40]  }
0x359: {  	v12 =	vld [tilespmem:s17+$0xCC50]  }
0x35a: {  	v13 =	vld [tilespmem:s17+$0xCC60]  }
0x35b: {  	v14 =	vld [tilespmem:s17+$0xCC70]  }
0x35c: {  	v15 =	vld [tilespmem:s17+$0xCCE0]  }
0x35d: {  	v16 =	vld [tilespmem:s17+$0xCCF0];
	v3 =	vadd.f32 v11, v3  }
0x35e: {  	v11 =	vld [tilespmem:s17+$0xCD60];
	v5 =	vadd.f32 v12, v5  }
0x35f: {  	v63 =	vld [tilespmem:s17+$0xCD70];
	v4 =	vadd.f32 v13, v4;
	v3 =	vadd.f32 v9, v3  }
0x360: {  	v6 =	vadd.f32 v14, v6;
	v9 =	vld [tilespmem:s17+$0xCDE0];
	v5 =	vadd.f32 v10, v5  }
0x361: {  	v10 =	vld [tilespmem:s17+$0xCDF0];
	v4 =	vadd.f32 v15, v4;
	v1 =	vadd.f32 v1, v3  }
0x362: {  	v3 =	vadd.f32 v16, v6;
	v2 =	vadd.f32 v2, v5  }
0x363: {  	v4 =	vadd.f32 v11, v4;
	v1 =	vadd.f32 v7, v1  }
0x364: {  	s31 =	simm.s32 $0x0;
	v5 =	vadd.f32 v63, v3;
	v2 =	vadd.f32 v8, v2  }
0x365: {  	s17 =	smul.u32 $0x6000, s31;
	v6 =	vld [tilespmem:$0x18230];
	v4 =	vadd.f32 v9, v4;
	[tilespmem:$0x181C0] =	vst v1  }
0x366: {  	s18 =	simm.s32 $0x0;
	v3 =	vld [tilespmem:$0x18200];
	v1 =	vadd.f32 v10, v5;
	[tilespmem:$0x181D0] =	vst v2  }
0x367: {  	s19 =	sand.u32 $0x200, s18;
	s17 =	sshra.s32 s17, $0x2;
	v5 =	vld [tilespmem:$0x18210];
	[tilespmem:$0x181E0] =	vst v4  }
0x368: {  	s17 =	sor.u32 s19, s17;
	v4 =	vld [tilespmem:$0x18220];
	[tilespmem:$0x181F0] =	vst v1  }
0x369: {  	v7 =	vld [tilespmem:s17+$0xD180]  }
0x36a: {  	v8 =	vld [tilespmem:s17+$0xD190]  }
0x36b: {  	v1 =	vld [tilespmem:s17+$0xD100]  }
0x36c: {  	v2 =	vld [tilespmem:s17+$0xD110]  }
0x36d: {  	s19 =	simm.s32 $0x1;
	v9 =	vld [tilespmem:s17+$0xD080]  }
.LBB2_43:
0x36e: {  	p1 =	sne.s32 s19, $0xF;
	v10 =	vld [tilespmem:s17+$0xD090];
	v11 =	vmov v7  }
0x36f: {  	v7 =	vld [tilespmem:s17+$0xD000];
	v12 =	vmov v8  }
0x370: {  	v8 =	vld [tilespmem:s17+$0xD010]  }
0x371: {  	v13 =	vld [tilespmem:s17+$0xD020]  }
0x372: {  	v14 =	vld [tilespmem:s17+$0xD030]  }
0x373: {  	v15 =	vld [tilespmem:s17+$0xD0A0]  }
0x374: {  	s20 =	sshrl.u32 s19, $0x1;
	v16 =	vld [tilespmem:s17+$0xD0B0]  }
0x375: {  	s20 =	smul.u32 $0x6000, s20;
	v17 =	vld [tilespmem:s17+$0xD120]  }
0x376: {  	s18 =	sadd.s32 $0x200, s18;
	v3 =	vadd.f32 v7, v3;
	v5 =	vadd.f32 v8, v5;
	v18 =	vld [tilespmem:s17+$0xD130]  }
0x377: {  	s21 =	sand.u32 $0x200, s18;
	s20 =	sshra.s32 s20, $0x2;
	v4 =	vadd.f32 v13, v4;
	v6 =	vadd.f32 v14, v6;
	v13 =	vld [tilespmem:s17+$0xD1A0]  }
0x378: {  	v3 =	vadd.f32 v9, v3;
	v5 =	vadd.f32 v10, v5;
	v10 =	vld [tilespmem:s17+$0xD1B0];
	s17 =	sor.u32 s21, s20  }
.Ltmp22:
0x379: {  	v4 =	vadd.f32 v15, v4;
	v7 =	vld [tilespmem:s17+$0xD180];
	v6 =	vadd.f32 v16, v6;
	(pc) =	sbr.rel @p1 .LBB2_43-.Ltmp22, $4  }
0x37a: {  	v3 =	vadd.f32 v1, v3;
	v5 =	vadd.f32 v2, v5;
	v8 =	vld [tilespmem:s17+$0xD190]  }
0x37b: {  	v4 =	vadd.f32 v17, v4;
	v1 =	vld [tilespmem:s17+$0xD100];
	v6 =	vadd.f32 v18, v6  }
0x37c: {  	v3 =	vadd.f32 v11, v3;
	v5 =	vadd.f32 v12, v5;
	v2 =	vld [tilespmem:s17+$0xD110]  }
0x37d: {  	s19 =	sadd.s32 $0x1, s19;
	v4 =	vadd.f32 v13, v4;
	v9 =	vld [tilespmem:s17+$0xD080];
	v6 =	vadd.f32 v10, v6  }
0x37e: {  	v10 =	vld [tilespmem:s17+$0xD090]  }
0x37f: {  	v11 =	vld [tilespmem:s17+$0xD000]  }
0x380: {  	v12 =	vld [tilespmem:s17+$0xD010]  }
0x381: {  	v13 =	vld [tilespmem:s17+$0xD020]  }
0x382: {  	v14 =	vld [tilespmem:s17+$0xD030]  }
0x383: {  	v15 =	vld [tilespmem:s17+$0xD0A0]  }
0x384: {  	v16 =	vld [tilespmem:s17+$0xD0B0];
	v3 =	vadd.f32 v11, v3  }
0x385: {  	v11 =	vld [tilespmem:s17+$0xD120];
	v5 =	vadd.f32 v12, v5  }
0x386: {  	v63 =	vld [tilespmem:s17+$0xD130];
	v4 =	vadd.f32 v13, v4;
	v3 =	vadd.f32 v9, v3  }
0x387: {  	v6 =	vadd.f32 v14, v6;
	v9 =	vld [tilespmem:s17+$0xD1A0];
	v5 =	vadd.f32 v10, v5  }
0x388: {  	v10 =	vld [tilespmem:s17+$0xD1B0];
	v4 =	vadd.f32 v15, v4;
	v1 =	vadd.f32 v1, v3  }
0x389: {  	v3 =	vadd.f32 v16, v6;
	v2 =	vadd.f32 v2, v5  }
0x38a: {  	v4 =	vadd.f32 v11, v4;
	v1 =	vadd.f32 v7, v1  }
0x38b: {  	s31 =	simm.s32 $0x0;
	v5 =	vadd.f32 v63, v3;
	v2 =	vadd.f32 v8, v2  }
0x38c: {  	s17 =	smul.u32 $0x6000, s31;
	v6 =	vld [tilespmem:$0x18270];
	v4 =	vadd.f32 v9, v4;
	[tilespmem:$0x18200] =	vst v1  }
0x38d: {  	s18 =	simm.s32 $0x0;
	v3 =	vld [tilespmem:$0x18240];
	v1 =	vadd.f32 v10, v5;
	[tilespmem:$0x18210] =	vst v2  }
0x38e: {  	s19 =	sand.u32 $0x200, s18;
	s17 =	sshra.s32 s17, $0x2;
	v5 =	vld [tilespmem:$0x18250];
	[tilespmem:$0x18220] =	vst v4  }
0x38f: {  	s17 =	sor.u32 s19, s17;
	v4 =	vld [tilespmem:$0x18260];
	[tilespmem:$0x18230] =	vst v1  }
0x390: {  	v7 =	vld [tilespmem:s17+$0xD1C0]  }
0x391: {  	v8 =	vld [tilespmem:s17+$0xD1D0]  }
0x392: {  	v1 =	vld [tilespmem:s17+$0xD140]  }
0x393: {  	v2 =	vld [tilespmem:s17+$0xD150]  }
0x394: {  	s19 =	simm.s32 $0x1;
	v9 =	vld [tilespmem:s17+$0xD0C0]  }
.LBB2_45:
0x395: {  	p1 =	sne.s32 s19, $0xF;
	v10 =	vld [tilespmem:s17+$0xD0D0];
	v11 =	vmov v7  }
0x396: {  	v7 =	vld [tilespmem:s17+$0xD040];
	v12 =	vmov v8  }
0x397: {  	v8 =	vld [tilespmem:s17+$0xD050]  }
0x398: {  	v13 =	vld [tilespmem:s17+$0xD060]  }
0x399: {  	v14 =	vld [tilespmem:s17+$0xD070]  }
0x39a: {  	v15 =	vld [tilespmem:s17+$0xD0E0]  }
0x39b: {  	s20 =	sshrl.u32 s19, $0x1;
	v16 =	vld [tilespmem:s17+$0xD0F0]  }
0x39c: {  	s20 =	smul.u32 $0x6000, s20;
	v17 =	vld [tilespmem:s17+$0xD160]  }
0x39d: {  	s18 =	sadd.s32 $0x200, s18;
	v3 =	vadd.f32 v7, v3;
	v5 =	vadd.f32 v8, v5;
	v18 =	vld [tilespmem:s17+$0xD170]  }
0x39e: {  	s21 =	sand.u32 $0x200, s18;
	s20 =	sshra.s32 s20, $0x2;
	v4 =	vadd.f32 v13, v4;
	v6 =	vadd.f32 v14, v6;
	v13 =	vld [tilespmem:s17+$0xD1E0]  }
0x39f: {  	v3 =	vadd.f32 v9, v3;
	v5 =	vadd.f32 v10, v5;
	v10 =	vld [tilespmem:s17+$0xD1F0];
	s17 =	sor.u32 s21, s20  }
.Ltmp23:
0x3a0: {  	v4 =	vadd.f32 v15, v4;
	v7 =	vld [tilespmem:s17+$0xD1C0];
	v6 =	vadd.f32 v16, v6;
	(pc) =	sbr.rel @p1 .LBB2_45-.Ltmp23, $4  }
0x3a1: {  	v3 =	vadd.f32 v1, v3;
	v5 =	vadd.f32 v2, v5;
	v8 =	vld [tilespmem:s17+$0xD1D0]  }
0x3a2: {  	v4 =	vadd.f32 v17, v4;
	v1 =	vld [tilespmem:s17+$0xD140];
	v6 =	vadd.f32 v18, v6  }
0x3a3: {  	v3 =	vadd.f32 v11, v3;
	v5 =	vadd.f32 v12, v5;
	v2 =	vld [tilespmem:s17+$0xD150]  }
0x3a4: {  	s19 =	sadd.s32 $0x1, s19;
	v4 =	vadd.f32 v13, v4;
	v9 =	vld [tilespmem:s17+$0xD0C0];
	v6 =	vadd.f32 v10, v6  }
0x3a5: {  	v10 =	vld [tilespmem:s17+$0xD0D0]  }
0x3a6: {  	v11 =	vld [tilespmem:s17+$0xD040]  }
0x3a7: {  	v12 =	vld [tilespmem:s17+$0xD050]  }
0x3a8: {  	v13 =	vld [tilespmem:s17+$0xD060]  }
0x3a9: {  	v14 =	vld [tilespmem:s17+$0xD070]  }
0x3aa: {  	v15 =	vld [tilespmem:s17+$0xD0E0]  }
0x3ab: {  	v16 =	vld [tilespmem:s17+$0xD0F0];
	v3 =	vadd.f32 v11, v3  }
0x3ac: {  	v11 =	vld [tilespmem:s17+$0xD160];
	v5 =	vadd.f32 v12, v5  }
0x3ad: {  	v63 =	vld [tilespmem:s17+$0xD170];
	v4 =	vadd.f32 v13, v4;
	v3 =	vadd.f32 v9, v3  }
0x3ae: {  	v6 =	vadd.f32 v14, v6;
	v9 =	vld [tilespmem:s17+$0xD1E0];
	v5 =	vadd.f32 v10, v5  }
0x3af: {  	v10 =	vld [tilespmem:s17+$0xD1F0];
	v4 =	vadd.f32 v15, v4;
	v1 =	vadd.f32 v1, v3  }
0x3b0: {  	v3 =	vadd.f32 v16, v6;
	v2 =	vadd.f32 v2, v5  }
0x3b1: {  	v4 =	vadd.f32 v11, v4;
	v1 =	vadd.f32 v7, v1  }
0x3b2: {  	s31 =	simm.s32 $0x0;
	v5 =	vadd.f32 v63, v3;
	v2 =	vadd.f32 v8, v2  }
0x3b3: {  	s17 =	smul.u32 $0x6000, s31;
	v6 =	vld [tilespmem:$0x182B0];
	v4 =	vadd.f32 v9, v4;
	[tilespmem:$0x18240] =	vst v1  }
0x3b4: {  	s18 =	simm.s32 $0x0;
	v3 =	vld [tilespmem:$0x18280];
	v1 =	vadd.f32 v10, v5;
	[tilespmem:$0x18250] =	vst v2  }
0x3b5: {  	s19 =	sand.u32 $0x200, s18;
	s17 =	sshra.s32 s17, $0x2;
	v5 =	vld [tilespmem:$0x18290];
	[tilespmem:$0x18260] =	vst v4  }
0x3b6: {  	s17 =	sor.u32 s19, s17;
	v4 =	vld [tilespmem:$0x182A0];
	[tilespmem:$0x18270] =	vst v1  }
0x3b7: {  	v7 =	vld [tilespmem:s17+$0xD580]  }
0x3b8: {  	v8 =	vld [tilespmem:s17+$0xD590]  }
0x3b9: {  	v1 =	vld [tilespmem:s17+$0xD500]  }
0x3ba: {  	v2 =	vld [tilespmem:s17+$0xD510]  }
0x3bb: {  	s19 =	simm.s32 $0x1;
	v9 =	vld [tilespmem:s17+$0xD480]  }
.LBB2_47:
0x3bc: {  	p1 =	sne.s32 s19, $0xF;
	v10 =	vld [tilespmem:s17+$0xD490];
	v11 =	vmov v7  }
0x3bd: {  	v7 =	vld [tilespmem:s17+$0xD400];
	v12 =	vmov v8  }
0x3be: {  	v8 =	vld [tilespmem:s17+$0xD410]  }
0x3bf: {  	v13 =	vld [tilespmem:s17+$0xD420]  }
0x3c0: {  	v14 =	vld [tilespmem:s17+$0xD430]  }
0x3c1: {  	v15 =	vld [tilespmem:s17+$0xD4A0]  }
0x3c2: {  	s20 =	sshrl.u32 s19, $0x1;
	v16 =	vld [tilespmem:s17+$0xD4B0]  }
0x3c3: {  	s20 =	smul.u32 $0x6000, s20;
	v17 =	vld [tilespmem:s17+$0xD520]  }
0x3c4: {  	s18 =	sadd.s32 $0x200, s18;
	v3 =	vadd.f32 v7, v3;
	v5 =	vadd.f32 v8, v5;
	v18 =	vld [tilespmem:s17+$0xD530]  }
0x3c5: {  	s21 =	sand.u32 $0x200, s18;
	s20 =	sshra.s32 s20, $0x2;
	v4 =	vadd.f32 v13, v4;
	v6 =	vadd.f32 v14, v6;
	v13 =	vld [tilespmem:s17+$0xD5A0]  }
0x3c6: {  	v3 =	vadd.f32 v9, v3;
	v5 =	vadd.f32 v10, v5;
	v10 =	vld [tilespmem:s17+$0xD5B0];
	s17 =	sor.u32 s21, s20  }
.Ltmp24:
0x3c7: {  	v4 =	vadd.f32 v15, v4;
	v7 =	vld [tilespmem:s17+$0xD580];
	v6 =	vadd.f32 v16, v6;
	(pc) =	sbr.rel @p1 .LBB2_47-.Ltmp24, $4  }
0x3c8: {  	v3 =	vadd.f32 v1, v3;
	v5 =	vadd.f32 v2, v5;
	v8 =	vld [tilespmem:s17+$0xD590]  }
0x3c9: {  	v4 =	vadd.f32 v17, v4;
	v1 =	vld [tilespmem:s17+$0xD500];
	v6 =	vadd.f32 v18, v6  }
0x3ca: {  	v3 =	vadd.f32 v11, v3;
	v5 =	vadd.f32 v12, v5;
	v2 =	vld [tilespmem:s17+$0xD510]  }
0x3cb: {  	s19 =	sadd.s32 $0x1, s19;
	v4 =	vadd.f32 v13, v4;
	v9 =	vld [tilespmem:s17+$0xD480];
	v6 =	vadd.f32 v10, v6  }
0x3cc: {  	v10 =	vld [tilespmem:s17+$0xD490]  }
0x3cd: {  	v11 =	vld [tilespmem:s17+$0xD400]  }
0x3ce: {  	v12 =	vld [tilespmem:s17+$0xD410]  }
0x3cf: {  	v13 =	vld [tilespmem:s17+$0xD420]  }
0x3d0: {  	v14 =	vld [tilespmem:s17+$0xD430]  }
0x3d1: {  	v15 =	vld [tilespmem:s17+$0xD4A0]  }
0x3d2: {  	v16 =	vld [tilespmem:s17+$0xD4B0];
	v3 =	vadd.f32 v11, v3  }
0x3d3: {  	v11 =	vld [tilespmem:s17+$0xD520];
	v5 =	vadd.f32 v12, v5  }
0x3d4: {  	v63 =	vld [tilespmem:s17+$0xD530];
	v4 =	vadd.f32 v13, v4;
	v3 =	vadd.f32 v9, v3  }
0x3d5: {  	v6 =	vadd.f32 v14, v6;
	v9 =	vld [tilespmem:s17+$0xD5A0];
	v5 =	vadd.f32 v10, v5  }
0x3d6: {  	v10 =	vld [tilespmem:s17+$0xD5B0];
	v4 =	vadd.f32 v15, v4;
	v1 =	vadd.f32 v1, v3  }
0x3d7: {  	v3 =	vadd.f32 v16, v6;
	v2 =	vadd.f32 v2, v5  }
0x3d8: {  	v4 =	vadd.f32 v11, v4;
	v1 =	vadd.f32 v7, v1  }
0x3d9: {  	s31 =	simm.s32 $0x0;
	v5 =	vadd.f32 v63, v3;
	v2 =	vadd.f32 v8, v2  }
0x3da: {  	s17 =	smul.u32 $0x6000, s31;
	v6 =	vld [tilespmem:$0x182F0];
	v4 =	vadd.f32 v9, v4;
	[tilespmem:$0x18280] =	vst v1  }
0x3db: {  	s18 =	simm.s32 $0x0;
	v3 =	vld [tilespmem:$0x182C0];
	v1 =	vadd.f32 v10, v5;
	[tilespmem:$0x18290] =	vst v2  }
0x3dc: {  	s19 =	sand.u32 $0x200, s18;
	s17 =	sshra.s32 s17, $0x2;
	v5 =	vld [tilespmem:$0x182D0];
	[tilespmem:$0x182A0] =	vst v4  }
0x3dd: {  	s17 =	sor.u32 s19, s17;
	v4 =	vld [tilespmem:$0x182E0];
	[tilespmem:$0x182B0] =	vst v1  }
0x3de: {  	v7 =	vld [tilespmem:s17+$0xD5C0]  }
0x3df: {  	v8 =	vld [tilespmem:s17+$0xD5D0]  }
0x3e0: {  	v1 =	vld [tilespmem:s17+$0xD540]  }
0x3e1: {  	v2 =	vld [tilespmem:s17+$0xD550]  }
0x3e2: {  	s19 =	simm.s32 $0x1;
	v9 =	vld [tilespmem:s17+$0xD4C0]  }
.LBB2_49:
0x3e3: {  	p1 =	sne.s32 s19, $0xF;
	v10 =	vld [tilespmem:s17+$0xD4D0];
	v11 =	vmov v7  }
0x3e4: {  	v7 =	vld [tilespmem:s17+$0xD440];
	v12 =	vmov v8  }
0x3e5: {  	v8 =	vld [tilespmem:s17+$0xD450]  }
0x3e6: {  	v13 =	vld [tilespmem:s17+$0xD460]  }
0x3e7: {  	v14 =	vld [tilespmem:s17+$0xD470]  }
0x3e8: {  	v15 =	vld [tilespmem:s17+$0xD4E0]  }
0x3e9: {  	s20 =	sshrl.u32 s19, $0x1;
	v16 =	vld [tilespmem:s17+$0xD4F0]  }
0x3ea: {  	s20 =	smul.u32 $0x6000, s20;
	v17 =	vld [tilespmem:s17+$0xD560]  }
0x3eb: {  	s18 =	sadd.s32 $0x200, s18;
	v3 =	vadd.f32 v7, v3;
	v5 =	vadd.f32 v8, v5;
	v18 =	vld [tilespmem:s17+$0xD570]  }
0x3ec: {  	s21 =	sand.u32 $0x200, s18;
	s20 =	sshra.s32 s20, $0x2;
	v4 =	vadd.f32 v13, v4;
	v6 =	vadd.f32 v14, v6;
	v13 =	vld [tilespmem:s17+$0xD5E0]  }
0x3ed: {  	v3 =	vadd.f32 v9, v3;
	v5 =	vadd.f32 v10, v5;
	v10 =	vld [tilespmem:s17+$0xD5F0];
	s17 =	sor.u32 s21, s20  }
.Ltmp25:
0x3ee: {  	v4 =	vadd.f32 v15, v4;
	v7 =	vld [tilespmem:s17+$0xD5C0];
	v6 =	vadd.f32 v16, v6;
	(pc) =	sbr.rel @p1 .LBB2_49-.Ltmp25, $4  }
0x3ef: {  	v3 =	vadd.f32 v1, v3;
	v5 =	vadd.f32 v2, v5;
	v8 =	vld [tilespmem:s17+$0xD5D0]  }
0x3f0: {  	v4 =	vadd.f32 v17, v4;
	v1 =	vld [tilespmem:s17+$0xD540];
	v6 =	vadd.f32 v18, v6  }
0x3f1: {  	v3 =	vadd.f32 v11, v3;
	v5 =	vadd.f32 v12, v5;
	v2 =	vld [tilespmem:s17+$0xD550]  }
0x3f2: {  	s19 =	sadd.s32 $0x1, s19;
	v4 =	vadd.f32 v13, v4;
	v9 =	vld [tilespmem:s17+$0xD4C0];
	v6 =	vadd.f32 v10, v6  }
0x3f3: {  	v10 =	vld [tilespmem:s17+$0xD4D0]  }
0x3f4: {  	v11 =	vld [tilespmem:s17+$0xD440]  }
0x3f5: {  	v12 =	vld [tilespmem:s17+$0xD450]  }
0x3f6: {  	v13 =	vld [tilespmem:s17+$0xD460]  }
0x3f7: {  	v14 =	vld [tilespmem:s17+$0xD470]  }
0x3f8: {  	v15 =	vld [tilespmem:s17+$0xD4E0]  }
0x3f9: {  	v16 =	vld [tilespmem:s17+$0xD4F0];
	v3 =	vadd.f32 v11, v3  }
0x3fa: {  	v60 =	vld [tilespmem:s17+$0xD560];
	v5 =	vadd.f32 v12, v5  }
0x3fb: {  	v61 =	vld [tilespmem:s17+$0xD570];
	v4 =	vadd.f32 v13, v4;
	v3 =	vadd.f32 v9, v3  }
0x3fc: {  	v62 =	vld [tilespmem:s17+$0xD5E0];
	v6 =	vadd.f32 v14, v6;
	v5 =	vadd.f32 v10, v5  }
0x3fd: {  	v63 =	vld [tilespmem:s17+$0xD5F0];
	v4 =	vadd.f32 v15, v4;
	v1 =	vadd.f32 v1, v3  }
0x3fe: {  	v3 =	vadd.f32 v16, v6;
	v2 =	vadd.f32 v2, v5  }
0x3ff: {  	v4 =	vadd.f32 v60, v4;
	v1 =	vadd.f32 v7, v1  }
.Ltmp26:
0x400: {  	v3 =	vadd.f32 v61, v3;
	v2 =	vadd.f32 v8, v2;
	(pc) =	sbr.rel @!p0 .LBB2_52-.Ltmp26, $4  }
0x401: {  	v4 =	vadd.f32 v62, v4;
	[tilespmem:$0x182C0] =	vst v1  }
0x402: {  	v1 =	vadd.f32 v63, v3;
	[tilespmem:$0x182D0] =	vst v2  }
0x403: {  	[tilespmem:$0x182E0] =	vst v4  }
0x404: {  	[tilespmem:$0x182F0] =	vst v1  }
.Ltmp27:
0x405: {  	(pc) =	sbr.rel .LBB2_2-.Ltmp27, $2  }
0x406: {  	_ =	sdelay $0x2  }
0x407: {  	p0 =	por $0x0, $0x0;
	s17 =	smov.u32 s7  }
.LBB2_53:
0x408: {  	_ =	sfence.sel $0x180000  }
0x409: {  	[bflag:$0x0] =	sbarrier.arrive $0xFFFF  }
0x40a: {  	p0 =	sne.s32 s0, $0x0;
	_ =	strace $0x90000047  }
0x40b: {  	s0 =	sadd.s32 @!p0 $0x100000, s1;
	[bflag:$0x2] =	sbarrier.arrive $0xFFFF  }
0x40c: {  	[sflag:s0] =	ssyncadd.tile.s32 @!p0 $0x1;
	_ =	shalt  }
.Lfunc_end2:
_tile_overlayer_lowered:
.L_overlay_start_2:
0x40d: {  	(tag) =	ssettag $0x2  }
0x40e: {  	s0 =	rddreg [dreg:$0x0];
	s2 =	stileid.u32  }
0x40f: {  	s1 =	rddreg [dreg:$0x1];
	p0 =	sne.s32 s2, $0x0  }
0x410: {  	s3 =	rddreg [dreg:$0x2];
	[bflag:$0x3] =	sbarrier.arrive $0xFFFF;
	s2 =	simm.s32 @!p0 $0x1C03  }
0x411: {  	[timem:s3], [sflag:s2] =	dma.local @!p0 [hbm:s0], s1  }
0x412: {  	s0 =	simm.s32 @!p0 $0x3  }
0x413: {  	_ =	swait.ge @!p0 [sflag:s0], s1  }
0x414: {  	s1 =	ssub.s32 @!p0 $0x0, s1;
	[sflag:s0] =	ssyncset.done @!p0 $0x0  }
0x415: {  	[sflag:s0] =	ssyncadd.s32 @!p0 s1  }
0x416: {  	[bflag:$0x3] =	sbarrier.arrive $0xFFFF  }
0x417: {  	_ =	shalt  }

</sc_bundles>
